<compile_context>
chip_gen: v7x
topology: tpu7x:2x2x1
jax: 0.10.2.dev20260603
libtpu: 0.0.44.dev20260713+nightly
codegen_flags: <defaults>
</compile_context>

<pallas_src>
import functools

import jax
import jax.numpy as jnp
from jax import lax
from jax.experimental import pallas as pl
from jax.experimental.pallas import tpu as pltpu
from jax.experimental.pallas import tpu_sc as plsc

_MAXGRAD = 2.0
_B = 2
_D = 128
_D2 = _D * _D
_D3 = _D * _D * _D
_N = _B * _D3



def _logistic(x):
    c = _MAXGRAD
    return c / (1.0 + (c - 1.0) * jnp.exp(-x))


def _grids_body(d0r, d1r, d2r, s0r, n0r, s1r, n1r, s2r, n2r):
    f32 = jnp.float32
    r = lax.broadcasted_iota(jnp.int32, (_D, _D), 0)
    cidx = lax.broadcasted_iota(jnp.int32, (_D, _D), 1)
    ltri = (cidx <= r).astype(f32)
    utri = (r <= cidx).astype(f32)

    bf16 = jnp.bfloat16

    def dot(a, b):
        return lax.dot_general(
            a, b, (((1,), (0,)), ((), ())), preferred_element_type=f32)

    def mm(tri, a):
        ah = a.astype(bf16)
        al = (a - ah.astype(f32)).astype(bf16)
        return dot(tri.astype(bf16), ah) + dot(tri.astype(bf16), al)

    def mmr(a, tri):
        ah = a.astype(bf16)
        al = (a - ah.astype(f32)).astype(bf16)
        return dot(ah, tri.astype(bf16)) + dot(al, tri.astype(bf16))

    a = _logistic(d0r[0])
    s = mm(ltri, a.reshape(_D, -1)).reshape(a.shape)
    first = s[0:1]
    last = s[_D - 1:_D]
    n = (s - first) * ((_D - 1.0) / (last - first + 1e-7))
    s0r[...] = (s - 1.0)[None]
    n0r[...] = n[None]

    a = _logistic(d1r[0])
    for i in range(a.shape[0]):
        s = mm(ltri, a[i])
        first = s[0:1, :]
        last = s[_D - 1:_D, :]
        n = (s - first) * ((_D - 1.0) / (last - first + 1e-7))
        s1r[0, i] = s - 1.0
        n1r[0, i] = n

    a = _logistic(d2r[0])
    for i in range(a.shape[0]):
        s = mmr(a[i], utri)
        first = s[:, 0:1]
        last = s[:, _D - 1:_D]
        n = (s - first) * ((_D - 1.0) / (last - first + 1e-7))
        s2r[0, i] = s - 1.0
        n2r[0, i] = n


def _grids(d0, d1, d2, interpret=False):
    xspec = pl.BlockSpec((1, _D, 16, _D), lambda b, j: (b, 0, j, 0))
    yspec = pl.BlockSpec((1, 16, _D, _D), lambda b, j: (b, j, 0, 0))
    shp = jax.ShapeDtypeStruct((_B, _D, _D, _D), jnp.float32)
    return pl.pallas_call(
        _grids_body,
        grid=(_B, _D // 16),
        in_specs=[xspec, yspec, yspec],
        out_specs=[xspec, xspec,
                   yspec, yspec,
                   yspec, yspec],
        out_shape=[shp] * 6,
        interpret=interpret,
    )(d0, d1, d2)



_TAB = 64 * _D2


def _pp_body(cur_r, o_r):
    a = cur_r[0].reshape(8, 2, _D, _D)
    lo = lax.bitcast_convert_type(
        a[:, 0].astype(jnp.bfloat16), jnp.uint16).astype(jnp.uint32)
    hi = lax.bitcast_convert_type(
        a[:, 1].astype(jnp.bfloat16), jnp.uint16).astype(jnp.uint32)
    w = lax.bitcast_convert_type(lo | (hi << 16), jnp.int32)
    o_r[...] = w.reshape(8 * _D, _D)[None]


def _pppack(imt):
    return pl.pallas_call(
        _pp_body,
        grid=(_B, _D // 16),
        in_specs=[pl.BlockSpec((1, 16, _D, _D), lambda b, z: (b, z, 0, 0))],
        out_specs=pl.BlockSpec((1, 8 * _D, _D), lambda b, z: (b, z, 0)),
        out_shape=jax.ShapeDtypeStruct((_B, 64 * _D, _D), jnp.int32),
    )(imt).reshape(_B * _TAB)



_NW = 32
_NPW = _N // _NW
_CK = 1024
_NCHUNK = _NPW // _CK
_STG = _TAB // 16
_STH = 8192


def _resample_body(inv, pp, cx, cy, cz, out, *sc):
    seta = sc[0:10]
    setb = sc[10:20]
    stb = sc[20]
    tab = sc[21]
    sem_a, sem_b, sem_oa, sem_ob, sem_ca, sem_cb = sc[22:28]
    cid = lax.axis_index("c")
    sid = lax.axis_index("s")
    base_pt = (cid * 16 + sid) * _NPW

    for h in range(_STG // _STH):
        soff = sid * _STG + h * _STH
        pltpu.sync_copy(pp.at[pl.ds(cid * _TAB + soff, _STH)], stb)
        pltpu.sync_copy(stb, tab.at[pl.ds(soff, _STH)])
    plsc.subcore_barrier()

    def mkset(bufs, gsem, osem, csem):
        cxb, cyb, czb, xdb, ydb, zdb, pob, outb = bufs[0:8]
        ii = bufs[8]
        vv = bufs[9]

        def fire_coords(t):
            off = base_pt + t * _CK
            pltpu.async_copy(cx.at[pl.ds(off, _CK)], cxb, csem)
            pltpu.async_copy(cy.at[pl.ds(off, _CK)], cyb, csem)
            pltpu.async_copy(cz.at[pl.ds(off, _CK)], czb, csem)

        def wait_prep_fire(t):
            for buf in (cxb, cyb, czb):
                pltpu.make_async_copy(
                    cx.at[pl.ds(base_pt, _CK)], buf, csem).wait()

            lane = lax.broadcasted_iota(jnp.int32, (16,), 0)

            def prep(i):
                sl = pl.ds(i * 16, 16)
                if inv:
                    pb = (sid * _NPW + t * _CK + i * 16) + lane
                    xr = (2 * (pb >> 14)).astype(jnp.float32) - cxb[sl]
                    yr = (2 * ((pb >> 7) & 127)).astype(jnp.float32) - cyb[sl]
                    zr = (2 * (pb & 127)).astype(jnp.float32) - czb[sl]
                else:
                    xr = cxb[sl]
                    yr = cyb[sl]
                    zr = czb[sl]
                x = jnp.clip(xr, 0.0, _D - 1.0)
                y = jnp.clip(yr, 0.0, _D - 1.0)
                z = jnp.clip(zr, 0.0, _D - 1.0)
                x0 = jnp.minimum(x.astype(jnp.int32), _D - 2)
                y0 = jnp.minimum(y.astype(jnp.int32), _D - 2)
                z0 = jnp.minimum(z.astype(jnp.int32), _D - 2)
                xdb[sl] = x - x0.astype(jnp.float32)
                ydb[sl] = y - y0.astype(jnp.float32)
                zdb[sl] = z - z0.astype(jnp.float32)
                podd = z0 & 1
                pob[sl] = podd
                v = (z0 >> 1) * _D2 + y0 * _D + x0
                vb = v + podd * _D2
                o = i * 16
                ii[pl.ds(o, 16)] = v
                ii[pl.ds(_CK + o, 16)] = vb
                ii[pl.ds(2 * _CK + o, 16)] = v + 1
                ii[pl.ds(3 * _CK + o, 16)] = vb + 1
                ii[pl.ds(4 * _CK + o, 16)] = v + _D
                ii[pl.ds(5 * _CK + o, 16)] = vb + _D
                ii[pl.ds(6 * _CK + o, 16)] = v + _D + 1
                ii[pl.ds(7 * _CK + o, 16)] = vb + _D + 1

            plsc.parallel_loop(0, _CK // 16, unroll=4)(prep)
            pltpu.async_copy(tab.at[ii], vv, gsem)

        def blend_out(t):
            pltpu.make_async_copy(pp.at[pl.ds(0, 8 * _CK)], vv, gsem).wait()

            @pl.when(t >= 2)
            def _():
                pltpu.make_async_copy(
                    out.at[pl.ds(base_pt, _CK)], outb, osem).wait()

            mask = jnp.int32(-65536)

            def blend(i):
                sl = pl.ds(i * 16, 16)
                xd = xdb[sl]
                yd = ydb[sl]
                zd = zdb[sl]
                odd = pob[sl]
                sh0 = (1 - odd) << 4
                sh1 = odd << 4

                o = i * 16

                def zmix(ga, gb):
                    wa = vv[pl.ds(ga * _CK + o, 16)]
                    wb = vv[pl.ds(gb * _CK + o, 16)]
                    vz0 = lax.bitcast_convert_type((wa << sh0) & mask,
                                                   jnp.float32)
                    vz1 = lax.bitcast_convert_type((wb << sh1) & mask,
                                                   jnp.float32)
                    return vz0 + zd * (vz1 - vz0)

                c00 = zmix(0, 1)
                c01 = zmix(2, 3)
                c10 = zmix(4, 5)
                c11 = zmix(6, 7)
                r0 = c00 + xd * (c01 - c00)
                r1 = c10 + xd * (c11 - c10)
                outb[sl] = r0 + yd * (r1 - r0)

            plsc.parallel_loop(0, _CK // 16, unroll=4)(blend)
            pltpu.async_copy(outb, out.at[pl.ds(base_pt + t * _CK, _CK)],
                             osem)

        def drain_out():
            pltpu.make_async_copy(
                out.at[pl.ds(base_pt, _CK)], outb, osem).wait()

        return fire_coords, wait_prep_fire, blend_out, drain_out

    fc_a, wpf_a, blo_a, dr_a = mkset(seta, sem_a, sem_oa, sem_ca)
    fc_b, wpf_b, blo_b, dr_b = mkset(setb, sem_b, sem_ob, sem_cb)

    fc_a(0)
    fc_b(1)
    wpf_a(0)

    def pair(u, _):
        t0 = u * 2
        fc_a(t0 + 2)
        wpf_b(t0 + 1)
        blo_a(t0)
        fc_b(t0 + 3)
        wpf_a(t0 + 2)
        blo_b(t0 + 1)
        return 0

    lax.fori_loop(0, _NCHUNK // 2 - 1, pair, 0)
    wpf_b(_NCHUNK - 1)
    blo_a(_NCHUNK - 2)
    blo_b(_NCHUNK - 1)
    dr_a()
    dr_b()


@functools.partial(jax.jit, static_argnames=("inv", "interpret"))
def _resample(pp, cx, cy, cz, inv=False, interpret=False):
    mesh = plsc.VectorSubcoreMesh(
        core_axis_name="c", subcore_axis_name="s", num_cores=2)
    bufset = ([pltpu.VMEM((_CK,), jnp.float32)] * 6
              + [pltpu.VMEM((_CK,), jnp.int32)]
              + [pltpu.VMEM((_CK,), jnp.float32)]
              + [pltpu.VMEM((8 * _CK,), jnp.int32)] * 2)
    return pl.kernel(
        functools.partial(_resample_body, inv),
        out_type=jax.ShapeDtypeStruct((_N,), jnp.float32),
        mesh=mesh,
        scratch_types=(
            bufset + bufset + [
                pltpu.VMEM((_STH,), jnp.int32),
                pltpu.VMEM_SHARED((_TAB,), jnp.int32),
                pltpu.SemaphoreType.DMA,
                pltpu.SemaphoreType.DMA,
                pltpu.SemaphoreType.DMA,
                pltpu.SemaphoreType.DMA,
                pltpu.SemaphoreType.DMA,
                pltpu.SemaphoreType.DMA,
            ]),
        interpret=interpret,
    )(pp, cx, cy, cz)




def kernel(mov, ref, defgrad):
    d0 = defgrad[..., 0]
    d1 = defgrad[..., 1]
    d2 = defgrad[..., 2]
    s0, n0, s1, n1, s2, n2 = _grids(d0, d1, d2)

    norm = jnp.stack([n0, n1, n2], axis=-1)
    f32 = jnp.float32
    oshape = (_B, _D, _D, _D, 3)
    base = (lax.broadcasted_iota(f32, oshape, 1)
            * (lax.broadcasted_iota(jnp.int32, oshape, 4) == 0)
            + lax.broadcasted_iota(f32, oshape, 2)
            * (lax.broadcasted_iota(jnp.int32, oshape, 4) == 1)
            + lax.broadcasted_iota(f32, oshape, 3)
            * (lax.broadcasted_iota(jnp.int32, oshape, 4) == 2))
    inverse = 2.0 * base - norm

    mov_t = jnp.transpose(mov.reshape(_B, _D, _D, _D), (0, 3, 2, 1))
    ref_t = jnp.transpose(ref.reshape(_B, _D, _D, _D), (0, 3, 2, 1))
    mov_pp = _pppack(mov_t)
    ref_pp = _pppack(ref_t)

    mov_def = _resample(mov_pp, s0.reshape(-1), s1.reshape(-1),
                        s2.reshape(-1))
    ref_def = _resample(ref_pp, n0.reshape(-1), n1.reshape(-1),
                        n2.reshape(-1), inv=True)

    out_shape = (_B, _D, _D, _D, 1)
    return (mov_def.reshape(out_shape), ref_def.reshape(out_shape),
            norm, inverse)

# --- scband reference (transcript-rebuilt; emitter-appended) ---
"""Pipeline reference for scband-smooth-transformer3-d-83614423318531 (READ-ONLY COPY).

The authoritative reference and input builder live on the scoring server;
editing this copy changes nothing except your own understanding.
"""

import jax, jax.numpy as jnp
import numpy as np

MAXGRAD = 2.0


def _integral3d(x):
    xs = jnp.cumsum(x[..., 0], axis=1)
    ys = jnp.cumsum(x[..., 1], axis=2)
    zs = jnp.cumsum(x[..., 2], axis=3)
    return jnp.stack([xs, ys, zs], axis=-1) - 1.0


def _logistic_growth(x):
    c = MAXGRAD
    return c / (1.0 + (c - 1.0) * jnp.exp(-x))


def _normalize(g):
    B, H, W, D, _ = g.shape
    min_x = g[:, :1, :, :, 0]
    max_x = g[:, -1:, :, :, 0]
    min_y = g[:, :, :1, :, 1]
    max_y = g[:, :, -1:, :, 1]
    min_z = g[:, :, :, :1, 2]
    max_z = g[:, :, :, -1:, 2]
    norm_x = (g[..., 0] - min_x) / (max_x - min_x + 1e-07)
    norm_y = (g[..., 1] - min_y) / (max_y - min_y + 1e-07)
    norm_z = (g[..., 2] - min_z) / (max_z - min_z + 1e-07)
    return jnp.stack([
        jnp.float32(H - 1) * norm_x,
        jnp.float32(W - 1) * norm_y,
        jnp.float32(D - 1) * norm_z,
    ], axis=-1)


def _resample3d(im, grid):
    B, X, Y, Z, C = im.shape
    x = grid[..., 0].reshape(-1)
    y = grid[..., 1].reshape(-1)
    z = grid[..., 2].reshape(-1)
    x0 = jnp.clip(jnp.floor(x).astype(jnp.int32), 0, X - 1)
    x1 = jnp.clip(jnp.floor(x).astype(jnp.int32) + 1, 0, X - 1)
    y0 = jnp.clip(jnp.floor(y).astype(jnp.int32), 0, Y - 1)
    y1 = jnp.clip(jnp.floor(y).astype(jnp.int32) + 1, 0, Y - 1)
    z0 = jnp.clip(jnp.floor(z).astype(jnp.int32), 0, Z - 1)
    z1 = jnp.clip(jnp.floor(z).astype(jnp.int32) + 1, 0, Z - 1)
    dim3 = Z
    dim2 = Z * Y
    dim1 = X * Y * Z
    base = jnp.repeat(jnp.arange(B, dtype=jnp.int32) * dim1, X * Y * Z)
    im_flat = im.reshape(-1, C)
    def gth(i, j, k):
        return jnp.take(im_flat, base + i * dim2 + j * dim3 + k, axis=0)
    Ia = gth(x0, y0, z0)
    Ib = gth(x0, y0, z1)
    Ic = gth(x0, y1, z0)
    Id = gth(x0, y1, z1)
    Ie = gth(x1, y0, z0)
    If_ = gth(x1, y0, z1)
    Ig = gth(x1, y1, z0)
    Ih = gth(x1, y1, z1)
    xd = (x - x0.astype(jnp.float32))[:, None]
    yd = (y - y0.astype(jnp.float32))[:, None]
    zd = (z - z0.astype(jnp.float32))[:, None]
    Cae = Ia * (1 - xd) + Ie * xd
    Cbf = Ib * (1 - xd) + If_ * xd
    Ccg = Ic * (1 - xd) + Ig * xd
    Cdh = Id * (1 - xd) + Ih * xd
    Caecg = Cae * (1 - yd) + Ccg * yd
    Cbfdh = Cbf * (1 - yd) + Cdh * yd
    out = Caecg * (1 - zd) + Cbfdh * zd
    return out.reshape(B, X, Y, Z, C)


def setup_inputs(seed: int = 0) -> dict:
    key = jax.random.key(seed)
    k1, k2, k3 = jax.random.split(key, 3)
    mov = jax.random.uniform(k1, (2, 128, 128, 128, 1), dtype=jnp.float32)
    ref = jax.random.uniform(k2, (2, 128, 128, 128, 1), dtype=jnp.float32)
    defgrad = jax.random.normal(k3, (2, 128, 128, 128, 3), dtype=jnp.float32)
    return {"mov": mov, "ref": ref, "defgrad": defgrad}


def reference(mov, ref, defgrad):
    dg = _logistic_growth(defgrad)
    base_grid = _integral3d(jnp.ones_like(dg))
    sampling_grid = _integral3d(dg)
    sampling_grid_norm = _normalize(sampling_grid)
    sampling_grid_inverse = 2.0 * base_grid - sampling_grid_norm
    mov_def = _resample3d(mov, sampling_grid)
    ref_def = _resample3d(ref, sampling_grid_inverse)
    return (mov_def, ref_def, sampling_grid_norm, sampling_grid_inverse)

if __name__ == "__main__":
    import jax
    _d = setup_inputs()
    print(jax.jit(kernel)(*tuple(_d.values())))

</pallas_src>

<mosaic_0001>
#map = affine_map<(d0, d1) -> (0)>
module attributes {stable_mosaic.version = 14 : i64} {
  func.func @_resample_body(%arg0: i32, %arg1: i32, %arg2: memref<2097152xi32, #tpu.memory_space<hbm>>, %arg3: memref<4194304xf32, #tpu.memory_space<hbm>>, %arg4: memref<4194304xf32, #tpu.memory_space<hbm>>, %arg5: memref<4194304xf32, #tpu.memory_space<hbm>>, %arg6: memref<4194304xf32, #tpu.memory_space<hbm>>, %arg7: memref<1024xf32, #tpu.memory_space<vmem>>, %arg8: memref<1024xf32, #tpu.memory_space<vmem>>, %arg9: memref<1024xf32, #tpu.memory_space<vmem>>, %arg10: memref<1024xf32, #tpu.memory_space<vmem>>, %arg11: memref<1024xf32, #tpu.memory_space<vmem>>, %arg12: memref<1024xf32, #tpu.memory_space<vmem>>, %arg13: memref<1024xi32, #tpu.memory_space<vmem>>, %arg14: memref<1024xf32, #tpu.memory_space<vmem>>, %arg15: memref<8192xi32, #tpu.memory_space<vmem>>, %arg16: memref<8192xi32, #tpu.memory_space<vmem>>, %arg17: memref<1024xf32, #tpu.memory_space<vmem>>, %arg18: memref<1024xf32, #tpu.memory_space<vmem>>, %arg19: memref<1024xf32, #tpu.memory_space<vmem>>, %arg20: memref<1024xf32, #tpu.memory_space<vmem>>, %arg21: memref<1024xf32, #tpu.memory_space<vmem>>, %arg22: memref<1024xf32, #tpu.memory_space<vmem>>, %arg23: memref<1024xi32, #tpu.memory_space<vmem>>, %arg24: memref<1024xf32, #tpu.memory_space<vmem>>, %arg25: memref<8192xi32, #tpu.memory_space<vmem>>, %arg26: memref<8192xi32, #tpu.memory_space<vmem>>, %arg27: memref<8192xi32, #tpu.memory_space<vmem>>, %arg28: memref<1048576xi32, #tpu.memory_space<vmem_shared>>, %arg29: memref<!tpu.dma_semaphore, #tpu.memory_space<semaphore_mem>>, %arg30: memref<!tpu.dma_semaphore, #tpu.memory_space<semaphore_mem>>, %arg31: memref<!tpu.dma_semaphore, #tpu.memory_space<semaphore_mem>>, %arg32: memref<!tpu.dma_semaphore, #tpu.memory_space<semaphore_mem>>, %arg33: memref<!tpu.dma_semaphore, #tpu.memory_space<semaphore_mem>>, %arg34: memref<!tpu.dma_semaphore, #tpu.memory_space<semaphore_mem>>) attributes {dimension_semantics = [#tpu.dimension_semantics<core_parallel>, #tpu.dimension_semantics<subcore_parallel>], iteration_bounds = array<i64: 2, 16>, scalar_prefetch = 0 : i64, scratch_operands = 28 : i64, tpu.core_type = #tpu.core_type<sc_vector_subcore>, window_params = [{transform_indices = #map}, {transform_indices = #map}, {transform_indices = #map}, {transform_indices = #map}, {transform_indices = #map}]} {
    %mul3A = arith.constant 16 : i32
    %mul3A_0 = arith.muli %arg0, %mul3A : i32
    %add3A = arith.addi %mul3A_0, %arg1 : i32
    %mul3A_1 = arith.constant 131072 : i32
    %mul3A_2 = arith.muli %add3A, %mul3A_1 : i32
    %mul3A_3 = arith.constant 65536 : i32
    %mul3A_4 = arith.muli %arg1, %mul3A_3 : i32
    %add3A_5 = arith.constant 0 : i32
    %add3A_6 = arith.addi %mul3A_4, %add3A_5 : i32
    %mul3A_7 = arith.constant 1048576 : i32
    %mul3A_8 = arith.muli %arg0, %mul3A_7 : i32
    %add3A_9 = arith.addi %mul3A_8, %add3A_6 : i32
    "tpu.region"() ({
      %run_scoped3A = tpu.sem_alloc : memref<!tpu.dma_semaphore, #tpu.memory_space<semaphore_mem>>
      %dma_start3A_133 = tpu.memref_slice %arg2[%add3A_9] : memref<2097152xi32, #tpu.memory_space<hbm>> -> memref<8192xi32, #tpu.memory_space<hbm>>
      %dma_start3A_134 = tpu.memref_slice %arg2[%add3A_9] : memref<2097152xi32, #tpu.memory_space<hbm>> -> memref<8192xi32, #tpu.memory_space<hbm>>
      tpu.enqueue_dma source(%dma_start3A_134 : memref<8192xi32, #tpu.memory_space<hbm>>) target(%arg27 : memref<8192xi32, #tpu.memory_space<vmem>>) target_semaphore(%run_scoped3A : memref<!tpu.dma_semaphore, #tpu.memory_space<semaphore_mem>>)
      %dma_wait3A_135 = tpu.memref_slice %arg2[%add3A_9] : memref<2097152xi32, #tpu.memory_space<hbm>> -> memref<8192xi32, #tpu.memory_space<hbm>>
      %dma_wait3A_136 = tpu.memref_slice %arg2[%add3A_9] : memref<2097152xi32, #tpu.memory_space<hbm>> -> memref<8192xi32, #tpu.memory_space<hbm>>
      tpu.wait_dma2 semaphore(%run_scoped3A : memref<!tpu.dma_semaphore, #tpu.memory_space<semaphore_mem>>) src(%dma_wait3A_136 : memref<8192xi32, #tpu.memory_space<hbm>>) dst(%arg27 : memref<8192xi32, #tpu.memory_space<vmem>>)
      tpu.yield
    }) : () -> ()
    "tpu.region"() ({
      %run_scoped3A = tpu.sem_alloc : memref<!tpu.dma_semaphore, #tpu.memory_space<semaphore_mem>>
      %dma_start3A_133 = tpu.memref_slice %arg28[%add3A_6] : memref<1048576xi32, #tpu.memory_space<vmem_shared>> -> memref<8192xi32, #tpu.memory_space<vmem_shared>>
      %dma_start3A_134 = tpu.memref_slice %arg28[%add3A_6] : memref<1048576xi32, #tpu.memory_space<vmem_shared>> -> memref<8192xi32, #tpu.memory_space<vmem_shared>>
      tpu.enqueue_dma source(%arg27 : memref<8192xi32, #tpu.memory_space<vmem>>) target(%dma_start3A_134 : memref<8192xi32, #tpu.memory_space<vmem_shared>>) target_semaphore(%run_scoped3A : memref<!tpu.dma_semaphore, #tpu.memory_space<semaphore_mem>>)
      %dma_wait3A_135 = tpu.memref_slice %arg28[%add3A_6] : memref<1048576xi32, #tpu.memory_space<vmem_shared>> -> memref<8192xi32, #tpu.memory_space<vmem_shared>>
      %dma_wait3A_136 = tpu.memref_slice %arg28[%add3A_6] : memref<1048576xi32, #tpu.memory_space<vmem_shared>> -> memref<8192xi32, #tpu.memory_space<vmem_shared>>
      tpu.wait_dma2 semaphore(%run_scoped3A : memref<!tpu.dma_semaphore, #tpu.memory_space<semaphore_mem>>) src(%arg27 : memref<8192xi32, #tpu.memory_space<vmem>>) dst(%dma_wait3A_136 : memref<8192xi32, #tpu.memory_space<vmem_shared>>)
      tpu.yield
    }) : () -> ()
    %mul3A_10 = arith.constant 65536 : i32
    %mul3A_11 = arith.muli %arg1, %mul3A_10 : i32
    %add3A_12 = arith.constant 8192 : i32
    %add3A_13 = arith.addi %mul3A_11, %add3A_12 : i32
    %mul3A_14 = arith.constant 1048576 : i32
    %mul3A_15 = arith.muli %arg0, %mul3A_14 : i32
    %add3A_16 = arith.addi %mul3A_15, %add3A_13 : i32
    "tpu.region"() ({
      %run_scoped3A = tpu.sem_alloc : memref<!tpu.dma_semaphore, #tpu.memory_space<semaphore_mem>>
      %dma_start3A_133 = tpu.memref_slice %arg2[%add3A_16] : memref<2097152xi32, #tpu.memory_space<hbm>> -> memref<8192xi32, #tpu.memory_space<hbm>>
      %dma_start3A_134 = tpu.memref_slice %arg2[%add3A_16] : memref<2097152xi32, #tpu.memory_space<hbm>> -> memref<8192xi32, #tpu.memory_space<hbm>>
      tpu.enqueue_dma source(%dma_start3A_134 : memref<8192xi32, #tpu.memory_space<hbm>>) target(%arg27 : memref<8192xi32, #tpu.memory_space<vmem>>) target_semaphore(%run_scoped3A : memref<!tpu.dma_semaphore, #tpu.memory_space<semaphore_mem>>)
      %dma_wait3A_135 = tpu.memref_slice %arg2[%add3A_16] : memref<2097152xi32, #tpu.memory_space<hbm>> -> memref<8192xi32, #tpu.memory_space<hbm>>
      %dma_wait3A_136 = tpu.memref_slice %arg2[%add3A_16] : memref<2097152xi32, #tpu.memory_space<hbm>> -> memref<8192xi32, #tpu.memory_space<hbm>>
      tpu.wait_dma2 semaphore(%run_scoped3A : memref<!tpu.dma_semaphore, #tpu.memory_space<semaphore_mem>>) src(%dma_wait3A_136 : memref<8192xi32, #tpu.memory_space<hbm>>) dst(%arg27 : memref<8192xi32, #tpu.memory_space<vmem>>)
      tpu.yield
    }) : () -> ()
    "tpu.region"() ({
      %run_scoped3A = tpu.sem_alloc : memref<!tpu.dma_semaphore, #tpu.memory_space<semaphore_mem>>
      %dma_start3A_133 = tpu.memref_slice %arg28[%add3A_13] : memref<1048576xi32, #tpu.memory_space<vmem_shared>> -> memref<8192xi32, #tpu.memory_space<vmem_shared>>
      %dma_start3A_134 = tpu.memref_slice %arg28[%add3A_13] : memref<1048576xi32, #tpu.memory_space<vmem_shared>> -> memref<8192xi32, #tpu.memory_space<vmem_shared>>
      tpu.enqueue_dma source(%arg27 : memref<8192xi32, #tpu.memory_space<vmem>>) target(%dma_start3A_134 : memref<8192xi32, #tpu.memory_space<vmem_shared>>) target_semaphore(%run_scoped3A : memref<!tpu.dma_semaphore, #tpu.memory_space<semaphore_mem>>)
      %dma_wait3A_135 = tpu.memref_slice %arg28[%add3A_13] : memref<1048576xi32, #tpu.memory_space<vmem_shared>> -> memref<8192xi32, #tpu.memory_space<vmem_shared>>
      %dma_wait3A_136 = tpu.memref_slice %arg28[%add3A_13] : memref<1048576xi32, #tpu.memory_space<vmem_shared>> -> memref<8192xi32, #tpu.memory_space<vmem_shared>>
      tpu.wait_dma2 semaphore(%run_scoped3A : memref<!tpu.dma_semaphore, #tpu.memory_space<semaphore_mem>>) src(%arg27 : memref<8192xi32, #tpu.memory_space<vmem>>) dst(%dma_wait3A_136 : memref<8192xi32, #tpu.memory_space<vmem_shared>>)
      tpu.yield
    }) : () -> ()
    %mul3A_17 = arith.constant 65536 : i32
    %mul3A_18 = arith.muli %arg1, %mul3A_17 : i32
    %add3A_19 = arith.constant 16384 : i32
    %add3A_20 = arith.addi %mul3A_18, %add3A_19 : i32
    %mul3A_21 = arith.constant 1048576 : i32
    %mul3A_22 = arith.muli %arg0, %mul3A_21 : i32
    %add3A_23 = arith.addi %mul3A_22, %add3A_20 : i32
    "tpu.region"() ({
      %run_scoped3A = tpu.sem_alloc : memref<!tpu.dma_semaphore, #tpu.memory_space<semaphore_mem>>
      %dma_start3A_133 = tpu.memref_slice %arg2[%add3A_23] : memref<2097152xi32, #tpu.memory_space<hbm>> -> memref<8192xi32, #tpu.memory_space<hbm>>
      %dma_start3A_134 = tpu.memref_slice %arg2[%add3A_23] : memref<2097152xi32, #tpu.memory_space<hbm>> -> memref<8192xi32, #tpu.memory_space<hbm>>
      tpu.enqueue_dma source(%dma_start3A_134 : memref<8192xi32, #tpu.memory_space<hbm>>) target(%arg27 : memref<8192xi32, #tpu.memory_space<vmem>>) target_semaphore(%run_scoped3A : memref<!tpu.dma_semaphore, #tpu.memory_space<semaphore_mem>>)
      %dma_wait3A_135 = tpu.memref_slice %arg2[%add3A_23] : memref<2097152xi32, #tpu.memory_space<hbm>> -> memref<8192xi32, #tpu.memory_space<hbm>>
      %dma_wait3A_136 = tpu.memref_slice %arg2[%add3A_23] : memref<2097152xi32, #tpu.memory_space<hbm>> -> memref<8192xi32, #tpu.memory_space<hbm>>
      tpu.wait_dma2 semaphore(%run_scoped3A : memref<!tpu.dma_semaphore, #tpu.memory_space<semaphore_mem>>) src(%dma_wait3A_136 : memref<8192xi32, #tpu.memory_space<hbm>>) dst(%arg27 : memref<8192xi32, #tpu.memory_space<vmem>>)
      tpu.yield
    }) : () -> ()
    "tpu.region"() ({
      %run_scoped3A = tpu.sem_alloc : memref<!tpu.dma_semaphore, #tpu.memory_space<semaphore_mem>>
      %dma_start3A_133 = tpu.memref_slice %arg28[%add3A_20] : memref<1048576xi32, #tpu.memory_space<vmem_shared>> -> memref<8192xi32, #tpu.memory_space<vmem_shared>>
      %dma_start3A_134 = tpu.memref_slice %arg28[%add3A_20] : memref<1048576xi32, #tpu.memory_space<vmem_shared>> -> memref<8192xi32, #tpu.memory_space<vmem_shared>>
      tpu.enqueue_dma source(%arg27 : memref<8192xi32, #tpu.memory_space<vmem>>) target(%dma_start3A_134 : memref<8192xi32, #tpu.memory_space<vmem_shared>>) target_semaphore(%run_scoped3A : memref<!tpu.dma_semaphore, #tpu.memory_space<semaphore_mem>>)
      %dma_wait3A_135 = tpu.memref_slice %arg28[%add3A_20] : memref<1048576xi32, #tpu.memory_space<vmem_shared>> -> memref<8192xi32, #tpu.memory_space<vmem_shared>>
      %dma_wait3A_136 = tpu.memref_slice %arg28[%add3A_20] : memref<1048576xi32, #tpu.memory_space<vmem_shared>> -> memref<8192xi32, #tpu.memory_space<vmem_shared>>
      tpu.wait_dma2 semaphore(%run_scoped3A : memref<!tpu.dma_semaphore, #tpu.memory_space<semaphore_mem>>) src(%arg27 : memref<8192xi32, #tpu.memory_space<vmem>>) dst(%dma_wait3A_136 : memref<8192xi32, #tpu.memory_space<vmem_shared>>)
      tpu.yield
    }) : () -> ()
    %mul3A_24 = arith.constant 65536 : i32
    %mul3A_25 = arith.muli %arg1, %mul3A_24 : i32
    %add3A_26 = arith.constant 24576 : i32
    %add3A_27 = arith.addi %mul3A_25, %add3A_26 : i32
    %mul3A_28 = arith.constant 1048576 : i32
    %mul3A_29 = arith.muli %arg0, %mul3A_28 : i32
    %add3A_30 = arith.addi %mul3A_29, %add3A_27 : i32
    "tpu.region"() ({
      %run_scoped3A = tpu.sem_alloc : memref<!tpu.dma_semaphore, #tpu.memory_space<semaphore_mem>>
      %dma_start3A_133 = tpu.memref_slice %arg2[%add3A_30] : memref<2097152xi32, #tpu.memory_space<hbm>> -> memref<8192xi32, #tpu.memory_space<hbm>>
      %dma_start3A_134 = tpu.memref_slice %arg2[%add3A_30] : memref<2097152xi32, #tpu.memory_space<hbm>> -> memref<8192xi32, #tpu.memory_space<hbm>>
      tpu.enqueue_dma source(%dma_start3A_134 : memref<8192xi32, #tpu.memory_space<hbm>>) target(%arg27 : memref<8192xi32, #tpu.memory_space<vmem>>) target_semaphore(%run_scoped3A : memref<!tpu.dma_semaphore, #tpu.memory_space<semaphore_mem>>)
      %dma_wait3A_135 = tpu.memref_slice %arg2[%add3A_30] : memref<2097152xi32, #tpu.memory_space<hbm>> -> memref<8192xi32, #tpu.memory_space<hbm>>
      %dma_wait3A_136 = tpu.memref_slice %arg2[%add3A_30] : memref<2097152xi32, #tpu.memory_space<hbm>> -> memref<8192xi32, #tpu.memory_space<hbm>>
      tpu.wait_dma2 semaphore(%run_scoped3A : memref<!tpu.dma_semaphore, #tpu.memory_space<semaphore_mem>>) src(%dma_wait3A_136 : memref<8192xi32, #tpu.memory_space<hbm>>) dst(%arg27 : memref<8192xi32, #tpu.memory_space<vmem>>)
      tpu.yield
    }) : () -> ()
    "tpu.region"() ({
      %run_scoped3A = tpu.sem_alloc : memref<!tpu.dma_semaphore, #tpu.memory_space<semaphore_mem>>
      %dma_start3A_133 = tpu.memref_slice %arg28[%add3A_27] : memref<1048576xi32, #tpu.memory_space<vmem_shared>> -> memref<8192xi32, #tpu.memory_space<vmem_shared>>
      %dma_start3A_134 = tpu.memref_slice %arg28[%add3A_27] : memref<1048576xi32, #tpu.memory_space<vmem_shared>> -> memref<8192xi32, #tpu.memory_space<vmem_shared>>
      tpu.enqueue_dma source(%arg27 : memref<8192xi32, #tpu.memory_space<vmem>>) target(%dma_start3A_134 : memref<8192xi32, #tpu.memory_space<vmem_shared>>) target_semaphore(%run_scoped3A : memref<!tpu.dma_semaphore, #tpu.memory_space<semaphore_mem>>)
      %dma_wait3A_135 = tpu.memref_slice %arg28[%add3A_27] : memref<1048576xi32, #tpu.memory_space<vmem_shared>> -> memref<8192xi32, #tpu.memory_space<vmem_shared>>
      %dma_wait3A_136 = tpu.memref_slice %arg28[%add3A_27] : memref<1048576xi32, #tpu.memory_space<vmem_shared>> -> memref<8192xi32, #tpu.memory_space<vmem_shared>>
      tpu.wait_dma2 semaphore(%run_scoped3A : memref<!tpu.dma_semaphore, #tpu.memory_space<semaphore_mem>>) src(%arg27 : memref<8192xi32, #tpu.memory_space<vmem>>) dst(%dma_wait3A_136 : memref<8192xi32, #tpu.memory_space<vmem_shared>>)
      tpu.yield
    }) : () -> ()
    %mul3A_31 = arith.constant 65536 : i32
    %mul3A_32 = arith.muli %arg1, %mul3A_31 : i32
    %add3A_33 = arith.constant 32768 : i32
    %add3A_34 = arith.addi %mul3A_32, %add3A_33 : i32
    %mul3A_35 = arith.constant 1048576 : i32
    %mul3A_36 = arith.muli %arg0, %mul3A_35 : i32
    %add3A_37 = arith.addi %mul3A_36, %add3A_34 : i32
    "tpu.region"() ({
      %run_scoped3A = tpu.sem_alloc : memref<!tpu.dma_semaphore, #tpu.memory_space<semaphore_mem>>
      %dma_start3A_133 = tpu.memref_slice %arg2[%add3A_37] : memref<2097152xi32, #tpu.memory_space<hbm>> -> memref<8192xi32, #tpu.memory_space<hbm>>
      %dma_start3A_134 = tpu.memref_slice %arg2[%add3A_37] : memref<2097152xi32, #tpu.memory_space<hbm>> -> memref<8192xi32, #tpu.memory_space<hbm>>
      tpu.enqueue_dma source(%dma_start3A_134 : memref<8192xi32, #tpu.memory_space<hbm>>) target(%arg27 : memref<8192xi32, #tpu.memory_space<vmem>>) target_semaphore(%run_scoped3A : memref<!tpu.dma_semaphore, #tpu.memory_space<semaphore_mem>>)
      %dma_wait3A_135 = tpu.memref_slice %arg2[%add3A_37] : memref<2097152xi32, #tpu.memory_space<hbm>> -> memref<8192xi32, #tpu.memory_space<hbm>>
      %dma_wait3A_136 = tpu.memref_slice %arg2[%add3A_37] : memref<2097152xi32, #tpu.memory_space<hbm>> -> memref<8192xi32, #tpu.memory_space<hbm>>
      tpu.wait_dma2 semaphore(%run_scoped3A : memref<!tpu.dma_semaphore, #tpu.memory_space<semaphore_mem>>) src(%dma_wait3A_136 : memref<8192xi32, #tpu.memory_space<hbm>>) dst(%arg27 : memref<8192xi32, #tpu.memory_space<vmem>>)
      tpu.yield
    }) : () -> ()
    "tpu.region"() ({
      %run_scoped3A = tpu.sem_alloc : memref<!tpu.dma_semaphore, #tpu.memory_space<semaphore_mem>>
      %dma_start3A_133 = tpu.memref_slice %arg28[%add3A_34] : memref<1048576xi32, #tpu.memory_space<vmem_shared>> -> memref<8192xi32, #tpu.memory_space<vmem_shared>>
      %dma_start3A_134 = tpu.memref_slice %arg28[%add3A_34] : memref<1048576xi32, #tpu.memory_space<vmem_shared>> -> memref<8192xi32, #tpu.memory_space<vmem_shared>>
      tpu.enqueue_dma source(%arg27 : memref<8192xi32, #tpu.memory_space<vmem>>) target(%dma_start3A_134 : memref<8192xi32, #tpu.memory_space<vmem_shared>>) target_semaphore(%run_scoped3A : memref<!tpu.dma_semaphore, #tpu.memory_space<semaphore_mem>>)
      %dma_wait3A_135 = tpu.memref_slice %arg28[%add3A_34] : memref<1048576xi32, #tpu.memory_space<vmem_shared>> -> memref<8192xi32, #tpu.memory_space<vmem_shared>>
      %dma_wait3A_136 = tpu.memref_slice %arg28[%add3A_34] : memref<1048576xi32, #tpu.memory_space<vmem_shared>> -> memref<8192xi32, #tpu.memory_space<vmem_shared>>
      tpu.wait_dma2 semaphore(%run_scoped3A : memref<!tpu.dma_semaphore, #tpu.memory_space<semaphore_mem>>) src(%arg27 : memref<8192xi32, #tpu.memory_space<vmem>>) dst(%dma_wait3A_136 : memref<8192xi32, #tpu.memory_space<vmem_shared>>)
      tpu.yield
    }) : () -> ()
    %mul3A_38 = arith.constant 65536 : i32
    %mul3A_39 = arith.muli %arg1, %mul3A_38 : i32
    %add3A_40 = arith.constant 40960 : i32
    %add3A_41 = arith.addi %mul3A_39, %add3A_40 : i32
    %mul3A_42 = arith.constant 1048576 : i32
    %mul3A_43 = arith.muli %arg0, %mul3A_42 : i32
    %add3A_44 = arith.addi %mul3A_43, %add3A_41 : i32
    "tpu.region"() ({
      %run_scoped3A = tpu.sem_alloc : memref<!tpu.dma_semaphore, #tpu.memory_space<semaphore_mem>>
      %dma_start3A_133 = tpu.memref_slice %arg2[%add3A_44] : memref<2097152xi32, #tpu.memory_space<hbm>> -> memref<8192xi32, #tpu.memory_space<hbm>>
      %dma_start3A_134 = tpu.memref_slice %arg2[%add3A_44] : memref<2097152xi32, #tpu.memory_space<hbm>> -> memref<8192xi32, #tpu.memory_space<hbm>>
      tpu.enqueue_dma source(%dma_start3A_134 : memref<8192xi32, #tpu.memory_space<hbm>>) target(%arg27 : memref<8192xi32, #tpu.memory_space<vmem>>) target_semaphore(%run_scoped3A : memref<!tpu.dma_semaphore, #tpu.memory_space<semaphore_mem>>)
      %dma_wait3A_135 = tpu.memref_slice %arg2[%add3A_44] : memref<2097152xi32, #tpu.memory_space<hbm>> -> memref<8192xi32, #tpu.memory_space<hbm>>
      %dma_wait3A_136 = tpu.memref_slice %arg2[%add3A_44] : memref<2097152xi32, #tpu.memory_space<hbm>> -> memref<8192xi32, #tpu.memory_space<hbm>>
      tpu.wait_dma2 semaphore(%run_scoped3A : memref<!tpu.dma_semaphore, #tpu.memory_space<semaphore_mem>>) src(%dma_wait3A_136 : memref<8192xi32, #tpu.memory_space<hbm>>) dst(%arg27 : memref<8192xi32, #tpu.memory_space<vmem>>)
      tpu.yield
    }) : () -> ()
    "tpu.region"() ({
      %run_scoped3A = tpu.sem_alloc : memref<!tpu.dma_semaphore, #tpu.memory_space<semaphore_mem>>
      %dma_start3A_133 = tpu.memref_slice %arg28[%add3A_41] : memref<1048576xi32, #tpu.memory_space<vmem_shared>> -> memref<8192xi32, #tpu.memory_space<vmem_shared>>
      %dma_start3A_134 = tpu.memref_slice %arg28[%add3A_41] : memref<1048576xi32, #tpu.memory_space<vmem_shared>> -> memref<8192xi32, #tpu.memory_space<vmem_shared>>
      tpu.enqueue_dma source(%arg27 : memref<8192xi32, #tpu.memory_space<vmem>>) target(%dma_start3A_134 : memref<8192xi32, #tpu.memory_space<vmem_shared>>) target_semaphore(%run_scoped3A : memref<!tpu.dma_semaphore, #tpu.memory_space<semaphore_mem>>)
      %dma_wait3A_135 = tpu.memref_slice %arg28[%add3A_41] : memref<1048576xi32, #tpu.memory_space<vmem_shared>> -> memref<8192xi32, #tpu.memory_space<vmem_shared>>
      %dma_wait3A_136 = tpu.memref_slice %arg28[%add3A_41] : memref<1048576xi32, #tpu.memory_space<vmem_shared>> -> memref<8192xi32, #tpu.memory_space<vmem_shared>>
      tpu.wait_dma2 semaphore(%run_scoped3A : memref<!tpu.dma_semaphore, #tpu.memory_space<semaphore_mem>>) src(%arg27 : memref<8192xi32, #tpu.memory_space<vmem>>) dst(%dma_wait3A_136 : memref<8192xi32, #tpu.memory_space<vmem_shared>>)
      tpu.yield
    }) : () -> ()
    %mul3A_45 = arith.constant 65536 : i32
    %mul3A_46 = arith.muli %arg1, %mul3A_45 : i32
    %add3A_47 = arith.constant 49152 : i32
    %add3A_48 = arith.addi %mul3A_46, %add3A_47 : i32
    %mul3A_49 = arith.constant 1048576 : i32
    %mul3A_50 = arith.muli %arg0, %mul3A_49 : i32
    %add3A_51 = arith.addi %mul3A_50, %add3A_48 : i32
    "tpu.region"() ({
      %run_scoped3A = tpu.sem_alloc : memref<!tpu.dma_semaphore, #tpu.memory_space<semaphore_mem>>
      %dma_start3A_133 = tpu.memref_slice %arg2[%add3A_51] : memref<2097152xi32, #tpu.memory_space<hbm>> -> memref<8192xi32, #tpu.memory_space<hbm>>
      %dma_start3A_134 = tpu.memref_slice %arg2[%add3A_51] : memref<2097152xi32, #tpu.memory_space<hbm>> -> memref<8192xi32, #tpu.memory_space<hbm>>
      tpu.enqueue_dma source(%dma_start3A_134 : memref<8192xi32, #tpu.memory_space<hbm>>) target(%arg27 : memref<8192xi32, #tpu.memory_space<vmem>>) target_semaphore(%run_scoped3A : memref<!tpu.dma_semaphore, #tpu.memory_space<semaphore_mem>>)
      %dma_wait3A_135 = tpu.memref_slice %arg2[%add3A_51] : memref<2097152xi32, #tpu.memory_space<hbm>> -> memref<8192xi32, #tpu.memory_space<hbm>>
      %dma_wait3A_136 = tpu.memref_slice %arg2[%add3A_51] : memref<2097152xi32, #tpu.memory_space<hbm>> -> memref<8192xi32, #tpu.memory_space<hbm>>
      tpu.wait_dma2 semaphore(%run_scoped3A : memref<!tpu.dma_semaphore, #tpu.memory_space<semaphore_mem>>) src(%dma_wait3A_136 : memref<8192xi32, #tpu.memory_space<hbm>>) dst(%arg27 : memref<8192xi32, #tpu.memory_space<vmem>>)
      tpu.yield
    }) : () -> ()
    "tpu.region"() ({
      %run_scoped3A = tpu.sem_alloc : memref<!tpu.dma_semaphore, #tpu.memory_space<semaphore_mem>>
      %dma_start3A_133 = tpu.memref_slice %arg28[%add3A_48] : memref<1048576xi32, #tpu.memory_space<vmem_shared>> -> memref<8192xi32, #tpu.memory_space<vmem_shared>>
      %dma_start3A_134 = tpu.memref_slice %arg28[%add3A_48] : memref<1048576xi32, #tpu.memory_space<vmem_shared>> -> memref<8192xi32, #tpu.memory_space<vmem_shared>>
      tpu.enqueue_dma source(%arg27 : memref<8192xi32, #tpu.memory_space<vmem>>) target(%dma_start3A_134 : memref<8192xi32, #tpu.memory_space<vmem_shared>>) target_semaphore(%run_scoped3A : memref<!tpu.dma_semaphore, #tpu.memory_space<semaphore_mem>>)
      %dma_wait3A_135 = tpu.memref_slice %arg28[%add3A_48] : memref<1048576xi32, #tpu.memory_space<vmem_shared>> -> memref<8192xi32, #tpu.memory_space<vmem_shared>>
      %dma_wait3A_136 = tpu.memref_slice %arg28[%add3A_48] : memref<1048576xi32, #tpu.memory_space<vmem_shared>> -> memref<8192xi32, #tpu.memory_space<vmem_shared>>
      tpu.wait_dma2 semaphore(%run_scoped3A : memref<!tpu.dma_semaphore, #tpu.memory_space<semaphore_mem>>) src(%arg27 : memref<8192xi32, #tpu.memory_space<vmem>>) dst(%dma_wait3A_136 : memref<8192xi32, #tpu.memory_space<vmem_shared>>)
      tpu.yield
    }) : () -> ()
    %mul3A_52 = arith.constant 65536 : i32
    %mul3A_53 = arith.muli %arg1, %mul3A_52 : i32
    %add3A_54 = arith.constant 57344 : i32
    %add3A_55 = arith.addi %mul3A_53, %add3A_54 : i32
    %mul3A_56 = arith.constant 1048576 : i32
    %mul3A_57 = arith.muli %arg0, %mul3A_56 : i32
    %add3A_58 = arith.addi %mul3A_57, %add3A_55 : i32
    "tpu.region"() ({
      %run_scoped3A = tpu.sem_alloc : memref<!tpu.dma_semaphore, #tpu.memory_space<semaphore_mem>>
      %dma_start3A_133 = tpu.memref_slice %arg2[%add3A_58] : memref<2097152xi32, #tpu.memory_space<hbm>> -> memref<8192xi32, #tpu.memory_space<hbm>>
      %dma_start3A_134 = tpu.memref_slice %arg2[%add3A_58] : memref<2097152xi32, #tpu.memory_space<hbm>> -> memref<8192xi32, #tpu.memory_space<hbm>>
      tpu.enqueue_dma source(%dma_start3A_134 : memref<8192xi32, #tpu.memory_space<hbm>>) target(%arg27 : memref<8192xi32, #tpu.memory_space<vmem>>) target_semaphore(%run_scoped3A : memref<!tpu.dma_semaphore, #tpu.memory_space<semaphore_mem>>)
      %dma_wait3A_135 = tpu.memref_slice %arg2[%add3A_58] : memref<2097152xi32, #tpu.memory_space<hbm>> -> memref<8192xi32, #tpu.memory_space<hbm>>
      %dma_wait3A_136 = tpu.memref_slice %arg2[%add3A_58] : memref<2097152xi32, #tpu.memory_space<hbm>> -> memref<8192xi32, #tpu.memory_space<hbm>>
      tpu.wait_dma2 semaphore(%run_scoped3A : memref<!tpu.dma_semaphore, #tpu.memory_space<semaphore_mem>>) src(%dma_wait3A_136 : memref<8192xi32, #tpu.memory_space<hbm>>) dst(%arg27 : memref<8192xi32, #tpu.memory_space<vmem>>)
      tpu.yield
    }) : () -> ()
    "tpu.region"() ({
      %run_scoped3A = tpu.sem_alloc : memref<!tpu.dma_semaphore, #tpu.memory_space<semaphore_mem>>
      %dma_start3A_133 = tpu.memref_slice %arg28[%add3A_55] : memref<1048576xi32, #tpu.memory_space<vmem_shared>> -> memref<8192xi32, #tpu.memory_space<vmem_shared>>
      %dma_start3A_134 = tpu.memref_slice %arg28[%add3A_55] : memref<1048576xi32, #tpu.memory_space<vmem_shared>> -> memref<8192xi32, #tpu.memory_space<vmem_shared>>
      tpu.enqueue_dma source(%arg27 : memref<8192xi32, #tpu.memory_space<vmem>>) target(%dma_start3A_134 : memref<8192xi32, #tpu.memory_space<vmem_shared>>) target_semaphore(%run_scoped3A : memref<!tpu.dma_semaphore, #tpu.memory_space<semaphore_mem>>)
      %dma_wait3A_135 = tpu.memref_slice %arg28[%add3A_55] : memref<1048576xi32, #tpu.memory_space<vmem_shared>> -> memref<8192xi32, #tpu.memory_space<vmem_shared>>
      %dma_wait3A_136 = tpu.memref_slice %arg28[%add3A_55] : memref<1048576xi32, #tpu.memory_space<vmem_shared>> -> memref<8192xi32, #tpu.memory_space<vmem_shared>>
      tpu.wait_dma2 semaphore(%run_scoped3A : memref<!tpu.dma_semaphore, #tpu.memory_space<semaphore_mem>>) src(%arg27 : memref<8192xi32, #tpu.memory_space<vmem>>) dst(%dma_wait3A_136 : memref<8192xi32, #tpu.memory_space<vmem_shared>>)
      tpu.yield
    }) : () -> ()
    %barrier3A = arith.constant 0 : index
    tpu.barrier barrier_id(%barrier3A)
    %add3A_59 = arith.constant 0 : i32
    %add3A_60 = arith.addi %mul3A_2, %add3A_59 : i32
    %dma_start3A = tpu.memref_slice %arg3[%add3A_60] : memref<4194304xf32, #tpu.memory_space<hbm>> -> memref<1024xf32, #tpu.memory_space<hbm>>
    %dma_start3A_61 = tpu.memref_slice %arg3[%add3A_60] : memref<4194304xf32, #tpu.memory_space<hbm>> -> memref<1024xf32, #tpu.memory_space<hbm>>
    tpu.enqueue_dma source(%dma_start3A_61 : memref<1024xf32, #tpu.memory_space<hbm>>) target(%arg7 : memref<1024xf32, #tpu.memory_space<vmem>>) target_semaphore(%arg33 : memref<!tpu.dma_semaphore, #tpu.memory_space<semaphore_mem>>)
    %dma_start3A_62 = tpu.memref_slice %arg4[%add3A_60] : memref<4194304xf32, #tpu.memory_space<hbm>> -> memref<1024xf32, #tpu.memory_space<hbm>>
    %dma_start3A_63 = tpu.memref_slice %arg4[%add3A_60] : memref<4194304xf32, #tpu.memory_space<hbm>> -> memref<1024xf32, #tpu.memory_space<hbm>>
    tpu.enqueue_dma source(%dma_start3A_63 : memref<1024xf32, #tpu.memory_space<hbm>>) target(%arg8 : memref<1024xf32, #tpu.memory_space<vmem>>) target_semaphore(%arg33 : memref<!tpu.dma_semaphore, #tpu.memory_space<semaphore_mem>>)
    %dma_start3A_64 = tpu.memref_slice %arg5[%add3A_60] : memref<4194304xf32, #tpu.memory_space<hbm>> -> memref<1024xf32, #tpu.memory_space<hbm>>
    %dma_start3A_65 = tpu.memref_slice %arg5[%add3A_60] : memref<4194304xf32, #tpu.memory_space<hbm>> -> memref<1024xf32, #tpu.memory_space<hbm>>
    tpu.enqueue_dma source(%dma_start3A_65 : memref<1024xf32, #tpu.memory_space<hbm>>) target(%arg9 : memref<1024xf32, #tpu.memory_space<vmem>>) target_semaphore(%arg33 : memref<!tpu.dma_semaphore, #tpu.memory_space<semaphore_mem>>)
    %add3A_66 = arith.constant 1024 : i32
    %add3A_67 = arith.addi %mul3A_2, %add3A_66 : i32
    %dma_start3A_68 = tpu.memref_slice %arg3[%add3A_67] : memref<4194304xf32, #tpu.memory_space<hbm>> -> memref<1024xf32, #tpu.memory_space<hbm>>
    %dma_start3A_69 = tpu.memref_slice %arg3[%add3A_67] : memref<4194304xf32, #tpu.memory_space<hbm>> -> memref<1024xf32, #tpu.memory_space<hbm>>
    tpu.enqueue_dma source(%dma_start3A_69 : memref<1024xf32, #tpu.memory_space<hbm>>) target(%arg17 : memref<1024xf32, #tpu.memory_space<vmem>>) target_semaphore(%arg34 : memref<!tpu.dma_semaphore, #tpu.memory_space<semaphore_mem>>)
    %dma_start3A_70 = tpu.memref_slice %arg4[%add3A_67] : memref<4194304xf32, #tpu.memory_space<hbm>> -> memref<1024xf32, #tpu.memory_space<hbm>>
    %dma_start3A_71 = tpu.memref_slice %arg4[%add3A_67] : memref<4194304xf32, #tpu.memory_space<hbm>> -> memref<1024xf32, #tpu.memory_space<hbm>>
    tpu.enqueue_dma source(%dma_start3A_71 : memref<1024xf32, #tpu.memory_space<hbm>>) target(%arg18 : memref<1024xf32, #tpu.memory_space<vmem>>) target_semaphore(%arg34 : memref<!tpu.dma_semaphore, #tpu.memory_space<semaphore_mem>>)
    %dma_start3A_72 = tpu.memref_slice %arg5[%add3A_67] : memref<4194304xf32, #tpu.memory_space<hbm>> -> memref<1024xf32, #tpu.memory_space<hbm>>
    %dma_start3A_73 = tpu.memref_slice %arg5[%add3A_67] : memref<4194304xf32, #tpu.memory_space<hbm>> -> memref<1024xf32, #tpu.memory_space<hbm>>
    tpu.enqueue_dma source(%dma_start3A_73 : memref<1024xf32, #tpu.memory_space<hbm>>) target(%arg19 : memref<1024xf32, #tpu.memory_space<vmem>>) target_semaphore(%arg34 : memref<!tpu.dma_semaphore, #tpu.memory_space<semaphore_mem>>)
    %dma_wait3A = tpu.memref_slice %arg3[%mul3A_2] : memref<4194304xf32, #tpu.memory_space<hbm>> -> memref<1024xf32, #tpu.memory_space<hbm>>
    %dma_wait3A_74 = tpu.memref_slice %arg3[%mul3A_2] : memref<4194304xf32, #tpu.memory_space<hbm>> -> memref<1024xf32, #tpu.memory_space<hbm>>
    tpu.wait_dma2 semaphore(%arg33 : memref<!tpu.dma_semaphore, #tpu.memory_space<semaphore_mem>>) src(%dma_wait3A_74 : memref<1024xf32, #tpu.memory_space<hbm>>) dst(%arg7 : memref<1024xf32, #tpu.memory_space<vmem>>)
    %dma_wait3A_75 = tpu.memref_slice %arg3[%mul3A_2] : memref<4194304xf32, #tpu.memory_space<hbm>> -> memref<1024xf32, #tpu.memory_space<hbm>>
    %dma_wait3A_76 = tpu.memref_slice %arg3[%mul3A_2] : memref<4194304xf32, #tpu.memory_space<hbm>> -> memref<1024xf32, #tpu.memory_space<hbm>>
    tpu.wait_dma2 semaphore(%arg33 : memref<!tpu.dma_semaphore, #tpu.memory_space<semaphore_mem>>) src(%dma_wait3A_76 : memref<1024xf32, #tpu.memory_space<hbm>>) dst(%arg8 : memref<1024xf32, #tpu.memory_space<vmem>>)
    %dma_wait3A_77 = tpu.memref_slice %arg3[%mul3A_2] : memref<4194304xf32, #tpu.memory_space<hbm>> -> memref<1024xf32, #tpu.memory_space<hbm>>
    %dma_wait3A_78 = tpu.memref_slice %arg3[%mul3A_2] : memref<4194304xf32, #tpu.memory_space<hbm>> -> memref<1024xf32, #tpu.memory_space<hbm>>
    tpu.wait_dma2 semaphore(%arg33 : memref<!tpu.dma_semaphore, #tpu.memory_space<semaphore_mem>>) src(%dma_wait3A_78 : memref<1024xf32, #tpu.memory_space<hbm>>) dst(%arg9 : memref<1024xf32, #tpu.memory_space<vmem>>)
    %iota3A = tpu.iota {dimensions = array<i32: 0>} : vector<16xi32>
    %parallel_loop3A = arith.constant 0 : i32
    %parallel_loop3A_79 = arith.constant 64 : i32
    %parallel_loop3A_80 = arith.constant 1 : i32
    scf.for %parallel_loop3A_133 = %parallel_loop3A to %parallel_loop3A_79 step %parallel_loop3A_80  : i32 {
      %parallel_loop3A_134 = arith.constant 16 : i32
      %parallel_loop3A_135 = arith.muli %parallel_loop3A_133, %parallel_loop3A_134 : i32
      %parallel_loop3A_136 = arith.index_cast %parallel_loop3A_135 : i32 to index
      %parallel_loop3A_137 = tpu.vector_load %arg7[%parallel_loop3A_136] {strides = array<i32>} : memref<1024xf32, #tpu.memory_space<vmem>>, vector<16xf32>,
      %parallel_loop3A_138 = vector.shape_cast %parallel_loop3A_137 : vector<16xf32> to vector<16xf32>
      %parallel_loop3A_139 = arith.index_cast %parallel_loop3A_135 : i32 to index
      %parallel_loop3A_140 = tpu.vector_load %arg8[%parallel_loop3A_139] {strides = array<i32>} : memref<1024xf32, #tpu.memory_space<vmem>>, vector<16xf32>,
      %parallel_loop3A_141 = vector.shape_cast %parallel_loop3A_140 : vector<16xf32> to vector<16xf32>
      %parallel_loop3A_142 = arith.index_cast %parallel_loop3A_135 : i32 to index
      %parallel_loop3A_143 = tpu.vector_load %arg9[%parallel_loop3A_142] {strides = array<i32>} : memref<1024xf32, #tpu.memory_space<vmem>>, vector<16xf32>,
      %parallel_loop3A_144 = vector.shape_cast %parallel_loop3A_143 : vector<16xf32> to vector<16xf32>
      %parallel_loop3A_145 = arith.constant 0.000000e+00 : f32
      %parallel_loop3A_146 = arith.constant 1.270000e+02 : f32
      %parallel_loop3A_147 = vector.broadcast %parallel_loop3A_145 : f32 to vector<16xf32>
      %parallel_loop3A_148 = arith.maximumf %parallel_loop3A_147, %parallel_loop3A_138 : vector<16xf32>
      %parallel_loop3A_149 = vector.broadcast %parallel_loop3A_146 : f32 to vector<16xf32>
      %parallel_loop3A_150 = arith.minimumf %parallel_loop3A_149, %parallel_loop3A_148 : vector<16xf32>
      %parallel_loop3A_151 = arith.constant 0.000000e+00 : f32
      %parallel_loop3A_152 = arith.constant 1.270000e+02 : f32
      %parallel_loop3A_153 = vector.broadcast %parallel_loop3A_151 : f32 to vector<16xf32>
      %parallel_loop3A_154 = arith.maximumf %parallel_loop3A_153, %parallel_loop3A_141 : vector<16xf32>
      %parallel_loop3A_155 = vector.broadcast %parallel_loop3A_152 : f32 to vector<16xf32>
      %parallel_loop3A_156 = arith.minimumf %parallel_loop3A_155, %parallel_loop3A_154 : vector<16xf32>
      %parallel_loop3A_157 = arith.constant 0.000000e+00 : f32
      %parallel_loop3A_158 = arith.constant 1.270000e+02 : f32
      %parallel_loop3A_159 = vector.broadcast %parallel_loop3A_157 : f32 to vector<16xf32>
      %parallel_loop3A_160 = arith.maximumf %parallel_loop3A_159, %parallel_loop3A_144 : vector<16xf32>
      %parallel_loop3A_161 = vector.broadcast %parallel_loop3A_158 : f32 to vector<16xf32>
      %parallel_loop3A_162 = arith.minimumf %parallel_loop3A_161, %parallel_loop3A_160 : vector<16xf32>
      %parallel_loop3A_163 = arith.fptosi %parallel_loop3A_150 : vector<16xf32> to vector<16xi32>
      %parallel_loop3A_164 = arith.constant 126 : i32
      %parallel_loop3A_165 = vector.broadcast %parallel_loop3A_164 : i32 to vector<16xi32>
      %parallel_loop3A_166 = arith.minsi %parallel_loop3A_163, %parallel_loop3A_165 : vector<16xi32>
      %parallel_loop3A_167 = arith.fptosi %parallel_loop3A_156 : vector<16xf32> to vector<16xi32>
      %parallel_loop3A_168 = arith.constant 126 : i32
      %parallel_loop3A_169 = vector.broadcast %parallel_loop3A_168 : i32 to vector<16xi32>
      %parallel_loop3A_170 = arith.minsi %parallel_loop3A_167, %parallel_loop3A_169 : vector<16xi32>
      %parallel_loop3A_171 = arith.fptosi %parallel_loop3A_162 : vector<16xf32> to vector<16xi32>
      %parallel_loop3A_172 = arith.constant 126 : i32
      %parallel_loop3A_173 = vector.broadcast %parallel_loop3A_172 : i32 to vector<16xi32>
      %parallel_loop3A_174 = arith.minsi %parallel_loop3A_171, %parallel_loop3A_173 : vector<16xi32>
      %parallel_loop3A_175 = arith.sitofp %parallel_loop3A_166 : vector<16xi32> to vector<16xf32>
      %parallel_loop3A_176 = arith.subf %parallel_loop3A_150, %parallel_loop3A_175 : vector<16xf32>
      %parallel_loop3A_177 = arith.index_cast %parallel_loop3A_135 : i32 to index
      %parallel_loop3A_178 = tpu.vector_load %arg10[%parallel_loop3A_177] {strides = array<i32>} : memref<1024xf32, #tpu.memory_space<vmem>>, vector<16xf32>,
      %parallel_loop3A_179 = vector.shape_cast %parallel_loop3A_178 : vector<16xf32> to vector<16xf32>
      %parallel_loop3A_180 = vector.shape_cast %parallel_loop3A_176 : vector<16xf32> to vector<16xf32>
      tpu.vector_store %arg10[%parallel_loop3A_177], %parallel_loop3A_180 {strides = array<i32>} : memref<1024xf32, #tpu.memory_space<vmem>>, vector<16xf32>,
      %parallel_loop3A_181 = arith.sitofp %parallel_loop3A_170 : vector<16xi32> to vector<16xf32>
      %parallel_loop3A_182 = arith.subf %parallel_loop3A_156, %parallel_loop3A_181 : vector<16xf32>
      %parallel_loop3A_183 = arith.index_cast %parallel_loop3A_135 : i32 to index
      %parallel_loop3A_184 = tpu.vector_load %arg11[%parallel_loop3A_183] {strides = array<i32>} : memref<1024xf32, #tpu.memory_space<vmem>>, vector<16xf32>,
      %parallel_loop3A_185 = vector.shape_cast %parallel_loop3A_184 : vector<16xf32> to vector<16xf32>
      %parallel_loop3A_186 = vector.shape_cast %parallel_loop3A_182 : vector<16xf32> to vector<16xf32>
      tpu.vector_store %arg11[%parallel_loop3A_183], %parallel_loop3A_186 {strides = array<i32>} : memref<1024xf32, #tpu.memory_space<vmem>>, vector<16xf32>,
      %parallel_loop3A_187 = arith.sitofp %parallel_loop3A_174 : vector<16xi32> to vector<16xf32>
      %parallel_loop3A_188 = arith.subf %parallel_loop3A_162, %parallel_loop3A_187 : vector<16xf32>
      %parallel_loop3A_189 = arith.index_cast %parallel_loop3A_135 : i32 to index
      %parallel_loop3A_190 = tpu.vector_load %arg12[%parallel_loop3A_189] {strides = array<i32>} : memref<1024xf32, #tpu.memory_space<vmem>>, vector<16xf32>,
      %parallel_loop3A_191 = vector.shape_cast %parallel_loop3A_190 : vector<16xf32> to vector<16xf32>
      %parallel_loop3A_192 = vector.shape_cast %parallel_loop3A_188 : vector<16xf32> to vector<16xf32>
      tpu.vector_store %arg12[%parallel_loop3A_189], %parallel_loop3A_192 {strides = array<i32>} : memref<1024xf32, #tpu.memory_space<vmem>>, vector<16xf32>,
      %parallel_loop3A_193 = arith.constant 1 : i32
      %parallel_loop3A_194 = vector.broadcast %parallel_loop3A_193 : i32 to vector<16xi32>
      %parallel_loop3A_195 = arith.andi %parallel_loop3A_174, %parallel_loop3A_194 : vector<16xi32>
      %parallel_loop3A_196 = arith.index_cast %parallel_loop3A_135 : i32 to index
      %parallel_loop3A_197 = tpu.vector_load %arg13[%parallel_loop3A_196] {strides = array<i32>} : memref<1024xi32, #tpu.memory_space<vmem>>, vector<16xi32>,
      %parallel_loop3A_198 = vector.shape_cast %parallel_loop3A_197 : vector<16xi32> to vector<16xi32>
      %parallel_loop3A_199 = vector.shape_cast %parallel_loop3A_195 : vector<16xi32> to vector<16xi32>
      tpu.vector_store %arg13[%parallel_loop3A_196], %parallel_loop3A_199 {strides = array<i32>} : memref<1024xi32, #tpu.memory_space<vmem>>, vector<16xi32>,
      %parallel_loop3A_200 = arith.constant 1 : i32
      %parallel_loop3A_201 = vector.broadcast %parallel_loop3A_200 : i32 to vector<16xi32>
      %parallel_loop3A_202 = arith.shrsi %parallel_loop3A_174, %parallel_loop3A_201 : vector<16xi32>
      %parallel_loop3A_203 = arith.constant 16384 : i32
      %parallel_loop3A_204 = vector.broadcast %parallel_loop3A_203 : i32 to vector<16xi32>
      %parallel_loop3A_205 = arith.muli %parallel_loop3A_202, %parallel_loop3A_204 : vector<16xi32>
      %parallel_loop3A_206 = arith.constant 128 : i32
      %parallel_loop3A_207 = vector.broadcast %parallel_loop3A_206 : i32 to vector<16xi32>
      %parallel_loop3A_208 = arith.muli %parallel_loop3A_170, %parallel_loop3A_207 : vector<16xi32>
      %parallel_loop3A_209 = arith.addi %parallel_loop3A_205, %parallel_loop3A_208 : vector<16xi32>
      %parallel_loop3A_210 = arith.addi %parallel_loop3A_209, %parallel_loop3A_166 : vector<16xi32>
      %parallel_loop3A_211 = arith.constant 16384 : i32
      %parallel_loop3A_212 = vector.broadcast %parallel_loop3A_211 : i32 to vector<16xi32>
      %parallel_loop3A_213 = arith.muli %parallel_loop3A_195, %parallel_loop3A_212 : vector<16xi32>
      %parallel_loop3A_214 = arith.addi %parallel_loop3A_210, %parallel_loop3A_213 : vector<16xi32>
      %parallel_loop3A_215 = arith.constant 16 : i32
      %parallel_loop3A_216 = arith.muli %parallel_loop3A_133, %parallel_loop3A_215 : i32
      %parallel_loop3A_217 = arith.index_cast %parallel_loop3A_216 : i32 to index
      %parallel_loop3A_218 = tpu.vector_load %arg15[%parallel_loop3A_217] {strides = array<i32>} : memref<8192xi32, #tpu.memory_space<vmem>>, vector<16xi32>,
      %parallel_loop3A_219 = vector.shape_cast %parallel_loop3A_218 : vector<16xi32> to vector<16xi32>
      %parallel_loop3A_220 = vector.shape_cast %parallel_loop3A_210 : vector<16xi32> to vector<16xi32>
      tpu.vector_store %arg15[%parallel_loop3A_217], %parallel_loop3A_220 {strides = array<i32>} : memref<8192xi32, #tpu.memory_space<vmem>>, vector<16xi32>,
      %parallel_loop3A_221 = arith.constant 1024 : i32
      %parallel_loop3A_222 = arith.addi %parallel_loop3A_221, %parallel_loop3A_216 : i32
      %parallel_loop3A_223 = arith.index_cast %parallel_loop3A_222 : i32 to index
      %parallel_loop3A_224 = tpu.vector_load %arg15[%parallel_loop3A_223] {strides = array<i32>} : memref<8192xi32, #tpu.memory_space<vmem>>, vector<16xi32>,
      %parallel_loop3A_225 = vector.shape_cast %parallel_loop3A_224 : vector<16xi32> to vector<16xi32>
      %parallel_loop3A_226 = vector.shape_cast %parallel_loop3A_214 : vector<16xi32> to vector<16xi32>
      tpu.vector_store %arg15[%parallel_loop3A_223], %parallel_loop3A_226 {strides = array<i32>} : memref<8192xi32, #tpu.memory_space<vmem>>, vector<16xi32>,
      %parallel_loop3A_227 = arith.constant 1 : i32
      %parallel_loop3A_228 = vector.broadcast %parallel_loop3A_227 : i32 to vector<16xi32>
      %parallel_loop3A_229 = arith.addi %parallel_loop3A_210, %parallel_loop3A_228 : vector<16xi32>
      %parallel_loop3A_230 = arith.constant 2048 : i32
      %parallel_loop3A_231 = arith.addi %parallel_loop3A_230, %parallel_loop3A_216 : i32
      %parallel_loop3A_232 = arith.index_cast %parallel_loop3A_231 : i32 to index
      %parallel_loop3A_233 = tpu.vector_load %arg15[%parallel_loop3A_232] {strides = array<i32>} : memref<8192xi32, #tpu.memory_space<vmem>>, vector<16xi32>,
      %parallel_loop3A_234 = vector.shape_cast %parallel_loop3A_233 : vector<16xi32> to vector<16xi32>
      %parallel_loop3A_235 = vector.shape_cast %parallel_loop3A_229 : vector<16xi32> to vector<16xi32>
      tpu.vector_store %arg15[%parallel_loop3A_232], %parallel_loop3A_235 {strides = array<i32>} : memref<8192xi32, #tpu.memory_space<vmem>>, vector<16xi32>,
      %parallel_loop3A_236 = arith.constant 1 : i32
      %parallel_loop3A_237 = vector.broadcast %parallel_loop3A_236 : i32 to vector<16xi32>
      %parallel_loop3A_238 = arith.addi %parallel_loop3A_214, %parallel_loop3A_237 : vector<16xi32>
      %parallel_loop3A_239 = arith.constant 3072 : i32
      %parallel_loop3A_240 = arith.addi %parallel_loop3A_239, %parallel_loop3A_216 : i32
      %parallel_loop3A_241 = arith.index_cast %parallel_loop3A_240 : i32 to index
      %parallel_loop3A_242 = tpu.vector_load %arg15[%parallel_loop3A_241] {strides = array<i32>} : memref<8192xi32, #tpu.memory_space<vmem>>, vector<16xi32>,
      %parallel_loop3A_243 = vector.shape_cast %parallel_loop3A_242 : vector<16xi32> to vector<16xi32>
      %parallel_loop3A_244 = vector.shape_cast %parallel_loop3A_238 : vector<16xi32> to vector<16xi32>
      tpu.vector_store %arg15[%parallel_loop3A_241], %parallel_loop3A_244 {strides = array<i32>} : memref<8192xi32, #tpu.memory_space<vmem>>, vector<16xi32>,
      %parallel_loop3A_245 = arith.constant 128 : i32
      %parallel_loop3A_246 = vector.broadcast %parallel_loop3A_245 : i32 to vector<16xi32>
      %parallel_loop3A_247 = arith.addi %parallel_loop3A_210, %parallel_loop3A_246 : vector<16xi32>
      %parallel_loop3A_248 = arith.constant 4096 : i32
      %parallel_loop3A_249 = arith.addi %parallel_loop3A_248, %parallel_loop3A_216 : i32
      %parallel_loop3A_250 = arith.index_cast %parallel_loop3A_249 : i32 to index
      %parallel_loop3A_251 = tpu.vector_load %arg15[%parallel_loop3A_250] {strides = array<i32>} : memref<8192xi32, #tpu.memory_space<vmem>>, vector<16xi32>,
      %parallel_loop3A_252 = vector.shape_cast %parallel_loop3A_251 : vector<16xi32> to vector<16xi32>
      %parallel_loop3A_253 = vector.shape_cast %parallel_loop3A_247 : vector<16xi32> to vector<16xi32>
      tpu.vector_store %arg15[%parallel_loop3A_250], %parallel_loop3A_253 {strides = array<i32>} : memref<8192xi32, #tpu.memory_space<vmem>>, vector<16xi32>,
      %parallel_loop3A_254 = arith.constant 128 : i32
      %parallel_loop3A_255 = vector.broadcast %parallel_loop3A_254 : i32 to vector<16xi32>
      %parallel_loop3A_256 = arith.addi %parallel_loop3A_214, %parallel_loop3A_255 : vector<16xi32>
      %parallel_loop3A_257 = arith.constant 5120 : i32
      %parallel_loop3A_258 = arith.addi %parallel_loop3A_257, %parallel_loop3A_216 : i32
      %parallel_loop3A_259 = arith.index_cast %parallel_loop3A_258 : i32 to index
      %parallel_loop3A_260 = tpu.vector_load %arg15[%parallel_loop3A_259] {strides = array<i32>} : memref<8192xi32, #tpu.memory_space<vmem>>, vector<16xi32>,
      %parallel_loop3A_261 = vector.shape_cast %parallel_loop3A_260 : vector<16xi32> to vector<16xi32>
      %parallel_loop3A_262 = vector.shape_cast %parallel_loop3A_256 : vector<16xi32> to vector<16xi32>
      tpu.vector_store %arg15[%parallel_loop3A_259], %parallel_loop3A_262 {strides = array<i32>} : memref<8192xi32, #tpu.memory_space<vmem>>, vector<16xi32>,
      %parallel_loop3A_263 = arith.constant 128 : i32
      %parallel_loop3A_264 = vector.broadcast %parallel_loop3A_263 : i32 to vector<16xi32>
      %parallel_loop3A_265 = arith.addi %parallel_loop3A_210, %parallel_loop3A_264 : vector<16xi32>
      %parallel_loop3A_266 = arith.constant 1 : i32
      %parallel_loop3A_267 = vector.broadcast %parallel_loop3A_266 : i32 to vector<16xi32>
      %parallel_loop3A_268 = arith.addi %parallel_loop3A_265, %parallel_loop3A_267 : vector<16xi32>
      %parallel_loop3A_269 = arith.constant 6144 : i32
      %parallel_loop3A_270 = arith.addi %parallel_loop3A_269, %parallel_loop3A_216 : i32
      %parallel_loop3A_271 = arith.index_cast %parallel_loop3A_270 : i32 to index
      %parallel_loop3A_272 = tpu.vector_load %arg15[%parallel_loop3A_271] {strides = array<i32>} : memref<8192xi32, #tpu.memory_space<vmem>>, vector<16xi32>,
      %parallel_loop3A_273 = vector.shape_cast %parallel_loop3A_272 : vector<16xi32> to vector<16xi32>
      %parallel_loop3A_274 = vector.shape_cast %parallel_loop3A_268 : vector<16xi32> to vector<16xi32>
      tpu.vector_store %arg15[%parallel_loop3A_271], %parallel_loop3A_274 {strides = array<i32>} : memref<8192xi32, #tpu.memory_space<vmem>>, vector<16xi32>,
      %parallel_loop3A_275 = arith.constant 128 : i32
      %parallel_loop3A_276 = vector.broadcast %parallel_loop3A_275 : i32 to vector<16xi32>
      %parallel_loop3A_277 = arith.addi %parallel_loop3A_214, %parallel_loop3A_276 : vector<16xi32>
      %parallel_loop3A_278 = arith.constant 1 : i32
      %parallel_loop3A_279 = vector.broadcast %parallel_loop3A_278 : i32 to vector<16xi32>
      %parallel_loop3A_280 = arith.addi %parallel_loop3A_277, %parallel_loop3A_279 : vector<16xi32>
      %parallel_loop3A_281 = arith.constant 7168 : i32
      %parallel_loop3A_282 = arith.addi %parallel_loop3A_281, %parallel_loop3A_216 : i32
      %parallel_loop3A_283 = arith.index_cast %parallel_loop3A_282 : i32 to index
      %parallel_loop3A_284 = tpu.vector_load %arg15[%parallel_loop3A_283] {strides = array<i32>} : memref<8192xi32, #tpu.memory_space<vmem>>, vector<16xi32>,
      %parallel_loop3A_285 = vector.shape_cast %parallel_loop3A_284 : vector<16xi32> to vector<16xi32>
      %parallel_loop3A_286 = vector.shape_cast %parallel_loop3A_280 : vector<16xi32> to vector<16xi32>
      tpu.vector_store %arg15[%parallel_loop3A_283], %parallel_loop3A_286 {strides = array<i32>} : memref<8192xi32, #tpu.memory_space<vmem>>, vector<16xi32>,
    } {sc.loop_unroll_factor = 4 : i64, sc.parallel_access}
    %dma_start3A_81 = arith.constant 0 : i32
    %dma_start3A_82 = tpu.memref_slice %arg28[%dma_start3A_81] : memref<1048576xi32, #tpu.memory_space<vmem_shared>> -> memref<1048576xi32, #tpu.memory_space<vmem_shared>>
    tpu.enqueue_indirect_dma source(%dma_start3A_82 : memref<1048576xi32, #tpu.memory_space<vmem_shared>>) target(%arg16 : memref<8192xi32, #tpu.memory_space<vmem>>) offsets(%arg15 : memref<8192xi32, #tpu.memory_space<vmem>>) semaphore(%arg29 : memref<!tpu.dma_semaphore, #tpu.memory_space<semaphore_mem>>)
    %scan3A = arith.constant 0 : i32
    %scan3A_83 = arith.constant 0 : i32
    %scan3A_84 = arith.constant 63 : i32
    %scan3A_85 = arith.addi %scan3A_83, %scan3A_84 : i32
    %scan3A_86 = arith.constant 1 : i32
    %scan3A_87 = scf.for %scan3A_133 = %scan3A_83 to %scan3A_85 step %scan3A_86 iter_args(%scan3A_134 = %scan3A) -> (i32)  : i32 {
      %mul3A_135 = arith.constant 2 : i32
      %mul3A_136 = arith.muli %scan3A_133, %mul3A_135 : i32
      %add3A_137 = arith.constant 2 : i32
      %add3A_138 = arith.addi %mul3A_136, %add3A_137 : i32
      %mul3A_139 = arith.constant 1024 : i32
      %mul3A_140 = arith.muli %add3A_138, %mul3A_139 : i32
      %add3A_141 = arith.addi %mul3A_2, %mul3A_140 : i32
      %dma_start3A_142 = tpu.memref_slice %arg3[%add3A_141] : memref<4194304xf32, #tpu.memory_space<hbm>> -> memref<1024xf32, #tpu.memory_space<hbm>>
      %dma_start3A_143 = tpu.memref_slice %arg3[%add3A_141] : memref<4194304xf32, #tpu.memory_space<hbm>> -> memref<1024xf32, #tpu.memory_space<hbm>>
      tpu.enqueue_dma source(%dma_start3A_143 : memref<1024xf32, #tpu.memory_space<hbm>>) target(%arg7 : memref<1024xf32, #tpu.memory_space<vmem>>) target_semaphore(%arg33 : memref<!tpu.dma_semaphore, #tpu.memory_space<semaphore_mem>>)
      %dma_start3A_144 = tpu.memref_slice %arg4[%add3A_141] : memref<4194304xf32, #tpu.memory_space<hbm>> -> memref<1024xf32, #tpu.memory_space<hbm>>
      %dma_start3A_145 = tpu.memref_slice %arg4[%add3A_141] : memref<4194304xf32, #tpu.memory_space<hbm>> -> memref<1024xf32, #tpu.memory_space<hbm>>
      tpu.enqueue_dma source(%dma_start3A_145 : memref<1024xf32, #tpu.memory_space<hbm>>) target(%arg8 : memref<1024xf32, #tpu.memory_space<vmem>>) target_semaphore(%arg33 : memref<!tpu.dma_semaphore, #tpu.memory_space<semaphore_mem>>)
      %dma_start3A_146 = tpu.memref_slice %arg5[%add3A_141] : memref<4194304xf32, #tpu.memory_space<hbm>> -> memref<1024xf32, #tpu.memory_space<hbm>>
      %dma_start3A_147 = tpu.memref_slice %arg5[%add3A_141] : memref<4194304xf32, #tpu.memory_space<hbm>> -> memref<1024xf32, #tpu.memory_space<hbm>>
      tpu.enqueue_dma source(%dma_start3A_147 : memref<1024xf32, #tpu.memory_space<hbm>>) target(%arg9 : memref<1024xf32, #tpu.memory_space<vmem>>) target_semaphore(%arg33 : memref<!tpu.dma_semaphore, #tpu.memory_space<semaphore_mem>>)
      %add3A_148 = arith.constant 1 : i32
      %add3A_149 = arith.addi %mul3A_136, %add3A_148 : i32
      %dma_wait3A_150 = tpu.memref_slice %arg3[%mul3A_2] : memref<4194304xf32, #tpu.memory_space<hbm>> -> memref<1024xf32, #tpu.memory_space<hbm>>
      %dma_wait3A_151 = tpu.memref_slice %arg3[%mul3A_2] : memref<4194304xf32, #tpu.memory_space<hbm>> -> memref<1024xf32, #tpu.memory_space<hbm>>
      tpu.wait_dma2 semaphore(%arg34 : memref<!tpu.dma_semaphore, #tpu.memory_space<semaphore_mem>>) src(%dma_wait3A_151 : memref<1024xf32, #tpu.memory_space<hbm>>) dst(%arg17 : memref<1024xf32, #tpu.memory_space<vmem>>)
      %dma_wait3A_152 = tpu.memref_slice %arg3[%mul3A_2] : memref<4194304xf32, #tpu.memory_space<hbm>> -> memref<1024xf32, #tpu.memory_space<hbm>>
      %dma_wait3A_153 = tpu.memref_slice %arg3[%mul3A_2] : memref<4194304xf32, #tpu.memory_space<hbm>> -> memref<1024xf32, #tpu.memory_space<hbm>>
      tpu.wait_dma2 semaphore(%arg34 : memref<!tpu.dma_semaphore, #tpu.memory_space<semaphore_mem>>) src(%dma_wait3A_153 : memref<1024xf32, #tpu.memory_space<hbm>>) dst(%arg18 : memref<1024xf32, #tpu.memory_space<vmem>>)
      %dma_wait3A_154 = tpu.memref_slice %arg3[%mul3A_2] : memref<4194304xf32, #tpu.memory_space<hbm>> -> memref<1024xf32, #tpu.memory_space<hbm>>
      %dma_wait3A_155 = tpu.memref_slice %arg3[%mul3A_2] : memref<4194304xf32, #tpu.memory_space<hbm>> -> memref<1024xf32, #tpu.memory_space<hbm>>
      tpu.wait_dma2 semaphore(%arg34 : memref<!tpu.dma_semaphore, #tpu.memory_space<semaphore_mem>>) src(%dma_wait3A_155 : memref<1024xf32, #tpu.memory_space<hbm>>) dst(%arg19 : memref<1024xf32, #tpu.memory_space<vmem>>)
      %iota3A_156 = tpu.iota {dimensions = array<i32: 0>} : vector<16xi32>
      %parallel_loop3A_157 = arith.constant 0 : i32
      %parallel_loop3A_158 = arith.constant 64 : i32
      %parallel_loop3A_159 = arith.constant 1 : i32
      scf.for %parallel_loop3A_223 = %parallel_loop3A_157 to %parallel_loop3A_158 step %parallel_loop3A_159  : i32 {
        %parallel_loop3A_224 = arith.constant 16 : i32
        %parallel_loop3A_225 = arith.muli %parallel_loop3A_223, %parallel_loop3A_224 : i32
        %parallel_loop3A_226 = arith.index_cast %parallel_loop3A_225 : i32 to index
        %parallel_loop3A_227 = tpu.vector_load %arg17[%parallel_loop3A_226] {strides = array<i32>} : memref<1024xf32, #tpu.memory_space<vmem>>, vector<16xf32>,
        %parallel_loop3A_228 = vector.shape_cast %parallel_loop3A_227 : vector<16xf32> to vector<16xf32>
        %parallel_loop3A_229 = arith.index_cast %parallel_loop3A_225 : i32 to index
        %parallel_loop3A_230 = tpu.vector_load %arg18[%parallel_loop3A_229] {strides = array<i32>} : memref<1024xf32, #tpu.memory_space<vmem>>, vector<16xf32>,
        %parallel_loop3A_231 = vector.shape_cast %parallel_loop3A_230 : vector<16xf32> to vector<16xf32>
        %parallel_loop3A_232 = arith.index_cast %parallel_loop3A_225 : i32 to index
        %parallel_loop3A_233 = tpu.vector_load %arg19[%parallel_loop3A_232] {strides = array<i32>} : memref<1024xf32, #tpu.memory_space<vmem>>, vector<16xf32>,
        %parallel_loop3A_234 = vector.shape_cast %parallel_loop3A_233 : vector<16xf32> to vector<16xf32>
        %parallel_loop3A_235 = arith.constant 0.000000e+00 : f32
        %parallel_loop3A_236 = arith.constant 1.270000e+02 : f32
        %parallel_loop3A_237 = vector.broadcast %parallel_loop3A_235 : f32 to vector<16xf32>
        %parallel_loop3A_238 = arith.maximumf %parallel_loop3A_237, %parallel_loop3A_228 : vector<16xf32>
        %parallel_loop3A_239 = vector.broadcast %parallel_loop3A_236 : f32 to vector<16xf32>
        %parallel_loop3A_240 = arith.minimumf %parallel_loop3A_239, %parallel_loop3A_238 : vector<16xf32>
        %parallel_loop3A_241 = arith.constant 0.000000e+00 : f32
        %parallel_loop3A_242 = arith.constant 1.270000e+02 : f32
        %parallel_loop3A_243 = vector.broadcast %parallel_loop3A_241 : f32 to vector<16xf32>
        %parallel_loop3A_244 = arith.maximumf %parallel_loop3A_243, %parallel_loop3A_231 : vector<16xf32>
        %parallel_loop3A_245 = vector.broadcast %parallel_loop3A_242 : f32 to vector<16xf32>
        %parallel_loop3A_246 = arith.minimumf %parallel_loop3A_245, %parallel_loop3A_244 : vector<16xf32>
        %parallel_loop3A_247 = arith.constant 0.000000e+00 : f32
        %parallel_loop3A_248 = arith.constant 1.270000e+02 : f32
        %parallel_loop3A_249 = vector.broadcast %parallel_loop3A_247 : f32 to vector<16xf32>
        %parallel_loop3A_250 = arith.maximumf %parallel_loop3A_249, %parallel_loop3A_234 : vector<16xf32>
        %parallel_loop3A_251 = vector.broadcast %parallel_loop3A_248 : f32 to vector<16xf32>
        %parallel_loop3A_252 = arith.minimumf %parallel_loop3A_251, %parallel_loop3A_250 : vector<16xf32>
        %parallel_loop3A_253 = arith.fptosi %parallel_loop3A_240 : vector<16xf32> to vector<16xi32>
        %parallel_loop3A_254 = arith.constant 126 : i32
        %parallel_loop3A_255 = vector.broadcast %parallel_loop3A_254 : i32 to vector<16xi32>
        %parallel_loop3A_256 = arith.minsi %parallel_loop3A_253, %parallel_loop3A_255 : vector<16xi32>
        %parallel_loop3A_257 = arith.fptosi %parallel_loop3A_246 : vector<16xf32> to vector<16xi32>
        %parallel_loop3A_258 = arith.constant 126 : i32
        %parallel_loop3A_259 = vector.broadcast %parallel_loop3A_258 : i32 to vector<16xi32>
        %parallel_loop3A_260 = arith.minsi %parallel_loop3A_257, %parallel_loop3A_259 : vector<16xi32>
        %parallel_loop3A_261 = arith.fptosi %parallel_loop3A_252 : vector<16xf32> to vector<16xi32>
        %parallel_loop3A_262 = arith.constant 126 : i32
        %parallel_loop3A_263 = vector.broadcast %parallel_loop3A_262 : i32 to vector<16xi32>
        %parallel_loop3A_264 = arith.minsi %parallel_loop3A_261, %parallel_loop3A_263 : vector<16xi32>
        %parallel_loop3A_265 = arith.sitofp %parallel_loop3A_256 : vector<16xi32> to vector<16xf32>
        %parallel_loop3A_266 = arith.subf %parallel_loop3A_240, %parallel_loop3A_265 : vector<16xf32>
        %parallel_loop3A_267 = arith.index_cast %parallel_loop3A_225 : i32 to index
        %parallel_loop3A_268 = tpu.vector_load %arg20[%parallel_loop3A_267] {strides = array<i32>} : memref<1024xf32, #tpu.memory_space<vmem>>, vector<16xf32>,
        %parallel_loop3A_269 = vector.shape_cast %parallel_loop3A_268 : vector<16xf32> to vector<16xf32>
        %parallel_loop3A_270 = vector.shape_cast %parallel_loop3A_266 : vector<16xf32> to vector<16xf32>
        tpu.vector_store %arg20[%parallel_loop3A_267], %parallel_loop3A_270 {strides = array<i32>} : memref<1024xf32, #tpu.memory_space<vmem>>, vector<16xf32>,
        %parallel_loop3A_271 = arith.sitofp %parallel_loop3A_260 : vector<16xi32> to vector<16xf32>
        %parallel_loop3A_272 = arith.subf %parallel_loop3A_246, %parallel_loop3A_271 : vector<16xf32>
        %parallel_loop3A_273 = arith.index_cast %parallel_loop3A_225 : i32 to index
        %parallel_loop3A_274 = tpu.vector_load %arg21[%parallel_loop3A_273] {strides = array<i32>} : memref<1024xf32, #tpu.memory_space<vmem>>, vector<16xf32>,
        %parallel_loop3A_275 = vector.shape_cast %parallel_loop3A_274 : vector<16xf32> to vector<16xf32>
        %parallel_loop3A_276 = vector.shape_cast %parallel_loop3A_272 : vector<16xf32> to vector<16xf32>
        tpu.vector_store %arg21[%parallel_loop3A_273], %parallel_loop3A_276 {strides = array<i32>} : memref<1024xf32, #tpu.memory_space<vmem>>, vector<16xf32>,
        %parallel_loop3A_277 = arith.sitofp %parallel_loop3A_264 : vector<16xi32> to vector<16xf32>
        %parallel_loop3A_278 = arith.subf %parallel_loop3A_252, %parallel_loop3A_277 : vector<16xf32>
        %parallel_loop3A_279 = arith.index_cast %parallel_loop3A_225 : i32 to index
        %parallel_loop3A_280 = tpu.vector_load %arg22[%parallel_loop3A_279] {strides = array<i32>} : memref<1024xf32, #tpu.memory_space<vmem>>, vector<16xf32>,
        %parallel_loop3A_281 = vector.shape_cast %parallel_loop3A_280 : vector<16xf32> to vector<16xf32>
        %parallel_loop3A_282 = vector.shape_cast %parallel_loop3A_278 : vector<16xf32> to vector<16xf32>
        tpu.vector_store %arg22[%parallel_loop3A_279], %parallel_loop3A_282 {strides = array<i32>} : memref<1024xf32, #tpu.memory_space<vmem>>, vector<16xf32>,
        %parallel_loop3A_283 = arith.constant 1 : i32
        %parallel_loop3A_284 = vector.broadcast %parallel_loop3A_283 : i32 to vector<16xi32>
        %parallel_loop3A_285 = arith.andi %parallel_loop3A_264, %parallel_loop3A_284 : vector<16xi32>
        %parallel_loop3A_286 = arith.index_cast %parallel_loop3A_225 : i32 to index
        %parallel_loop3A_287 = tpu.vector_load %arg23[%parallel_loop3A_286] {strides = array<i32>} : memref<1024xi32, #tpu.memory_space<vmem>>, vector<16xi32>,
        %parallel_loop3A_288 = vector.shape_cast %parallel_loop3A_287 : vector<16xi32> to vector<16xi32>
        %parallel_loop3A_289 = vector.shape_cast %parallel_loop3A_285 : vector<16xi32> to vector<16xi32>
        tpu.vector_store %arg23[%parallel_loop3A_286], %parallel_loop3A_289 {strides = array<i32>} : memref<1024xi32, #tpu.memory_space<vmem>>, vector<16xi32>,
        %parallel_loop3A_290 = arith.constant 1 : i32
        %parallel_loop3A_291 = vector.broadcast %parallel_loop3A_290 : i32 to vector<16xi32>
        %parallel_loop3A_292 = arith.shrsi %parallel_loop3A_264, %parallel_loop3A_291 : vector<16xi32>
        %parallel_loop3A_293 = arith.constant 16384 : i32
        %parallel_loop3A_294 = vector.broadcast %parallel_loop3A_293 : i32 to vector<16xi32>
        %parallel_loop3A_295 = arith.muli %parallel_loop3A_292, %parallel_loop3A_294 : vector<16xi32>
        %parallel_loop3A_296 = arith.constant 128 : i32
        %parallel_loop3A_297 = vector.broadcast %parallel_loop3A_296 : i32 to vector<16xi32>
        %parallel_loop3A_298 = arith.muli %parallel_loop3A_260, %parallel_loop3A_297 : vector<16xi32>
        %parallel_loop3A_299 = arith.addi %parallel_loop3A_295, %parallel_loop3A_298 : vector<16xi32>
        %parallel_loop3A_300 = arith.addi %parallel_loop3A_299, %parallel_loop3A_256 : vector<16xi32>
        %parallel_loop3A_301 = arith.constant 16384 : i32
        %parallel_loop3A_302 = vector.broadcast %parallel_loop3A_301 : i32 to vector<16xi32>
        %parallel_loop3A_303 = arith.muli %parallel_loop3A_285, %parallel_loop3A_302 : vector<16xi32>
        %parallel_loop3A_304 = arith.addi %parallel_loop3A_300, %parallel_loop3A_303 : vector<16xi32>
        %parallel_loop3A_305 = arith.constant 16 : i32
        %parallel_loop3A_306 = arith.muli %parallel_loop3A_223, %parallel_loop3A_305 : i32
        %parallel_loop3A_307 = arith.index_cast %parallel_loop3A_306 : i32 to index
        %parallel_loop3A_308 = tpu.vector_load %arg25[%parallel_loop3A_307] {strides = array<i32>} : memref<8192xi32, #tpu.memory_space<vmem>>, vector<16xi32>,
        %parallel_loop3A_309 = vector.shape_cast %parallel_loop3A_308 : vector<16xi32> to vector<16xi32>
        %parallel_loop3A_310 = vector.shape_cast %parallel_loop3A_300 : vector<16xi32> to vector<16xi32>
        tpu.vector_store %arg25[%parallel_loop3A_307], %parallel_loop3A_310 {strides = array<i32>} : memref<8192xi32, #tpu.memory_space<vmem>>, vector<16xi32>,
        %parallel_loop3A_311 = arith.constant 1024 : i32
        %parallel_loop3A_312 = arith.addi %parallel_loop3A_311, %parallel_loop3A_306 : i32
        %parallel_loop3A_313 = arith.index_cast %parallel_loop3A_312 : i32 to index
        %parallel_loop3A_314 = tpu.vector_load %arg25[%parallel_loop3A_313] {strides = array<i32>} : memref<8192xi32, #tpu.memory_space<vmem>>, vector<16xi32>,
        %parallel_loop3A_315 = vector.shape_cast %parallel_loop3A_314 : vector<16xi32> to vector<16xi32>
        %parallel_loop3A_316 = vector.shape_cast %parallel_loop3A_304 : vector<16xi32> to vector<16xi32>
        tpu.vector_store %arg25[%parallel_loop3A_313], %parallel_loop3A_316 {strides = array<i32>} : memref<8192xi32, #tpu.memory_space<vmem>>, vector<16xi32>,
        %parallel_loop3A_317 = arith.constant 1 : i32
        %parallel_loop3A_318 = vector.broadcast %parallel_loop3A_317 : i32 to vector<16xi32>
        %parallel_loop3A_319 = arith.addi %parallel_loop3A_300, %parallel_loop3A_318 : vector<16xi32>
        %parallel_loop3A_320 = arith.constant 2048 : i32
        %parallel_loop3A_321 = arith.addi %parallel_loop3A_320, %parallel_loop3A_306 : i32
        %parallel_loop3A_322 = arith.index_cast %parallel_loop3A_321 : i32 to index
        %parallel_loop3A_323 = tpu.vector_load %arg25[%parallel_loop3A_322] {strides = array<i32>} : memref<8192xi32, #tpu.memory_space<vmem>>, vector<16xi32>,
        %parallel_loop3A_324 = vector.shape_cast %parallel_loop3A_323 : vector<16xi32> to vector<16xi32>
        %parallel_loop3A_325 = vector.shape_cast %parallel_loop3A_319 : vector<16xi32> to vector<16xi32>
        tpu.vector_store %arg25[%parallel_loop3A_322], %parallel_loop3A_325 {strides = array<i32>} : memref<8192xi32, #tpu.memory_space<vmem>>, vector<16xi32>,
        %parallel_loop3A_326 = arith.constant 1 : i32
        %parallel_loop3A_327 = vector.broadcast %parallel_loop3A_326 : i32 to vector<16xi32>
        %parallel_loop3A_328 = arith.addi %parallel_loop3A_304, %parallel_loop3A_327 : vector<16xi32>
        %parallel_loop3A_329 = arith.constant 3072 : i32
        %parallel_loop3A_330 = arith.addi %parallel_loop3A_329, %parallel_loop3A_306 : i32
        %parallel_loop3A_331 = arith.index_cast %parallel_loop3A_330 : i32 to index
        %parallel_loop3A_332 = tpu.vector_load %arg25[%parallel_loop3A_331] {strides = array<i32>} : memref<8192xi32, #tpu.memory_space<vmem>>, vector<16xi32>,
        %parallel_loop3A_333 = vector.shape_cast %parallel_loop3A_332 : vector<16xi32> to vector<16xi32>
        %parallel_loop3A_334 = vector.shape_cast %parallel_loop3A_328 : vector<16xi32> to vector<16xi32>
        tpu.vector_store %arg25[%parallel_loop3A_331], %parallel_loop3A_334 {strides = array<i32>} : memref<8192xi32, #tpu.memory_space<vmem>>, vector<16xi32>,
        %parallel_loop3A_335 = arith.constant 128 : i32
        %parallel_loop3A_336 = vector.broadcast %parallel_loop3A_335 : i32 to vector<16xi32>
        %parallel_loop3A_337 = arith.addi %parallel_loop3A_300, %parallel_loop3A_336 : vector<16xi32>
        %parallel_loop3A_338 = arith.constant 4096 : i32
        %parallel_loop3A_339 = arith.addi %parallel_loop3A_338, %parallel_loop3A_306 : i32
        %parallel_loop3A_340 = arith.index_cast %parallel_loop3A_339 : i32 to index
        %parallel_loop3A_341 = tpu.vector_load %arg25[%parallel_loop3A_340] {strides = array<i32>} : memref<8192xi32, #tpu.memory_space<vmem>>, vector<16xi32>,
        %parallel_loop3A_342 = vector.shape_cast %parallel_loop3A_341 : vector<16xi32> to vector<16xi32>
        %parallel_loop3A_343 = vector.shape_cast %parallel_loop3A_337 : vector<16xi32> to vector<16xi32>
        tpu.vector_store %arg25[%parallel_loop3A_340], %parallel_loop3A_343 {strides = array<i32>} : memref<8192xi32, #tpu.memory_space<vmem>>, vector<16xi32>,
        %parallel_loop3A_344 = arith.constant 128 : i32
        %parallel_loop3A_345 = vector.broadcast %parallel_loop3A_344 : i32 to vector<16xi32>
        %parallel_loop3A_346 = arith.addi %parallel_loop3A_304, %parallel_loop3A_345 : vector<16xi32>
        %parallel_loop3A_347 = arith.constant 5120 : i32
        %parallel_loop3A_348 = arith.addi %parallel_loop3A_347, %parallel_loop3A_306 : i32
        %parallel_loop3A_349 = arith.index_cast %parallel_loop3A_348 : i32 to index
        %parallel_loop3A_350 = tpu.vector_load %arg25[%parallel_loop3A_349] {strides = array<i32>} : memref<8192xi32, #tpu.memory_space<vmem>>, vector<16xi32>,
        %parallel_loop3A_351 = vector.shape_cast %parallel_loop3A_350 : vector<16xi32> to vector<16xi32>
        %parallel_loop3A_352 = vector.shape_cast %parallel_loop3A_346 : vector<16xi32> to vector<16xi32>
        tpu.vector_store %arg25[%parallel_loop3A_349], %parallel_loop3A_352 {strides = array<i32>} : memref<8192xi32, #tpu.memory_space<vmem>>, vector<16xi32>,
        %parallel_loop3A_353 = arith.constant 128 : i32
        %parallel_loop3A_354 = vector.broadcast %parallel_loop3A_353 : i32 to vector<16xi32>
        %parallel_loop3A_355 = arith.addi %parallel_loop3A_300, %parallel_loop3A_354 : vector<16xi32>
        %parallel_loop3A_356 = arith.constant 1 : i32
        %parallel_loop3A_357 = vector.broadcast %parallel_loop3A_356 : i32 to vector<16xi32>
        %parallel_loop3A_358 = arith.addi %parallel_loop3A_355, %parallel_loop3A_357 : vector<16xi32>
        %parallel_loop3A_359 = arith.constant 6144 : i32
        %parallel_loop3A_360 = arith.addi %parallel_loop3A_359, %parallel_loop3A_306 : i32
        %parallel_loop3A_361 = arith.index_cast %parallel_loop3A_360 : i32 to index
        %parallel_loop3A_362 = tpu.vector_load %arg25[%parallel_loop3A_361] {strides = array<i32>} : memref<8192xi32, #tpu.memory_space<vmem>>, vector<16xi32>,
        %parallel_loop3A_363 = vector.shape_cast %parallel_loop3A_362 : vector<16xi32> to vector<16xi32>
        %parallel_loop3A_364 = vector.shape_cast %parallel_loop3A_358 : vector<16xi32> to vector<16xi32>
        tpu.vector_store %arg25[%parallel_loop3A_361], %parallel_loop3A_364 {strides = array<i32>} : memref<8192xi32, #tpu.memory_space<vmem>>, vector<16xi32>,
        %parallel_loop3A_365 = arith.constant 128 : i32
        %parallel_loop3A_366 = vector.broadcast %parallel_loop3A_365 : i32 to vector<16xi32>
        %parallel_loop3A_367 = arith.addi %parallel_loop3A_304, %parallel_loop3A_366 : vector<16xi32>
        %parallel_loop3A_368 = arith.constant 1 : i32
        %parallel_loop3A_369 = vector.broadcast %parallel_loop3A_368 : i32 to vector<16xi32>
        %parallel_loop3A_370 = arith.addi %parallel_loop3A_367, %parallel_loop3A_369 : vector<16xi32>
        %parallel_loop3A_371 = arith.constant 7168 : i32
        %parallel_loop3A_372 = arith.addi %parallel_loop3A_371, %parallel_loop3A_306 : i32
        %parallel_loop3A_373 = arith.index_cast %parallel_loop3A_372 : i32 to index
        %parallel_loop3A_374 = tpu.vector_load %arg25[%parallel_loop3A_373] {strides = array<i32>} : memref<8192xi32, #tpu.memory_space<vmem>>, vector<16xi32>,
        %parallel_loop3A_375 = vector.shape_cast %parallel_loop3A_374 : vector<16xi32> to vector<16xi32>
        %parallel_loop3A_376 = vector.shape_cast %parallel_loop3A_370 : vector<16xi32> to vector<16xi32>
        tpu.vector_store %arg25[%parallel_loop3A_373], %parallel_loop3A_376 {strides = array<i32>} : memref<8192xi32, #tpu.memory_space<vmem>>, vector<16xi32>,
      } {sc.loop_unroll_factor = 4 : i64, sc.parallel_access}
      %dma_start3A_160 = arith.constant 0 : i32
      %dma_start3A_161 = tpu.memref_slice %arg28[%dma_start3A_160] : memref<1048576xi32, #tpu.memory_space<vmem_shared>> -> memref<1048576xi32, #tpu.memory_space<vmem_shared>>
      tpu.enqueue_indirect_dma source(%dma_start3A_161 : memref<1048576xi32, #tpu.memory_space<vmem_shared>>) target(%arg26 : memref<8192xi32, #tpu.memory_space<vmem>>) offsets(%arg25 : memref<8192xi32, #tpu.memory_space<vmem>>) semaphore(%arg30 : memref<!tpu.dma_semaphore, #tpu.memory_space<semaphore_mem>>)
      %dma_wait3A_162 = arith.constant 0 : i32
      %dma_wait3A_163 = tpu.memref_slice %arg2[%dma_wait3A_162] : memref<2097152xi32, #tpu.memory_space<hbm>> -> memref<8192xi32, #tpu.memory_space<hbm>>
      %dma_wait3A_164 = arith.constant 0 : i32
      %dma_wait3A_165 = tpu.memref_slice %arg2[%dma_wait3A_164] : memref<2097152xi32, #tpu.memory_space<hbm>> -> memref<8192xi32, #tpu.memory_space<hbm>>
      tpu.wait_dma2 semaphore(%arg29 : memref<!tpu.dma_semaphore, #tpu.memory_space<semaphore_mem>>) src(%dma_wait3A_165 : memref<8192xi32, #tpu.memory_space<hbm>>) dst(%arg16 : memref<8192xi32, #tpu.memory_space<vmem>>)
      %ge3A = arith.constant 2 : i32
      %ge3A_166 = arith.cmpi sge, %mul3A_136, %ge3A : i32
      %convert_element_type3A = arith.extui %ge3A_166 : i1 to i32
      %cond3A = arith.constant 0 : i32
      %cond3A_167 = arith.cmpi ne, %convert_element_type3A, %cond3A : i32
      scf.if %cond3A_167 {
        %dma_wait3A_223 = tpu.memref_slice %arg6[%mul3A_2] : memref<4194304xf32, #tpu.memory_space<hbm>> -> memref<1024xf32, #tpu.memory_space<hbm>>
        %dma_wait3A_224 = tpu.memref_slice %arg6[%mul3A_2] : memref<4194304xf32, #tpu.memory_space<hbm>> -> memref<1024xf32, #tpu.memory_space<hbm>>
        tpu.wait_dma2 semaphore(%arg31 : memref<!tpu.dma_semaphore, #tpu.memory_space<semaphore_mem>>) src(%dma_wait3A_224 : memref<1024xf32, #tpu.memory_space<hbm>>) dst(%arg14 : memref<1024xf32, #tpu.memory_space<vmem>>)
      } else {
      }
      %parallel_loop3A_168 = arith.constant 0 : i32
      %parallel_loop3A_169 = arith.constant 64 : i32
      %parallel_loop3A_170 = arith.constant 1 : i32
      %parallel_loop3A_171 = arith.constant -65536 : i32
      scf.for %parallel_loop3A_223 = %parallel_loop3A_168 to %parallel_loop3A_169 step %parallel_loop3A_170  : i32 {
        %parallel_loop3A_224 = arith.constant 16 : i32
        %parallel_loop3A_225 = arith.muli %parallel_loop3A_223, %parallel_loop3A_224 : i32
        %parallel_loop3A_226 = arith.index_cast %parallel_loop3A_225 : i32 to index
        %parallel_loop3A_227 = tpu.vector_load %arg10[%parallel_loop3A_226] {strides = array<i32>} : memref<1024xf32, #tpu.memory_space<vmem>>, vector<16xf32>,
        %parallel_loop3A_228 = vector.shape_cast %parallel_loop3A_227 : vector<16xf32> to vector<16xf32>
        %parallel_loop3A_229 = arith.index_cast %parallel_loop3A_225 : i32 to index
        %parallel_loop3A_230 = tpu.vector_load %arg11[%parallel_loop3A_229] {strides = array<i32>} : memref<1024xf32, #tpu.memory_space<vmem>>, vector<16xf32>,
        %parallel_loop3A_231 = vector.shape_cast %parallel_loop3A_230 : vector<16xf32> to vector<16xf32>
        %parallel_loop3A_232 = arith.index_cast %parallel_loop3A_225 : i32 to index
        %parallel_loop3A_233 = tpu.vector_load %arg12[%parallel_loop3A_232] {strides = array<i32>} : memref<1024xf32, #tpu.memory_space<vmem>>, vector<16xf32>,
        %parallel_loop3A_234 = vector.shape_cast %parallel_loop3A_233 : vector<16xf32> to vector<16xf32>
        %parallel_loop3A_235 = arith.index_cast %parallel_loop3A_225 : i32 to index
        %parallel_loop3A_236 = tpu.vector_load %arg13[%parallel_loop3A_235] {strides = array<i32>} : memref<1024xi32, #tpu.memory_space<vmem>>, vector<16xi32>,
        %parallel_loop3A_237 = vector.shape_cast %parallel_loop3A_236 : vector<16xi32> to vector<16xi32>
        %parallel_loop3A_238 = arith.constant 1 : i32
        %parallel_loop3A_239 = vector.broadcast %parallel_loop3A_238 : i32 to vector<16xi32>
        %parallel_loop3A_240 = arith.subi %parallel_loop3A_239, %parallel_loop3A_237 : vector<16xi32>
        %parallel_loop3A_241 = arith.constant 4 : i32
        %parallel_loop3A_242 = vector.broadcast %parallel_loop3A_241 : i32 to vector<16xi32>
        %parallel_loop3A_243 = arith.shli %parallel_loop3A_240, %parallel_loop3A_242 : vector<16xi32>
        %parallel_loop3A_244 = arith.constant 4 : i32
        %parallel_loop3A_245 = vector.broadcast %parallel_loop3A_244 : i32 to vector<16xi32>
        %parallel_loop3A_246 = arith.shli %parallel_loop3A_237, %parallel_loop3A_245 : vector<16xi32>
        %parallel_loop3A_247 = arith.constant 16 : i32
        %parallel_loop3A_248 = arith.muli %parallel_loop3A_223, %parallel_loop3A_247 : i32
        %parallel_loop3A_249 = arith.constant 0 : i32
        %parallel_loop3A_250 = arith.addi %parallel_loop3A_249, %parallel_loop3A_248 : i32
        %parallel_loop3A_251 = arith.index_cast %parallel_loop3A_250 : i32 to index
        %parallel_loop3A_252 = tpu.vector_load %arg16[%parallel_loop3A_251] {strides = array<i32>} : memref<8192xi32, #tpu.memory_space<vmem>>, vector<16xi32>,
        %parallel_loop3A_253 = vector.shape_cast %parallel_loop3A_252 : vector<16xi32> to vector<16xi32>
        %parallel_loop3A_254 = arith.constant 1024 : i32
        %parallel_loop3A_255 = arith.addi %parallel_loop3A_254, %parallel_loop3A_248 : i32
        %parallel_loop3A_256 = arith.index_cast %parallel_loop3A_255 : i32 to index
        %parallel_loop3A_257 = tpu.vector_load %arg16[%parallel_loop3A_256] {strides = array<i32>} : memref<8192xi32, #tpu.memory_space<vmem>>, vector<16xi32>,
        %parallel_loop3A_258 = vector.shape_cast %parallel_loop3A_257 : vector<16xi32> to vector<16xi32>
        %parallel_loop3A_259 = arith.shli %parallel_loop3A_253, %parallel_loop3A_243 : vector<16xi32>
        %parallel_loop3A_260 = vector.broadcast %parallel_loop3A_171 : i32 to vector<16xi32>
        %parallel_loop3A_261 = arith.andi %parallel_loop3A_259, %parallel_loop3A_260 : vector<16xi32>
        %parallel_loop3A_262 = tpu.bitcast %parallel_loop3A_261 : vector<16xi32> -> vector<16xf32>
        %parallel_loop3A_263 = arith.shli %parallel_loop3A_258, %parallel_loop3A_246 : vector<16xi32>
        %parallel_loop3A_264 = vector.broadcast %parallel_loop3A_171 : i32 to vector<16xi32>
        %parallel_loop3A_265 = arith.andi %parallel_loop3A_263, %parallel_loop3A_264 : vector<16xi32>
        %parallel_loop3A_266 = tpu.bitcast %parallel_loop3A_265 : vector<16xi32> -> vector<16xf32>
        %parallel_loop3A_267 = arith.subf %parallel_loop3A_266, %parallel_loop3A_262 : vector<16xf32>
        %parallel_loop3A_268 = arith.mulf %parallel_loop3A_234, %parallel_loop3A_267 : vector<16xf32>
        %parallel_loop3A_269 = arith.addf %parallel_loop3A_262, %parallel_loop3A_268 : vector<16xf32>
        %parallel_loop3A_270 = arith.constant 2048 : i32
        %parallel_loop3A_271 = arith.addi %parallel_loop3A_270, %parallel_loop3A_248 : i32
        %parallel_loop3A_272 = arith.index_cast %parallel_loop3A_271 : i32 to index
        %parallel_loop3A_273 = tpu.vector_load %arg16[%parallel_loop3A_272] {strides = array<i32>} : memref<8192xi32, #tpu.memory_space<vmem>>, vector<16xi32>,
        %parallel_loop3A_274 = vector.shape_cast %parallel_loop3A_273 : vector<16xi32> to vector<16xi32>
        %parallel_loop3A_275 = arith.constant 3072 : i32
        %parallel_loop3A_276 = arith.addi %parallel_loop3A_275, %parallel_loop3A_248 : i32
        %parallel_loop3A_277 = arith.index_cast %parallel_loop3A_276 : i32 to index
        %parallel_loop3A_278 = tpu.vector_load %arg16[%parallel_loop3A_277] {strides = array<i32>} : memref<8192xi32, #tpu.memory_space<vmem>>, vector<16xi32>,
        %parallel_loop3A_279 = vector.shape_cast %parallel_loop3A_278 : vector<16xi32> to vector<16xi32>
        %parallel_loop3A_280 = arith.shli %parallel_loop3A_274, %parallel_loop3A_243 : vector<16xi32>
        %parallel_loop3A_281 = vector.broadcast %parallel_loop3A_171 : i32 to vector<16xi32>
        %parallel_loop3A_282 = arith.andi %parallel_loop3A_280, %parallel_loop3A_281 : vector<16xi32>
        %parallel_loop3A_283 = tpu.bitcast %parallel_loop3A_282 : vector<16xi32> -> vector<16xf32>
        %parallel_loop3A_284 = arith.shli %parallel_loop3A_279, %parallel_loop3A_246 : vector<16xi32>
        %parallel_loop3A_285 = vector.broadcast %parallel_loop3A_171 : i32 to vector<16xi32>
        %parallel_loop3A_286 = arith.andi %parallel_loop3A_284, %parallel_loop3A_285 : vector<16xi32>
        %parallel_loop3A_287 = tpu.bitcast %parallel_loop3A_286 : vector<16xi32> -> vector<16xf32>
        %parallel_loop3A_288 = arith.subf %parallel_loop3A_287, %parallel_loop3A_283 : vector<16xf32>
        %parallel_loop3A_289 = arith.mulf %parallel_loop3A_234, %parallel_loop3A_288 : vector<16xf32>
        %parallel_loop3A_290 = arith.addf %parallel_loop3A_283, %parallel_loop3A_289 : vector<16xf32>
        %parallel_loop3A_291 = arith.constant 4096 : i32
        %parallel_loop3A_292 = arith.addi %parallel_loop3A_291, %parallel_loop3A_248 : i32
        %parallel_loop3A_293 = arith.index_cast %parallel_loop3A_292 : i32 to index
        %parallel_loop3A_294 = tpu.vector_load %arg16[%parallel_loop3A_293] {strides = array<i32>} : memref<8192xi32, #tpu.memory_space<vmem>>, vector<16xi32>,
        %parallel_loop3A_295 = vector.shape_cast %parallel_loop3A_294 : vector<16xi32> to vector<16xi32>
        %parallel_loop3A_296 = arith.constant 5120 : i32
        %parallel_loop3A_297 = arith.addi %parallel_loop3A_296, %parallel_loop3A_248 : i32
        %parallel_loop3A_298 = arith.index_cast %parallel_loop3A_297 : i32 to index
        %parallel_loop3A_299 = tpu.vector_load %arg16[%parallel_loop3A_298] {strides = array<i32>} : memref<8192xi32, #tpu.memory_space<vmem>>, vector<16xi32>,
        %parallel_loop3A_300 = vector.shape_cast %parallel_loop3A_299 : vector<16xi32> to vector<16xi32>
        %parallel_loop3A_301 = arith.shli %parallel_loop3A_295, %parallel_loop3A_243 : vector<16xi32>
        %parallel_loop3A_302 = vector.broadcast %parallel_loop3A_171 : i32 to vector<16xi32>
        %parallel_loop3A_303 = arith.andi %parallel_loop3A_301, %parallel_loop3A_302 : vector<16xi32>
        %parallel_loop3A_304 = tpu.bitcast %parallel_loop3A_303 : vector<16xi32> -> vector<16xf32>
        %parallel_loop3A_305 = arith.shli %parallel_loop3A_300, %parallel_loop3A_246 : vector<16xi32>
        %parallel_loop3A_306 = vector.broadcast %parallel_loop3A_171 : i32 to vector<16xi32>
        %parallel_loop3A_307 = arith.andi %parallel_loop3A_305, %parallel_loop3A_306 : vector<16xi32>
        %parallel_loop3A_308 = tpu.bitcast %parallel_loop3A_307 : vector<16xi32> -> vector<16xf32>
        %parallel_loop3A_309 = arith.subf %parallel_loop3A_308, %parallel_loop3A_304 : vector<16xf32>
        %parallel_loop3A_310 = arith.mulf %parallel_loop3A_234, %parallel_loop3A_309 : vector<16xf32>
        %parallel_loop3A_311 = arith.addf %parallel_loop3A_304, %parallel_loop3A_310 : vector<16xf32>
        %parallel_loop3A_312 = arith.constant 6144 : i32
        %parallel_loop3A_313 = arith.addi %parallel_loop3A_312, %parallel_loop3A_248 : i32
        %parallel_loop3A_314 = arith.index_cast %parallel_loop3A_313 : i32 to index
        %parallel_loop3A_315 = tpu.vector_load %arg16[%parallel_loop3A_314] {strides = array<i32>} : memref<8192xi32, #tpu.memory_space<vmem>>, vector<16xi32>,
        %parallel_loop3A_316 = vector.shape_cast %parallel_loop3A_315 : vector<16xi32> to vector<16xi32>
        %parallel_loop3A_317 = arith.constant 7168 : i32
        %parallel_loop3A_318 = arith.addi %parallel_loop3A_317, %parallel_loop3A_248 : i32
        %parallel_loop3A_319 = arith.index_cast %parallel_loop3A_318 : i32 to index
        %parallel_loop3A_320 = tpu.vector_load %arg16[%parallel_loop3A_319] {strides = array<i32>} : memref<8192xi32, #tpu.memory_space<vmem>>, vector<16xi32>,
        %parallel_loop3A_321 = vector.shape_cast %parallel_loop3A_320 : vector<16xi32> to vector<16xi32>
        %parallel_loop3A_322 = arith.shli %parallel_loop3A_316, %parallel_loop3A_243 : vector<16xi32>
        %parallel_loop3A_323 = vector.broadcast %parallel_loop3A_171 : i32 to vector<16xi32>
        %parallel_loop3A_324 = arith.andi %parallel_loop3A_322, %parallel_loop3A_323 : vector<16xi32>
        %parallel_loop3A_325 = tpu.bitcast %parallel_loop3A_324 : vector<16xi32> -> vector<16xf32>
        %parallel_loop3A_326 = arith.shli %parallel_loop3A_321, %parallel_loop3A_246 : vector<16xi32>
        %parallel_loop3A_327 = vector.broadcast %parallel_loop3A_171 : i32 to vector<16xi32>
        %parallel_loop3A_328 = arith.andi %parallel_loop3A_326, %parallel_loop3A_327 : vector<16xi32>
        %parallel_loop3A_329 = tpu.bitcast %parallel_loop3A_328 : vector<16xi32> -> vector<16xf32>
        %parallel_loop3A_330 = arith.subf %parallel_loop3A_329, %parallel_loop3A_325 : vector<16xf32>
        %parallel_loop3A_331 = arith.mulf %parallel_loop3A_234, %parallel_loop3A_330 : vector<16xf32>
        %parallel_loop3A_332 = arith.addf %parallel_loop3A_325, %parallel_loop3A_331 : vector<16xf32>
        %parallel_loop3A_333 = arith.subf %parallel_loop3A_290, %parallel_loop3A_269 : vector<16xf32>
        %parallel_loop3A_334 = arith.mulf %parallel_loop3A_228, %parallel_loop3A_333 : vector<16xf32>
        %parallel_loop3A_335 = arith.addf %parallel_loop3A_269, %parallel_loop3A_334 : vector<16xf32>
        %parallel_loop3A_336 = arith.subf %parallel_loop3A_332, %parallel_loop3A_311 : vector<16xf32>
        %parallel_loop3A_337 = arith.mulf %parallel_loop3A_228, %parallel_loop3A_336 : vector<16xf32>
        %parallel_loop3A_338 = arith.addf %parallel_loop3A_311, %parallel_loop3A_337 : vector<16xf32>
        %parallel_loop3A_339 = arith.subf %parallel_loop3A_338, %parallel_loop3A_335 : vector<16xf32>
        %parallel_loop3A_340 = arith.mulf %parallel_loop3A_231, %parallel_loop3A_339 : vector<16xf32>
        %parallel_loop3A_341 = arith.addf %parallel_loop3A_335, %parallel_loop3A_340 : vector<16xf32>
        %parallel_loop3A_342 = arith.index_cast %parallel_loop3A_225 : i32 to index
        %parallel_loop3A_343 = tpu.vector_load %arg14[%parallel_loop3A_342] {strides = array<i32>} : memref<1024xf32, #tpu.memory_space<vmem>>, vector<16xf32>,
        %parallel_loop3A_344 = vector.shape_cast %parallel_loop3A_343 : vector<16xf32> to vector<16xf32>
        %parallel_loop3A_345 = vector.shape_cast %parallel_loop3A_341 : vector<16xf32> to vector<16xf32>
        tpu.vector_store %arg14[%parallel_loop3A_342], %parallel_loop3A_345 {strides = array<i32>} : memref<1024xf32, #tpu.memory_space<vmem>>, vector<16xf32>,
      } {sc.loop_unroll_factor = 4 : i64, sc.parallel_access}
      %mul3A_172 = arith.constant 1024 : i32
      %mul3A_173 = arith.muli %mul3A_136, %mul3A_172 : i32
      %add3A_174 = arith.addi %mul3A_2, %mul3A_173 : i32
      %dma_start3A_175 = tpu.memref_slice %arg6[%add3A_174] : memref<4194304xf32, #tpu.memory_space<hbm>> -> memref<1024xf32, #tpu.memory_space<hbm>>
      %dma_start3A_176 = tpu.memref_slice %arg6[%add3A_174] : memref<4194304xf32, #tpu.memory_space<hbm>> -> memref<1024xf32, #tpu.memory_space<hbm>>
      tpu.enqueue_dma source(%arg14 : memref<1024xf32, #tpu.memory_space<vmem>>) target(%dma_start3A_176 : memref<1024xf32, #tpu.memory_space<hbm>>) target_semaphore(%arg31 : memref<!tpu.dma_semaphore, #tpu.memory_space<semaphore_mem>>)
      %add3A_177 = arith.constant 3 : i32
      %add3A_178 = arith.addi %mul3A_136, %add3A_177 : i32
      %mul3A_179 = arith.constant 1024 : i32
      %mul3A_180 = arith.muli %add3A_178, %mul3A_179 : i32
      %add3A_181 = arith.addi %mul3A_2, %mul3A_180 : i32
      %dma_start3A_182 = tpu.memref_slice %arg3[%add3A_181] : memref<4194304xf32, #tpu.memory_space<hbm>> -> memref<1024xf32, #tpu.memory_space<hbm>>
      %dma_start3A_183 = tpu.memref_slice %arg3[%add3A_181] : memref<4194304xf32, #tpu.memory_space<hbm>> -> memref<1024xf32, #tpu.memory_space<hbm>>
      tpu.enqueue_dma source(%dma_start3A_183 : memref<1024xf32, #tpu.memory_space<hbm>>) target(%arg17 : memref<1024xf32, #tpu.memory_space<vmem>>) target_semaphore(%arg34 : memref<!tpu.dma_semaphore, #tpu.memory_space<semaphore_mem>>)
      %dma_start3A_184 = tpu.memref_slice %arg4[%add3A_181] : memref<4194304xf32, #tpu.memory_space<hbm>> -> memref<1024xf32, #tpu.memory_space<hbm>>
      %dma_start3A_185 = tpu.memref_slice %arg4[%add3A_181] : memref<4194304xf32, #tpu.memory_space<hbm>> -> memref<1024xf32, #tpu.memory_space<hbm>>
      tpu.enqueue_dma source(%dma_start3A_185 : memref<1024xf32, #tpu.memory_space<hbm>>) target(%arg18 : memref<1024xf32, #tpu.memory_space<vmem>>) target_semaphore(%arg34 : memref<!tpu.dma_semaphore, #tpu.memory_space<semaphore_mem>>)
      %dma_start3A_186 = tpu.memref_slice %arg5[%add3A_181] : memref<4194304xf32, #tpu.memory_space<hbm>> -> memref<1024xf32, #tpu.memory_space<hbm>>
      %dma_start3A_187 = tpu.memref_slice %arg5[%add3A_181] : memref<4194304xf32, #tpu.memory_space<hbm>> -> memref<1024xf32, #tpu.memory_space<hbm>>
      tpu.enqueue_dma source(%dma_start3A_187 : memref<1024xf32, #tpu.memory_space<hbm>>) target(%arg19 : memref<1024xf32, #tpu.memory_space<vmem>>) target_semaphore(%arg34 : memref<!tpu.dma_semaphore, #tpu.memory_space<semaphore_mem>>)
      %add3A_188 = arith.constant 2 : i32
      %add3A_189 = arith.addi %mul3A_136, %add3A_188 : i32
      %dma_wait3A_190 = tpu.memref_slice %arg3[%mul3A_2] : memref<4194304xf32, #tpu.memory_space<hbm>> -> memref<1024xf32, #tpu.memory_space<hbm>>
      %dma_wait3A_191 = tpu.memref_slice %arg3[%mul3A_2] : memref<4194304xf32, #tpu.memory_space<hbm>> -> memref<1024xf32, #tpu.memory_space<hbm>>
      tpu.wait_dma2 semaphore(%arg33 : memref<!tpu.dma_semaphore, #tpu.memory_space<semaphore_mem>>) src(%dma_wait3A_191 : memref<1024xf32, #tpu.memory_space<hbm>>) dst(%arg7 : memref<1024xf32, #tpu.memory_space<vmem>>)
      %dma_wait3A_192 = tpu.memref_slice %arg3[%mul3A_2] : memref<4194304xf32, #tpu.memory_space<hbm>> -> memref<1024xf32, #tpu.memory_space<hbm>>
      %dma_wait3A_193 = tpu.memref_slice %arg3[%mul3A_2] : memref<4194304xf32, #tpu.memory_space<hbm>> -> memref<1024xf32, #tpu.memory_space<hbm>>
      tpu.wait_dma2 semaphore(%arg33 : memref<!tpu.dma_semaphore, #tpu.memory_space<semaphore_mem>>) src(%dma_wait3A_193 : memref<1024xf32, #tpu.memory_space<hbm>>) dst(%arg8 : memref<1024xf32, #tpu.memory_space<vmem>>)
      %dma_wait3A_194 = tpu.memref_slice %arg3[%mul3A_2] : memref<4194304xf32, #tpu.memory_space<hbm>> -> memref<1024xf32, #tpu.memory_space<hbm>>
      %dma_wait3A_195 = tpu.memref_slice %arg3[%mul3A_2] : memref<4194304xf32, #tpu.memory_space<hbm>> -> memref<1024xf32, #tpu.memory_space<hbm>>
      tpu.wait_dma2 semaphore(%arg33 : memref<!tpu.dma_semaphore, #tpu.memory_space<semaphore_mem>>) src(%dma_wait3A_195 : memref<1024xf32, #tpu.memory_space<hbm>>) dst(%arg9 : memref<1024xf32, #tpu.memory_space<vmem>>)
      %iota3A_196 = tpu.iota {dimensions = array<i32: 0>} : vector<16xi32>
      %parallel_loop3A_197 = arith.constant 0 : i32
      %parallel_loop3A_198 = arith.constant 64 : i32
      %parallel_loop3A_199 = arith.constant 1 : i32
      scf.for %parallel_loop3A_223 = %parallel_loop3A_197 to %parallel_loop3A_198 step %parallel_loop3A_199  : i32 {
        %parallel_loop3A_224 = arith.constant 16 : i32
        %parallel_loop3A_225 = arith.muli %parallel_loop3A_223, %parallel_loop3A_224 : i32
        %parallel_loop3A_226 = arith.index_cast %parallel_loop3A_225 : i32 to index
        %parallel_loop3A_227 = tpu.vector_load %arg7[%parallel_loop3A_226] {strides = array<i32>} : memref<1024xf32, #tpu.memory_space<vmem>>, vector<16xf32>,
        %parallel_loop3A_228 = vector.shape_cast %parallel_loop3A_227 : vector<16xf32> to vector<16xf32>
        %parallel_loop3A_229 = arith.index_cast %parallel_loop3A_225 : i32 to index
        %parallel_loop3A_230 = tpu.vector_load %arg8[%parallel_loop3A_229] {strides = array<i32>} : memref<1024xf32, #tpu.memory_space<vmem>>, vector<16xf32>,
        %parallel_loop3A_231 = vector.shape_cast %parallel_loop3A_230 : vector<16xf32> to vector<16xf32>
        %parallel_loop3A_232 = arith.index_cast %parallel_loop3A_225 : i32 to index
        %parallel_loop3A_233 = tpu.vector_load %arg9[%parallel_loop3A_232] {strides = array<i32>} : memref<1024xf32, #tpu.memory_space<vmem>>, vector<16xf32>,
        %parallel_loop3A_234 = vector.shape_cast %parallel_loop3A_233 : vector<16xf32> to vector<16xf32>
        %parallel_loop3A_235 = arith.constant 0.000000e+00 : f32
        %parallel_loop3A_236 = arith.constant 1.270000e+02 : f32
        %parallel_loop3A_237 = vector.broadcast %parallel_loop3A_235 : f32 to vector<16xf32>
        %parallel_loop3A_238 = arith.maximumf %parallel_loop3A_237, %parallel_loop3A_228 : vector<16xf32>
        %parallel_loop3A_239 = vector.broadcast %parallel_loop3A_236 : f32 to vector<16xf32>
        %parallel_loop3A_240 = arith.minimumf %parallel_loop3A_239, %parallel_loop3A_238 : vector<16xf32>
        %parallel_loop3A_241 = arith.constant 0.000000e+00 : f32
        %parallel_loop3A_242 = arith.constant 1.270000e+02 : f32
        %parallel_loop3A_243 = vector.broadcast %parallel_loop3A_241 : f32 to vector<16xf32>
        %parallel_loop3A_244 = arith.maximumf %parallel_loop3A_243, %parallel_loop3A_231 : vector<16xf32>
        %parallel_loop3A_245 = vector.broadcast %parallel_loop3A_242 : f32 to vector<16xf32>
        %parallel_loop3A_246 = arith.minimumf %parallel_loop3A_245, %parallel_loop3A_244 : vector<16xf32>
        %parallel_loop3A_247 = arith.constant 0.000000e+00 : f32
        %parallel_loop3A_248 = arith.constant 1.270000e+02 : f32
        %parallel_loop3A_249 = vector.broadcast %parallel_loop3A_247 : f32 to vector<16xf32>
        %parallel_loop3A_250 = arith.maximumf %parallel_loop3A_249, %parallel_loop3A_234 : vector<16xf32>
        %parallel_loop3A_251 = vector.broadcast %parallel_loop3A_248 : f32 to vector<16xf32>
        %parallel_loop3A_252 = arith.minimumf %parallel_loop3A_251, %parallel_loop3A_250 : vector<16xf32>
        %parallel_loop3A_253 = arith.fptosi %parallel_loop3A_240 : vector<16xf32> to vector<16xi32>
        %parallel_loop3A_254 = arith.constant 126 : i32
        %parallel_loop3A_255 = vector.broadcast %parallel_loop3A_254 : i32 to vector<16xi32>
        %parallel_loop3A_256 = arith.minsi %parallel_loop3A_253, %parallel_loop3A_255 : vector<16xi32>
        %parallel_loop3A_257 = arith.fptosi %parallel_loop3A_246 : vector<16xf32> to vector<16xi32>
        %parallel_loop3A_258 = arith.constant 126 : i32
        %parallel_loop3A_259 = vector.broadcast %parallel_loop3A_258 : i32 to vector<16xi32>
        %parallel_loop3A_260 = arith.minsi %parallel_loop3A_257, %parallel_loop3A_259 : vector<16xi32>
        %parallel_loop3A_261 = arith.fptosi %parallel_loop3A_252 : vector<16xf32> to vector<16xi32>
        %parallel_loop3A_262 = arith.constant 126 : i32
        %parallel_loop3A_263 = vector.broadcast %parallel_loop3A_262 : i32 to vector<16xi32>
        %parallel_loop3A_264 = arith.minsi %parallel_loop3A_261, %parallel_loop3A_263 : vector<16xi32>
        %parallel_loop3A_265 = arith.sitofp %parallel_loop3A_256 : vector<16xi32> to vector<16xf32>
        %parallel_loop3A_266 = arith.subf %parallel_loop3A_240, %parallel_loop3A_265 : vector<16xf32>
        %parallel_loop3A_267 = arith.index_cast %parallel_loop3A_225 : i32 to index
        %parallel_loop3A_268 = tpu.vector_load %arg10[%parallel_loop3A_267] {strides = array<i32>} : memref<1024xf32, #tpu.memory_space<vmem>>, vector<16xf32>,
        %parallel_loop3A_269 = vector.shape_cast %parallel_loop3A_268 : vector<16xf32> to vector<16xf32>
        %parallel_loop3A_270 = vector.shape_cast %parallel_loop3A_266 : vector<16xf32> to vector<16xf32>
        tpu.vector_store %arg10[%parallel_loop3A_267], %parallel_loop3A_270 {strides = array<i32>} : memref<1024xf32, #tpu.memory_space<vmem>>, vector<16xf32>,
        %parallel_loop3A_271 = arith.sitofp %parallel_loop3A_260 : vector<16xi32> to vector<16xf32>
        %parallel_loop3A_272 = arith.subf %parallel_loop3A_246, %parallel_loop3A_271 : vector<16xf32>
        %parallel_loop3A_273 = arith.index_cast %parallel_loop3A_225 : i32 to index
        %parallel_loop3A_274 = tpu.vector_load %arg11[%parallel_loop3A_273] {strides = array<i32>} : memref<1024xf32, #tpu.memory_space<vmem>>, vector<16xf32>,
        %parallel_loop3A_275 = vector.shape_cast %parallel_loop3A_274 : vector<16xf32> to vector<16xf32>
        %parallel_loop3A_276 = vector.shape_cast %parallel_loop3A_272 : vector<16xf32> to vector<16xf32>
        tpu.vector_store %arg11[%parallel_loop3A_273], %parallel_loop3A_276 {strides = array<i32>} : memref<1024xf32, #tpu.memory_space<vmem>>, vector<16xf32>,
        %parallel_loop3A_277 = arith.sitofp %parallel_loop3A_264 : vector<16xi32> to vector<16xf32>
        %parallel_loop3A_278 = arith.subf %parallel_loop3A_252, %parallel_loop3A_277 : vector<16xf32>
        %parallel_loop3A_279 = arith.index_cast %parallel_loop3A_225 : i32 to index
        %parallel_loop3A_280 = tpu.vector_load %arg12[%parallel_loop3A_279] {strides = array<i32>} : memref<1024xf32, #tpu.memory_space<vmem>>, vector<16xf32>,
        %parallel_loop3A_281 = vector.shape_cast %parallel_loop3A_280 : vector<16xf32> to vector<16xf32>
        %parallel_loop3A_282 = vector.shape_cast %parallel_loop3A_278 : vector<16xf32> to vector<16xf32>
        tpu.vector_store %arg12[%parallel_loop3A_279], %parallel_loop3A_282 {strides = array<i32>} : memref<1024xf32, #tpu.memory_space<vmem>>, vector<16xf32>,
        %parallel_loop3A_283 = arith.constant 1 : i32
        %parallel_loop3A_284 = vector.broadcast %parallel_loop3A_283 : i32 to vector<16xi32>
        %parallel_loop3A_285 = arith.andi %parallel_loop3A_264, %parallel_loop3A_284 : vector<16xi32>
        %parallel_loop3A_286 = arith.index_cast %parallel_loop3A_225 : i32 to index
        %parallel_loop3A_287 = tpu.vector_load %arg13[%parallel_loop3A_286] {strides = array<i32>} : memref<1024xi32, #tpu.memory_space<vmem>>, vector<16xi32>,
        %parallel_loop3A_288 = vector.shape_cast %parallel_loop3A_287 : vector<16xi32> to vector<16xi32>
        %parallel_loop3A_289 = vector.shape_cast %parallel_loop3A_285 : vector<16xi32> to vector<16xi32>
        tpu.vector_store %arg13[%parallel_loop3A_286], %parallel_loop3A_289 {strides = array<i32>} : memref<1024xi32, #tpu.memory_space<vmem>>, vector<16xi32>,
        %parallel_loop3A_290 = arith.constant 1 : i32
        %parallel_loop3A_291 = vector.broadcast %parallel_loop3A_290 : i32 to vector<16xi32>
        %parallel_loop3A_292 = arith.shrsi %parallel_loop3A_264, %parallel_loop3A_291 : vector<16xi32>
        %parallel_loop3A_293 = arith.constant 16384 : i32
        %parallel_loop3A_294 = vector.broadcast %parallel_loop3A_293 : i32 to vector<16xi32>
        %parallel_loop3A_295 = arith.muli %parallel_loop3A_292, %parallel_loop3A_294 : vector<16xi32>
        %parallel_loop3A_296 = arith.constant 128 : i32
        %parallel_loop3A_297 = vector.broadcast %parallel_loop3A_296 : i32 to vector<16xi32>
        %parallel_loop3A_298 = arith.muli %parallel_loop3A_260, %parallel_loop3A_297 : vector<16xi32>
        %parallel_loop3A_299 = arith.addi %parallel_loop3A_295, %parallel_loop3A_298 : vector<16xi32>
        %parallel_loop3A_300 = arith.addi %parallel_loop3A_299, %parallel_loop3A_256 : vector<16xi32>
        %parallel_loop3A_301 = arith.constant 16384 : i32
        %parallel_loop3A_302 = vector.broadcast %parallel_loop3A_301 : i32 to vector<16xi32>
        %parallel_loop3A_303 = arith.muli %parallel_loop3A_285, %parallel_loop3A_302 : vector<16xi32>
        %parallel_loop3A_304 = arith.addi %parallel_loop3A_300, %parallel_loop3A_303 : vector<16xi32>
        %parallel_loop3A_305 = arith.constant 16 : i32
        %parallel_loop3A_306 = arith.muli %parallel_loop3A_223, %parallel_loop3A_305 : i32
        %parallel_loop3A_307 = arith.index_cast %parallel_loop3A_306 : i32 to index
        %parallel_loop3A_308 = tpu.vector_load %arg15[%parallel_loop3A_307] {strides = array<i32>} : memref<8192xi32, #tpu.memory_space<vmem>>, vector<16xi32>,
        %parallel_loop3A_309 = vector.shape_cast %parallel_loop3A_308 : vector<16xi32> to vector<16xi32>
        %parallel_loop3A_310 = vector.shape_cast %parallel_loop3A_300 : vector<16xi32> to vector<16xi32>
        tpu.vector_store %arg15[%parallel_loop3A_307], %parallel_loop3A_310 {strides = array<i32>} : memref<8192xi32, #tpu.memory_space<vmem>>, vector<16xi32>,
        %parallel_loop3A_311 = arith.constant 1024 : i32
        %parallel_loop3A_312 = arith.addi %parallel_loop3A_311, %parallel_loop3A_306 : i32
        %parallel_loop3A_313 = arith.index_cast %parallel_loop3A_312 : i32 to index
        %parallel_loop3A_314 = tpu.vector_load %arg15[%parallel_loop3A_313] {strides = array<i32>} : memref<8192xi32, #tpu.memory_space<vmem>>, vector<16xi32>,
        %parallel_loop3A_315 = vector.shape_cast %parallel_loop3A_314 : vector<16xi32> to vector<16xi32>
        %parallel_loop3A_316 = vector.shape_cast %parallel_loop3A_304 : vector<16xi32> to vector<16xi32>
        tpu.vector_store %arg15[%parallel_loop3A_313], %parallel_loop3A_316 {strides = array<i32>} : memref<8192xi32, #tpu.memory_space<vmem>>, vector<16xi32>,
        %parallel_loop3A_317 = arith.constant 1 : i32
        %parallel_loop3A_318 = vector.broadcast %parallel_loop3A_317 : i32 to vector<16xi32>
        %parallel_loop3A_319 = arith.addi %parallel_loop3A_300, %parallel_loop3A_318 : vector<16xi32>
        %parallel_loop3A_320 = arith.constant 2048 : i32
        %parallel_loop3A_321 = arith.addi %parallel_loop3A_320, %parallel_loop3A_306 : i32
        %parallel_loop3A_322 = arith.index_cast %parallel_loop3A_321 : i32 to index
        %parallel_loop3A_323 = tpu.vector_load %arg15[%parallel_loop3A_322] {strides = array<i32>} : memref<8192xi32, #tpu.memory_space<vmem>>, vector<16xi32>,
        %parallel_loop3A_324 = vector.shape_cast %parallel_loop3A_323 : vector<16xi32> to vector<16xi32>
        %parallel_loop3A_325 = vector.shape_cast %parallel_loop3A_319 : vector<16xi32> to vector<16xi32>
        tpu.vector_store %arg15[%parallel_loop3A_322], %parallel_loop3A_325 {strides = array<i32>} : memref<8192xi32, #tpu.memory_space<vmem>>, vector<16xi32>,
        %parallel_loop3A_326 = arith.constant 1 : i32
        %parallel_loop3A_327 = vector.broadcast %parallel_loop3A_326 : i32 to vector<16xi32>
        %parallel_loop3A_328 = arith.addi %parallel_loop3A_304, %parallel_loop3A_327 : vector<16xi32>
        %parallel_loop3A_329 = arith.constant 3072 : i32
        %parallel_loop3A_330 = arith.addi %parallel_loop3A_329, %parallel_loop3A_306 : i32
        %parallel_loop3A_331 = arith.index_cast %parallel_loop3A_330 : i32 to index
        %parallel_loop3A_332 = tpu.vector_load %arg15[%parallel_loop3A_331] {strides = array<i32>} : memref<8192xi32, #tpu.memory_space<vmem>>, vector<16xi32>,
        %parallel_loop3A_333 = vector.shape_cast %parallel_loop3A_332 : vector<16xi32> to vector<16xi32>
        %parallel_loop3A_334 = vector.shape_cast %parallel_loop3A_328 : vector<16xi32> to vector<16xi32>
        tpu.vector_store %arg15[%parallel_loop3A_331], %parallel_loop3A_334 {strides = array<i32>} : memref<8192xi32, #tpu.memory_space<vmem>>, vector<16xi32>,
        %parallel_loop3A_335 = arith.constant 128 : i32
        %parallel_loop3A_336 = vector.broadcast %parallel_loop3A_335 : i32 to vector<16xi32>
        %parallel_loop3A_337 = arith.addi %parallel_loop3A_300, %parallel_loop3A_336 : vector<16xi32>
        %parallel_loop3A_338 = arith.constant 4096 : i32
        %parallel_loop3A_339 = arith.addi %parallel_loop3A_338, %parallel_loop3A_306 : i32
        %parallel_loop3A_340 = arith.index_cast %parallel_loop3A_339 : i32 to index
        %parallel_loop3A_341 = tpu.vector_load %arg15[%parallel_loop3A_340] {strides = array<i32>} : memref<8192xi32, #tpu.memory_space<vmem>>, vector<16xi32>,
        %parallel_loop3A_342 = vector.shape_cast %parallel_loop3A_341 : vector<16xi32> to vector<16xi32>
        %parallel_loop3A_343 = vector.shape_cast %parallel_loop3A_337 : vector<16xi32> to vector<16xi32>
        tpu.vector_store %arg15[%parallel_loop3A_340], %parallel_loop3A_343 {strides = array<i32>} : memref<8192xi32, #tpu.memory_space<vmem>>, vector<16xi32>,
        %parallel_loop3A_344 = arith.constant 128 : i32
        %parallel_loop3A_345 = vector.broadcast %parallel_loop3A_344 : i32 to vector<16xi32>
        %parallel_loop3A_346 = arith.addi %parallel_loop3A_304, %parallel_loop3A_345 : vector<16xi32>
        %parallel_loop3A_347 = arith.constant 5120 : i32
        %parallel_loop3A_348 = arith.addi %parallel_loop3A_347, %parallel_loop3A_306 : i32
        %parallel_loop3A_349 = arith.index_cast %parallel_loop3A_348 : i32 to index
        %parallel_loop3A_350 = tpu.vector_load %arg15[%parallel_loop3A_349] {strides = array<i32>} : memref<8192xi32, #tpu.memory_space<vmem>>, vector<16xi32>,
        %parallel_loop3A_351 = vector.shape_cast %parallel_loop3A_350 : vector<16xi32> to vector<16xi32>
        %parallel_loop3A_352 = vector.shape_cast %parallel_loop3A_346 : vector<16xi32> to vector<16xi32>
        tpu.vector_store %arg15[%parallel_loop3A_349], %parallel_loop3A_352 {strides = array<i32>} : memref<8192xi32, #tpu.memory_space<vmem>>, vector<16xi32>,
        %parallel_loop3A_353 = arith.constant 128 : i32
        %parallel_loop3A_354 = vector.broadcast %parallel_loop3A_353 : i32 to vector<16xi32>
        %parallel_loop3A_355 = arith.addi %parallel_loop3A_300, %parallel_loop3A_354 : vector<16xi32>
        %parallel_loop3A_356 = arith.constant 1 : i32
        %parallel_loop3A_357 = vector.broadcast %parallel_loop3A_356 : i32 to vector<16xi32>
        %parallel_loop3A_358 = arith.addi %parallel_loop3A_355, %parallel_loop3A_357 : vector<16xi32>
        %parallel_loop3A_359 = arith.constant 6144 : i32
        %parallel_loop3A_360 = arith.addi %parallel_loop3A_359, %parallel_loop3A_306 : i32
        %parallel_loop3A_361 = arith.index_cast %parallel_loop3A_360 : i32 to index
        %parallel_loop3A_362 = tpu.vector_load %arg15[%parallel_loop3A_361] {strides = array<i32>} : memref<8192xi32, #tpu.memory_space<vmem>>, vector<16xi32>,
        %parallel_loop3A_363 = vector.shape_cast %parallel_loop3A_362 : vector<16xi32> to vector<16xi32>
        %parallel_loop3A_364 = vector.shape_cast %parallel_loop3A_358 : vector<16xi32> to vector<16xi32>
        tpu.vector_store %arg15[%parallel_loop3A_361], %parallel_loop3A_364 {strides = array<i32>} : memref<8192xi32, #tpu.memory_space<vmem>>, vector<16xi32>,
        %parallel_loop3A_365 = arith.constant 128 : i32
        %parallel_loop3A_366 = vector.broadcast %parallel_loop3A_365 : i32 to vector<16xi32>
        %parallel_loop3A_367 = arith.addi %parallel_loop3A_304, %parallel_loop3A_366 : vector<16xi32>
        %parallel_loop3A_368 = arith.constant 1 : i32
        %parallel_loop3A_369 = vector.broadcast %parallel_loop3A_368 : i32 to vector<16xi32>
        %parallel_loop3A_370 = arith.addi %parallel_loop3A_367, %parallel_loop3A_369 : vector<16xi32>
        %parallel_loop3A_371 = arith.constant 7168 : i32
        %parallel_loop3A_372 = arith.addi %parallel_loop3A_371, %parallel_loop3A_306 : i32
        %parallel_loop3A_373 = arith.index_cast %parallel_loop3A_372 : i32 to index
        %parallel_loop3A_374 = tpu.vector_load %arg15[%parallel_loop3A_373] {strides = array<i32>} : memref<8192xi32, #tpu.memory_space<vmem>>, vector<16xi32>,
        %parallel_loop3A_375 = vector.shape_cast %parallel_loop3A_374 : vector<16xi32> to vector<16xi32>
        %parallel_loop3A_376 = vector.shape_cast %parallel_loop3A_370 : vector<16xi32> to vector<16xi32>
        tpu.vector_store %arg15[%parallel_loop3A_373], %parallel_loop3A_376 {strides = array<i32>} : memref<8192xi32, #tpu.memory_space<vmem>>, vector<16xi32>,
      } {sc.loop_unroll_factor = 4 : i64, sc.parallel_access}
      %dma_start3A_200 = arith.constant 0 : i32
      %dma_start3A_201 = tpu.memref_slice %arg28[%dma_start3A_200] : memref<1048576xi32, #tpu.memory_space<vmem_shared>> -> memref<1048576xi32, #tpu.memory_space<vmem_shared>>
      tpu.enqueue_indirect_dma source(%dma_start3A_201 : memref<1048576xi32, #tpu.memory_space<vmem_shared>>) target(%arg16 : memref<8192xi32, #tpu.memory_space<vmem>>) offsets(%arg15 : memref<8192xi32, #tpu.memory_space<vmem>>) semaphore(%arg29 : memref<!tpu.dma_semaphore, #tpu.memory_space<semaphore_mem>>)
      %add3A_202 = arith.constant 1 : i32
      %add3A_203 = arith.addi %mul3A_136, %add3A_202 : i32
      %dma_wait3A_204 = arith.constant 0 : i32
      %dma_wait3A_205 = tpu.memref_slice %arg2[%dma_wait3A_204] : memref<2097152xi32, #tpu.memory_space<hbm>> -> memref<8192xi32, #tpu.memory_space<hbm>>
      %dma_wait3A_206 = arith.constant 0 : i32
      %dma_wait3A_207 = tpu.memref_slice %arg2[%dma_wait3A_206] : memref<2097152xi32, #tpu.memory_space<hbm>> -> memref<8192xi32, #tpu.memory_space<hbm>>
      tpu.wait_dma2 semaphore(%arg30 : memref<!tpu.dma_semaphore, #tpu.memory_space<semaphore_mem>>) src(%dma_wait3A_207 : memref<8192xi32, #tpu.memory_space<hbm>>) dst(%arg26 : memref<8192xi32, #tpu.memory_space<vmem>>)
      %ge3A_208 = arith.constant 2 : i32
      %ge3A_209 = arith.cmpi sge, %add3A_203, %ge3A_208 : i32
      %convert_element_type3A_210 = arith.extui %ge3A_209 : i1 to i32
      %cond3A_211 = arith.constant 0 : i32
      %cond3A_212 = arith.cmpi ne, %convert_element_type3A_210, %cond3A_211 : i32
      scf.if %cond3A_212 {
        %dma_wait3A_223 = tpu.memref_slice %arg6[%mul3A_2] : memref<4194304xf32, #tpu.memory_space<hbm>> -> memref<1024xf32, #tpu.memory_space<hbm>>
        %dma_wait3A_224 = tpu.memref_slice %arg6[%mul3A_2] : memref<4194304xf32, #tpu.memory_space<hbm>> -> memref<1024xf32, #tpu.memory_space<hbm>>
        tpu.wait_dma2 semaphore(%arg32 : memref<!tpu.dma_semaphore, #tpu.memory_space<semaphore_mem>>) src(%dma_wait3A_224 : memref<1024xf32, #tpu.memory_space<hbm>>) dst(%arg24 : memref<1024xf32, #tpu.memory_space<vmem>>)
      } else {
      }
      %parallel_loop3A_213 = arith.constant 0 : i32
      %parallel_loop3A_214 = arith.constant 64 : i32
      %parallel_loop3A_215 = arith.constant 1 : i32
      %parallel_loop3A_216 = arith.constant -65536 : i32
      scf.for %parallel_loop3A_223 = %parallel_loop3A_213 to %parallel_loop3A_214 step %parallel_loop3A_215  : i32 {
        %parallel_loop3A_224 = arith.constant 16 : i32
        %parallel_loop3A_225 = arith.muli %parallel_loop3A_223, %parallel_loop3A_224 : i32
        %parallel_loop3A_226 = arith.index_cast %parallel_loop3A_225 : i32 to index
        %parallel_loop3A_227 = tpu.vector_load %arg20[%parallel_loop3A_226] {strides = array<i32>} : memref<1024xf32, #tpu.memory_space<vmem>>, vector<16xf32>,
        %parallel_loop3A_228 = vector.shape_cast %parallel_loop3A_227 : vector<16xf32> to vector<16xf32>
        %parallel_loop3A_229 = arith.index_cast %parallel_loop3A_225 : i32 to index
        %parallel_loop3A_230 = tpu.vector_load %arg21[%parallel_loop3A_229] {strides = array<i32>} : memref<1024xf32, #tpu.memory_space<vmem>>, vector<16xf32>,
        %parallel_loop3A_231 = vector.shape_cast %parallel_loop3A_230 : vector<16xf32> to vector<16xf32>
        %parallel_loop3A_232 = arith.index_cast %parallel_loop3A_225 : i32 to index
        %parallel_loop3A_233 = tpu.vector_load %arg22[%parallel_loop3A_232] {strides = array<i32>} : memref<1024xf32, #tpu.memory_space<vmem>>, vector<16xf32>,
        %parallel_loop3A_234 = vector.shape_cast %parallel_loop3A_233 : vector<16xf32> to vector<16xf32>
        %parallel_loop3A_235 = arith.index_cast %parallel_loop3A_225 : i32 to index
        %parallel_loop3A_236 = tpu.vector_load %arg23[%parallel_loop3A_235] {strides = array<i32>} : memref<1024xi32, #tpu.memory_space<vmem>>, vector<16xi32>,
        %parallel_loop3A_237 = vector.shape_cast %parallel_loop3A_236 : vector<16xi32> to vector<16xi32>
        %parallel_loop3A_238 = arith.constant 1 : i32
        %parallel_loop3A_239 = vector.broadcast %parallel_loop3A_238 : i32 to vector<16xi32>
        %parallel_loop3A_240 = arith.subi %parallel_loop3A_239, %parallel_loop3A_237 : vector<16xi32>
        %parallel_loop3A_241 = arith.constant 4 : i32
        %parallel_loop3A_242 = vector.broadcast %parallel_loop3A_241 : i32 to vector<16xi32>
        %parallel_loop3A_243 = arith.shli %parallel_loop3A_240, %parallel_loop3A_242 : vector<16xi32>
        %parallel_loop3A_244 = arith.constant 4 : i32
        %parallel_loop3A_245 = vector.broadcast %parallel_loop3A_244 : i32 to vector<16xi32>
        %parallel_loop3A_246 = arith.shli %parallel_loop3A_237, %parallel_loop3A_245 : vector<16xi32>
        %parallel_loop3A_247 = arith.constant 16 : i32
        %parallel_loop3A_248 = arith.muli %parallel_loop3A_223, %parallel_loop3A_247 : i32
        %parallel_loop3A_249 = arith.constant 0 : i32
        %parallel_loop3A_250 = arith.addi %parallel_loop3A_249, %parallel_loop3A_248 : i32
        %parallel_loop3A_251 = arith.index_cast %parallel_loop3A_250 : i32 to index
        %parallel_loop3A_252 = tpu.vector_load %arg26[%parallel_loop3A_251] {strides = array<i32>} : memref<8192xi32, #tpu.memory_space<vmem>>, vector<16xi32>,
        %parallel_loop3A_253 = vector.shape_cast %parallel_loop3A_252 : vector<16xi32> to vector<16xi32>
        %parallel_loop3A_254 = arith.constant 1024 : i32
        %parallel_loop3A_255 = arith.addi %parallel_loop3A_254, %parallel_loop3A_248 : i32
        %parallel_loop3A_256 = arith.index_cast %parallel_loop3A_255 : i32 to index
        %parallel_loop3A_257 = tpu.vector_load %arg26[%parallel_loop3A_256] {strides = array<i32>} : memref<8192xi32, #tpu.memory_space<vmem>>, vector<16xi32>,
        %parallel_loop3A_258 = vector.shape_cast %parallel_loop3A_257 : vector<16xi32> to vector<16xi32>
        %parallel_loop3A_259 = arith.shli %parallel_loop3A_253, %parallel_loop3A_243 : vector<16xi32>
        %parallel_loop3A_260 = vector.broadcast %parallel_loop3A_216 : i32 to vector<16xi32>
        %parallel_loop3A_261 = arith.andi %parallel_loop3A_259, %parallel_loop3A_260 : vector<16xi32>
        %parallel_loop3A_262 = tpu.bitcast %parallel_loop3A_261 : vector<16xi32> -> vector<16xf32>
        %parallel_loop3A_263 = arith.shli %parallel_loop3A_258, %parallel_loop3A_246 : vector<16xi32>
        %parallel_loop3A_264 = vector.broadcast %parallel_loop3A_216 : i32 to vector<16xi32>
        %parallel_loop3A_265 = arith.andi %parallel_loop3A_263, %parallel_loop3A_264 : vector<16xi32>
        %parallel_loop3A_266 = tpu.bitcast %parallel_loop3A_265 : vector<16xi32> -> vector<16xf32>
        %parallel_loop3A_267 = arith.subf %parallel_loop3A_266, %parallel_loop3A_262 : vector<16xf32>
        %parallel_loop3A_268 = arith.mulf %parallel_loop3A_234, %parallel_loop3A_267 : vector<16xf32>
        %parallel_loop3A_269 = arith.addf %parallel_loop3A_262, %parallel_loop3A_268 : vector<16xf32>
        %parallel_loop3A_270 = arith.constant 2048 : i32
        %parallel_loop3A_271 = arith.addi %parallel_loop3A_270, %parallel_loop3A_248 : i32
        %parallel_loop3A_272 = arith.index_cast %parallel_loop3A_271 : i32 to index
        %parallel_loop3A_273 = tpu.vector_load %arg26[%parallel_loop3A_272] {strides = array<i32>} : memref<8192xi32, #tpu.memory_space<vmem>>, vector<16xi32>,
        %parallel_loop3A_274 = vector.shape_cast %parallel_loop3A_273 : vector<16xi32> to vector<16xi32>
        %parallel_loop3A_275 = arith.constant 3072 : i32
        %parallel_loop3A_276 = arith.addi %parallel_loop3A_275, %parallel_loop3A_248 : i32
        %parallel_loop3A_277 = arith.index_cast %parallel_loop3A_276 : i32 to index
        %parallel_loop3A_278 = tpu.vector_load %arg26[%parallel_loop3A_277] {strides = array<i32>} : memref<8192xi32, #tpu.memory_space<vmem>>, vector<16xi32>,
        %parallel_loop3A_279 = vector.shape_cast %parallel_loop3A_278 : vector<16xi32> to vector<16xi32>
        %parallel_loop3A_280 = arith.shli %parallel_loop3A_274, %parallel_loop3A_243 : vector<16xi32>
        %parallel_loop3A_281 = vector.broadcast %parallel_loop3A_216 : i32 to vector<16xi32>
        %parallel_loop3A_282 = arith.andi %parallel_loop3A_280, %parallel_loop3A_281 : vector<16xi32>
        %parallel_loop3A_283 = tpu.bitcast %parallel_loop3A_282 : vector<16xi32> -> vector<16xf32>
        %parallel_loop3A_284 = arith.shli %parallel_loop3A_279, %parallel_loop3A_246 : vector<16xi32>
        %parallel_loop3A_285 = vector.broadcast %parallel_loop3A_216 : i32 to vector<16xi32>
        %parallel_loop3A_286 = arith.andi %parallel_loop3A_284, %parallel_loop3A_285 : vector<16xi32>
        %parallel_loop3A_287 = tpu.bitcast %parallel_loop3A_286 : vector<16xi32> -> vector<16xf32>
        %parallel_loop3A_288 = arith.subf %parallel_loop3A_287, %parallel_loop3A_283 : vector<16xf32>
        %parallel_loop3A_289 = arith.mulf %parallel_loop3A_234, %parallel_loop3A_288 : vector<16xf32>
        %parallel_loop3A_290 = arith.addf %parallel_loop3A_283, %parallel_loop3A_289 : vector<16xf32>
        %parallel_loop3A_291 = arith.constant 4096 : i32
        %parallel_loop3A_292 = arith.addi %parallel_loop3A_291, %parallel_loop3A_248 : i32
        %parallel_loop3A_293 = arith.index_cast %parallel_loop3A_292 : i32 to index
        %parallel_loop3A_294 = tpu.vector_load %arg26[%parallel_loop3A_293] {strides = array<i32>} : memref<8192xi32, #tpu.memory_space<vmem>>, vector<16xi32>,
        %parallel_loop3A_295 = vector.shape_cast %parallel_loop3A_294 : vector<16xi32> to vector<16xi32>
        %parallel_loop3A_296 = arith.constant 5120 : i32
        %parallel_loop3A_297 = arith.addi %parallel_loop3A_296, %parallel_loop3A_248 : i32
        %parallel_loop3A_298 = arith.index_cast %parallel_loop3A_297 : i32 to index
        %parallel_loop3A_299 = tpu.vector_load %arg26[%parallel_loop3A_298] {strides = array<i32>} : memref<8192xi32, #tpu.memory_space<vmem>>, vector<16xi32>,
        %parallel_loop3A_300 = vector.shape_cast %parallel_loop3A_299 : vector<16xi32> to vector<16xi32>
        %parallel_loop3A_301 = arith.shli %parallel_loop3A_295, %parallel_loop3A_243 : vector<16xi32>
        %parallel_loop3A_302 = vector.broadcast %parallel_loop3A_216 : i32 to vector<16xi32>
        %parallel_loop3A_303 = arith.andi %parallel_loop3A_301, %parallel_loop3A_302 : vector<16xi32>
        %parallel_loop3A_304 = tpu.bitcast %parallel_loop3A_303 : vector<16xi32> -> vector<16xf32>
        %parallel_loop3A_305 = arith.shli %parallel_loop3A_300, %parallel_loop3A_246 : vector<16xi32>
        %parallel_loop3A_306 = vector.broadcast %parallel_loop3A_216 : i32 to vector<16xi32>
        %parallel_loop3A_307 = arith.andi %parallel_loop3A_305, %parallel_loop3A_306 : vector<16xi32>
        %parallel_loop3A_308 = tpu.bitcast %parallel_loop3A_307 : vector<16xi32> -> vector<16xf32>
        %parallel_loop3A_309 = arith.subf %parallel_loop3A_308, %parallel_loop3A_304 : vector<16xf32>
        %parallel_loop3A_310 = arith.mulf %parallel_loop3A_234, %parallel_loop3A_309 : vector<16xf32>
        %parallel_loop3A_311 = arith.addf %parallel_loop3A_304, %parallel_loop3A_310 : vector<16xf32>
        %parallel_loop3A_312 = arith.constant 6144 : i32
        %parallel_loop3A_313 = arith.addi %parallel_loop3A_312, %parallel_loop3A_248 : i32
        %parallel_loop3A_314 = arith.index_cast %parallel_loop3A_313 : i32 to index
        %parallel_loop3A_315 = tpu.vector_load %arg26[%parallel_loop3A_314] {strides = array<i32>} : memref<8192xi32, #tpu.memory_space<vmem>>, vector<16xi32>,
        %parallel_loop3A_316 = vector.shape_cast %parallel_loop3A_315 : vector<16xi32> to vector<16xi32>
        %parallel_loop3A_317 = arith.constant 7168 : i32
        %parallel_loop3A_318 = arith.addi %parallel_loop3A_317, %parallel_loop3A_248 : i32
        %parallel_loop3A_319 = arith.index_cast %parallel_loop3A_318 : i32 to index
        %parallel_loop3A_320 = tpu.vector_load %arg26[%parallel_loop3A_319] {strides = array<i32>} : memref<8192xi32, #tpu.memory_space<vmem>>, vector<16xi32>,
        %parallel_loop3A_321 = vector.shape_cast %parallel_loop3A_320 : vector<16xi32> to vector<16xi32>
        %parallel_loop3A_322 = arith.shli %parallel_loop3A_316, %parallel_loop3A_243 : vector<16xi32>
        %parallel_loop3A_323 = vector.broadcast %parallel_loop3A_216 : i32 to vector<16xi32>
        %parallel_loop3A_324 = arith.andi %parallel_loop3A_322, %parallel_loop3A_323 : vector<16xi32>
        %parallel_loop3A_325 = tpu.bitcast %parallel_loop3A_324 : vector<16xi32> -> vector<16xf32>
        %parallel_loop3A_326 = arith.shli %parallel_loop3A_321, %parallel_loop3A_246 : vector<16xi32>
        %parallel_loop3A_327 = vector.broadcast %parallel_loop3A_216 : i32 to vector<16xi32>
        %parallel_loop3A_328 = arith.andi %parallel_loop3A_326, %parallel_loop3A_327 : vector<16xi32>
        %parallel_loop3A_329 = tpu.bitcast %parallel_loop3A_328 : vector<16xi32> -> vector<16xf32>
        %parallel_loop3A_330 = arith.subf %parallel_loop3A_329, %parallel_loop3A_325 : vector<16xf32>
        %parallel_loop3A_331 = arith.mulf %parallel_loop3A_234, %parallel_loop3A_330 : vector<16xf32>
        %parallel_loop3A_332 = arith.addf %parallel_loop3A_325, %parallel_loop3A_331 : vector<16xf32>
        %parallel_loop3A_333 = arith.subf %parallel_loop3A_290, %parallel_loop3A_269 : vector<16xf32>
        %parallel_loop3A_334 = arith.mulf %parallel_loop3A_228, %parallel_loop3A_333 : vector<16xf32>
        %parallel_loop3A_335 = arith.addf %parallel_loop3A_269, %parallel_loop3A_334 : vector<16xf32>
        %parallel_loop3A_336 = arith.subf %parallel_loop3A_332, %parallel_loop3A_311 : vector<16xf32>
        %parallel_loop3A_337 = arith.mulf %parallel_loop3A_228, %parallel_loop3A_336 : vector<16xf32>
        %parallel_loop3A_338 = arith.addf %parallel_loop3A_311, %parallel_loop3A_337 : vector<16xf32>
        %parallel_loop3A_339 = arith.subf %parallel_loop3A_338, %parallel_loop3A_335 : vector<16xf32>
        %parallel_loop3A_340 = arith.mulf %parallel_loop3A_231, %parallel_loop3A_339 : vector<16xf32>
        %parallel_loop3A_341 = arith.addf %parallel_loop3A_335, %parallel_loop3A_340 : vector<16xf32>
        %parallel_loop3A_342 = arith.index_cast %parallel_loop3A_225 : i32 to index
        %parallel_loop3A_343 = tpu.vector_load %arg24[%parallel_loop3A_342] {strides = array<i32>} : memref<1024xf32, #tpu.memory_space<vmem>>, vector<16xf32>,
        %parallel_loop3A_344 = vector.shape_cast %parallel_loop3A_343 : vector<16xf32> to vector<16xf32>
        %parallel_loop3A_345 = vector.shape_cast %parallel_loop3A_341 : vector<16xf32> to vector<16xf32>
        tpu.vector_store %arg24[%parallel_loop3A_342], %parallel_loop3A_345 {strides = array<i32>} : memref<1024xf32, #tpu.memory_space<vmem>>, vector<16xf32>,
      } {sc.loop_unroll_factor = 4 : i64, sc.parallel_access}
      %mul3A_217 = arith.constant 1024 : i32
      %mul3A_218 = arith.muli %add3A_203, %mul3A_217 : i32
      %add3A_219 = arith.addi %mul3A_2, %mul3A_218 : i32
      %dma_start3A_220 = tpu.memref_slice %arg6[%add3A_219] : memref<4194304xf32, #tpu.memory_space<hbm>> -> memref<1024xf32, #tpu.memory_space<hbm>>
      %dma_start3A_221 = tpu.memref_slice %arg6[%add3A_219] : memref<4194304xf32, #tpu.memory_space<hbm>> -> memref<1024xf32, #tpu.memory_space<hbm>>
      tpu.enqueue_dma source(%arg24 : memref<1024xf32, #tpu.memory_space<vmem>>) target(%dma_start3A_221 : memref<1024xf32, #tpu.memory_space<hbm>>) target_semaphore(%arg32 : memref<!tpu.dma_semaphore, #tpu.memory_space<semaphore_mem>>)
      %scan3A_222 = arith.constant 0 : i32
      scf.yield %scan3A_222 : i32
    }
    %scan3A_88 = arith.constant 63 : i32
    %dma_wait3A_89 = tpu.memref_slice %arg3[%mul3A_2] : memref<4194304xf32, #tpu.memory_space<hbm>> -> memref<1024xf32, #tpu.memory_space<hbm>>
    %dma_wait3A_90 = tpu.memref_slice %arg3[%mul3A_2] : memref<4194304xf32, #tpu.memory_space<hbm>> -> memref<1024xf32, #tpu.memory_space<hbm>>
    tpu.wait_dma2 semaphore(%arg34 : memref<!tpu.dma_semaphore, #tpu.memory_space<semaphore_mem>>) src(%dma_wait3A_90 : memref<1024xf32, #tpu.memory_space<hbm>>) dst(%arg17 : memref<1024xf32, #tpu.memory_space<vmem>>)
    %dma_wait3A_91 = tpu.memref_slice %arg3[%mul3A_2] : memref<4194304xf32, #tpu.memory_space<hbm>> -> memref<1024xf32, #tpu.memory_space<hbm>>
    %dma_wait3A_92 = tpu.memref_slice %arg3[%mul3A_2] : memref<4194304xf32, #tpu.memory_space<hbm>> -> memref<1024xf32, #tpu.memory_space<hbm>>
    tpu.wait_dma2 semaphore(%arg34 : memref<!tpu.dma_semaphore, #tpu.memory_space<semaphore_mem>>) src(%dma_wait3A_92 : memref<1024xf32, #tpu.memory_space<hbm>>) dst(%arg18 : memref<1024xf32, #tpu.memory_space<vmem>>)
    %dma_wait3A_93 = tpu.memref_slice %arg3[%mul3A_2] : memref<4194304xf32, #tpu.memory_space<hbm>> -> memref<1024xf32, #tpu.memory_space<hbm>>
    %dma_wait3A_94 = tpu.memref_slice %arg3[%mul3A_2] : memref<4194304xf32, #tpu.memory_space<hbm>> -> memref<1024xf32, #tpu.memory_space<hbm>>
    tpu.wait_dma2 semaphore(%arg34 : memref<!tpu.dma_semaphore, #tpu.memory_space<semaphore_mem>>) src(%dma_wait3A_94 : memref<1024xf32, #tpu.memory_space<hbm>>) dst(%arg19 : memref<1024xf32, #tpu.memory_space<vmem>>)
    %iota3A_95 = tpu.iota {dimensions = array<i32: 0>} : vector<16xi32>
    %parallel_loop3A_96 = arith.constant 0 : i32
    %parallel_loop3A_97 = arith.constant 64 : i32
    %parallel_loop3A_98 = arith.constant 1 : i32
    scf.for %parallel_loop3A_133 = %parallel_loop3A_96 to %parallel_loop3A_97 step %parallel_loop3A_98  : i32 {
      %parallel_loop3A_134 = arith.constant 16 : i32
      %parallel_loop3A_135 = arith.muli %parallel_loop3A_133, %parallel_loop3A_134 : i32
      %parallel_loop3A_136 = arith.index_cast %parallel_loop3A_135 : i32 to index
      %parallel_loop3A_137 = tpu.vector_load %arg17[%parallel_loop3A_136] {strides = array<i32>} : memref<1024xf32, #tpu.memory_space<vmem>>, vector<16xf32>,
      %parallel_loop3A_138 = vector.shape_cast %parallel_loop3A_137 : vector<16xf32> to vector<16xf32>
      %parallel_loop3A_139 = arith.index_cast %parallel_loop3A_135 : i32 to index
      %parallel_loop3A_140 = tpu.vector_load %arg18[%parallel_loop3A_139] {strides = array<i32>} : memref<1024xf32, #tpu.memory_space<vmem>>, vector<16xf32>,
      %parallel_loop3A_141 = vector.shape_cast %parallel_loop3A_140 : vector<16xf32> to vector<16xf32>
      %parallel_loop3A_142 = arith.index_cast %parallel_loop3A_135 : i32 to index
      %parallel_loop3A_143 = tpu.vector_load %arg19[%parallel_loop3A_142] {strides = array<i32>} : memref<1024xf32, #tpu.memory_space<vmem>>, vector<16xf32>,
      %parallel_loop3A_144 = vector.shape_cast %parallel_loop3A_143 : vector<16xf32> to vector<16xf32>
      %parallel_loop3A_145 = arith.constant 0.000000e+00 : f32
      %parallel_loop3A_146 = arith.constant 1.270000e+02 : f32
      %parallel_loop3A_147 = vector.broadcast %parallel_loop3A_145 : f32 to vector<16xf32>
      %parallel_loop3A_148 = arith.maximumf %parallel_loop3A_147, %parallel_loop3A_138 : vector<16xf32>
      %parallel_loop3A_149 = vector.broadcast %parallel_loop3A_146 : f32 to vector<16xf32>
      %parallel_loop3A_150 = arith.minimumf %parallel_loop3A_149, %parallel_loop3A_148 : vector<16xf32>
      %parallel_loop3A_151 = arith.constant 0.000000e+00 : f32
      %parallel_loop3A_152 = arith.constant 1.270000e+02 : f32
      %parallel_loop3A_153 = vector.broadcast %parallel_loop3A_151 : f32 to vector<16xf32>
      %parallel_loop3A_154 = arith.maximumf %parallel_loop3A_153, %parallel_loop3A_141 : vector<16xf32>
      %parallel_loop3A_155 = vector.broadcast %parallel_loop3A_152 : f32 to vector<16xf32>
      %parallel_loop3A_156 = arith.minimumf %parallel_loop3A_155, %parallel_loop3A_154 : vector<16xf32>
      %parallel_loop3A_157 = arith.constant 0.000000e+00 : f32
      %parallel_loop3A_158 = arith.constant 1.270000e+02 : f32
      %parallel_loop3A_159 = vector.broadcast %parallel_loop3A_157 : f32 to vector<16xf32>
      %parallel_loop3A_160 = arith.maximumf %parallel_loop3A_159, %parallel_loop3A_144 : vector<16xf32>
      %parallel_loop3A_161 = vector.broadcast %parallel_loop3A_158 : f32 to vector<16xf32>
      %parallel_loop3A_162 = arith.minimumf %parallel_loop3A_161, %parallel_loop3A_160 : vector<16xf32>
      %parallel_loop3A_163 = arith.fptosi %parallel_loop3A_150 : vector<16xf32> to vector<16xi32>
      %parallel_loop3A_164 = arith.constant 126 : i32
      %parallel_loop3A_165 = vector.broadcast %parallel_loop3A_164 : i32 to vector<16xi32>
      %parallel_loop3A_166 = arith.minsi %parallel_loop3A_163, %parallel_loop3A_165 : vector<16xi32>
      %parallel_loop3A_167 = arith.fptosi %parallel_loop3A_156 : vector<16xf32> to vector<16xi32>
      %parallel_loop3A_168 = arith.constant 126 : i32
      %parallel_loop3A_169 = vector.broadcast %parallel_loop3A_168 : i32 to vector<16xi32>
      %parallel_loop3A_170 = arith.minsi %parallel_loop3A_167, %parallel_loop3A_169 : vector<16xi32>
      %parallel_loop3A_171 = arith.fptosi %parallel_loop3A_162 : vector<16xf32> to vector<16xi32>
      %parallel_loop3A_172 = arith.constant 126 : i32
      %parallel_loop3A_173 = vector.broadcast %parallel_loop3A_172 : i32 to vector<16xi32>
      %parallel_loop3A_174 = arith.minsi %parallel_loop3A_171, %parallel_loop3A_173 : vector<16xi32>
      %parallel_loop3A_175 = arith.sitofp %parallel_loop3A_166 : vector<16xi32> to vector<16xf32>
      %parallel_loop3A_176 = arith.subf %parallel_loop3A_150, %parallel_loop3A_175 : vector<16xf32>
      %parallel_loop3A_177 = arith.index_cast %parallel_loop3A_135 : i32 to index
      %parallel_loop3A_178 = tpu.vector_load %arg20[%parallel_loop3A_177] {strides = array<i32>} : memref<1024xf32, #tpu.memory_space<vmem>>, vector<16xf32>,
      %parallel_loop3A_179 = vector.shape_cast %parallel_loop3A_178 : vector<16xf32> to vector<16xf32>
      %parallel_loop3A_180 = vector.shape_cast %parallel_loop3A_176 : vector<16xf32> to vector<16xf32>
      tpu.vector_store %arg20[%parallel_loop3A_177], %parallel_loop3A_180 {strides = array<i32>} : memref<1024xf32, #tpu.memory_space<vmem>>, vector<16xf32>,
      %parallel_loop3A_181 = arith.sitofp %parallel_loop3A_170 : vector<16xi32> to vector<16xf32>
      %parallel_loop3A_182 = arith.subf %parallel_loop3A_156, %parallel_loop3A_181 : vector<16xf32>
      %parallel_loop3A_183 = arith.index_cast %parallel_loop3A_135 : i32 to index
      %parallel_loop3A_184 = tpu.vector_load %arg21[%parallel_loop3A_183] {strides = array<i32>} : memref<1024xf32, #tpu.memory_space<vmem>>, vector<16xf32>,
      %parallel_loop3A_185 = vector.shape_cast %parallel_loop3A_184 : vector<16xf32> to vector<16xf32>
      %parallel_loop3A_186 = vector.shape_cast %parallel_loop3A_182 : vector<16xf32> to vector<16xf32>
      tpu.vector_store %arg21[%parallel_loop3A_183], %parallel_loop3A_186 {strides = array<i32>} : memref<1024xf32, #tpu.memory_space<vmem>>, vector<16xf32>,
      %parallel_loop3A_187 = arith.sitofp %parallel_loop3A_174 : vector<16xi32> to vector<16xf32>
      %parallel_loop3A_188 = arith.subf %parallel_loop3A_162, %parallel_loop3A_187 : vector<16xf32>
      %parallel_loop3A_189 = arith.index_cast %parallel_loop3A_135 : i32 to index
      %parallel_loop3A_190 = tpu.vector_load %arg22[%parallel_loop3A_189] {strides = array<i32>} : memref<1024xf32, #tpu.memory_space<vmem>>, vector<16xf32>,
      %parallel_loop3A_191 = vector.shape_cast %parallel_loop3A_190 : vector<16xf32> to vector<16xf32>
      %parallel_loop3A_192 = vector.shape_cast %parallel_loop3A_188 : vector<16xf32> to vector<16xf32>
      tpu.vector_store %arg22[%parallel_loop3A_189], %parallel_loop3A_192 {strides = array<i32>} : memref<1024xf32, #tpu.memory_space<vmem>>, vector<16xf32>,
      %parallel_loop3A_193 = arith.constant 1 : i32
      %parallel_loop3A_194 = vector.broadcast %parallel_loop3A_193 : i32 to vector<16xi32>
      %parallel_loop3A_195 = arith.andi %parallel_loop3A_174, %parallel_loop3A_194 : vector<16xi32>
      %parallel_loop3A_196 = arith.index_cast %parallel_loop3A_135 : i32 to index
      %parallel_loop3A_197 = tpu.vector_load %arg23[%parallel_loop3A_196] {strides = array<i32>} : memref<1024xi32, #tpu.memory_space<vmem>>, vector<16xi32>,
      %parallel_loop3A_198 = vector.shape_cast %parallel_loop3A_197 : vector<16xi32> to vector<16xi32>
      %parallel_loop3A_199 = vector.shape_cast %parallel_loop3A_195 : vector<16xi32> to vector<16xi32>
      tpu.vector_store %arg23[%parallel_loop3A_196], %parallel_loop3A_199 {strides = array<i32>} : memref<1024xi32, #tpu.memory_space<vmem>>, vector<16xi32>,
      %parallel_loop3A_200 = arith.constant 1 : i32
      %parallel_loop3A_201 = vector.broadcast %parallel_loop3A_200 : i32 to vector<16xi32>
      %parallel_loop3A_202 = arith.shrsi %parallel_loop3A_174, %parallel_loop3A_201 : vector<16xi32>
      %parallel_loop3A_203 = arith.constant 16384 : i32
      %parallel_loop3A_204 = vector.broadcast %parallel_loop3A_203 : i32 to vector<16xi32>
      %parallel_loop3A_205 = arith.muli %parallel_loop3A_202, %parallel_loop3A_204 : vector<16xi32>
      %parallel_loop3A_206 = arith.constant 128 : i32
      %parallel_loop3A_207 = vector.broadcast %parallel_loop3A_206 : i32 to vector<16xi32>
      %parallel_loop3A_208 = arith.muli %parallel_loop3A_170, %parallel_loop3A_207 : vector<16xi32>
      %parallel_loop3A_209 = arith.addi %parallel_loop3A_205, %parallel_loop3A_208 : vector<16xi32>
      %parallel_loop3A_210 = arith.addi %parallel_loop3A_209, %parallel_loop3A_166 : vector<16xi32>
      %parallel_loop3A_211 = arith.constant 16384 : i32
      %parallel_loop3A_212 = vector.broadcast %parallel_loop3A_211 : i32 to vector<16xi32>
      %parallel_loop3A_213 = arith.muli %parallel_loop3A_195, %parallel_loop3A_212 : vector<16xi32>
      %parallel_loop3A_214 = arith.addi %parallel_loop3A_210, %parallel_loop3A_213 : vector<16xi32>
      %parallel_loop3A_215 = arith.constant 16 : i32
      %parallel_loop3A_216 = arith.muli %parallel_loop3A_133, %parallel_loop3A_215 : i32
      %parallel_loop3A_217 = arith.index_cast %parallel_loop3A_216 : i32 to index
      %parallel_loop3A_218 = tpu.vector_load %arg25[%parallel_loop3A_217] {strides = array<i32>} : memref<8192xi32, #tpu.memory_space<vmem>>, vector<16xi32>,
      %parallel_loop3A_219 = vector.shape_cast %parallel_loop3A_218 : vector<16xi32> to vector<16xi32>
      %parallel_loop3A_220 = vector.shape_cast %parallel_loop3A_210 : vector<16xi32> to vector<16xi32>
      tpu.vector_store %arg25[%parallel_loop3A_217], %parallel_loop3A_220 {strides = array<i32>} : memref<8192xi32, #tpu.memory_space<vmem>>, vector<16xi32>,
      %parallel_loop3A_221 = arith.constant 1024 : i32
      %parallel_loop3A_222 = arith.addi %parallel_loop3A_221, %parallel_loop3A_216 : i32
      %parallel_loop3A_223 = arith.index_cast %parallel_loop3A_222 : i32 to index
      %parallel_loop3A_224 = tpu.vector_load %arg25[%parallel_loop3A_223] {strides = array<i32>} : memref<8192xi32, #tpu.memory_space<vmem>>, vector<16xi32>,
      %parallel_loop3A_225 = vector.shape_cast %parallel_loop3A_224 : vector<16xi32> to vector<16xi32>
      %parallel_loop3A_226 = vector.shape_cast %parallel_loop3A_214 : vector<16xi32> to vector<16xi32>
      tpu.vector_store %arg25[%parallel_loop3A_223], %parallel_loop3A_226 {strides = array<i32>} : memref<8192xi32, #tpu.memory_space<vmem>>, vector<16xi32>,
      %parallel_loop3A_227 = arith.constant 1 : i32
      %parallel_loop3A_228 = vector.broadcast %parallel_loop3A_227 : i32 to vector<16xi32>
      %parallel_loop3A_229 = arith.addi %parallel_loop3A_210, %parallel_loop3A_228 : vector<16xi32>
      %parallel_loop3A_230 = arith.constant 2048 : i32
      %parallel_loop3A_231 = arith.addi %parallel_loop3A_230, %parallel_loop3A_216 : i32
      %parallel_loop3A_232 = arith.index_cast %parallel_loop3A_231 : i32 to index
      %parallel_loop3A_233 = tpu.vector_load %arg25[%parallel_loop3A_232] {strides = array<i32>} : memref<8192xi32, #tpu.memory_space<vmem>>, vector<16xi32>,
      %parallel_loop3A_234 = vector.shape_cast %parallel_loop3A_233 : vector<16xi32> to vector<16xi32>
      %parallel_loop3A_235 = vector.shape_cast %parallel_loop3A_229 : vector<16xi32> to vector<16xi32>
      tpu.vector_store %arg25[%parallel_loop3A_232], %parallel_loop3A_235 {strides = array<i32>} : memref<8192xi32, #tpu.memory_space<vmem>>, vector<16xi32>,
      %parallel_loop3A_236 = arith.constant 1 : i32
      %parallel_loop3A_237 = vector.broadcast %parallel_loop3A_236 : i32 to vector<16xi32>
      %parallel_loop3A_238 = arith.addi %parallel_loop3A_214, %parallel_loop3A_237 : vector<16xi32>
      %parallel_loop3A_239 = arith.constant 3072 : i32
      %parallel_loop3A_240 = arith.addi %parallel_loop3A_239, %parallel_loop3A_216 : i32
      %parallel_loop3A_241 = arith.index_cast %parallel_loop3A_240 : i32 to index
      %parallel_loop3A_242 = tpu.vector_load %arg25[%parallel_loop3A_241] {strides = array<i32>} : memref<8192xi32, #tpu.memory_space<vmem>>, vector<16xi32>,
      %parallel_loop3A_243 = vector.shape_cast %parallel_loop3A_242 : vector<16xi32> to vector<16xi32>
      %parallel_loop3A_244 = vector.shape_cast %parallel_loop3A_238 : vector<16xi32> to vector<16xi32>
      tpu.vector_store %arg25[%parallel_loop3A_241], %parallel_loop3A_244 {strides = array<i32>} : memref<8192xi32, #tpu.memory_space<vmem>>, vector<16xi32>,
      %parallel_loop3A_245 = arith.constant 128 : i32
      %parallel_loop3A_246 = vector.broadcast %parallel_loop3A_245 : i32 to vector<16xi32>
      %parallel_loop3A_247 = arith.addi %parallel_loop3A_210, %parallel_loop3A_246 : vector<16xi32>
      %parallel_loop3A_248 = arith.constant 4096 : i32
      %parallel_loop3A_249 = arith.addi %parallel_loop3A_248, %parallel_loop3A_216 : i32
      %parallel_loop3A_250 = arith.index_cast %parallel_loop3A_249 : i32 to index
      %parallel_loop3A_251 = tpu.vector_load %arg25[%parallel_loop3A_250] {strides = array<i32>} : memref<8192xi32, #tpu.memory_space<vmem>>, vector<16xi32>,
      %parallel_loop3A_252 = vector.shape_cast %parallel_loop3A_251 : vector<16xi32> to vector<16xi32>
      %parallel_loop3A_253 = vector.shape_cast %parallel_loop3A_247 : vector<16xi32> to vector<16xi32>
      tpu.vector_store %arg25[%parallel_loop3A_250], %parallel_loop3A_253 {strides = array<i32>} : memref<8192xi32, #tpu.memory_space<vmem>>, vector<16xi32>,
      %parallel_loop3A_254 = arith.constant 128 : i32
      %parallel_loop3A_255 = vector.broadcast %parallel_loop3A_254 : i32 to vector<16xi32>
      %parallel_loop3A_256 = arith.addi %parallel_loop3A_214, %parallel_loop3A_255 : vector<16xi32>
      %parallel_loop3A_257 = arith.constant 5120 : i32
      %parallel_loop3A_258 = arith.addi %parallel_loop3A_257, %parallel_loop3A_216 : i32
      %parallel_loop3A_259 = arith.index_cast %parallel_loop3A_258 : i32 to index
      %parallel_loop3A_260 = tpu.vector_load %arg25[%parallel_loop3A_259] {strides = array<i32>} : memref<8192xi32, #tpu.memory_space<vmem>>, vector<16xi32>,
      %parallel_loop3A_261 = vector.shape_cast %parallel_loop3A_260 : vector<16xi32> to vector<16xi32>
      %parallel_loop3A_262 = vector.shape_cast %parallel_loop3A_256 : vector<16xi32> to vector<16xi32>
      tpu.vector_store %arg25[%parallel_loop3A_259], %parallel_loop3A_262 {strides = array<i32>} : memref<8192xi32, #tpu.memory_space<vmem>>, vector<16xi32>,
      %parallel_loop3A_263 = arith.constant 128 : i32
      %parallel_loop3A_264 = vector.broadcast %parallel_loop3A_263 : i32 to vector<16xi32>
      %parallel_loop3A_265 = arith.addi %parallel_loop3A_210, %parallel_loop3A_264 : vector<16xi32>
      %parallel_loop3A_266 = arith.constant 1 : i32
      %parallel_loop3A_267 = vector.broadcast %parallel_loop3A_266 : i32 to vector<16xi32>
      %parallel_loop3A_268 = arith.addi %parallel_loop3A_265, %parallel_loop3A_267 : vector<16xi32>
      %parallel_loop3A_269 = arith.constant 6144 : i32
      %parallel_loop3A_270 = arith.addi %parallel_loop3A_269, %parallel_loop3A_216 : i32
      %parallel_loop3A_271 = arith.index_cast %parallel_loop3A_270 : i32 to index
      %parallel_loop3A_272 = tpu.vector_load %arg25[%parallel_loop3A_271] {strides = array<i32>} : memref<8192xi32, #tpu.memory_space<vmem>>, vector<16xi32>,
      %parallel_loop3A_273 = vector.shape_cast %parallel_loop3A_272 : vector<16xi32> to vector<16xi32>
      %parallel_loop3A_274 = vector.shape_cast %parallel_loop3A_268 : vector<16xi32> to vector<16xi32>
      tpu.vector_store %arg25[%parallel_loop3A_271], %parallel_loop3A_274 {strides = array<i32>} : memref<8192xi32, #tpu.memory_space<vmem>>, vector<16xi32>,
      %parallel_loop3A_275 = arith.constant 128 : i32
      %parallel_loop3A_276 = vector.broadcast %parallel_loop3A_275 : i32 to vector<16xi32>
      %parallel_loop3A_277 = arith.addi %parallel_loop3A_214, %parallel_loop3A_276 : vector<16xi32>
      %parallel_loop3A_278 = arith.constant 1 : i32
      %parallel_loop3A_279 = vector.broadcast %parallel_loop3A_278 : i32 to vector<16xi32>
      %parallel_loop3A_280 = arith.addi %parallel_loop3A_277, %parallel_loop3A_279 : vector<16xi32>
      %parallel_loop3A_281 = arith.constant 7168 : i32
      %parallel_loop3A_282 = arith.addi %parallel_loop3A_281, %parallel_loop3A_216 : i32
      %parallel_loop3A_283 = arith.index_cast %parallel_loop3A_282 : i32 to index
      %parallel_loop3A_284 = tpu.vector_load %arg25[%parallel_loop3A_283] {strides = array<i32>} : memref<8192xi32, #tpu.memory_space<vmem>>, vector<16xi32>,
      %parallel_loop3A_285 = vector.shape_cast %parallel_loop3A_284 : vector<16xi32> to vector<16xi32>
      %parallel_loop3A_286 = vector.shape_cast %parallel_loop3A_280 : vector<16xi32> to vector<16xi32>
      tpu.vector_store %arg25[%parallel_loop3A_283], %parallel_loop3A_286 {strides = array<i32>} : memref<8192xi32, #tpu.memory_space<vmem>>, vector<16xi32>,
    } {sc.loop_unroll_factor = 4 : i64, sc.parallel_access}
    %dma_start3A_99 = arith.constant 0 : i32
    %dma_start3A_100 = tpu.memref_slice %arg28[%dma_start3A_99] : memref<1048576xi32, #tpu.memory_space<vmem_shared>> -> memref<1048576xi32, #tpu.memory_space<vmem_shared>>
    tpu.enqueue_indirect_dma source(%dma_start3A_100 : memref<1048576xi32, #tpu.memory_space<vmem_shared>>) target(%arg26 : memref<8192xi32, #tpu.memory_space<vmem>>) offsets(%arg25 : memref<8192xi32, #tpu.memory_space<vmem>>) semaphore(%arg30 : memref<!tpu.dma_semaphore, #tpu.memory_space<semaphore_mem>>)
    %dma_wait3A_101 = arith.constant 0 : i32
    %dma_wait3A_102 = tpu.memref_slice %arg2[%dma_wait3A_101] : memref<2097152xi32, #tpu.memory_space<hbm>> -> memref<8192xi32, #tpu.memory_space<hbm>>
    %dma_wait3A_103 = arith.constant 0 : i32
    %dma_wait3A_104 = tpu.memref_slice %arg2[%dma_wait3A_103] : memref<2097152xi32, #tpu.memory_space<hbm>> -> memref<8192xi32, #tpu.memory_space<hbm>>
    tpu.wait_dma2 semaphore(%arg29 : memref<!tpu.dma_semaphore, #tpu.memory_space<semaphore_mem>>) src(%dma_wait3A_104 : memref<8192xi32, #tpu.memory_space<hbm>>) dst(%arg16 : memref<8192xi32, #tpu.memory_space<vmem>>)
    %dma_wait3A_105 = tpu.memref_slice %arg6[%mul3A_2] : memref<4194304xf32, #tpu.memory_space<hbm>> -> memref<1024xf32, #tpu.memory_space<hbm>>
    %dma_wait3A_106 = tpu.memref_slice %arg6[%mul3A_2] : memref<4194304xf32, #tpu.memory_space<hbm>> -> memref<1024xf32, #tpu.memory_space<hbm>>
    tpu.wait_dma2 semaphore(%arg31 : memref<!tpu.dma_semaphore, #tpu.memory_space<semaphore_mem>>) src(%dma_wait3A_106 : memref<1024xf32, #tpu.memory_space<hbm>>) dst(%arg14 : memref<1024xf32, #tpu.memory_space<vmem>>)
    %parallel_loop3A_107 = arith.constant 0 : i32
    %parallel_loop3A_108 = arith.constant 64 : i32
    %parallel_loop3A_109 = arith.constant 1 : i32
    %parallel_loop3A_110 = arith.constant -65536 : i32
    scf.for %parallel_loop3A_133 = %parallel_loop3A_107 to %parallel_loop3A_108 step %parallel_loop3A_109  : i32 {
      %parallel_loop3A_134 = arith.constant 16 : i32
      %parallel_loop3A_135 = arith.muli %parallel_loop3A_133, %parallel_loop3A_134 : i32
      %parallel_loop3A_136 = arith.index_cast %parallel_loop3A_135 : i32 to index
      %parallel_loop3A_137 = tpu.vector_load %arg10[%parallel_loop3A_136] {strides = array<i32>} : memref<1024xf32, #tpu.memory_space<vmem>>, vector<16xf32>,
      %parallel_loop3A_138 = vector.shape_cast %parallel_loop3A_137 : vector<16xf32> to vector<16xf32>
      %parallel_loop3A_139 = arith.index_cast %parallel_loop3A_135 : i32 to index
      %parallel_loop3A_140 = tpu.vector_load %arg11[%parallel_loop3A_139] {strides = array<i32>} : memref<1024xf32, #tpu.memory_space<vmem>>, vector<16xf32>,
      %parallel_loop3A_141 = vector.shape_cast %parallel_loop3A_140 : vector<16xf32> to vector<16xf32>
      %parallel_loop3A_142 = arith.index_cast %parallel_loop3A_135 : i32 to index
      %parallel_loop3A_143 = tpu.vector_load %arg12[%parallel_loop3A_142] {strides = array<i32>} : memref<1024xf32, #tpu.memory_space<vmem>>, vector<16xf32>,
      %parallel_loop3A_144 = vector.shape_cast %parallel_loop3A_143 : vector<16xf32> to vector<16xf32>
      %parallel_loop3A_145 = arith.index_cast %parallel_loop3A_135 : i32 to index
      %parallel_loop3A_146 = tpu.vector_load %arg13[%parallel_loop3A_145] {strides = array<i32>} : memref<1024xi32, #tpu.memory_space<vmem>>, vector<16xi32>,
      %parallel_loop3A_147 = vector.shape_cast %parallel_loop3A_146 : vector<16xi32> to vector<16xi32>
      %parallel_loop3A_148 = arith.constant 1 : i32
      %parallel_loop3A_149 = vector.broadcast %parallel_loop3A_148 : i32 to vector<16xi32>
      %parallel_loop3A_150 = arith.subi %parallel_loop3A_149, %parallel_loop3A_147 : vector<16xi32>
      %parallel_loop3A_151 = arith.constant 4 : i32
      %parallel_loop3A_152 = vector.broadcast %parallel_loop3A_151 : i32 to vector<16xi32>
      %parallel_loop3A_153 = arith.shli %parallel_loop3A_150, %parallel_loop3A_152 : vector<16xi32>
      %parallel_loop3A_154 = arith.constant 4 : i32
      %parallel_loop3A_155 = vector.broadcast %parallel_loop3A_154 : i32 to vector<16xi32>
      %parallel_loop3A_156 = arith.shli %parallel_loop3A_147, %parallel_loop3A_155 : vector<16xi32>
      %parallel_loop3A_157 = arith.constant 16 : i32
      %parallel_loop3A_158 = arith.muli %parallel_loop3A_133, %parallel_loop3A_157 : i32
      %parallel_loop3A_159 = arith.constant 0 : i32
      %parallel_loop3A_160 = arith.addi %parallel_loop3A_159, %parallel_loop3A_158 : i32
      %parallel_loop3A_161 = arith.index_cast %parallel_loop3A_160 : i32 to index
      %parallel_loop3A_162 = tpu.vector_load %arg16[%parallel_loop3A_161] {strides = array<i32>} : memref<8192xi32, #tpu.memory_space<vmem>>, vector<16xi32>,
      %parallel_loop3A_163 = vector.shape_cast %parallel_loop3A_162 : vector<16xi32> to vector<16xi32>
      %parallel_loop3A_164 = arith.constant 1024 : i32
      %parallel_loop3A_165 = arith.addi %parallel_loop3A_164, %parallel_loop3A_158 : i32
      %parallel_loop3A_166 = arith.index_cast %parallel_loop3A_165 : i32 to index
      %parallel_loop3A_167 = tpu.vector_load %arg16[%parallel_loop3A_166] {strides = array<i32>} : memref<8192xi32, #tpu.memory_space<vmem>>, vector<16xi32>,
      %parallel_loop3A_168 = vector.shape_cast %parallel_loop3A_167 : vector<16xi32> to vector<16xi32>
      %parallel_loop3A_169 = arith.shli %parallel_loop3A_163, %parallel_loop3A_153 : vector<16xi32>
      %parallel_loop3A_170 = vector.broadcast %parallel_loop3A_110 : i32 to vector<16xi32>
      %parallel_loop3A_171 = arith.andi %parallel_loop3A_169, %parallel_loop3A_170 : vector<16xi32>
      %parallel_loop3A_172 = tpu.bitcast %parallel_loop3A_171 : vector<16xi32> -> vector<16xf32>
      %parallel_loop3A_173 = arith.shli %parallel_loop3A_168, %parallel_loop3A_156 : vector<16xi32>
      %parallel_loop3A_174 = vector.broadcast %parallel_loop3A_110 : i32 to vector<16xi32>
      %parallel_loop3A_175 = arith.andi %parallel_loop3A_173, %parallel_loop3A_174 : vector<16xi32>
      %parallel_loop3A_176 = tpu.bitcast %parallel_loop3A_175 : vector<16xi32> -> vector<16xf32>
      %parallel_loop3A_177 = arith.subf %parallel_loop3A_176, %parallel_loop3A_172 : vector<16xf32>
      %parallel_loop3A_178 = arith.mulf %parallel_loop3A_144, %parallel_loop3A_177 : vector<16xf32>
      %parallel_loop3A_179 = arith.addf %parallel_loop3A_172, %parallel_loop3A_178 : vector<16xf32>
      %parallel_loop3A_180 = arith.constant 2048 : i32
      %parallel_loop3A_181 = arith.addi %parallel_loop3A_180, %parallel_loop3A_158 : i32
      %parallel_loop3A_182 = arith.index_cast %parallel_loop3A_181 : i32 to index
      %parallel_loop3A_183 = tpu.vector_load %arg16[%parallel_loop3A_182] {strides = array<i32>} : memref<8192xi32, #tpu.memory_space<vmem>>, vector<16xi32>,
      %parallel_loop3A_184 = vector.shape_cast %parallel_loop3A_183 : vector<16xi32> to vector<16xi32>
      %parallel_loop3A_185 = arith.constant 3072 : i32
      %parallel_loop3A_186 = arith.addi %parallel_loop3A_185, %parallel_loop3A_158 : i32
      %parallel_loop3A_187 = arith.index_cast %parallel_loop3A_186 : i32 to index
      %parallel_loop3A_188 = tpu.vector_load %arg16[%parallel_loop3A_187] {strides = array<i32>} : memref<8192xi32, #tpu.memory_space<vmem>>, vector<16xi32>,
      %parallel_loop3A_189 = vector.shape_cast %parallel_loop3A_188 : vector<16xi32> to vector<16xi32>
      %parallel_loop3A_190 = arith.shli %parallel_loop3A_184, %parallel_loop3A_153 : vector<16xi32>
      %parallel_loop3A_191 = vector.broadcast %parallel_loop3A_110 : i32 to vector<16xi32>
      %parallel_loop3A_192 = arith.andi %parallel_loop3A_190, %parallel_loop3A_191 : vector<16xi32>
      %parallel_loop3A_193 = tpu.bitcast %parallel_loop3A_192 : vector<16xi32> -> vector<16xf32>
      %parallel_loop3A_194 = arith.shli %parallel_loop3A_189, %parallel_loop3A_156 : vector<16xi32>
      %parallel_loop3A_195 = vector.broadcast %parallel_loop3A_110 : i32 to vector<16xi32>
      %parallel_loop3A_196 = arith.andi %parallel_loop3A_194, %parallel_loop3A_195 : vector<16xi32>
      %parallel_loop3A_197 = tpu.bitcast %parallel_loop3A_196 : vector<16xi32> -> vector<16xf32>
      %parallel_loop3A_198 = arith.subf %parallel_loop3A_197, %parallel_loop3A_193 : vector<16xf32>
      %parallel_loop3A_199 = arith.mulf %parallel_loop3A_144, %parallel_loop3A_198 : vector<16xf32>
      %parallel_loop3A_200 = arith.addf %parallel_loop3A_193, %parallel_loop3A_199 : vector<16xf32>
      %parallel_loop3A_201 = arith.constant 4096 : i32
      %parallel_loop3A_202 = arith.addi %parallel_loop3A_201, %parallel_loop3A_158 : i32
      %parallel_loop3A_203 = arith.index_cast %parallel_loop3A_202 : i32 to index
      %parallel_loop3A_204 = tpu.vector_load %arg16[%parallel_loop3A_203] {strides = array<i32>} : memref<8192xi32, #tpu.memory_space<vmem>>, vector<16xi32>,
      %parallel_loop3A_205 = vector.shape_cast %parallel_loop3A_204 : vector<16xi32> to vector<16xi32>
      %parallel_loop3A_206 = arith.constant 5120 : i32
      %parallel_loop3A_207 = arith.addi %parallel_loop3A_206, %parallel_loop3A_158 : i32
      %parallel_loop3A_208 = arith.index_cast %parallel_loop3A_207 : i32 to index
      %parallel_loop3A_209 = tpu.vector_load %arg16[%parallel_loop3A_208] {strides = array<i32>} : memref<8192xi32, #tpu.memory_space<vmem>>, vector<16xi32>,
      %parallel_loop3A_210 = vector.shape_cast %parallel_loop3A_209 : vector<16xi32> to vector<16xi32>
      %parallel_loop3A_211 = arith.shli %parallel_loop3A_205, %parallel_loop3A_153 : vector<16xi32>
      %parallel_loop3A_212 = vector.broadcast %parallel_loop3A_110 : i32 to vector<16xi32>
      %parallel_loop3A_213 = arith.andi %parallel_loop3A_211, %parallel_loop3A_212 : vector<16xi32>
      %parallel_loop3A_214 = tpu.bitcast %parallel_loop3A_213 : vector<16xi32> -> vector<16xf32>
      %parallel_loop3A_215 = arith.shli %parallel_loop3A_210, %parallel_loop3A_156 : vector<16xi32>
      %parallel_loop3A_216 = vector.broadcast %parallel_loop3A_110 : i32 to vector<16xi32>
      %parallel_loop3A_217 = arith.andi %parallel_loop3A_215, %parallel_loop3A_216 : vector<16xi32>
      %parallel_loop3A_218 = tpu.bitcast %parallel_loop3A_217 : vector<16xi32> -> vector<16xf32>
      %parallel_loop3A_219 = arith.subf %parallel_loop3A_218, %parallel_loop3A_214 : vector<16xf32>
      %parallel_loop3A_220 = arith.mulf %parallel_loop3A_144, %parallel_loop3A_219 : vector<16xf32>
      %parallel_loop3A_221 = arith.addf %parallel_loop3A_214, %parallel_loop3A_220 : vector<16xf32>
      %parallel_loop3A_222 = arith.constant 6144 : i32
      %parallel_loop3A_223 = arith.addi %parallel_loop3A_222, %parallel_loop3A_158 : i32
      %parallel_loop3A_224 = arith.index_cast %parallel_loop3A_223 : i32 to index
      %parallel_loop3A_225 = tpu.vector_load %arg16[%parallel_loop3A_224] {strides = array<i32>} : memref<8192xi32, #tpu.memory_space<vmem>>, vector<16xi32>,
      %parallel_loop3A_226 = vector.shape_cast %parallel_loop3A_225 : vector<16xi32> to vector<16xi32>
      %parallel_loop3A_227 = arith.constant 7168 : i32
      %parallel_loop3A_228 = arith.addi %parallel_loop3A_227, %parallel_loop3A_158 : i32
      %parallel_loop3A_229 = arith.index_cast %parallel_loop3A_228 : i32 to index
      %parallel_loop3A_230 = tpu.vector_load %arg16[%parallel_loop3A_229] {strides = array<i32>} : memref<8192xi32, #tpu.memory_space<vmem>>, vector<16xi32>,
      %parallel_loop3A_231 = vector.shape_cast %parallel_loop3A_230 : vector<16xi32> to vector<16xi32>
      %parallel_loop3A_232 = arith.shli %parallel_loop3A_226, %parallel_loop3A_153 : vector<16xi32>
      %parallel_loop3A_233 = vector.broadcast %parallel_loop3A_110 : i32 to vector<16xi32>
      %parallel_loop3A_234 = arith.andi %parallel_loop3A_232, %parallel_loop3A_233 : vector<16xi32>
      %parallel_loop3A_235 = tpu.bitcast %parallel_loop3A_234 : vector<16xi32> -> vector<16xf32>
      %parallel_loop3A_236 = arith.shli %parallel_loop3A_231, %parallel_loop3A_156 : vector<16xi32>
      %parallel_loop3A_237 = vector.broadcast %parallel_loop3A_110 : i32 to vector<16xi32>
      %parallel_loop3A_238 = arith.andi %parallel_loop3A_236, %parallel_loop3A_237 : vector<16xi32>
      %parallel_loop3A_239 = tpu.bitcast %parallel_loop3A_238 : vector<16xi32> -> vector<16xf32>
      %parallel_loop3A_240 = arith.subf %parallel_loop3A_239, %parallel_loop3A_235 : vector<16xf32>
      %parallel_loop3A_241 = arith.mulf %parallel_loop3A_144, %parallel_loop3A_240 : vector<16xf32>
      %parallel_loop3A_242 = arith.addf %parallel_loop3A_235, %parallel_loop3A_241 : vector<16xf32>
      %parallel_loop3A_243 = arith.subf %parallel_loop3A_200, %parallel_loop3A_179 : vector<16xf32>
      %parallel_loop3A_244 = arith.mulf %parallel_loop3A_138, %parallel_loop3A_243 : vector<16xf32>
      %parallel_loop3A_245 = arith.addf %parallel_loop3A_179, %parallel_loop3A_244 : vector<16xf32>
      %parallel_loop3A_246 = arith.subf %parallel_loop3A_242, %parallel_loop3A_221 : vector<16xf32>
      %parallel_loop3A_247 = arith.mulf %parallel_loop3A_138, %parallel_loop3A_246 : vector<16xf32>
      %parallel_loop3A_248 = arith.addf %parallel_loop3A_221, %parallel_loop3A_247 : vector<16xf32>
      %parallel_loop3A_249 = arith.subf %parallel_loop3A_248, %parallel_loop3A_245 : vector<16xf32>
      %parallel_loop3A_250 = arith.mulf %parallel_loop3A_141, %parallel_loop3A_249 : vector<16xf32>
      %parallel_loop3A_251 = arith.addf %parallel_loop3A_245, %parallel_loop3A_250 : vector<16xf32>
      %parallel_loop3A_252 = arith.index_cast %parallel_loop3A_135 : i32 to index
      %parallel_loop3A_253 = tpu.vector_load %arg14[%parallel_loop3A_252] {strides = array<i32>} : memref<1024xf32, #tpu.memory_space<vmem>>, vector<16xf32>,
      %parallel_loop3A_254 = vector.shape_cast %parallel_loop3A_253 : vector<16xf32> to vector<16xf32>
      %parallel_loop3A_255 = vector.shape_cast %parallel_loop3A_251 : vector<16xf32> to vector<16xf32>
      tpu.vector_store %arg14[%parallel_loop3A_252], %parallel_loop3A_255 {strides = array<i32>} : memref<1024xf32, #tpu.memory_space<vmem>>, vector<16xf32>,
    } {sc.loop_unroll_factor = 4 : i64, sc.parallel_access}
    %add3A_111 = arith.constant 129024 : i32
    %add3A_112 = arith.addi %mul3A_2, %add3A_111 : i32
    %dma_start3A_113 = tpu.memref_slice %arg6[%add3A_112] : memref<4194304xf32, #tpu.memory_space<hbm>> -> memref<1024xf32, #tpu.memory_space<hbm>>
    %dma_start3A_114 = tpu.memref_slice %arg6[%add3A_112] : memref<4194304xf32, #tpu.memory_space<hbm>> -> memref<1024xf32, #tpu.memory_space<hbm>>
    tpu.enqueue_dma source(%arg14 : memref<1024xf32, #tpu.memory_space<vmem>>) target(%dma_start3A_114 : memref<1024xf32, #tpu.memory_space<hbm>>) target_semaphore(%arg31 : memref<!tpu.dma_semaphore, #tpu.memory_space<semaphore_mem>>)
    %dma_wait3A_115 = arith.constant 0 : i32
    %dma_wait3A_116 = tpu.memref_slice %arg2[%dma_wait3A_115] : memref<2097152xi32, #tpu.memory_space<hbm>> -> memref<8192xi32, #tpu.memory_space<hbm>>
    %dma_wait3A_117 = arith.constant 0 : i32
    %dma_wait3A_118 = tpu.memref_slice %arg2[%dma_wait3A_117] : memref<2097152xi32, #tpu.memory_space<hbm>> -> memref<8192xi32, #tpu.memory_space<hbm>>
    tpu.wait_dma2 semaphore(%arg30 : memref<!tpu.dma_semaphore, #tpu.memory_space<semaphore_mem>>) src(%dma_wait3A_118 : memref<8192xi32, #tpu.memory_space<hbm>>) dst(%arg26 : memref<8192xi32, #tpu.memory_space<vmem>>)
    %dma_wait3A_119 = tpu.memref_slice %arg6[%mul3A_2] : memref<4194304xf32, #tpu.memory_space<hbm>> -> memref<1024xf32, #tpu.memory_space<hbm>>
    %dma_wait3A_120 = tpu.memref_slice %arg6[%mul3A_2] : memref<4194304xf32, #tpu.memory_space<hbm>> -> memref<1024xf32, #tpu.memory_space<hbm>>
    tpu.wait_dma2 semaphore(%arg32 : memref<!tpu.dma_semaphore, #tpu.memory_space<semaphore_mem>>) src(%dma_wait3A_120 : memref<1024xf32, #tpu.memory_space<hbm>>) dst(%arg24 : memref<1024xf32, #tpu.memory_space<vmem>>)
    %parallel_loop3A_121 = arith.constant 0 : i32
    %parallel_loop3A_122 = arith.constant 64 : i32
    %parallel_loop3A_123 = arith.constant 1 : i32
    %parallel_loop3A_124 = arith.constant -65536 : i32
    scf.for %parallel_loop3A_133 = %parallel_loop3A_121 to %parallel_loop3A_122 step %parallel_loop3A_123  : i32 {
      %parallel_loop3A_134 = arith.constant 16 : i32
      %parallel_loop3A_135 = arith.muli %parallel_loop3A_133, %parallel_loop3A_134 : i32
      %parallel_loop3A_136 = arith.index_cast %parallel_loop3A_135 : i32 to index
      %parallel_loop3A_137 = tpu.vector_load %arg20[%parallel_loop3A_136] {strides = array<i32>} : memref<1024xf32, #tpu.memory_space<vmem>>, vector<16xf32>,
      %parallel_loop3A_138 = vector.shape_cast %parallel_loop3A_137 : vector<16xf32> to vector<16xf32>
      %parallel_loop3A_139 = arith.index_cast %parallel_loop3A_135 : i32 to index
      %parallel_loop3A_140 = tpu.vector_load %arg21[%parallel_loop3A_139] {strides = array<i32>} : memref<1024xf32, #tpu.memory_space<vmem>>, vector<16xf32>,
      %parallel_loop3A_141 = vector.shape_cast %parallel_loop3A_140 : vector<16xf32> to vector<16xf32>
      %parallel_loop3A_142 = arith.index_cast %parallel_loop3A_135 : i32 to index
      %parallel_loop3A_143 = tpu.vector_load %arg22[%parallel_loop3A_142] {strides = array<i32>} : memref<1024xf32, #tpu.memory_space<vmem>>, vector<16xf32>,
      %parallel_loop3A_144 = vector.shape_cast %parallel_loop3A_143 : vector<16xf32> to vector<16xf32>
      %parallel_loop3A_145 = arith.index_cast %parallel_loop3A_135 : i32 to index
      %parallel_loop3A_146 = tpu.vector_load %arg23[%parallel_loop3A_145] {strides = array<i32>} : memref<1024xi32, #tpu.memory_space<vmem>>, vector<16xi32>,
      %parallel_loop3A_147 = vector.shape_cast %parallel_loop3A_146 : vector<16xi32> to vector<16xi32>
      %parallel_loop3A_148 = arith.constant 1 : i32
      %parallel_loop3A_149 = vector.broadcast %parallel_loop3A_148 : i32 to vector<16xi32>
      %parallel_loop3A_150 = arith.subi %parallel_loop3A_149, %parallel_loop3A_147 : vector<16xi32>
      %parallel_loop3A_151 = arith.constant 4 : i32
      %parallel_loop3A_152 = vector.broadcast %parallel_loop3A_151 : i32 to vector<16xi32>
      %parallel_loop3A_153 = arith.shli %parallel_loop3A_150, %parallel_loop3A_152 : vector<16xi32>
      %parallel_loop3A_154 = arith.constant 4 : i32
      %parallel_loop3A_155 = vector.broadcast %parallel_loop3A_154 : i32 to vector<16xi32>
      %parallel_loop3A_156 = arith.shli %parallel_loop3A_147, %parallel_loop3A_155 : vector<16xi32>
      %parallel_loop3A_157 = arith.constant 16 : i32
      %parallel_loop3A_158 = arith.muli %parallel_loop3A_133, %parallel_loop3A_157 : i32
      %parallel_loop3A_159 = arith.constant 0 : i32
      %parallel_loop3A_160 = arith.addi %parallel_loop3A_159, %parallel_loop3A_158 : i32
      %parallel_loop3A_161 = arith.index_cast %parallel_loop3A_160 : i32 to index
      %parallel_loop3A_162 = tpu.vector_load %arg26[%parallel_loop3A_161] {strides = array<i32>} : memref<8192xi32, #tpu.memory_space<vmem>>, vector<16xi32>,
      %parallel_loop3A_163 = vector.shape_cast %parallel_loop3A_162 : vector<16xi32> to vector<16xi32>
      %parallel_loop3A_164 = arith.constant 1024 : i32
      %parallel_loop3A_165 = arith.addi %parallel_loop3A_164, %parallel_loop3A_158 : i32
      %parallel_loop3A_166 = arith.index_cast %parallel_loop3A_165 : i32 to index
      %parallel_loop3A_167 = tpu.vector_load %arg26[%parallel_loop3A_166] {strides = array<i32>} : memref<8192xi32, #tpu.memory_space<vmem>>, vector<16xi32>,
      %parallel_loop3A_168 = vector.shape_cast %parallel_loop3A_167 : vector<16xi32> to vector<16xi32>
      %parallel_loop3A_169 = arith.shli %parallel_loop3A_163, %parallel_loop3A_153 : vector<16xi32>
      %parallel_loop3A_170 = vector.broadcast %parallel_loop3A_124 : i32 to vector<16xi32>
      %parallel_loop3A_171 = arith.andi %parallel_loop3A_169, %parallel_loop3A_170 : vector<16xi32>
      %parallel_loop3A_172 = tpu.bitcast %parallel_loop3A_171 : vector<16xi32> -> vector<16xf32>
      %parallel_loop3A_173 = arith.shli %parallel_loop3A_168, %parallel_loop3A_156 : vector<16xi32>
      %parallel_loop3A_174 = vector.broadcast %parallel_loop3A_124 : i32 to vector<16xi32>
      %parallel_loop3A_175 = arith.andi %parallel_loop3A_173, %parallel_loop3A_174 : vector<16xi32>
      %parallel_loop3A_176 = tpu.bitcast %parallel_loop3A_175 : vector<16xi32> -> vector<16xf32>
      %parallel_loop3A_177 = arith.subf %parallel_loop3A_176, %parallel_loop3A_172 : vector<16xf32>
      %parallel_loop3A_178 = arith.mulf %parallel_loop3A_144, %parallel_loop3A_177 : vector<16xf32>
      %parallel_loop3A_179 = arith.addf %parallel_loop3A_172, %parallel_loop3A_178 : vector<16xf32>
      %parallel_loop3A_180 = arith.constant 2048 : i32
      %parallel_loop3A_181 = arith.addi %parallel_loop3A_180, %parallel_loop3A_158 : i32
      %parallel_loop3A_182 = arith.index_cast %parallel_loop3A_181 : i32 to index
      %parallel_loop3A_183 = tpu.vector_load %arg26[%parallel_loop3A_182] {strides = array<i32>} : memref<8192xi32, #tpu.memory_space<vmem>>, vector<16xi32>,
      %parallel_loop3A_184 = vector.shape_cast %parallel_loop3A_183 : vector<16xi32> to vector<16xi32>
      %parallel_loop3A_185 = arith.constant 3072 : i32
      %parallel_loop3A_186 = arith.addi %parallel_loop3A_185, %parallel_loop3A_158 : i32
      %parallel_loop3A_187 = arith.index_cast %parallel_loop3A_186 : i32 to index
      %parallel_loop3A_188 = tpu.vector_load %arg26[%parallel_loop3A_187] {strides = array<i32>} : memref<8192xi32, #tpu.memory_space<vmem>>, vector<16xi32>,
      %parallel_loop3A_189 = vector.shape_cast %parallel_loop3A_188 : vector<16xi32> to vector<16xi32>
      %parallel_loop3A_190 = arith.shli %parallel_loop3A_184, %parallel_loop3A_153 : vector<16xi32>
      %parallel_loop3A_191 = vector.broadcast %parallel_loop3A_124 : i32 to vector<16xi32>
      %parallel_loop3A_192 = arith.andi %parallel_loop3A_190, %parallel_loop3A_191 : vector<16xi32>
      %parallel_loop3A_193 = tpu.bitcast %parallel_loop3A_192 : vector<16xi32> -> vector<16xf32>
      %parallel_loop3A_194 = arith.shli %parallel_loop3A_189, %parallel_loop3A_156 : vector<16xi32>
      %parallel_loop3A_195 = vector.broadcast %parallel_loop3A_124 : i32 to vector<16xi32>
      %parallel_loop3A_196 = arith.andi %parallel_loop3A_194, %parallel_loop3A_195 : vector<16xi32>
      %parallel_loop3A_197 = tpu.bitcast %parallel_loop3A_196 : vector<16xi32> -> vector<16xf32>
      %parallel_loop3A_198 = arith.subf %parallel_loop3A_197, %parallel_loop3A_193 : vector<16xf32>
      %parallel_loop3A_199 = arith.mulf %parallel_loop3A_144, %parallel_loop3A_198 : vector<16xf32>
      %parallel_loop3A_200 = arith.addf %parallel_loop3A_193, %parallel_loop3A_199 : vector<16xf32>
      %parallel_loop3A_201 = arith.constant 4096 : i32
      %parallel_loop3A_202 = arith.addi %parallel_loop3A_201, %parallel_loop3A_158 : i32
      %parallel_loop3A_203 = arith.index_cast %parallel_loop3A_202 : i32 to index
      %parallel_loop3A_204 = tpu.vector_load %arg26[%parallel_loop3A_203] {strides = array<i32>} : memref<8192xi32, #tpu.memory_space<vmem>>, vector<16xi32>,
      %parallel_loop3A_205 = vector.shape_cast %parallel_loop3A_204 : vector<16xi32> to vector<16xi32>
      %parallel_loop3A_206 = arith.constant 5120 : i32
      %parallel_loop3A_207 = arith.addi %parallel_loop3A_206, %parallel_loop3A_158 : i32
      %parallel_loop3A_208 = arith.index_cast %parallel_loop3A_207 : i32 to index
      %parallel_loop3A_209 = tpu.vector_load %arg26[%parallel_loop3A_208] {strides = array<i32>} : memref<8192xi32, #tpu.memory_space<vmem>>, vector<16xi32>,
      %parallel_loop3A_210 = vector.shape_cast %parallel_loop3A_209 : vector<16xi32> to vector<16xi32>
      %parallel_loop3A_211 = arith.shli %parallel_loop3A_205, %parallel_loop3A_153 : vector<16xi32>
      %parallel_loop3A_212 = vector.broadcast %parallel_loop3A_124 : i32 to vector<16xi32>
      %parallel_loop3A_213 = arith.andi %parallel_loop3A_211, %parallel_loop3A_212 : vector<16xi32>
      %parallel_loop3A_214 = tpu.bitcast %parallel_loop3A_213 : vector<16xi32> -> vector<16xf32>
      %parallel_loop3A_215 = arith.shli %parallel_loop3A_210, %parallel_loop3A_156 : vector<16xi32>
      %parallel_loop3A_216 = vector.broadcast %parallel_loop3A_124 : i32 to vector<16xi32>
      %parallel_loop3A_217 = arith.andi %parallel_loop3A_215, %parallel_loop3A_216 : vector<16xi32>
      %parallel_loop3A_218 = tpu.bitcast %parallel_loop3A_217 : vector<16xi32> -> vector<16xf32>
      %parallel_loop3A_219 = arith.subf %parallel_loop3A_218, %parallel_loop3A_214 : vector<16xf32>
      %parallel_loop3A_220 = arith.mulf %parallel_loop3A_144, %parallel_loop3A_219 : vector<16xf32>
      %parallel_loop3A_221 = arith.addf %parallel_loop3A_214, %parallel_loop3A_220 : vector<16xf32>
      %parallel_loop3A_222 = arith.constant 6144 : i32
      %parallel_loop3A_223 = arith.addi %parallel_loop3A_222, %parallel_loop3A_158 : i32
      %parallel_loop3A_224 = arith.index_cast %parallel_loop3A_223 : i32 to index
      %parallel_loop3A_225 = tpu.vector_load %arg26[%parallel_loop3A_224] {strides = array<i32>} : memref<8192xi32, #tpu.memory_space<vmem>>, vector<16xi32>,
      %parallel_loop3A_226 = vector.shape_cast %parallel_loop3A_225 : vector<16xi32> to vector<16xi32>
      %parallel_loop3A_227 = arith.constant 7168 : i32
      %parallel_loop3A_228 = arith.addi %parallel_loop3A_227, %parallel_loop3A_158 : i32
      %parallel_loop3A_229 = arith.index_cast %parallel_loop3A_228 : i32 to index
      %parallel_loop3A_230 = tpu.vector_load %arg26[%parallel_loop3A_229] {strides = array<i32>} : memref<8192xi32, #tpu.memory_space<vmem>>, vector<16xi32>,
      %parallel_loop3A_231 = vector.shape_cast %parallel_loop3A_230 : vector<16xi32> to vector<16xi32>
      %parallel_loop3A_232 = arith.shli %parallel_loop3A_226, %parallel_loop3A_153 : vector<16xi32>
      %parallel_loop3A_233 = vector.broadcast %parallel_loop3A_124 : i32 to vector<16xi32>
      %parallel_loop3A_234 = arith.andi %parallel_loop3A_232, %parallel_loop3A_233 : vector<16xi32>
      %parallel_loop3A_235 = tpu.bitcast %parallel_loop3A_234 : vector<16xi32> -> vector<16xf32>
      %parallel_loop3A_236 = arith.shli %parallel_loop3A_231, %parallel_loop3A_156 : vector<16xi32>
      %parallel_loop3A_237 = vector.broadcast %parallel_loop3A_124 : i32 to vector<16xi32>
      %parallel_loop3A_238 = arith.andi %parallel_loop3A_236, %parallel_loop3A_237 : vector<16xi32>
      %parallel_loop3A_239 = tpu.bitcast %parallel_loop3A_238 : vector<16xi32> -> vector<16xf32>
      %parallel_loop3A_240 = arith.subf %parallel_loop3A_239, %parallel_loop3A_235 : vector<16xf32>
      %parallel_loop3A_241 = arith.mulf %parallel_loop3A_144, %parallel_loop3A_240 : vector<16xf32>
      %parallel_loop3A_242 = arith.addf %parallel_loop3A_235, %parallel_loop3A_241 : vector<16xf32>
      %parallel_loop3A_243 = arith.subf %parallel_loop3A_200, %parallel_loop3A_179 : vector<16xf32>
      %parallel_loop3A_244 = arith.mulf %parallel_loop3A_138, %parallel_loop3A_243 : vector<16xf32>
      %parallel_loop3A_245 = arith.addf %parallel_loop3A_179, %parallel_loop3A_244 : vector<16xf32>
      %parallel_loop3A_246 = arith.subf %parallel_loop3A_242, %parallel_loop3A_221 : vector<16xf32>
      %parallel_loop3A_247 = arith.mulf %parallel_loop3A_138, %parallel_loop3A_246 : vector<16xf32>
      %parallel_loop3A_248 = arith.addf %parallel_loop3A_221, %parallel_loop3A_247 : vector<16xf32>
      %parallel_loop3A_249 = arith.subf %parallel_loop3A_248, %parallel_loop3A_245 : vector<16xf32>
      %parallel_loop3A_250 = arith.mulf %parallel_loop3A_141, %parallel_loop3A_249 : vector<16xf32>
      %parallel_loop3A_251 = arith.addf %parallel_loop3A_245, %parallel_loop3A_250 : vector<16xf32>
      %parallel_loop3A_252 = arith.index_cast %parallel_loop3A_135 : i32 to index
      %parallel_loop3A_253 = tpu.vector_load %arg24[%parallel_loop3A_252] {strides = array<i32>} : memref<1024xf32, #tpu.memory_space<vmem>>, vector<16xf32>,
      %parallel_loop3A_254 = vector.shape_cast %parallel_loop3A_253 : vector<16xf32> to vector<16xf32>
      %parallel_loop3A_255 = vector.shape_cast %parallel_loop3A_251 : vector<16xf32> to vector<16xf32>
      tpu.vector_store %arg24[%parallel_loop3A_252], %parallel_loop3A_255 {strides = array<i32>} : memref<1024xf32, #tpu.memory_space<vmem>>, vector<16xf32>,
    } {sc.loop_unroll_factor = 4 : i64, sc.parallel_access}
    %add3A_125 = arith.constant 130048 : i32
    %add3A_126 = arith.addi %mul3A_2, %add3A_125 : i32
    %dma_start3A_127 = tpu.memref_slice %arg6[%add3A_126] : memref<4194304xf32, #tpu.memory_space<hbm>> -> memref<1024xf32, #tpu.memory_space<hbm>>
    %dma_start3A_128 = tpu.memref_slice %arg6[%add3A_126] : memref<4194304xf32, #tpu.memory_space<hbm>> -> memref<1024xf32, #tpu.memory_space<hbm>>
    tpu.enqueue_dma source(%arg24 : memref<1024xf32, #tpu.memory_space<vmem>>) target(%dma_start3A_128 : memref<1024xf32, #tpu.memory_space<hbm>>) target_semaphore(%arg32 : memref<!tpu.dma_semaphore, #tpu.memory_space<semaphore_mem>>)
    %dma_wait3A_129 = tpu.memref_slice %arg6[%mul3A_2] : memref<4194304xf32, #tpu.memory_space<hbm>> -> memref<1024xf32, #tpu.memory_space<hbm>>
    %dma_wait3A_130 = tpu.memref_slice %arg6[%mul3A_2] : memref<4194304xf32, #tpu.memory_space<hbm>> -> memref<1024xf32, #tpu.memory_space<hbm>>
    tpu.wait_dma2 semaphore(%arg31 : memref<!tpu.dma_semaphore, #tpu.memory_space<semaphore_mem>>) src(%dma_wait3A_130 : memref<1024xf32, #tpu.memory_space<hbm>>) dst(%arg14 : memref<1024xf32, #tpu.memory_space<vmem>>)
    %dma_wait3A_131 = tpu.memref_slice %arg6[%mul3A_2] : memref<4194304xf32, #tpu.memory_space<hbm>> -> memref<1024xf32, #tpu.memory_space<hbm>>
    %dma_wait3A_132 = tpu.memref_slice %arg6[%mul3A_2] : memref<4194304xf32, #tpu.memory_space<hbm>> -> memref<1024xf32, #tpu.memory_space<hbm>>
    tpu.wait_dma2 semaphore(%arg32 : memref<!tpu.dma_semaphore, #tpu.memory_space<semaphore_mem>>) src(%dma_wait3A_132 : memref<1024xf32, #tpu.memory_space<hbm>>) dst(%arg24 : memref<1024xf32, #tpu.memory_space<vmem>>)
    return
  }
}

</mosaic_0001>

<sc_bundles>
// kernel: _resample.3.cloned.1.call-start
scs
__scs_entry_jumppad:
0x0: {  	(pc) =	sbr.rel $0x88, $3  }
0x1: {  	(tag) =	ssettag $0x0;
	lr =	simm.s32 $0x1  }
0x2: {  	[smem:$0x3F9D] =	sst lr;
	_ =	strace $0xD0000000  }
0x3: {  	_ = 	snop  }
0x4: {  	_ = 	snop  }
0x5: {  	_ = 	snop  }
0x6: {  	_ = 	snop  }
0x7: {  	_ = 	snop  }
__scs_overlays_trampoline_lowered:
0x8: {  	[smem:$0x3FAC] =	sst s0  }
0x9: {  	[smem:$0x3FAD] =	sst s1  }
0xa: {  	[smem:$0x3FAE] =	sst s2  }
0xb: {  	[smem:$0x3FAF] =	sst s3  }
0xc: {  	[smem:$0x3FB0] =	sst s4  }
0xd: {  	[smem:$0x3FB1] =	sst s5  }
0xe: {  	[smem:$0x3FB2] =	sst s6  }
0xf: {  	[smem:$0x3FB3] =	sst s7  }
0x10: {  	[smem:$0x3FB4] =	sst s8  }
0x11: {  	[smem:$0x3FB5] =	sst s9;
	s0 =	simm.s32 @!p0 $0x0  }
0x12: {  	s1 =	sld [smem:$0x3F9B];
	s0 =	simm.s32 @p0 $0x1  }
0x13: {  	[smem:$0x3FB6] =	sst s0;
	s0 =	simm.s32 @!p1 $0x0  }
0x14: {  	s2 =	sld [smem:$0x3F9A];
	s0 =	simm.s32 @p1 $0x1  }
0x15: {  	[smem:$0x3FB7] =	sst s0;
	s0 =	simm.s32 @!p2 $0x0  }
0x16: {  	s3 =	sld [smem:$0x3FDB];
	s0 =	simm.s32 @p2 $0x1  }
0x17: {  	s4 =	simm.s32 $0x1BF5;
	[smem:$0x3FB9] =	sst s0  }
0x18: {  	s0 =	sld [smem:$0x3F9C];
	_ =	swait.ge [sflag:s4], $0x0  }
0x19: {  	s7 =	sld [smem:$0x3F9D]  }
0x1a: {  	s8 =	sadd.s32 $0xFFFFE003, lr  }
0x1b: {  	s9 =	sadd.s32 $0xFFFFFEF7, lr;
	s5 =	simm.s32 $0xFFFFFFFF;
	p2 =	slt.u32 s8, $0xFFFFF086  }
0x1c: {  	p1 =	slt.u32 s9, $0xF7A;
	s5 =	simm.s32 @!p2 $0x0  }
0x1d: {  	s5 =	simm.s32 @p1 $0x1;
	p0 =	seq.s32 s7, s2  }
0x1e: {  	s7 =	smul.u32 @!p0 $0xF7A, s2;
	p2 =	seq.s32 @!p0 s5, $0x0  }
0x1f: {  	s9 =	smul.u32 $0xF7A, s1;
	s8 =	simm.s32 @!p0 $0x1BF5;
	p2 =	por !p2, p0  }
0x20: {  	[sflag:s8] =	ssyncset.s32 @!p0 $0xFFFFF086;
	s6 =	sadd.s32 @!p0 s3, s7;
	s7 =	simm.s32 @!p0 $0x108  }
0x21: {  	s3 =	sadd.s32 s3, s9;
	s6 =	sadd.s32 @!p0 $0x88, s6;
	s7 =	simm.s32 @p2 $0x1082  }
0x22: {  	[simem:s7], [sflag:s8] =	dma.local @!p0 [hbm:s6], $0xF7A  }
0x23: {  	s9 =	sor.u32 $0xD0000000, s2;
	s6 =	simm.s32 $0x108;
	_ =	swait.ge @!p0 [sflag:s8], $0x0  }
0x24: {  	s3 =	sadd.s32 $0x88, s3;
	s6 =	simm.s32 @!p1 $0x1082;
	[sflag:s4] =	ssyncset.s32 $0xFFFFF086  }
0x25: {  	[simem:s6], [sflag:s4] =	dma.local [hbm:s3], $0xF7A  }
0x26: {  	[smem:$0x3F9D] =	sst s1;
	(tag) =	ssettag s2;
	_ =	strace s9  }
0x27: {  	s1 =	sld [smem:$0x3FAD]  }
0x28: {  	s2 =	sld [smem:$0x3FAE]  }
0x29: {  	s4 =	sld [smem:$0x3FB0]  }
0x2a: {  	p0 =	seq.s32 s5, $0x0;
	s5 =	sld [smem:$0x3FB1]  }
0x2b: {  	s6 =	sld [smem:$0x3FB2]  }
0x2c: {  	s7 =	sld [smem:$0x3FB3]  }
0x2d: {  	s3 =	simm.s32 $0x108;
	s8 =	sld [smem:$0x3FB4]  }
0x2e: {  	s3 =	simm.s32 @!p0 $0x1082;
	s9 =	sld [smem:$0x3FB5]  }
0x2f: {  	lr =	sadd.s32 s0, s3;
	s0 =	sld [smem:$0x3FAC]  }
0x30: {  	s3 =	sld [smem:$0x3FAF]  }
0x31: {  	[smem:$0x3FB8] =	sst s10  }
0x32: {  	s10 =	sld [smem:$0x3FB6];
	_ =	sdelay $0x3  }
0x33: {  	p0 =	seq.s32 s10, $0x1;
	s10 =	sld [smem:$0x3FB8];
	_ =	sdelay $0x3  }
0x34: {  	[smem:$0x3FB8] =	sst s10  }
0x35: {  	s10 =	sld [smem:$0x3FB7];
	_ =	sdelay $0x3  }
0x36: {  	p1 =	seq.s32 s10, $0x1;
	s10 =	sld [smem:$0x3FB8];
	_ =	sdelay $0x3  }
0x37: {  	[smem:$0x3FB8] =	sst s10  }
0x38: {  	s10 =	sld [smem:$0x3FB9]  }
0x39: {  	_ = 	snop;
	(pc) =	sbr.ind lr, $3  }
0x3a: {  	_ = 	snop  }
0x3b: {  	_ = 	snop  }
0x3c: {  	p2 =	seq.s32 s10, $0x1;
	s10 =	sld [smem:$0x3FB8]  }
0x3d: {  	_ =	shalt  }
0x3e: {  	_ =	shalt  }
0x3f: {  	_ =	shalt  }
0x40: {  	_ =	shalt  }
0x41: {  	_ =	shalt  }
0x42: {  	_ =	shalt  }
0x43: {  	_ =	shalt  }
0x44: {  	_ =	shalt  }
0x45: {  	_ =	shalt  }
0x46: {  	_ =	shalt  }
0x47: {  	_ =	shalt  }
0x48: {  	_ =	shalt  }
0x49: {  	_ =	shalt  }
0x4a: {  	_ =	shalt  }
0x4b: {  	_ =	shalt  }
0x4c: {  	_ =	shalt  }
0x4d: {  	_ =	shalt  }
0x4e: {  	_ =	shalt  }
0x4f: {  	_ =	shalt  }
0x50: {  	_ =	shalt  }
0x51: {  	_ =	shalt  }
0x52: {  	_ =	shalt  }
0x53: {  	_ =	shalt  }
0x54: {  	_ =	shalt  }
0x55: {  	_ =	shalt  }
0x56: {  	_ =	shalt  }
0x57: {  	_ =	shalt  }
0x58: {  	_ =	shalt  }
0x59: {  	_ =	shalt  }
0x5a: {  	_ =	shalt  }
0x5b: {  	_ =	shalt  }
0x5c: {  	_ =	shalt  }
0x5d: {  	_ =	shalt  }
0x5e: {  	_ =	shalt  }
0x5f: {  	_ =	shalt  }
0x60: {  	_ =	shalt  }
0x61: {  	_ =	shalt  }
0x62: {  	_ =	shalt  }
0x63: {  	_ =	shalt  }
0x64: {  	_ =	shalt  }
0x65: {  	_ =	shalt  }
0x66: {  	_ =	shalt  }
0x67: {  	_ =	shalt  }
0x68: {  	_ =	shalt  }
0x69: {  	_ =	shalt  }
0x6a: {  	_ =	shalt  }
0x6b: {  	_ =	shalt  }
0x6c: {  	_ =	shalt  }
0x6d: {  	_ =	shalt  }
0x6e: {  	_ =	shalt  }
0x6f: {  	_ =	shalt  }
0x70: {  	_ =	shalt  }
0x71: {  	_ =	shalt  }
0x72: {  	_ =	shalt  }
0x73: {  	_ =	shalt  }
0x74: {  	_ =	shalt  }
0x75: {  	_ =	shalt  }
0x76: {  	_ =	shalt  }
0x77: {  	_ =	shalt  }
0x78: {  	_ =	shalt  }
0x79: {  	_ =	shalt  }
0x7a: {  	_ =	shalt  }
0x7b: {  	_ =	shalt  }
0x7c: {  	_ =	shalt  }
0x7d: {  	_ =	shalt  }
0x7e: {  	_ =	shalt  }
0x7f: {  	_ =	shalt  }
0x80: {  	_ =	shalt  }
0x81: {  	_ =	shalt  }
0x82: {  	_ =	shalt  }
0x83: {  	_ =	shalt  }
0x84: {  	_ =	shalt  }
0x85: {  	_ =	shalt  }
0x86: {  	_ =	shalt  }
0x87: {  	_ =	shalt  }
.Lfunc_end0:
.L_simem_size_0:
called_computation_lowered:
.L_overlay_start_0:
0x88: {  	s2 =	sld [smem:$0x3FD9]  }
0x89: {  	s3 =	sld [smem:$0x3FFE];
	_ =	sdelay $0x1  }
0x8a: {  	s1 =	srdreg.scid  }
0x8b: {  	s0 =	sand.u32 $0x1, s1  }
0x8c: {  	s18 =	sshll.u32 s0, $0xA;
	s2 =	sadd.s32 s3, s2  }
0x8d: {  	s2 =	sadd.s32 s2, s18  }
0x8e: {  	[smem:$0x3FC4] =	sst s2  }
0x8f: {  	_ = 	snop  }
0x90: {  	s2 =	sld [smem:$0x3FC9]  }
0x91: {  	s19 =	sld [smem:$0x3FC8]  }
0x92: {  	s4 =	sld [smem:$0x3FC7]  }
0x93: {  	s5 =	sld [smem:$0x3FC6]  }
0x94: {  	s6 =	sld [smem:$0x3FD0];
	(tm) =	ssettm $0x1  }
0x95: {  	s7 =	sld [smem:$0x3FFB];
	_ =	sdelay $0x3  }
0x96: {  	_ =	strace s7  }
0x97: {  	s7 =	sld [smem:$0x3FFC];
	_ =	sdelay $0x3  }
0x98: {  	_ =	strace s7  }
0x99: {  	s7 =	sld [smem:$0x3FFD];
	_ =	sdelay $0x3  }
0x9a: {  	_ =	strace s7  }
0x9b: {  	_ =	strace $0x8FFFFFFF  }
0x9c: {  	s20 =	sld [smem:$0x3FDB];
	_ =	sdelay $0x1  }
0x9d: {  	s8 =	simm.s32 $_scs_section_size  }
0x9e: {  	s9 =	simm.s32 $_size__tile_overlayer_lowered;
	s10 =	simm.s32 $_tile_overlayer_lowered  }
0x9f: {  	s23 =	simm.s32 $0x1BFF;
	s22 =	sshll.u32 s10, $0x1;
	s7 =	sadd.s32 s8, s20  }
0xa0: {  	s11 =	simm.s32 $0x0;
	s21 =	sshll.u32 s9, $0x1;
	s9 =	sadd.s32 s22, s7  }
0xa1: {  	[timem:s11], [sflag:s23] =	dma.local [hbm:s9], s21  }
0xa2: {  	_ =	swait.ge [sflag:s23], s21  }
0xa3: {  	s8 =	ssub.s32 $0x0, s21;
	[sflag:s23] =	ssyncset.done $0x0  }
0xa4: {  	[sflag:s23] =	ssyncadd.s32 s8;
	_ =	sdelay $0x1  }
0xa5: {  	s24 =	simm.s32 $0x1B8B  }
0xa6: {  	_ =	swait.ge [sflag:s24], $0x1  }
0xa7: {  	[sflag:s24] =	ssyncset.done $0x0  }
0xa8: {  	s25 =	simm.s32 $0x1B8E;
	[sflag:s24] =	ssyncadd.s32 $0xFFFFFFFF  }
0xa9: {  	s26 =	simm.s32 $execute0_lowered;
	[smem:$0x3FD2] =	sst s25  }
0xaa: {  	s8 =	sshll.u32 s26, $0x1;
	_ =	strace $0x80000046;
	[dreg:$0x1] =	wrdreg $0xFFFFFFFF  }
0xab: {  	s28 =	simm.s32 $_size_execute0_lowered;
	s7 =	sadd.s32 s7, s8;
	[dreg:$0x0] =	wrdreg $0x0  }
0xac: {  	s8 =	sshll.u32 s28, $0x1;
	[dreg:$0x2] =	wrdreg s7  }
0xad: {  	[dreg:$0x3] =	wrdreg s8  }
0xae: {  	[dreg:$0x4] =	wrdreg $0xC0  }
0xaf: {  	_ =	task [dreg:s11], $0x5FFFF  }
0xb0: {  	[dreg:$0x1] =	wrdreg $0xFFFFFFFF  }
0xb1: {  	[dreg:$0x0] =	wrdreg $0x60  }
0xb2: {  	[dreg:$0x2] =	wrdreg s2  }
0xb3: {  	[dreg:$0x3] =	wrdreg s19  }
0xb4: {  	[dreg:$0x4] =	wrdreg s4  }
0xb5: {  	[dreg:$0x5] =	wrdreg s5  }
0xb6: {  	[dreg:$0x6] =	wrdreg s6  }
0xb7: {  	[dreg:$0x7] =	wrdreg $0xE0000  }
0xb8: {  	[dreg:$0x8] =	wrdreg $0x9  }
0xb9: {  	_ =	task.clear_ibuf [dreg:s11], $0x9FFFF;
	_ =	strace $0x90000046  }
0xba: {  	s29 =	simm.s32 $0x9;
	_ =	strace $0x80000048  }
0xbb: {  	_ =	swait.ge [sflag:s29], $0x1  }
0xbc: {  	[sflag:s29] =	ssyncadd.s32 $0xFFFFFFFF  }
0xbd: {  	_ =	strace $0x90000048  }
0xbe: {  	_ =	sfence  }
0xbf: {  	s30 =	sld [smem:$0x0];
	_ =	sdelay $0x2  }
0xc0: {  	s31 =	sshll.u32 s1, $0xD;
	s1 =	sshrl.u32 s1, $0x2  }
0xc1: {  	s3 =	sand.u32 $0x4000, s31;
	s1 =	sadd.s32 s1, s30  }
0xc2: {  	s0 =	sor.u32 s3, s0;
	s1 =	sshll.u32 s1, $0x11  }
0xc3: {  	s0 =	sor.u32 s1, s0  }
0xc4: {  	s0 =	sadd.s32 $0x8F2B, s0  }
0xc5: {  	[sflag:s0] =	ssyncadd.remote.s32 $0x1  }
0xc6: {  	_ =	sfence.sel $0xFFFF  }
0xc7: {  	[dreg:$0x0] =	wrdreg $0xFFFFFFFF;
	(pc) =	sbr.abs _section_cstart, $3  }
0xc8: {  	[dreg:$0x1] =	wrdreg $0xFFFFFFFF  }
0xc9: {  	_ =	task.clear_ibuf [dreg:s11], $0x2FFFF;
	_ =	strace $0x9FFFFFFF  }
0xca: {  	(tm) =	ssettm $0x7FFFFFFF  }
0xcb: {  	_ =	shalt  }
tec
execute0_lowered:
.L_overlay_start_1:
0x0: {  	(tag) =	ssettag $0x1  }
0x1: {  	s4 =	rddreg [dreg:$0x0]  }
0x2: {  	s0 =	rddreg [dreg:$0x1]  }
0x3: {  	s1 =	rddreg [dreg:$0x2]  }
0x4: {  	s2 =	rddreg [dreg:$0x3]  }
0x5: {  	s5 =	srdreg.scid;
	s3 =	rddreg [dreg:$0x4];
	s6 =	simm.s32 $0x0  }
0x6: {  	s11 =	stileid.u32;
	s7 =	sand.u32 $0x1, s5;
	s5 =	rddreg [dreg:$0x5]  }
0x7: {  	[smem:$0x7FF] =	sst s6;
	s10 =	sshll.u32 s11, $0x10;
	s11 =	sshll.u32 s11, $0x11  }
0x8: {  	s8 =	ssub.s32 $0x2, s7;
	s18 =	sshll.u32 s7, $0x15;
	s12 =	sshll.u32 s7, $0x14  }
0x9: {  	s13 =	sor.u32 $0x2000, s10;
	s14 =	sor.u32 $0x4000, s10;
	s23 =	sor.u32 $0x6000, s10  }
0xa: {  	s15 =	sor.u32 $0x8000, s10;
	s17 =	sor.u32 $0xA000, s10;
	s30 =	sor.u32 $0xC000, s10  }
0xb: {  	s9 =	sshrl.u32 s8, $0x1;
	s7 =	sor.u32 s11, s18;
	s19 =	sor.u32 s10, s12  }
0xc: {  	s20 =	sor.u32 s12, s13;
	s8 =	ssub.s32 s8, s9;
	s9 =	sshrl.u32 s19, $0x3  }
0xd: {  	s22 =	sor.u32 s12, s14;
	s24 =	sor.u32 s12, s23;
	s9 =	sadd.s32 s4, s9  }
0xe: {  	s16 =	sor.u32 s12, s15;
	[dreg:$0x7] =	wrdreg s9;
	s9 =	sshrl.u32 s22, $0x3  }
0xf: {  	s26 =	sor.u32 s12, s17;
	s18 =	sor.u32 $0xE000, s10;
	s9 =	sadd.s32 s4, s9  }
0x10: {  	s31 =	sor.u32 s12, s30;
	[dreg:$0x9] =	wrdreg s9;
	s9 =	sshrl.u32 s24, $0x3  }
0x11: {  	s11 =	sshrl.u32 s20, $0x3;
	s16 =	sshrl.u32 s16, $0x3;
	s9 =	sadd.s32 s4, s9  }
0x12: {  	s21 =	sadd.s32 s4, s11;
	[dreg:$0xa] =	wrdreg s9;
	s9 =	sshrl.u32 s26, $0x3  }
0x13: {  	s12 =	sor.u32 s12, s18;
	[dreg:$0x8] =	wrdreg s21;
	s9 =	sadd.s32 s4, s9  }
0x14: {  	s25 =	sadd.s32 s4, s16;
	[dreg:$0xc] =	wrdreg s9;
	s9 =	sshrl.u32 s31, $0x3  }
0x15: {  	s12 =	sshrl.u32 s12, $0x3;
	[dreg:$0xb] =	wrdreg s25;
	s9 =	sadd.s32 s4, s9  }
0x16: {  	s4 =	sadd.s32 s4, s12;
	[dreg:$0xd] =	wrdreg s9  }
0x17: {  	[dreg:$0xe] =	wrdreg s4;
	s9 =	sadd.s32 s10, s5  }
0x18: {  	s10 =	sadd.s32 s13, s5;
	_ =	strace $0x80000047;
	[dreg:$0xf] =	wrdreg s9  }
0x19: {  	s12 =	sadd.s32 s14, s5;
	[dreg:$0x10] =	wrdreg s10  }
0x1a: {  	s13 =	sadd.s32 s23, s5;
	[dreg:$0x11] =	wrdreg s12  }
0x1b: {  	s14 =	sadd.s32 s15, s5;
	[dreg:$0x12] =	wrdreg s13  }
0x1c: {  	s15 =	sadd.s32 s17, s5;
	[dreg:$0x13] =	wrdreg s14  }
0x1d: {  	s17 =	sadd.s32 s30, s5;
	[dreg:$0x14] =	wrdreg s15  }
0x1e: {  	s19 =	sadd.s32 s18, s5;
	s20 =	sshrl.u32 s7, $0x3;
	[dreg:$0x15] =	wrdreg s17  }
0x1f: {  	s28 =	simm.s32 $0x2;
	s21 =	sadd.s32 s0, s20;
	[dreg:$0x16] =	wrdreg s19  }
0x20: {  	s29 =	simm.s32 $0x7C00;
	s22 =	sadd.s32 s1, s20;
	[dreg:$0x17] =	wrdreg s21  }
0x21: {  	s24 =	sadd.s32 s2, s20;
	s31 =	smax.u32 s8, $0x1;
	[dreg:$0x18] =	wrdreg s22  }
0x22: {  	s8 =	simm.s32 $0x0;
	s23 =	sor.u32 $0x80, s20;
	[dreg:$0x19] =	wrdreg s24  }
0x23: {  	s4 =	sadd.s32 s20, s3;
	s25 =	sadd.s32 s0, s23;
	[dreg:$0x1f] =	wrdreg s31  }
0x24: {  	s20 =	simm.s32 $0x2000;
	s26 =	sadd.s32 s1, s23;
	[dreg:$0x1a] =	wrdreg s25  }
0x25: {  	s9 =	sadd.s32 s2, s23;
	s30 =	sadd.s32 $0x3F00, s4;
	[dreg:$0x1b] =	wrdreg s26  }
0x26: {  	s4 =	sadd.s32 $0x3F80, s4;
	s10 =	sor.u32 $0xC00, s7;
	[dreg:$0x1c] =	wrdreg s9  }
0x27: {  	s12 =	simm.s32 $0x7;
	s19 =	simm.s32 $0x5;
	[dreg:$0x1d] =	wrdreg s30  }
0x28: {  	s22 =	simm.s32 $0x6;
	s24 =	simm.s32 $0xA000;
	[dreg:$0x1e] =	wrdreg s4  }
0x29: {  	s9 =	sor.u32 $0x800, s7;
	s25 =	simm.s32 $0x1;
	s26 =	simm.s32 $0x1C00  }
.LBB2_1:
0x2a: {  	[smem:$0x7FD] =	sst s8  }
0x2b: {  	s4 =	rddreg [dreg:$0x7];
	s8 =	simm.s32 $0xC000  }
0x2c: {  	[tilespmem:s8], [sflag:$0x7] =	stream.linear.gather [hbm4b:s4+s6], $0x2000, $0x38;
	[tilespmem:$0x1E000] =	vst v63  }
0x2d: {  	_ =	swait.ge [sflag:s12], $0x2000  }
0x2e: {  	[sflag:s12] =	ssyncset.done $0x0  }
0x2f: {  	s21 =	rddreg [dreg:$0xf];
	[sflag:s12] =	ssyncadd.s32 $0xFFFFE000  }
0x30: {  	[spmem:s21] =	stream.linear.scatter [tilespmem:s8], [sflag:$0x7], $0x2000, $0x38;
	[tilespmem:$0x1E000] =	vst v63  }
0x31: {  	_ =	swait.ge [sflag:s12], $0x2000  }
0x32: {  	[sflag:s12] =	ssyncset.done $0x0  }
0x33: {  	s23 =	rddreg [dreg:$0x8];
	[sflag:s12] =	ssyncadd.s32 $0xFFFFE000  }
0x34: {  	[tilespmem:s8], [sflag:$0x7] =	stream.linear.gather [hbm4b:s23+s6], $0x2000, $0x38;
	[tilespmem:$0x1E000] =	vst v63  }
0x35: {  	_ =	swait.ge [sflag:s12], $0x2000  }
0x36: {  	[sflag:s12] =	ssyncset.done $0x0  }
0x37: {  	s30 =	rddreg [dreg:$0x10];
	[sflag:s12] =	ssyncadd.s32 $0xFFFFE000  }
0x38: {  	[spmem:s30] =	stream.linear.scatter [tilespmem:s8], [sflag:$0x7], $0x2000, $0x38;
	[tilespmem:$0x1E000] =	vst v63  }
0x39: {  	_ =	swait.ge [sflag:s12], $0x2000  }
0x3a: {  	[sflag:s12] =	ssyncset.done $0x0  }
0x3b: {  	s31 =	rddreg [dreg:$0x9];
	[sflag:s12] =	ssyncadd.s32 $0xFFFFE000  }
0x3c: {  	[tilespmem:s8], [sflag:$0x7] =	stream.linear.gather [hbm4b:s31+s6], $0x2000, $0x38;
	[tilespmem:$0x1E000] =	vst v63  }
0x3d: {  	_ =	swait.ge [sflag:s12], $0x2000  }
0x3e: {  	[sflag:s12] =	ssyncset.done $0x0  }
0x3f: {  	s11 =	rddreg [dreg:$0x11];
	[sflag:s12] =	ssyncadd.s32 $0xFFFFE000  }
0x40: {  	[spmem:s11] =	stream.linear.scatter [tilespmem:s8], [sflag:$0x7], $0x2000, $0x38;
	[tilespmem:$0x1E000] =	vst v63  }
0x41: {  	_ =	swait.ge [sflag:s12], $0x2000  }
0x42: {  	[sflag:s12] =	ssyncset.done $0x0  }
0x43: {  	s13 =	rddreg [dreg:$0xa];
	[sflag:s12] =	ssyncadd.s32 $0xFFFFE000  }
0x44: {  	[tilespmem:s8], [sflag:$0x7] =	stream.linear.gather [hbm4b:s13+s6], $0x2000, $0x38;
	[tilespmem:$0x1E000] =	vst v63  }
0x45: {  	_ =	swait.ge [sflag:s12], $0x2000  }
0x46: {  	[sflag:s12] =	ssyncset.done $0x0  }
0x47: {  	s14 =	rddreg [dreg:$0x12];
	[sflag:s12] =	ssyncadd.s32 $0xFFFFE000  }
0x48: {  	[spmem:s14] =	stream.linear.scatter [tilespmem:s8], [sflag:$0x7], $0x2000, $0x38;
	[tilespmem:$0x1E000] =	vst v63  }
0x49: {  	_ =	swait.ge [sflag:s12], $0x2000  }
0x4a: {  	[sflag:s12] =	ssyncset.done $0x0  }
0x4b: {  	s15 =	rddreg [dreg:$0xb];
	[sflag:s12] =	ssyncadd.s32 $0xFFFFE000  }
0x4c: {  	[tilespmem:s8], [sflag:$0x7] =	stream.linear.gather [hbm4b:s15+s6], $0x2000, $0x38;
	[tilespmem:$0x1E000] =	vst v63  }
0x4d: {  	_ =	swait.ge [sflag:s12], $0x2000  }
0x4e: {  	[sflag:s12] =	ssyncset.done $0x0  }
0x4f: {  	s16 =	rddreg [dreg:$0x13];
	[sflag:s12] =	ssyncadd.s32 $0xFFFFE000  }
0x50: {  	[spmem:s16] =	stream.linear.scatter [tilespmem:s8], [sflag:$0x7], $0x2000, $0x38;
	[tilespmem:$0x1E000] =	vst v63  }
0x51: {  	_ =	swait.ge [sflag:s12], $0x2000  }
0x52: {  	[sflag:s12] =	ssyncset.done $0x0  }
0x53: {  	s17 =	rddreg [dreg:$0xc];
	[sflag:s12] =	ssyncadd.s32 $0xFFFFE000  }
0x54: {  	[tilespmem:s8], [sflag:$0x7] =	stream.linear.gather [hbm4b:s17+s6], $0x2000, $0x38;
	[tilespmem:$0x1E000] =	vst v63  }
0x55: {  	_ =	swait.ge [sflag:s12], $0x2000  }
0x56: {  	[sflag:s12] =	ssyncset.done $0x0  }
0x57: {  	s18 =	rddreg [dreg:$0x14];
	[sflag:s12] =	ssyncadd.s32 $0xFFFFE000  }
0x58: {  	[spmem:s18] =	stream.linear.scatter [tilespmem:s8], [sflag:$0x7], $0x2000, $0x38;
	[tilespmem:$0x1E000] =	vst v63  }
0x59: {  	_ =	swait.ge [sflag:s12], $0x2000  }
0x5a: {  	[sflag:s12] =	ssyncset.done $0x0  }
0x5b: {  	s21 =	rddreg [dreg:$0xd];
	[sflag:s12] =	ssyncadd.s32 $0xFFFFE000  }
0x5c: {  	[tilespmem:s8], [sflag:$0x7] =	stream.linear.gather [hbm4b:s21+s6], $0x2000, $0x38;
	[tilespmem:$0x1E000] =	vst v63  }
0x5d: {  	_ =	swait.ge [sflag:s12], $0x2000  }
0x5e: {  	[sflag:s12] =	ssyncset.done $0x0  }
0x5f: {  	s23 =	rddreg [dreg:$0x15];
	[sflag:s12] =	ssyncadd.s32 $0xFFFFE000  }
0x60: {  	[spmem:s23] =	stream.linear.scatter [tilespmem:s8], [sflag:$0x7], $0x2000, $0x38;
	[tilespmem:$0x1E000] =	vst v63  }
0x61: {  	_ =	swait.ge [sflag:s12], $0x2000  }
0x62: {  	[sflag:s12] =	ssyncset.done $0x0  }
0x63: {  	s30 =	rddreg [dreg:$0xe];
	[sflag:s12] =	ssyncadd.s32 $0xFFFFE000  }
0x64: {  	[tilespmem:s8], [sflag:$0x7] =	stream.linear.gather [hbm4b:s30+s6], $0x2000, $0x38;
	[tilespmem:$0x1E000] =	vst v63  }
0x65: {  	_ =	swait.ge [sflag:s12], $0x2000  }
0x66: {  	[sflag:s12] =	ssyncset.done $0x0  }
0x67: {  	s31 =	rddreg [dreg:$0x16];
	[sflag:s12] =	ssyncadd.s32 $0xFFFFE000  }
0x68: {  	[spmem:s31] =	stream.linear.scatter [tilespmem:s8], [sflag:$0x7], $0x2000, $0x38;
	[tilespmem:$0x1E000] =	vst v63  }
0x69: {  	_ =	swait.ge [sflag:s12], $0x2000  }
0x6a: {  	[sflag:s12] =	ssyncset.done $0x0  }
0x6b: {  	[sflag:s12] =	ssyncadd.s32 $0xFFFFE000  }
0x6c: {  	[bflag:$0x0] =	sbarrier.arrive $0xFFFF  }
0x6d: {  	s8 =	rddreg [dreg:$0x17]  }
0x6e: {  	[tilespmem:s6], [sflag:$0x5] =	stream.linear.gather [hbm4b:s8+s6], $0x400, $0x38;
	[tilespmem:$0x1E000] =	vst v63  }
0x6f: {  	s13 =	simm.s32 $0x400;
	s11 =	rddreg [dreg:$0x18]  }
0x70: {  	[tilespmem:s13], [sflag:$0x5] =	stream.linear.gather [hbm4b:s11+s6], $0x400, $0x38;
	[tilespmem:$0x1E000] =	vst v63  }
0x71: {  	s15 =	simm.s32 $0x800;
	s14 =	rddreg [dreg:$0x19]  }
0x72: {  	[tilespmem:s15], [sflag:$0x5] =	stream.linear.gather [hbm4b:s14+s6], $0x400, $0x38;
	[tilespmem:$0x1E000] =	vst v63  }
0x73: {  	s17 =	simm.s32 $0x6000;
	s16 =	rddreg [dreg:$0x1a]  }
0x74: {  	[tilespmem:s17], [sflag:$0x6] =	stream.linear.gather [hbm4b:s16+s6], $0x400, $0x38;
	[tilespmem:$0x1E000] =	vst v63  }
0x75: {  	s21 =	simm.s32 $0x6400;
	s18 =	rddreg [dreg:$0x1b]  }
0x76: {  	[tilespmem:s21], [sflag:$0x6] =	stream.linear.gather [hbm4b:s18+s6], $0x400, $0x38;
	[tilespmem:$0x1E000] =	vst v63  }
0x77: {  	s30 =	simm.s32 $0x6800;
	s23 =	rddreg [dreg:$0x1c]  }
0x78: {  	[tilespmem:s30], [sflag:$0x6] =	stream.linear.gather [hbm4b:s23+s6], $0x400, $0x38;
	[tilespmem:$0x1E000] =	vst v63  }
0x79: {  	_ =	swait.ge [sflag:s19], $0x400  }
0x7a: {  	[sflag:s19] =	ssyncset.done $0x0  }
0x7b: {  	[sflag:s19] =	ssyncadd.s32 $0xFFFFFC00  }
0x7c: {  	_ =	swait.ge [sflag:s19], $0x400  }
0x7d: {  	[sflag:s19] =	ssyncset.done $0x0  }
0x7e: {  	[sflag:s19] =	ssyncadd.s32 $0xFFFFFC00  }
0x7f: {  	_ =	swait.ge [sflag:s19], $0x400  }
0x80: {  	[sflag:s19] =	ssyncset.done $0x0  }
0x81: {  	s31 =	simm.s32 $0x0;
	[sflag:s19] =	ssyncadd.s32 $0xFFFFFC00  }
0x82: {  	v0 =	vld [tilespmem:s31+$0x30]  }
0x83: {  	v3 =	vld [tilespmem:s31+$0x830]  }
0x84: {  	v4 =	vld [tilespmem:s31+$0x400]  }
0x85: {  	v5 =	vld [tilespmem:s31+$0x800]  }
0x86: {  	v6 =	vld [tilespmem:s31+$0x410]  }
0x87: {  	v7 =	vld [tilespmem:s31+$0x810]  }
0x88: {  	v10 =	vld [tilespmem:s31+$0x420]  }
0x89: {  	v11 =	vld [tilespmem:s31+$0x820]  }
0x8a: {  	v12 =	vld [tilespmem:s31+$0x0]  }
0x8b: {  	v15 =	vld [tilespmem:s31+$0x10]  }
0x8c: {  	v16 =	vld [tilespmem:s31+$0x20]  }
0x8d: {  	v2 =	vld [tilespmem:s31+$0x430]  }
0x8e: {  	v0 =	vmax.f32 v0, $0.0e+00;
	v3 =	vmax.f32 v3, $0.0e+00;
	v4 =	vmax.f32 v4, $0.0e+00  }
0x8f: {  	v5 =	vmax.f32 v5, $0.0e+00;
	v6 =	vmax.f32 v6, $0.0e+00;
	v7 =	vmax.f32 v7, $0.0e+00  }
0x90: {  	v10 =	vmax.f32 v10, $0.0e+00;
	v11 =	vmax.f32 v11, $0.0e+00;
	v12 =	vmax.f32 v12, $0.0e+00  }
0x91: {  	v15 =	vmax.f32 v15, $0.0e+00;
	v16 =	vmax.f32 v16, $0.0e+00;
	v1 =	vmin.f32 v0, $1.270000000e+02  }
0x92: {  	v0 =	vmax.f32 v2, $0.0e+00;
	v18 =	vmin.f32 v4, $1.270000000e+02;
	v5 =	vmin.f32 v5, $1.270000000e+02  }
0x93: {  	v6 =	vmin.f32 v6, $1.270000000e+02;
	v7 =	vmin.f32 v7, $1.270000000e+02;
	v10 =	vmin.f32 v10, $1.270000000e+02  }
0x94: {  	v2 =	vmin.f32 v0, $1.270000000e+02;
	v0 =	vmin.f32 v3, $1.270000000e+02;
	v3 =	vtrunc.f32 v1  }
0x95: {  	v11 =	vmin.f32 v11, $1.270000000e+02;
	v19 =	vtrunc.f32 v18;
	v20 =	vtrunc.f32 v5  }
0x96: {  	v12 =	vmin.f32 v12, $1.270000000e+02;
	v21 =	vtrunc.f32 v6;
	v22 =	vtrunc.f32 v7  }
0x97: {  	v15 =	vmin.f32 v15, $1.270000000e+02;
	v23 =	vtrunc.f32 v10;
	v24 =	vtrunc.f32 v11  }
0x98: {  	v16 =	vmin.f32 v16, $1.270000000e+02;
	v26 =	vtrunc.f32 v12;
	v27 =	vtrunc.f32 v15  }
0x99: {  	s4 =	simm.s32 $0x40;
	v28 =	vtrunc.f32 v16;
	v8 =	vtrunc.f32 v2  }
0x9a: {  	v53 =	vld [tilespmem:s4+$0x810];
	v9 =	vtrunc.f32 v0;
	v3 =	vcvt.f32.s32 v3  }
0x9b: {  	v19 =	vcvt.f32.s32 v19;
	v20 =	vcvt.f32.s32 v20  }
0x9c: {  	v21 =	vcvt.f32.s32 v21;
	v22 =	vcvt.f32.s32 v22  }
0x9d: {  	v23 =	vcvt.f32.s32 v23;
	v24 =	vcvt.f32.s32 v24  }
0x9e: {  	v26 =	vcvt.f32.s32 v26;
	v27 =	vcvt.f32.s32 v27  }
0x9f: {  	v54 =	vmax.f32 v53, $0.0e+00;
	v28 =	vcvt.f32.s32 v28;
	v8 =	vcvt.f32.s32 v8  }
0xa0: {  	v9 =	vcvt.f32.s32 v9;
	vm2 =	vlt.s32 v3, $0x7E;
	vm10 =	vlt.s32 v19, $0x7E  }
0xa1: {  	vm11 =	vlt.s32 v20, $0x7E;
	vm12 =	vlt.s32 v21, $0x7E;
	vm3 =	vlt.s32 v22, $0x7E  }
0xa2: {  	vm4 =	vlt.s32 v23, $0x7E;
	vm5 =	vlt.s32 v24, $0x7E;
	vm13 =	vlt.s32 v26, $0x7E  }
0xa3: {  	vm14 =	vlt.s32 v27, $0x7E;
	vm15 =	vlt.s32 v28, $0x7E;
	vm0 =	vlt.s32 v8, $0x7E  }
0xa4: {  	vm1 =	vlt.s32 v9, $0x7E;
	v13 =	vnsel vm2, $0x7E, v3;
	v19 =	vnsel vm10, $0x7E, v19  }
0xa5: {  	v20 =	vnsel vm11, $0x7E, v20;
	v21 =	vnsel vm12, $0x7E, v21;
	v22 =	vnsel vm3, $0x7E, v22  }
0xa6: {  	v23 =	vnsel vm4, $0x7E, v23;
	v24 =	vnsel vm5, $0x7E, v24;
	v26 =	vnsel vm13, $0x7E, v26  }
0xa7: {  	v27 =	vnsel vm14, $0x7E, v27;
	v28 =	vnsel vm15, $0x7E, v28;
	v8 =	vnsel vm0, $0x7E, v8  }
0xa8: {  	v9 =	vnsel vm1, $0x7E, v9;
	v29 =	vshll.u32 v20, $0xD;
	v30 =	vshll.u32 v19, $0x7  }
0xa9: {  	v31 =	vshll.u32 v22, $0xD;
	v32 =	vshll.u32 v21, $0x7;
	v33 =	vshll.u32 v24, $0xD  }
0xaa: {  	v34 =	vshll.u32 v23, $0x7;
	v43 =	vand.u32 $0x1, v22;
	v21 =	vcvt.s32.f32 v21  }
0xab: {  	v22 =	vcvt.s32.f32 v22;
	v35 =	vand.u32 $0x1, v24;
	v24 =	vcvt.s32.f32 v24  }
0xac: {  	v3 =	vshll.u32 v9, $0xD;
	v14 =	vshll.u32 v8, $0x7;
	v17 =	vand.u32 $0x1, v9  }
0xad: {  	v29 =	vand.u32 $0xFFFFC000, v29;
	v30 =	vadd.s32 v26, v30;
	v31 =	vand.u32 $0xFFFFC000, v31;
	[tilespmem:s31+$0x1820] =	vst v35  }
0xae: {  	v3 =	vand.u32 $0xFFFFC000, v3;
	v14 =	vadd.s32 v13, v14;
	v29 =	vadd.s32 v29, v30;
	[tilespmem:s31+$0x1830] =	vst v17  }
0xaf: {  	v32 =	vadd.s32 v27, v32;
	v21 =	vsub.f32 v6, v21;
	v3 =	vadd.s32 v3, v14;
	[tilespmem:s31+$0x2000] =	vst v29  }
0xb0: {  	v14 =	vshll.u32 v17, $0xE;
	v17 =	vcvt.s32.f32 v23;
	v23 =	vadd.s32 v31, v32;
	[tilespmem:s31+$0x2030] =	vst v3  }
0xb1: {  	v19 =	vcvt.s32.f32 v19;
	v33 =	vand.u32 $0xFFFFC000, v33;
	v22 =	vsub.f32 v7, v22;
	[tilespmem:s31+$0x2010] =	vst v23  }
0xb2: {  	v26 =	vcvt.s32.f32 v26;
	v27 =	vcvt.s32.f32 v27;
	v11 =	vsub.f32 v11, v24;
	[tilespmem:s31+$0x1010] =	vst v21  }
0xb3: {  	v44 =	vcvt.s32.f32 v8;
	v9 =	vcvt.s32.f32 v9;
	v45 =	vshll.u32 v35, $0xE;
	[tilespmem:s31+$0x1410] =	vst v22  }
0xb4: {  	v13 =	vcvt.s32.f32 v13;
	v15 =	vsub.f32 v15, v27;
	v4 =	vadd.s32 v14, v3;
	[tilespmem:s31+$0x1420] =	vst v11  }
0xb5: {  	v57 =	vld [tilespmem:s4+$0x20];
	v7 =	vsub.f32 v2, v44;
	v6 =	vsub.f32 v0, v9;
	v14 =	vadd.s32 $0x81, v4;
	[tilespmem:s31+$0x2430] =	vst v4  }
0xb6: {  	v27 =	vadd.s32 $0x81, v29;
	v47 =	vadd.s32 $0x1, v23;
	v25 =	vadd.s32 $0x1, v4;
	[tilespmem:s31+$0x3C30] =	vst v14  }
0xb7: {  	v52 =	vadd.s32 $0x1, v3;
	v14 =	vadd.s32 v28, v34;
	[tilespmem:s31+$0x2C30] =	vst v25;
	v25 =	vand.u32 $0x1, v20  }
0xb8: {  	[tilespmem:s31+$0x1800] =	vst v25;
	v14 =	vadd.s32 v33, v14;
	v8 =	vshll.u32 v25, $0xE;
	v25 =	vshll.u32 v43, $0xE  }
0xb9: {  	v46 =	vadd.s32 v8, v29;
	v25 =	vadd.s32 v25, v23;
	v8 =	vsub.f32 v12, v26;
	[tilespmem:s31+$0x2020] =	vst v14  }
0xba: {  	v36 =	vadd.s32 $0x81, v3;
	v21 =	vmax.f32 v57, $0.0e+00;
	v12 =	vsub.f32 v18, v19;
	[tilespmem:s31+$0x2410] =	vst v25  }
0xbb: {  	v10 =	vsub.f32 v10, v17;
	v4 =	vadd.s32 $0x80, v4;
	v20 =	vcvt.s32.f32 v20;
	[tilespmem:s31+$0xC00] =	vst v8  }
0xbc: {  	v35 =	vmin.f32 v21, $1.270000000e+02;
	v28 =	vcvt.s32.f32 v28;
	v26 =	vadd.s32 $0x1, v25;
	[tilespmem:s31+$0x1000] =	vst v12  }
0xbd: {  	v48 =	vld [tilespmem:s4+$0x800];
	v31 =	vadd.s32 v45, v14;
	v5 =	vsub.f32 v5, v20;
	v17 =	vadd.s32 $0x80, v25;
	[tilespmem:s31+$0x2C10] =	vst v26  }
0xbe: {  	v51 =	vld [tilespmem:s4+$0x410];
	v16 =	vsub.f32 v16, v28;
	v49 =	vadd.s32 $0x1, v14;
	v9 =	vadd.s32 $0x80, v31;
	[tilespmem:s31+$0x3410] =	vst v17  }
0xbf: {  	v24 =	vld [tilespmem:s4+$0x830];
	v50 =	vadd.s32 $0x80, v14;
	v14 =	vadd.s32 $0x81, v14;
	v18 =	vadd.s32 $0x1, v46;
	[tilespmem:s31+$0x3420] =	vst v9  }
0xc0: {  	v55 =	vld [tilespmem:s4+$0x0];
	v19 =	vadd.s32 $0x80, v46;
	v8 =	vsub.f32 v1, v13;
	v13 =	vadd.s32 $0x81, v25;
	[tilespmem:s31+$0x1400] =	vst v5  }
0xc1: {  	v2 =	vld [tilespmem:s4+$0x430];
	v20 =	vadd.s32 $0x81, v46;
	v0 =	vadd.s32 $0x1, v31;
	v12 =	vadd.s32 $0x81, v31;
	[tilespmem:s31+$0x3C10] =	vst v13  }
0xc2: {  	s11 =	sand.u32 $0x3C0, s6;
	v1 =	vld [tilespmem:s4+$0x30];
	v25 =	vadd.s32 $0x1, v29;
	v26 =	vadd.s32 $0x80, v29;
	v9 =	vadd.s32 $0x80, v3;
	[tilespmem:s31+$0x3C20] =	vst v12  }
0xc3: {  	v17 =	vld [tilespmem:s4+$0x400];
	v13 =	vadd.s32 $0x80, v23;
	v23 =	vadd.s32 $0x81, v23;
	[tilespmem:s11+$0x2C00] =	vst v18;
	v18 =	vmax.f32 v48, $0.0e+00  }
0xc4: {  	v3 =	vld [tilespmem:s4+$0x420];
	v12 =	vmax.f32 v24, $0.0e+00;
	[tilespmem:s11+$0x3400] =	vst v19;
	v19 =	vmax.f32 v51, $0.0e+00;
	v18 =	vmin.f32 v18, $1.270000000e+02  }
0xc5: {  	v37 =	vmin.f32 v19, $1.270000000e+02;
	v19 =	vmax.f32 v55, $0.0e+00;
	[tilespmem:s31+$0x3810] =	vst v23;
	v23 =	vtrunc.f32 v35  }
0xc6: {  	v24 =	vld [tilespmem:s4+$0x820];
	[tilespmem:s31+$0x3010] =	vst v13;
	v13 =	vmin.f32 v19, $1.270000000e+02;
	v19 =	vtrunc.f32 v18;
	v22 =	vtrunc.f32 v37  }
0xc7: {  	v29 =	vmin.f32 v54, $1.270000000e+02;
	[tilespmem:s31+$0xC20] =	vst v16;
	v16 =	vcvt.f32.s32 v19;
	v19 =	vcvt.f32.s32 v22  }
0xc8: {  	[tilespmem:s31+$0x2C20] =	vst v0;
	v11 =	vtrunc.f32 v13;
	v0 =	vmax.f32 v1, $0.0e+00;
	v1 =	vmax.f32 v2, $0.0e+00  }
0xc9: {  	[tilespmem:s11+$0x3C00] =	vst v20;
	v5 =	vmax.f32 v17, $0.0e+00;
	v20 =	vmax.f32 v3, $0.0e+00;
	v11 =	vcvt.f32.s32 v11  }
0xca: {  	v0 =	vmin.f32 v0, $1.270000000e+02;
	v2 =	vmin.f32 v1, $1.270000000e+02;
	v1 =	vmin.f32 v12, $1.270000000e+02  }
0xcb: {  	[tilespmem:s11+$0x3800] =	vst v27;
	v24 =	vmax.f32 v24, $0.0e+00;
	v27 =	vmin.f32 v5, $1.270000000e+02;
	v58 =	vmin.f32 v20, $1.270000000e+02  }
0xcc: {  	[tilespmem:s31+$0x3430] =	vst v4;
	vm8 =	vlt.s32 v16, $0x7E;
	vm9 =	vlt.s32 v19, $0x7E;
	v4 =	vtrunc.f32 v0  }
0xcd: {  	v12 =	vtrunc.f32 v2;
	v17 =	vtrunc.f32 v1;
	v5 =	vmin.f32 v24, $1.270000000e+02  }
0xce: {  	[tilespmem:s31+$0x3820] =	vst v14;
	v20 =	vtrunc.f32 v27;
	v14 =	vnsel vm8, $0x7E, v16;
	v12 =	vcvt.f32.s32 v12  }
0xcf: {  	[tilespmem:s31+$0x1810] =	vst v43;
	v16 =	vnsel vm9, $0x7E, v19;
	v17 =	vcvt.f32.s32 v17;
	v4 =	vcvt.f32.s32 v4  }
0xd0: {  	[tilespmem:s31+$0xC10] =	vst v15;
	vm13 =	vlt.s32 v11, $0x7E;
	v20 =	vcvt.f32.s32 v20;
	v21 =	vtrunc.f32 v5  }
0xd1: {  	[tilespmem:s31+$0x1430] =	vst v6;
	v6 =	vshll.u32 v14, $0xD;
	v19 =	vshll.u32 v16, $0x7;
	v11 =	vnsel vm13, $0x7E, v11  }
0xd2: {  	[tilespmem:s31+$0x2810] =	vst v47;
	v61 =	vand.u32 $0x1, v14;
	v14 =	vcvt.s32.f32 v14;
	v63 =	vcvt.s32.f32 v16  }
0xd3: {  	[tilespmem:s31+$0x1030] =	vst v7;
	vm4 =	vlt.s32 v12, $0x7E;
	vm5 =	vlt.s32 v17, $0x7E;
	vm6 =	vlt.s32 v4, $0x7E  }
0xd4: {  	[tilespmem:s31+$0x2830] =	vst v52;
	vm7 =	vlt.s32 v20, $0x7E;
	v12 =	vnsel vm4, $0x7E, v12;
	v56 =	vnsel vm5, $0x7E, v17  }
0xd5: {  	[tilespmem:s11+$0x2800] =	vst v25;
	v17 =	vld [tilespmem:s4+$0x10];
	v25 =	vnsel vm6, $0x7E, v4;
	v3 =	vshll.u32 v56, $0xD;
	v4 =	vshll.u32 v12, $0x7  }
0xd6: {  	[tilespmem:s11+$0x3000] =	vst v26;
	v26 =	vand.u32 $0x1, v56;
	v3 =	vand.u32 $0xFFFFC000, v3;
	v4 =	vadd.s32 v25, v4  }
0xd7: {  	[tilespmem:s31+$0x3830] =	vst v36;
	v20 =	vnsel vm7, $0x7E, v20;
	v3 =	vadd.s32 v3, v4;
	v4 =	vshll.u32 v26, $0xE  }
0xd8: {  	[tilespmem:s31+$0x1020] =	vst v10;
	v7 =	vshll.u32 v20, $0x7;
	v60 =	vcvt.s32.f32 v20;
	v4 =	vadd.s32 v4, v3  }
0xd9: {  	[tilespmem:s31+$0x2420] =	vst v31;
	v7 =	vadd.s32 v11, v7;
	v11 =	vcvt.s32.f32 v11;
	v15 =	vadd.s32 $0x81, v4  }
0xda: {  	v17 =	vmax.f32 v17, $0.0e+00;
	v22 =	vadd.s32 $0x1, v4;
	[tilespmem:s4+$0x3C30] =	vst v15;
	v15 =	vtrunc.f32 v29  }
0xdb: {  	v59 =	vmin.f32 v17, $1.270000000e+02;
	v17 =	vtrunc.f32 v58;
	[tilespmem:s4+$0x2C30] =	vst v22;
	v22 =	vcvt.f32.s32 v23  }
0xdc: {  	[tilespmem:s31+$0x2820] =	vst v49;
	v6 =	vand.u32 $0xFFFFC000, v6;
	v10 =	vcvt.f32.s32 v15;
	v15 =	vcvt.f32.s32 v17  }
0xdd: {  	[tilespmem:s31+$0x3020] =	vst v50;
	v20 =	vadd.s32 v6, v7;
	v17 =	vcvt.f32.s32 v21;
	v21 =	vtrunc.f32 v59  }
0xde: {  	[tilespmem:s11+$0x2400] =	vst v46;
	v7 =	vshll.u32 v61, $0xE;
	v21 =	vcvt.f32.s32 v21;
	vm15 =	vlt.s32 v22, $0x7E  }
0xdf: {  	[tilespmem:s31+$0x3030] =	vst v9;
	vm10 =	vlt.s32 v10, $0x7E;
	vm11 =	vlt.s32 v15, $0x7E;
	vm12 =	vlt.s32 v17, $0x7E  }
0xe0: {  	[tilespmem:s31+$0xC30] =	vst v8;
	v22 =	vnsel vm15, $0x7E, v22;
	v8 =	vnsel vm10, $0x7E, v10;
	v10 =	vnsel vm11, $0x7E, v15  }
0xe1: {  	[tilespmem:s4+$0x1800] =	vst v61;
	v15 =	vnsel vm12, $0x7E, v17;
	vm14 =	vlt.s32 v21, $0x7E;
	v6 =	vcvt.s32.f32 v22  }
0xe2: {  	[tilespmem:s4+$0x1830] =	vst v26;
	v17 =	vshll.u32 v8, $0xD;
	v23 =	vshll.u32 v15, $0xD;
	v24 =	vshll.u32 v10, $0x7  }
0xe3: {  	[tilespmem:s4+$0x2030] =	vst v3;
	v21 =	vnsel vm14, $0x7E, v21;
	v38 =	vcvt.s32.f32 v8;
	v16 =	vand.u32 $0x1, v15  }
0xe4: {  	[tilespmem:s4+$0x2000] =	vst v20;
	v39 =	vcvt.s32.f32 v10;
	v10 =	vcvt.s32.f32 v12;
	v9 =	vand.u32 $0xFFFFC000, v17  }
0xe5: {  	[tilespmem:s4+$0x2430] =	vst v4;
	v17 =	vadd.s32 v21, v19;
	v23 =	vand.u32 $0xFFFFC000, v23;
	v24 =	vadd.s32 v22, v24  }
0xe6: {  	v62 =	vcvt.s32.f32 v21;
	v21 =	vand.u32 $0x1, v8;
	[tilespmem:s4+$0x1820] =	vst v16;
	v22 =	vcvt.s32.f32 v15  }
0xe7: {  	v8 =	vcvt.s32.f32 v56;
	v16 =	vshll.u32 v16, $0xE;
	[tilespmem:s4+$0x1810] =	vst v21;
	v19 =	vadd.s32 v9, v17  }
0xe8: {  	v15 =	vadd.s32 v7, v20;
	v7 =	vsub.f32 v13, v11;
	v17 =	vadd.s32 v23, v24;
	[tilespmem:s4+$0x2010] =	vst v19  }
0xe9: {  	v13 =	vsub.f32 v27, v60;
	v9 =	vcvt.s32.f32 v25;
	v12 =	vshll.u32 v21, $0xE;
	[tilespmem:s4+$0x2020] =	vst v17  }
0xea: {  	v24 =	vsub.f32 v18, v14;
	v21 =	vadd.s32 $0x80, v15;
	v23 =	vadd.s32 $0x81, v15;
	[tilespmem:s4+$0xC00] =	vst v7  }
0xeb: {  	v18 =	vsub.f32 v37, v63;
	v11 =	vsub.f32 v29, v38;
	v26 =	vadd.s32 v12, v19;
	[tilespmem:s4+$0x1000] =	vst v13  }
0xec: {  	v25 =	vadd.s32 v16, v17;
	v16 =	vadd.s32 $0x1, v15;
	v12 =	vsub.f32 v59, v62;
	[tilespmem:s4+$0x2410] =	vst v26  }
0xed: {  	s8 =	simm.s32 $0x0;
	s13 =	simm.s32 $0x200;
	s11 =	simm.s32 $0x4;
	v7 =	vsub.f32 v35, v6;
	v6 =	vsub.f32 v58, v39;
	[tilespmem:s4+$0x2420] =	vst v25;
	v13 =	vadd.s32 $0x1, v26  }
.LBB2_2:
0xee: {  	s14 =	sshra.s32 s13, $0x2;
	[tilespmem:s4+$0x2C10] =	vst v13;
	v13 =	vadd.s32 $0x80, v26;
	v22 =	vsub.f32 v5, v22;
	v9 =	vsub.f32 v0, v9  }
0xef: {  	v5 =	vadd.s32 $0x81, v26;
	v10 =	vsub.f32 v2, v10;
	v8 =	vsub.f32 v1, v8;
	v0 =	vld [tilespmem:s14+$0x30];
	[tilespmem:s4+$0x3410] =	vst v13  }
0xf0: {  	s11 =	sadd.s32 $0x4, s11;
	v2 =	vadd.s32 $0x1, v25;
	v13 =	vadd.s32 $0x81, v25;
	v1 =	vld [tilespmem:s14+$0x430];
	[tilespmem:s4+$0x3C10] =	vst v5;
	v5 =	vadd.s32 $0x80, v25  }
0xf1: {  	v26 =	vadd.s32 $0x80, v20;
	p0 =	slt.u32 s11, $0x3C;
	v25 =	vadd.s32 $0x1, v20;
	v14 =	vld [tilespmem:s14+$0x830];
	[tilespmem:s4+$0x2C20] =	vst v2;
	v2 =	vadd.s32 $0x80, v4  }
0xf2: {  	v27 =	vadd.s32 $0x81, v20;
	v28 =	vadd.s32 $0x1, v19;
	v29 =	vadd.s32 $0x80, v19;
	v4 =	vld [tilespmem:s14+$0x400];
	[tilespmem:s4+$0x3420] =	vst v5  }
0xf3: {  	v30 =	vadd.s32 $0x81, v19;
	v31 =	vadd.s32 $0x1, v17;
	v32 =	vadd.s32 $0x80, v17;
	v5 =	vld [tilespmem:s14+$0x800];
	[tilespmem:s4+$0x3C20] =	vst v13  }
0xf4: {  	v33 =	vadd.s32 $0x81, v17;
	v17 =	vadd.s32 $0x80, v3;
	s8 =	sadd.s32 $0x40, s8;
	v20 =	vadd.s32 $0x1, v3;
	v13 =	vld [tilespmem:s14+$0x410];
	[tilespmem:s4+$0x3430] =	vst v2  }
0xf5: {  	v19 =	vadd.s32 $0x81, v3;
	s15 =	sand.u32 $0x3C0, s8;
	v0 =	vmax.f32 v0, $0.0e+00;
	v34 =	vld [tilespmem:s14+$0x810];
	[tilespmem:s4+$0x1400] =	vst v24  }
0xf6: {  	v0 =	vmin.f32 v0, $1.270000000e+02;
	v1 =	vmax.f32 v1, $0.0e+00;
	v3 =	vld [tilespmem:s14+$0x420];
	v14 =	vmax.f32 v14, $0.0e+00;
	[tilespmem:s15+$0x2C00] =	vst v16  }
0xf7: {  	v2 =	vmin.f32 v1, $1.270000000e+02;
	v24 =	vld [tilespmem:s14+$0x820];
	v1 =	vmin.f32 v14, $1.270000000e+02;
	v14 =	vtrunc.f32 v0;
	[tilespmem:s15+$0x3400] =	vst v21  }
0xf8: {  	v4 =	vmax.f32 v4, $0.0e+00;
	v16 =	vtrunc.f32 v2;
	v35 =	vld [tilespmem:s14+$0x0];
	v21 =	vtrunc.f32 v1;
	[tilespmem:s15+$0x3C00] =	vst v23  }
0xf9: {  	v5 =	vmax.f32 v5, $0.0e+00;
	v16 =	vcvt.f32.s32 v16;
	v23 =	vld [tilespmem:s14+$0x10];
	v21 =	vcvt.f32.s32 v21;
	[tilespmem:s15+$0x2400] =	vst v15  }
0xfa: {  	v14 =	vcvt.f32.s32 v14;
	v13 =	vmax.f32 v13, $0.0e+00;
	v34 =	vmax.f32 v34, $0.0e+00;
	v36 =	vld [tilespmem:s14+$0x20];
	[tilespmem:s15+$0x2800] =	vst v25  }
0xfb: {  	vm0 =	vlt.s32 v16, $0x7E;
	v25 =	vmax.f32 v3, $0.0e+00;
	vm1 =	vlt.s32 v21, $0x7E;
	[tilespmem:s15+$0x3000] =	vst v26  }
0xfc: {  	vm2 =	vlt.s32 v14, $0x7E;
	v15 =	vnsel vm0, $0x7E, v16;
	v16 =	vnsel vm1, $0x7E, v21;
	[tilespmem:s15+$0x3800] =	vst v27  }
0xfd: {  	v21 =	vnsel vm2, $0x7E, v14;
	v14 =	vshll.u32 v15, $0x7;
	v3 =	vshll.u32 v16, $0xD;
	[tilespmem:s4+$0xC10] =	vst v12  }
0xfe: {  	v26 =	vand.u32 $0x1, v16;
	v12 =	vadd.s32 v21, v14;
	v3 =	vand.u32 $0xFFFFC000, v3;
	[tilespmem:s4+$0x1010] =	vst v18  }
0xff: {  	v24 =	vmax.f32 v24, $0.0e+00;
	v14 =	vshll.u32 v26, $0xE;
	v3 =	vadd.s32 v3, v12;
	[tilespmem:s4+$0x1410] =	vst v11  }
0x100: {  	v18 =	vmin.f32 v4, $1.270000000e+02;
	v12 =	vmin.f32 v5, $1.270000000e+02;
	v4 =	vadd.s32 v14, v3;
	[tilespmem:s4+$0x2810] =	vst v28  }
0x101: {  	v11 =	vmin.f32 v13, $1.270000000e+02;
	v13 =	vmin.f32 v34, $1.270000000e+02;
	v27 =	vadd.s32 $0x81, v4;
	[tilespmem:s4+$0x3010] =	vst v29  }
0x102: {  	v5 =	vmin.f32 v24, $1.270000000e+02;
	v28 =	vmax.f32 v35, $0.0e+00;
	v14 =	vmin.f32 v25, $1.270000000e+02;
	[tilespmem:s14+$0x3C30] =	vst v27  }
0x103: {  	v23 =	vmax.f32 v23, $0.0e+00;
	v24 =	vtrunc.f32 v18;
	v25 =	vmax.f32 v36, $0.0e+00;
	[tilespmem:s4+$0x3810] =	vst v30  }
0x104: {  	v29 =	vtrunc.f32 v11;
	v27 =	vmin.f32 v28, $1.270000000e+02;
	v28 =	vtrunc.f32 v12;
	[tilespmem:s4+$0xC20] =	vst v7  }
0x105: {  	v30 =	vtrunc.f32 v14;
	v7 =	vmin.f32 v23, $1.270000000e+02;
	v23 =	vtrunc.f32 v13;
	[tilespmem:s4+$0x1020] =	vst v6  }
0x106: {  	v24 =	vcvt.f32.s32 v24;
	v6 =	vmin.f32 v25, $1.270000000e+02;
	v25 =	vtrunc.f32 v5;
	[tilespmem:s4+$0x1420] =	vst v22  }
0x107: {  	v22 =	vcvt.f32.s32 v28;
	v28 =	vcvt.f32.s32 v29;
	v29 =	vadd.s32 $0x1, v4;
	[tilespmem:s4+$0x2820] =	vst v31  }
0x108: {  	vm0 =	vlt.s32 v24, $0x7E;
	v30 =	vcvt.f32.s32 v30;
	v23 =	vcvt.f32.s32 v23;
	[tilespmem:s14+$0x2C30] =	vst v29  }
0x109: {  	v25 =	vcvt.f32.s32 v25;
	v29 =	vtrunc.f32 v27;
	vm1 =	vlt.s32 v22, $0x7E;
	[tilespmem:s4+$0x3020] =	vst v32  }
0x10a: {  	v31 =	vtrunc.f32 v7;
	vm2 =	vlt.s32 v28, $0x7E;
	v32 =	vtrunc.f32 v6;
	[tilespmem:s4+$0x3820] =	vst v33  }
0x10b: {  	vm3 =	vlt.s32 v23, $0x7E;
	v31 =	vcvt.f32.s32 v31;
	v29 =	vcvt.f32.s32 v29;
	[tilespmem:s4+$0xC30] =	vst v9  }
0x10c: {  	vm4 =	vlt.s32 v30, $0x7E;
	vm5 =	vlt.s32 v25, $0x7E;
	v9 =	vcvt.f32.s32 v32;
	[tilespmem:s4+$0x1030] =	vst v10  }
0x10d: {  	v22 =	vnsel vm1, $0x7E, v22;
	v10 =	vnsel vm0, $0x7E, v24;
	v24 =	vnsel vm2, $0x7E, v28;
	[tilespmem:s4+$0x1430] =	vst v8  }
0x10e: {  	v25 =	vnsel vm5, $0x7E, v25;
	v8 =	vnsel vm3, $0x7E, v23;
	v23 =	vnsel vm4, $0x7E, v30;
	[tilespmem:s14+$0x2430] =	vst v4  }
0x10f: {  	vm1 =	vlt.s32 v31, $0x7E;
	vm0 =	vlt.s32 v29, $0x7E;
	vm2 =	vlt.s32 v9, $0x7E;
	[tilespmem:s4+$0x2830] =	vst v20  }
0x110: {  	v28 =	vshll.u32 v10, $0x7;
	v30 =	vshll.u32 v8, $0xD;
	v20 =	vshll.u32 v22, $0xD;
	[tilespmem:s4+$0x3030] =	vst v17  }
0x111: {  	v32 =	vshll.u32 v25, $0xD;
	v33 =	vshll.u32 v23, $0x7;
	v17 =	vshll.u32 v24, $0x7;
	[tilespmem:s4+$0x3830] =	vst v19;
	s4 =	smov.u32 s14  }
0x112: {  	v9 =	vnsel vm2, $0x7E, v9;
	v19 =	vnsel vm0, $0x7E, v29;
	v29 =	vnsel vm1, $0x7E, v31;
	[tilespmem:s4+$0x2030] =	vst v3  }
0x113: {  	v30 =	vand.u32 $0xFFFFC000, v30;
	v20 =	vand.u32 $0xFFFFC000, v20;
	v28 =	vadd.s32 v19, v28;
	[tilespmem:s4+$0x1830] =	vst v26  }
0x114: {  	v31 =	vadd.s32 v9, v33;
	v17 =	vadd.s32 v29, v17;
	v26 =	vand.u32 $0xFFFFC000, v32  }
0x115: {  	v34 =	vand.u32 $0x1, v22;
	v33 =	vcvt.s32.f32 v10;
	v32 =	vcvt.s32.f32 v19  }
0x116: {  	v35 =	vcvt.s32.f32 v22;
	v36 =	vand.u32 $0x1, v8;
	v29 =	vcvt.s32.f32 v29;
	[tilespmem:s4+$0x1800] =	vst v34  }
0x117: {  	v37 =	vcvt.s32.f32 v24;
	v38 =	vcvt.s32.f32 v8;
	v24 =	vand.u32 $0x1, v25;
	[tilespmem:s4+$0x1810] =	vst v36  }
0x118: {  	v39 =	vcvt.s32.f32 v23;
	v20 =	vadd.s32 v20, v28;
	v28 =	vcvt.s32.f32 v9;
	[tilespmem:s4+$0x1820] =	vst v24  }
0x119: {  	v22 =	vcvt.s32.f32 v25;
	v19 =	vadd.s32 v30, v17;
	v9 =	vcvt.s32.f32 v21;
	[tilespmem:s4+$0x2000] =	vst v20  }
0x11a: {  	v8 =	vcvt.s32.f32 v16;
	v10 =	vcvt.s32.f32 v15;
	v17 =	vadd.s32 v26, v31;
	[tilespmem:s4+$0x2010] =	vst v19  }
0x11b: {  	v16 =	vshll.u32 v36, $0xE;
	v15 =	vshll.u32 v34, $0xE;
	v21 =	vshll.u32 v24, $0xE;
	[tilespmem:s4+$0x2020] =	vst v17  }
.Ltmp0:
0x11c: {  	v15 =	vadd.s32 v15, v20;
	v26 =	vadd.s32 v16, v19;
	v25 =	vadd.s32 v21, v17;
	(pc) =	sbr.rel @p0 .LBB2_2-.Ltmp0, $4  }
0x11d: {  	v23 =	vsub.f32 v27, v32;
	v27 =	vsub.f32 v18, v33;
	v16 =	vadd.s32 $0x1, v15;
	[tilespmem:s4+$0x2410] =	vst v26  }
0x11e: {  	v21 =	vadd.s32 $0x80, v15;
	v24 =	vsub.f32 v12, v35;
	v12 =	vsub.f32 v7, v29;
	[tilespmem:s4+$0x2420] =	vst v25  }
0x11f: {  	v18 =	vsub.f32 v11, v37;
	v11 =	vsub.f32 v13, v38;
	[tilespmem:s4+$0xC00] =	vst v23;
	v23 =	vadd.s32 $0x81, v15  }
0x120: {  	s13 =	sadd.s32 $0x100, s13;
	v13 =	vadd.s32 $0x1, v26;
	v7 =	vsub.f32 v6, v28;
	v6 =	vsub.f32 v14, v39;
	[tilespmem:s4+$0x1000] =	vst v27  }
0x121: {  	[tilespmem:s4+$0x2C10] =	vst v13  }
0x122: {  	[tilespmem:s4+$0x1400] =	vst v24  }
0x123: {  	[tilespmem:s4+$0xC10] =	vst v12  }
0x124: {  	[tilespmem:s4+$0x1010] =	vst v18  }
0x125: {  	v47 =	vadd.s32 $0x80, v26;
	[tilespmem:s4+$0x1410] =	vst v11  }
0x126: {  	v48 =	vadd.s32 $0x81, v26;
	[tilespmem:s4+$0x3410] =	vst v47  }
0x127: {  	v49 =	vadd.s32 $0x1, v25;
	[tilespmem:s4+$0x3C10] =	vst v48  }
0x128: {  	v14 =	vadd.s32 $0x80, v25;
	[tilespmem:s4+$0x2C20] =	vst v49  }
0x129: {  	v50 =	vadd.s32 $0x81, v25;
	[tilespmem:s4+$0x3420] =	vst v14  }
0x12a: {  	v4 =	vadd.s32 $0x80, v4;
	[tilespmem:s4+$0x3C20] =	vst v50  }
0x12b: {  	v54 =	vadd.s32 $0x1, v19;
	[tilespmem:s4+$0x3430] =	vst v4  }
0x12c: {  	v55 =	vadd.s32 $0x80, v19;
	[tilespmem:s4+$0x2810] =	vst v54  }
0x12d: {  	v56 =	vadd.s32 $0x81, v19;
	[tilespmem:s4+$0x3010] =	vst v55  }
0x12e: {  	[tilespmem:s4+$0x3810] =	vst v56  }
0x12f: {  	[tilespmem:s4+$0xC20] =	vst v7  }
0x130: {  	v58 =	vadd.s32 $0x1, v17;
	[tilespmem:s4+$0x1020] =	vst v6  }
0x131: {  	v59 =	vadd.s32 $0x80, v17;
	[tilespmem:s4+$0x2820] =	vst v58  }
0x132: {  	v60 =	vadd.s32 $0x81, v17;
	[tilespmem:s4+$0x3020] =	vst v59  }
0x133: {  	v61 =	vadd.s32 $0x1, v3;
	[tilespmem:s4+$0x3820] =	vst v60  }
0x134: {  	v62 =	vadd.s32 $0x80, v3;
	[tilespmem:s4+$0x2830] =	vst v61  }
0x135: {  	s8 =	sadd.s32 $0x40, s8;
	v63 =	vadd.s32 $0x81, v3;
	[tilespmem:s4+$0x3030] =	vst v62  }
0x136: {  	s8 =	sand.u32 $0x3C0, s8;
	[tilespmem:s4+$0x3830] =	vst v63  }
0x137: {  	[tilespmem:s8+$0x2C00] =	vst v16  }
0x138: {  	[tilespmem:s8+$0x3400] =	vst v21  }
0x139: {  	[tilespmem:s8+$0x3C00] =	vst v23  }
0x13a: {  	v51 =	vadd.s32 $0x1, v20;
	[tilespmem:s8+$0x2400] =	vst v15  }
0x13b: {  	v52 =	vadd.s32 $0x80, v20;
	[tilespmem:s8+$0x2800] =	vst v51  }
0x13c: {  	v53 =	vadd.s32 $0x81, v20;
	v57 =	vsub.f32 v5, v22;
	[tilespmem:s8+$0x3000] =	vst v52  }
0x13d: {  	v0 =	vsub.f32 v0, v9;
	[tilespmem:s8+$0x3800] =	vst v53  }
0x13e: {  	v2 =	vsub.f32 v2, v10;
	[tilespmem:s4+$0x1420] =	vst v57  }
0x13f: {  	v1 =	vsub.f32 v1, v8;
	[tilespmem:s4+$0xC30] =	vst v0  }
0x140: {  	[tilespmem:s4+$0x1030] =	vst v2  }
0x141: {  	s31 =	simm.s32 $0x4000;
	[tilespmem:s4+$0x1430] =	vst v1;
	s4 =	simm.s32 $0x0;
	s8 =	simm.s32 $0x0  }
0x142: {  	[tilespmem:s31], [sflag:$0x1] =	stream.indirect.gather [spmem:s5], $0x1, s20, s20, $0xb8;
	[tilespmem:$0x1E000] =	vst v63  }
.LBB2_4:
0x143: {  	s30 =	sshll.u32 s8, $0xB  }
0x144: {  	s11 =	sadd.s32 s30, s9  }
0x145: {  	s11 =	sshrl.u32 s11, $0x3  }
0x146: {  	s13 =	sadd.s32 s0, s11  }
0x147: {  	[tilespmem:s4], [sflag:$0x5] =	stream.linear.gather [hbm4b:s13+s4], $0x400, $0x38;
	[tilespmem:$0x1E000] =	vst v63  }
0x148: {  	s14 =	simm.s32 $0x400;
	s18 =	sadd.s32 s1, s11  }
0x149: {  	[tilespmem:s14], [sflag:$0x5] =	stream.linear.gather [hbm4b:s18+s4], $0x400, $0x38;
	[tilespmem:$0x1E000] =	vst v63  }
0x14a: {  	s21 =	simm.s32 $0x800;
	s11 =	sadd.s32 s2, s11  }
0x14b: {  	[tilespmem:s21], [sflag:$0x5] =	stream.linear.gather [hbm4b:s11+s4], $0x400, $0x38;
	[tilespmem:$0x1E000] =	vst v63  }
0x14c: {  	_ =	swait.ge [sflag:s22], $0x400  }
0x14d: {  	[sflag:s22] =	ssyncset.done $0x0  }
0x14e: {  	[sflag:s22] =	ssyncadd.s32 $0xFFFFFC00  }
0x14f: {  	_ =	swait.ge [sflag:s22], $0x400  }
0x150: {  	[sflag:s22] =	ssyncset.done $0x0  }
0x151: {  	[sflag:s22] =	ssyncadd.s32 $0xFFFFFC00  }
0x152: {  	_ =	swait.ge [sflag:s22], $0x400  }
0x153: {  	[sflag:s22] =	ssyncset.done $0x0  }
0x154: {  	s23 =	simm.s32 $0x0;
	[sflag:s22] =	ssyncadd.s32 $0xFFFFFC00  }
0x155: {  	v0 =	vld [tilespmem:s23+$0x6030]  }
0x156: {  	v3 =	vld [tilespmem:s23+$0x6830]  }
0x157: {  	v4 =	vld [tilespmem:s23+$0x6400]  }
0x158: {  	v5 =	vld [tilespmem:s23+$0x6800]  }
0x159: {  	v6 =	vld [tilespmem:s23+$0x6410]  }
0x15a: {  	v7 =	vld [tilespmem:s23+$0x6810]  }
0x15b: {  	v10 =	vld [tilespmem:s23+$0x6420]  }
0x15c: {  	v11 =	vld [tilespmem:s23+$0x6820]  }
0x15d: {  	v12 =	vld [tilespmem:s23+$0x6000]  }
0x15e: {  	v15 =	vld [tilespmem:s23+$0x6010]  }
0x15f: {  	v16 =	vld [tilespmem:s23+$0x6020]  }
0x160: {  	v2 =	vld [tilespmem:s23+$0x6430]  }
0x161: {  	v0 =	vmax.f32 v0, $0.0e+00;
	v3 =	vmax.f32 v3, $0.0e+00;
	v4 =	vmax.f32 v4, $0.0e+00  }
0x162: {  	v5 =	vmax.f32 v5, $0.0e+00;
	v6 =	vmax.f32 v6, $0.0e+00;
	v7 =	vmax.f32 v7, $0.0e+00  }
0x163: {  	v10 =	vmax.f32 v10, $0.0e+00;
	v11 =	vmax.f32 v11, $0.0e+00;
	v12 =	vmax.f32 v12, $0.0e+00  }
0x164: {  	v15 =	vmax.f32 v15, $0.0e+00;
	v16 =	vmax.f32 v16, $0.0e+00;
	v1 =	vmin.f32 v0, $1.270000000e+02  }
0x165: {  	v0 =	vmax.f32 v2, $0.0e+00;
	v18 =	vmin.f32 v4, $1.270000000e+02;
	v5 =	vmin.f32 v5, $1.270000000e+02  }
0x166: {  	v6 =	vmin.f32 v6, $1.270000000e+02;
	v7 =	vmin.f32 v7, $1.270000000e+02;
	v10 =	vmin.f32 v10, $1.270000000e+02  }
0x167: {  	v2 =	vmin.f32 v0, $1.270000000e+02;
	v0 =	vmin.f32 v3, $1.270000000e+02;
	v3 =	vtrunc.f32 v1  }
0x168: {  	v11 =	vmin.f32 v11, $1.270000000e+02;
	v19 =	vtrunc.f32 v18;
	v20 =	vtrunc.f32 v5  }
0x169: {  	v12 =	vmin.f32 v12, $1.270000000e+02;
	v21 =	vtrunc.f32 v6;
	v22 =	vtrunc.f32 v7  }
0x16a: {  	v15 =	vmin.f32 v15, $1.270000000e+02;
	v23 =	vtrunc.f32 v10;
	v24 =	vtrunc.f32 v11  }
0x16b: {  	v16 =	vmin.f32 v16, $1.270000000e+02;
	v26 =	vtrunc.f32 v12;
	v27 =	vtrunc.f32 v15  }
0x16c: {  	s13 =	simm.s32 $0x40;
	v28 =	vtrunc.f32 v16;
	v8 =	vtrunc.f32 v2  }
0x16d: {  	v53 =	vld [tilespmem:s13+$0x6810];
	v9 =	vtrunc.f32 v0;
	v3 =	vcvt.f32.s32 v3  }
0x16e: {  	v19 =	vcvt.f32.s32 v19;
	v20 =	vcvt.f32.s32 v20  }
0x16f: {  	v21 =	vcvt.f32.s32 v21;
	v22 =	vcvt.f32.s32 v22  }
0x170: {  	v23 =	vcvt.f32.s32 v23;
	v24 =	vcvt.f32.s32 v24  }
0x171: {  	v26 =	vcvt.f32.s32 v26;
	v27 =	vcvt.f32.s32 v27  }
0x172: {  	v54 =	vmax.f32 v53, $0.0e+00;
	v28 =	vcvt.f32.s32 v28;
	v8 =	vcvt.f32.s32 v8  }
0x173: {  	v9 =	vcvt.f32.s32 v9;
	vm2 =	vlt.s32 v3, $0x7E;
	vm10 =	vlt.s32 v19, $0x7E  }
0x174: {  	vm11 =	vlt.s32 v20, $0x7E;
	vm12 =	vlt.s32 v21, $0x7E;
	vm3 =	vlt.s32 v22, $0x7E  }
0x175: {  	vm4 =	vlt.s32 v23, $0x7E;
	vm5 =	vlt.s32 v24, $0x7E;
	vm13 =	vlt.s32 v26, $0x7E  }
0x176: {  	vm14 =	vlt.s32 v27, $0x7E;
	vm15 =	vlt.s32 v28, $0x7E;
	vm0 =	vlt.s32 v8, $0x7E  }
0x177: {  	vm1 =	vlt.s32 v9, $0x7E;
	v13 =	vnsel vm2, $0x7E, v3;
	v19 =	vnsel vm10, $0x7E, v19  }
0x178: {  	v20 =	vnsel vm11, $0x7E, v20;
	v21 =	vnsel vm12, $0x7E, v21;
	v22 =	vnsel vm3, $0x7E, v22  }
0x179: {  	v23 =	vnsel vm4, $0x7E, v23;
	v24 =	vnsel vm5, $0x7E, v24;
	v26 =	vnsel vm13, $0x7E, v26  }
0x17a: {  	v27 =	vnsel vm14, $0x7E, v27;
	v28 =	vnsel vm15, $0x7E, v28;
	v8 =	vnsel vm0, $0x7E, v8  }
0x17b: {  	v9 =	vnsel vm1, $0x7E, v9;
	v29 =	vshll.u32 v20, $0xD;
	v30 =	vshll.u32 v19, $0x7  }
0x17c: {  	v31 =	vshll.u32 v22, $0xD;
	v32 =	vshll.u32 v21, $0x7;
	v33 =	vshll.u32 v24, $0xD  }
0x17d: {  	v34 =	vshll.u32 v23, $0x7;
	v43 =	vand.u32 $0x1, v22;
	v21 =	vcvt.s32.f32 v21  }
0x17e: {  	v22 =	vcvt.s32.f32 v22;
	v35 =	vand.u32 $0x1, v24;
	v24 =	vcvt.s32.f32 v24  }
0x17f: {  	v3 =	vshll.u32 v9, $0xD;
	v14 =	vshll.u32 v8, $0x7;
	v17 =	vand.u32 $0x1, v9  }
0x180: {  	v29 =	vand.u32 $0xFFFFC000, v29;
	v30 =	vadd.s32 v26, v30;
	v31 =	vand.u32 $0xFFFFC000, v31;
	[tilespmem:s23+$0x7820] =	vst v35  }
0x181: {  	v3 =	vand.u32 $0xFFFFC000, v3;
	v14 =	vadd.s32 v13, v14;
	v29 =	vadd.s32 v29, v30;
	[tilespmem:s23+$0x7830] =	vst v17  }
0x182: {  	v32 =	vadd.s32 v27, v32;
	v21 =	vsub.f32 v6, v21;
	v3 =	vadd.s32 v3, v14;
	[tilespmem:s23+$0x8000] =	vst v29  }
0x183: {  	v14 =	vshll.u32 v17, $0xE;
	v17 =	vcvt.s32.f32 v23;
	v23 =	vadd.s32 v31, v32;
	[tilespmem:s23+$0x8030] =	vst v3  }
0x184: {  	v19 =	vcvt.s32.f32 v19;
	v33 =	vand.u32 $0xFFFFC000, v33;
	v22 =	vsub.f32 v7, v22;
	[tilespmem:s23+$0x8010] =	vst v23  }
0x185: {  	v26 =	vcvt.s32.f32 v26;
	v27 =	vcvt.s32.f32 v27;
	v11 =	vsub.f32 v11, v24;
	[tilespmem:s23+$0x7010] =	vst v21  }
0x186: {  	v44 =	vcvt.s32.f32 v8;
	v9 =	vcvt.s32.f32 v9;
	v45 =	vshll.u32 v35, $0xE;
	[tilespmem:s23+$0x7410] =	vst v22  }
0x187: {  	v13 =	vcvt.s32.f32 v13;
	v15 =	vsub.f32 v15, v27;
	v4 =	vadd.s32 v14, v3;
	[tilespmem:s23+$0x7420] =	vst v11  }
0x188: {  	v57 =	vld [tilespmem:s13+$0x6020];
	v7 =	vsub.f32 v2, v44;
	v6 =	vsub.f32 v0, v9;
	v14 =	vadd.s32 $0x81, v4;
	[tilespmem:s23+$0x8430] =	vst v4  }
0x189: {  	v27 =	vadd.s32 $0x81, v29;
	v47 =	vadd.s32 $0x1, v23;
	v25 =	vadd.s32 $0x1, v4;
	[tilespmem:s23+$0x9C30] =	vst v14  }
0x18a: {  	v52 =	vadd.s32 $0x1, v3;
	v14 =	vadd.s32 v28, v34;
	[tilespmem:s23+$0x8C30] =	vst v25;
	v25 =	vand.u32 $0x1, v20  }
0x18b: {  	[tilespmem:s23+$0x7800] =	vst v25;
	v14 =	vadd.s32 v33, v14;
	v8 =	vshll.u32 v25, $0xE;
	v25 =	vshll.u32 v43, $0xE  }
0x18c: {  	v46 =	vadd.s32 v8, v29;
	v25 =	vadd.s32 v25, v23;
	v8 =	vsub.f32 v12, v26;
	[tilespmem:s23+$0x8020] =	vst v14  }
0x18d: {  	v36 =	vadd.s32 $0x81, v3;
	v21 =	vmax.f32 v57, $0.0e+00;
	v12 =	vsub.f32 v18, v19;
	[tilespmem:s23+$0x8410] =	vst v25  }
0x18e: {  	v10 =	vsub.f32 v10, v17;
	v4 =	vadd.s32 $0x80, v4;
	v20 =	vcvt.s32.f32 v20;
	[tilespmem:s23+$0x6C00] =	vst v8  }
0x18f: {  	v35 =	vmin.f32 v21, $1.270000000e+02;
	v28 =	vcvt.s32.f32 v28;
	v26 =	vadd.s32 $0x1, v25;
	[tilespmem:s23+$0x7000] =	vst v12  }
0x190: {  	v48 =	vld [tilespmem:s13+$0x6800];
	v31 =	vadd.s32 v45, v14;
	v5 =	vsub.f32 v5, v20;
	v17 =	vadd.s32 $0x80, v25;
	[tilespmem:s23+$0x8C10] =	vst v26  }
0x191: {  	v51 =	vld [tilespmem:s13+$0x6410];
	v16 =	vsub.f32 v16, v28;
	v49 =	vadd.s32 $0x1, v14;
	v9 =	vadd.s32 $0x80, v31;
	[tilespmem:s23+$0x9410] =	vst v17  }
0x192: {  	v24 =	vld [tilespmem:s13+$0x6830];
	v50 =	vadd.s32 $0x80, v14;
	v14 =	vadd.s32 $0x81, v14;
	v18 =	vadd.s32 $0x1, v46;
	[tilespmem:s23+$0x9420] =	vst v9  }
0x193: {  	v55 =	vld [tilespmem:s13+$0x6000];
	v19 =	vadd.s32 $0x80, v46;
	v8 =	vsub.f32 v1, v13;
	v13 =	vadd.s32 $0x81, v25;
	[tilespmem:s23+$0x7400] =	vst v5  }
0x194: {  	v2 =	vld [tilespmem:s13+$0x6430];
	v20 =	vadd.s32 $0x81, v46;
	v0 =	vadd.s32 $0x1, v31;
	v12 =	vadd.s32 $0x81, v31;
	[tilespmem:s23+$0x9C10] =	vst v13  }
0x195: {  	s31 =	sand.u32 $0x3C0, s4;
	v1 =	vld [tilespmem:s13+$0x6030];
	v25 =	vadd.s32 $0x1, v29;
	v26 =	vadd.s32 $0x80, v29;
	v9 =	vadd.s32 $0x80, v3;
	[tilespmem:s23+$0x9C20] =	vst v12  }
0x196: {  	v17 =	vld [tilespmem:s13+$0x6400];
	v13 =	vadd.s32 $0x80, v23;
	v23 =	vadd.s32 $0x81, v23;
	[tilespmem:s31+$0x8C00] =	vst v18;
	v18 =	vmax.f32 v48, $0.0e+00  }
0x197: {  	v3 =	vld [tilespmem:s13+$0x6420];
	v12 =	vmax.f32 v24, $0.0e+00;
	[tilespmem:s31+$0x9400] =	vst v19;
	v19 =	vmax.f32 v51, $0.0e+00;
	v18 =	vmin.f32 v18, $1.270000000e+02  }
0x198: {  	v37 =	vmin.f32 v19, $1.270000000e+02;
	v19 =	vmax.f32 v55, $0.0e+00;
	[tilespmem:s23+$0x9810] =	vst v23;
	v23 =	vtrunc.f32 v35  }
0x199: {  	v24 =	vld [tilespmem:s13+$0x6820];
	[tilespmem:s23+$0x9010] =	vst v13;
	v13 =	vmin.f32 v19, $1.270000000e+02;
	v19 =	vtrunc.f32 v18;
	v22 =	vtrunc.f32 v37  }
0x19a: {  	v29 =	vmin.f32 v54, $1.270000000e+02;
	[tilespmem:s23+$0x6C20] =	vst v16;
	v16 =	vcvt.f32.s32 v19;
	v19 =	vcvt.f32.s32 v22  }
0x19b: {  	[tilespmem:s23+$0x8C20] =	vst v0;
	v11 =	vtrunc.f32 v13;
	v0 =	vmax.f32 v1, $0.0e+00;
	v1 =	vmax.f32 v2, $0.0e+00  }
0x19c: {  	[tilespmem:s31+$0x9C00] =	vst v20;
	v5 =	vmax.f32 v17, $0.0e+00;
	v20 =	vmax.f32 v3, $0.0e+00;
	v11 =	vcvt.f32.s32 v11  }
0x19d: {  	v0 =	vmin.f32 v0, $1.270000000e+02;
	v2 =	vmin.f32 v1, $1.270000000e+02;
	v1 =	vmin.f32 v12, $1.270000000e+02  }
0x19e: {  	[tilespmem:s31+$0x9800] =	vst v27;
	v24 =	vmax.f32 v24, $0.0e+00;
	v27 =	vmin.f32 v5, $1.270000000e+02;
	v58 =	vmin.f32 v20, $1.270000000e+02  }
0x19f: {  	[tilespmem:s23+$0x9430] =	vst v4;
	vm8 =	vlt.s32 v16, $0x7E;
	vm9 =	vlt.s32 v19, $0x7E;
	v4 =	vtrunc.f32 v0  }
0x1a0: {  	v12 =	vtrunc.f32 v2;
	v17 =	vtrunc.f32 v1;
	v5 =	vmin.f32 v24, $1.270000000e+02  }
0x1a1: {  	[tilespmem:s23+$0x9820] =	vst v14;
	v20 =	vtrunc.f32 v27;
	v14 =	vnsel vm8, $0x7E, v16;
	v12 =	vcvt.f32.s32 v12  }
0x1a2: {  	[tilespmem:s23+$0x7810] =	vst v43;
	v16 =	vnsel vm9, $0x7E, v19;
	v17 =	vcvt.f32.s32 v17;
	v4 =	vcvt.f32.s32 v4  }
0x1a3: {  	[tilespmem:s23+$0x6C10] =	vst v15;
	vm13 =	vlt.s32 v11, $0x7E;
	v20 =	vcvt.f32.s32 v20;
	v21 =	vtrunc.f32 v5  }
0x1a4: {  	[tilespmem:s23+$0x7430] =	vst v6;
	v6 =	vshll.u32 v14, $0xD;
	v19 =	vshll.u32 v16, $0x7;
	v11 =	vnsel vm13, $0x7E, v11  }
0x1a5: {  	[tilespmem:s23+$0x8810] =	vst v47;
	v61 =	vand.u32 $0x1, v14;
	v14 =	vcvt.s32.f32 v14;
	v63 =	vcvt.s32.f32 v16  }
0x1a6: {  	[tilespmem:s23+$0x7030] =	vst v7;
	vm4 =	vlt.s32 v12, $0x7E;
	vm5 =	vlt.s32 v17, $0x7E;
	vm6 =	vlt.s32 v4, $0x7E  }
0x1a7: {  	[tilespmem:s23+$0x8830] =	vst v52;
	vm7 =	vlt.s32 v20, $0x7E;
	v12 =	vnsel vm4, $0x7E, v12;
	v56 =	vnsel vm5, $0x7E, v17  }
0x1a8: {  	[tilespmem:s31+$0x8800] =	vst v25;
	v17 =	vld [tilespmem:s13+$0x6010];
	v25 =	vnsel vm6, $0x7E, v4;
	v3 =	vshll.u32 v56, $0xD;
	v4 =	vshll.u32 v12, $0x7  }
0x1a9: {  	[tilespmem:s31+$0x9000] =	vst v26;
	v26 =	vand.u32 $0x1, v56;
	v3 =	vand.u32 $0xFFFFC000, v3;
	v4 =	vadd.s32 v25, v4  }
0x1aa: {  	[tilespmem:s23+$0x9830] =	vst v36;
	v20 =	vnsel vm7, $0x7E, v20;
	v3 =	vadd.s32 v3, v4;
	v4 =	vshll.u32 v26, $0xE  }
0x1ab: {  	[tilespmem:s23+$0x7020] =	vst v10;
	v7 =	vshll.u32 v20, $0x7;
	v60 =	vcvt.s32.f32 v20;
	v4 =	vadd.s32 v4, v3  }
0x1ac: {  	[tilespmem:s23+$0x8420] =	vst v31;
	v7 =	vadd.s32 v11, v7;
	v11 =	vcvt.s32.f32 v11;
	v15 =	vadd.s32 $0x81, v4  }
0x1ad: {  	v17 =	vmax.f32 v17, $0.0e+00;
	v22 =	vadd.s32 $0x1, v4;
	[tilespmem:s13+$0x9C30] =	vst v15;
	v15 =	vtrunc.f32 v29  }
0x1ae: {  	v59 =	vmin.f32 v17, $1.270000000e+02;
	v17 =	vtrunc.f32 v58;
	[tilespmem:s13+$0x8C30] =	vst v22;
	v22 =	vcvt.f32.s32 v23  }
0x1af: {  	[tilespmem:s23+$0x8820] =	vst v49;
	v6 =	vand.u32 $0xFFFFC000, v6;
	v10 =	vcvt.f32.s32 v15;
	v15 =	vcvt.f32.s32 v17  }
0x1b0: {  	[tilespmem:s23+$0x9020] =	vst v50;
	v20 =	vadd.s32 v6, v7;
	v17 =	vcvt.f32.s32 v21;
	v21 =	vtrunc.f32 v59  }
0x1b1: {  	[tilespmem:s31+$0x8400] =	vst v46;
	v7 =	vshll.u32 v61, $0xE;
	v21 =	vcvt.f32.s32 v21;
	vm15 =	vlt.s32 v22, $0x7E  }
0x1b2: {  	[tilespmem:s23+$0x9030] =	vst v9;
	vm10 =	vlt.s32 v10, $0x7E;
	vm11 =	vlt.s32 v15, $0x7E;
	vm12 =	vlt.s32 v17, $0x7E  }
0x1b3: {  	[tilespmem:s23+$0x6C30] =	vst v8;
	v22 =	vnsel vm15, $0x7E, v22;
	v8 =	vnsel vm10, $0x7E, v10;
	v10 =	vnsel vm11, $0x7E, v15  }
0x1b4: {  	[tilespmem:s13+$0x7800] =	vst v61;
	v15 =	vnsel vm12, $0x7E, v17;
	vm14 =	vlt.s32 v21, $0x7E;
	v6 =	vcvt.s32.f32 v22  }
0x1b5: {  	[tilespmem:s13+$0x7830] =	vst v26;
	v17 =	vshll.u32 v8, $0xD;
	v23 =	vshll.u32 v15, $0xD;
	v24 =	vshll.u32 v10, $0x7  }
0x1b6: {  	[tilespmem:s13+$0x8030] =	vst v3;
	v21 =	vnsel vm14, $0x7E, v21;
	v38 =	vcvt.s32.f32 v8;
	v16 =	vand.u32 $0x1, v15  }
0x1b7: {  	[tilespmem:s13+$0x8000] =	vst v20;
	v39 =	vcvt.s32.f32 v10;
	v10 =	vcvt.s32.f32 v12;
	v9 =	vand.u32 $0xFFFFC000, v17  }
0x1b8: {  	[tilespmem:s13+$0x8430] =	vst v4;
	v17 =	vadd.s32 v21, v19;
	v23 =	vand.u32 $0xFFFFC000, v23;
	v24 =	vadd.s32 v22, v24  }
0x1b9: {  	v62 =	vcvt.s32.f32 v21;
	v21 =	vand.u32 $0x1, v8;
	[tilespmem:s13+$0x7820] =	vst v16;
	v22 =	vcvt.s32.f32 v15  }
0x1ba: {  	v8 =	vcvt.s32.f32 v56;
	v16 =	vshll.u32 v16, $0xE;
	[tilespmem:s13+$0x7810] =	vst v21;
	v19 =	vadd.s32 v9, v17  }
0x1bb: {  	v15 =	vadd.s32 v7, v20;
	v7 =	vsub.f32 v13, v11;
	v17 =	vadd.s32 v23, v24;
	[tilespmem:s13+$0x8010] =	vst v19  }
0x1bc: {  	v13 =	vsub.f32 v27, v60;
	v9 =	vcvt.s32.f32 v25;
	v12 =	vshll.u32 v21, $0xE;
	[tilespmem:s13+$0x8020] =	vst v17  }
0x1bd: {  	v24 =	vsub.f32 v18, v14;
	v21 =	vadd.s32 $0x80, v15;
	v23 =	vadd.s32 $0x81, v15;
	[tilespmem:s13+$0x6C00] =	vst v7  }
0x1be: {  	v18 =	vsub.f32 v37, v63;
	v11 =	vsub.f32 v29, v38;
	v26 =	vadd.s32 v12, v19;
	[tilespmem:s13+$0x7000] =	vst v13  }
0x1bf: {  	v25 =	vadd.s32 v16, v17;
	v16 =	vadd.s32 $0x1, v15;
	v12 =	vsub.f32 v59, v62;
	[tilespmem:s13+$0x8410] =	vst v26  }
0x1c0: {  	s15 =	simm.s32 $0x200;
	s14 =	simm.s32 $0x4;
	s11 =	simm.s32 $0x0;
	v7 =	vsub.f32 v35, v6;
	v6 =	vsub.f32 v58, v39;
	[tilespmem:s13+$0x8420] =	vst v25;
	v13 =	vadd.s32 $0x1, v26  }
.LBB2_5:
0x1c1: {  	s16 =	sshra.s32 s15, $0x2;
	[tilespmem:s13+$0x8C10] =	vst v13;
	v13 =	vadd.s32 $0x80, v26;
	v22 =	vsub.f32 v5, v22;
	v9 =	vsub.f32 v0, v9  }
0x1c2: {  	v5 =	vadd.s32 $0x81, v26;
	v10 =	vsub.f32 v2, v10;
	v8 =	vsub.f32 v1, v8;
	v0 =	vld [tilespmem:s16+$0x6030];
	[tilespmem:s13+$0x9410] =	vst v13  }
0x1c3: {  	s14 =	sadd.s32 $0x4, s14;
	v2 =	vadd.s32 $0x1, v25;
	v13 =	vadd.s32 $0x81, v25;
	v1 =	vld [tilespmem:s16+$0x6430];
	[tilespmem:s13+$0x9C10] =	vst v5;
	v5 =	vadd.s32 $0x80, v25  }
0x1c4: {  	v26 =	vadd.s32 $0x80, v20;
	p0 =	slt.u32 s14, $0x3C;
	v25 =	vadd.s32 $0x1, v20;
	v14 =	vld [tilespmem:s16+$0x6830];
	[tilespmem:s13+$0x8C20] =	vst v2;
	v2 =	vadd.s32 $0x80, v4  }
0x1c5: {  	v27 =	vadd.s32 $0x81, v20;
	v28 =	vadd.s32 $0x1, v19;
	v29 =	vadd.s32 $0x80, v19;
	v4 =	vld [tilespmem:s16+$0x6400];
	[tilespmem:s13+$0x9420] =	vst v5  }
0x1c6: {  	v30 =	vadd.s32 $0x81, v19;
	v31 =	vadd.s32 $0x1, v17;
	v32 =	vadd.s32 $0x80, v17;
	v5 =	vld [tilespmem:s16+$0x6800];
	[tilespmem:s13+$0x9C20] =	vst v13  }
0x1c7: {  	v33 =	vadd.s32 $0x81, v17;
	v17 =	vadd.s32 $0x80, v3;
	s11 =	sadd.s32 $0x40, s11;
	v20 =	vadd.s32 $0x1, v3;
	v13 =	vld [tilespmem:s16+$0x6410];
	[tilespmem:s13+$0x9430] =	vst v2  }
0x1c8: {  	v19 =	vadd.s32 $0x81, v3;
	s17 =	sand.u32 $0x3C0, s11;
	v0 =	vmax.f32 v0, $0.0e+00;
	v34 =	vld [tilespmem:s16+$0x6810];
	[tilespmem:s13+$0x7400] =	vst v24  }
0x1c9: {  	v0 =	vmin.f32 v0, $1.270000000e+02;
	v1 =	vmax.f32 v1, $0.0e+00;
	v3 =	vld [tilespmem:s16+$0x6420];
	v14 =	vmax.f32 v14, $0.0e+00;
	[tilespmem:s17+$0x8C00] =	vst v16  }
0x1ca: {  	v2 =	vmin.f32 v1, $1.270000000e+02;
	v24 =	vld [tilespmem:s16+$0x6820];
	v1 =	vmin.f32 v14, $1.270000000e+02;
	v14 =	vtrunc.f32 v0;
	[tilespmem:s17+$0x9400] =	vst v21  }
0x1cb: {  	v4 =	vmax.f32 v4, $0.0e+00;
	v16 =	vtrunc.f32 v2;
	v35 =	vld [tilespmem:s16+$0x6000];
	v21 =	vtrunc.f32 v1;
	[tilespmem:s17+$0x9C00] =	vst v23  }
0x1cc: {  	v5 =	vmax.f32 v5, $0.0e+00;
	v16 =	vcvt.f32.s32 v16;
	v23 =	vld [tilespmem:s16+$0x6010];
	v21 =	vcvt.f32.s32 v21;
	[tilespmem:s17+$0x8400] =	vst v15  }
0x1cd: {  	v14 =	vcvt.f32.s32 v14;
	v13 =	vmax.f32 v13, $0.0e+00;
	v34 =	vmax.f32 v34, $0.0e+00;
	v36 =	vld [tilespmem:s16+$0x6020];
	[tilespmem:s17+$0x8800] =	vst v25  }
0x1ce: {  	vm0 =	vlt.s32 v16, $0x7E;
	v25 =	vmax.f32 v3, $0.0e+00;
	vm1 =	vlt.s32 v21, $0x7E;
	[tilespmem:s17+$0x9000] =	vst v26  }
0x1cf: {  	vm2 =	vlt.s32 v14, $0x7E;
	v15 =	vnsel vm0, $0x7E, v16;
	v16 =	vnsel vm1, $0x7E, v21;
	[tilespmem:s17+$0x9800] =	vst v27  }
0x1d0: {  	v21 =	vnsel vm2, $0x7E, v14;
	v14 =	vshll.u32 v15, $0x7;
	v3 =	vshll.u32 v16, $0xD;
	[tilespmem:s13+$0x6C10] =	vst v12  }
0x1d1: {  	v26 =	vand.u32 $0x1, v16;
	v12 =	vadd.s32 v21, v14;
	v3 =	vand.u32 $0xFFFFC000, v3;
	[tilespmem:s13+$0x7010] =	vst v18  }
0x1d2: {  	v24 =	vmax.f32 v24, $0.0e+00;
	v14 =	vshll.u32 v26, $0xE;
	v3 =	vadd.s32 v3, v12;
	[tilespmem:s13+$0x7410] =	vst v11  }
0x1d3: {  	v18 =	vmin.f32 v4, $1.270000000e+02;
	v12 =	vmin.f32 v5, $1.270000000e+02;
	v4 =	vadd.s32 v14, v3;
	[tilespmem:s13+$0x8810] =	vst v28  }
0x1d4: {  	v11 =	vmin.f32 v13, $1.270000000e+02;
	v13 =	vmin.f32 v34, $1.270000000e+02;
	v27 =	vadd.s32 $0x81, v4;
	[tilespmem:s13+$0x9010] =	vst v29  }
0x1d5: {  	v5 =	vmin.f32 v24, $1.270000000e+02;
	v28 =	vmax.f32 v35, $0.0e+00;
	v14 =	vmin.f32 v25, $1.270000000e+02;
	[tilespmem:s16+$0x9C30] =	vst v27  }
0x1d6: {  	v23 =	vmax.f32 v23, $0.0e+00;
	v24 =	vtrunc.f32 v18;
	v25 =	vmax.f32 v36, $0.0e+00;
	[tilespmem:s13+$0x9810] =	vst v30  }
0x1d7: {  	v29 =	vtrunc.f32 v11;
	v27 =	vmin.f32 v28, $1.270000000e+02;
	v28 =	vtrunc.f32 v12;
	[tilespmem:s13+$0x6C20] =	vst v7  }
0x1d8: {  	v30 =	vtrunc.f32 v14;
	v7 =	vmin.f32 v23, $1.270000000e+02;
	v23 =	vtrunc.f32 v13;
	[tilespmem:s13+$0x7020] =	vst v6  }
0x1d9: {  	v24 =	vcvt.f32.s32 v24;
	v6 =	vmin.f32 v25, $1.270000000e+02;
	v25 =	vtrunc.f32 v5;
	[tilespmem:s13+$0x7420] =	vst v22  }
0x1da: {  	v22 =	vcvt.f32.s32 v28;
	v28 =	vcvt.f32.s32 v29;
	v29 =	vadd.s32 $0x1, v4;
	[tilespmem:s13+$0x8820] =	vst v31  }
0x1db: {  	vm0 =	vlt.s32 v24, $0x7E;
	v30 =	vcvt.f32.s32 v30;
	v23 =	vcvt.f32.s32 v23;
	[tilespmem:s16+$0x8C30] =	vst v29  }
0x1dc: {  	v25 =	vcvt.f32.s32 v25;
	v29 =	vtrunc.f32 v27;
	vm1 =	vlt.s32 v22, $0x7E;
	[tilespmem:s13+$0x9020] =	vst v32  }
0x1dd: {  	v31 =	vtrunc.f32 v7;
	vm2 =	vlt.s32 v28, $0x7E;
	v32 =	vtrunc.f32 v6;
	[tilespmem:s13+$0x9820] =	vst v33  }
0x1de: {  	vm3 =	vlt.s32 v23, $0x7E;
	v31 =	vcvt.f32.s32 v31;
	v29 =	vcvt.f32.s32 v29;
	[tilespmem:s13+$0x6C30] =	vst v9  }
0x1df: {  	vm4 =	vlt.s32 v30, $0x7E;
	vm5 =	vlt.s32 v25, $0x7E;
	v9 =	vcvt.f32.s32 v32;
	[tilespmem:s13+$0x7030] =	vst v10  }
0x1e0: {  	v22 =	vnsel vm1, $0x7E, v22;
	v10 =	vnsel vm0, $0x7E, v24;
	v24 =	vnsel vm2, $0x7E, v28;
	[tilespmem:s13+$0x7430] =	vst v8  }
0x1e1: {  	v25 =	vnsel vm5, $0x7E, v25;
	v8 =	vnsel vm3, $0x7E, v23;
	v23 =	vnsel vm4, $0x7E, v30;
	[tilespmem:s16+$0x8430] =	vst v4  }
0x1e2: {  	vm1 =	vlt.s32 v31, $0x7E;
	vm0 =	vlt.s32 v29, $0x7E;
	vm2 =	vlt.s32 v9, $0x7E;
	[tilespmem:s13+$0x8830] =	vst v20  }
0x1e3: {  	v28 =	vshll.u32 v10, $0x7;
	v30 =	vshll.u32 v8, $0xD;
	v20 =	vshll.u32 v22, $0xD;
	[tilespmem:s13+$0x9030] =	vst v17  }
0x1e4: {  	v32 =	vshll.u32 v25, $0xD;
	v33 =	vshll.u32 v23, $0x7;
	v17 =	vshll.u32 v24, $0x7;
	[tilespmem:s13+$0x9830] =	vst v19;
	s13 =	smov.u32 s16  }
0x1e5: {  	v9 =	vnsel vm2, $0x7E, v9;
	v19 =	vnsel vm0, $0x7E, v29;
	v29 =	vnsel vm1, $0x7E, v31;
	[tilespmem:s13+$0x8030] =	vst v3  }
0x1e6: {  	v30 =	vand.u32 $0xFFFFC000, v30;
	v20 =	vand.u32 $0xFFFFC000, v20;
	v28 =	vadd.s32 v19, v28;
	[tilespmem:s13+$0x7830] =	vst v26  }
0x1e7: {  	v31 =	vadd.s32 v9, v33;
	v17 =	vadd.s32 v29, v17;
	v26 =	vand.u32 $0xFFFFC000, v32  }
0x1e8: {  	v34 =	vand.u32 $0x1, v22;
	v33 =	vcvt.s32.f32 v10;
	v32 =	vcvt.s32.f32 v19  }
0x1e9: {  	v35 =	vcvt.s32.f32 v22;
	v36 =	vand.u32 $0x1, v8;
	v29 =	vcvt.s32.f32 v29;
	[tilespmem:s13+$0x7800] =	vst v34  }
0x1ea: {  	v37 =	vcvt.s32.f32 v24;
	v38 =	vcvt.s32.f32 v8;
	v24 =	vand.u32 $0x1, v25;
	[tilespmem:s13+$0x7810] =	vst v36  }
0x1eb: {  	v39 =	vcvt.s32.f32 v23;
	v20 =	vadd.s32 v20, v28;
	v28 =	vcvt.s32.f32 v9;
	[tilespmem:s13+$0x7820] =	vst v24  }
0x1ec: {  	v22 =	vcvt.s32.f32 v25;
	v19 =	vadd.s32 v30, v17;
	v9 =	vcvt.s32.f32 v21;
	[tilespmem:s13+$0x8000] =	vst v20  }
0x1ed: {  	v8 =	vcvt.s32.f32 v16;
	v10 =	vcvt.s32.f32 v15;
	v17 =	vadd.s32 v26, v31;
	[tilespmem:s13+$0x8010] =	vst v19  }
0x1ee: {  	v16 =	vshll.u32 v36, $0xE;
	v15 =	vshll.u32 v34, $0xE;
	v21 =	vshll.u32 v24, $0xE;
	[tilespmem:s13+$0x8020] =	vst v17  }
.Ltmp1:
0x1ef: {  	v15 =	vadd.s32 v15, v20;
	v26 =	vadd.s32 v16, v19;
	v25 =	vadd.s32 v21, v17;
	(pc) =	sbr.rel @p0 .LBB2_5-.Ltmp1, $4  }
0x1f0: {  	v23 =	vsub.f32 v27, v32;
	v27 =	vsub.f32 v18, v33;
	v16 =	vadd.s32 $0x1, v15;
	[tilespmem:s13+$0x8410] =	vst v26  }
0x1f1: {  	v21 =	vadd.s32 $0x80, v15;
	v24 =	vsub.f32 v12, v35;
	v12 =	vsub.f32 v7, v29;
	[tilespmem:s13+$0x8420] =	vst v25  }
0x1f2: {  	v18 =	vsub.f32 v11, v37;
	v11 =	vsub.f32 v13, v38;
	[tilespmem:s13+$0x6C00] =	vst v23;
	v23 =	vadd.s32 $0x81, v15  }
0x1f3: {  	s15 =	sadd.s32 $0x100, s15;
	v13 =	vadd.s32 $0x1, v26;
	v7 =	vsub.f32 v6, v28;
	v6 =	vsub.f32 v14, v39;
	[tilespmem:s13+$0x7000] =	vst v27  }
0x1f4: {  	[tilespmem:s13+$0x8C10] =	vst v13  }
0x1f5: {  	[tilespmem:s13+$0x7400] =	vst v24  }
0x1f6: {  	[tilespmem:s13+$0x6C10] =	vst v12  }
0x1f7: {  	[tilespmem:s13+$0x7010] =	vst v18  }
0x1f8: {  	v13 =	vadd.s32 $0x80, v26;
	[tilespmem:s13+$0x7410] =	vst v11  }
0x1f9: {  	v14 =	vadd.s32 $0x80, v25;
	[tilespmem:s13+$0x9410] =	vst v13  }
0x1fa: {  	v4 =	vadd.s32 $0x80, v4;
	[tilespmem:s13+$0x9420] =	vst v14  }
0x1fb: {  	v11 =	vadd.s32 $0x80, v19;
	[tilespmem:s13+$0x9430] =	vst v4  }
0x1fc: {  	[tilespmem:s13+$0x9010] =	vst v11  }
0x1fd: {  	[tilespmem:s13+$0x6C20] =	vst v7  }
0x1fe: {  	s11 =	sadd.s32 $0x40, s11;
	v13 =	vadd.s32 $0x81, v26;
	[tilespmem:s13+$0x7020] =	vst v6  }
0x1ff: {  	s11 =	sand.u32 $0x3C0, s11;
	[tilespmem:s13+$0x9C10] =	vst v13  }
0x200: {  	[tilespmem:s11+$0x8C00] =	vst v16  }
0x201: {  	[tilespmem:s11+$0x9400] =	vst v21  }
0x202: {  	[tilespmem:s11+$0x9C00] =	vst v23  }
0x203: {  	v0 =	vsub.f32 v0, v9;
	v4 =	vadd.s32 $0x1, v20;
	[tilespmem:s11+$0x8400] =	vst v15  }
0x204: {  	v2 =	vsub.f32 v2, v10;
	[tilespmem:s11+$0x8800] =	vst v4  }
0x205: {  	v1 =	vsub.f32 v1, v8;
	[tilespmem:s13+$0x6C30] =	vst v0  }
0x206: {  	[tilespmem:s13+$0x7030] =	vst v2  }
0x207: {  	v13 =	vadd.s32 $0x1, v25;
	[tilespmem:s13+$0x7430] =	vst v1  }
0x208: {  	v4 =	vadd.s32 $0x81, v20;
	[tilespmem:s13+$0x8C20] =	vst v13  }
0x209: {  	v0 =	vadd.s32 $0x1, v3;
	[tilespmem:s11+$0x9800] =	vst v4  }
0x20a: {  	v1 =	vadd.s32 $0x80, v3;
	[tilespmem:s13+$0x8830] =	vst v0  }
0x20b: {  	v13 =	vadd.s32 $0x81, v25;
	[tilespmem:s13+$0x9030] =	vst v1  }
0x20c: {  	v4 =	vadd.s32 $0x1, v19;
	[tilespmem:s13+$0x9C20] =	vst v13  }
0x20d: {  	v0 =	vadd.s32 $0x81, v3;
	[tilespmem:s13+$0x8810] =	vst v4  }
0x20e: {  	v13 =	vadd.s32 $0x80, v20;
	[tilespmem:s13+$0x9830] =	vst v0  }
0x20f: {  	v4 =	vadd.s32 $0x81, v19;
	[tilespmem:s11+$0x9000] =	vst v13  }
0x210: {  	[tilespmem:s13+$0x9810] =	vst v4;
	v4 =	vsub.f32 v5, v22;
	v5 =	vadd.s32 $0x1, v17  }
0x211: {  	[tilespmem:s13+$0x8820] =	vst v5  }
0x212: {  	v5 =	vadd.s32 $0x81, v17;
	[tilespmem:s13+$0x7420] =	vst v4  }
0x213: {  	v4 =	vadd.s32 $0x80, v17;
	[tilespmem:s13+$0x9820] =	vst v5  }
0x214: {  	s14 =	simm.s32 $0x8000;
	[tilespmem:s13+$0x9020] =	vst v4  }
0x215: {  	[tilespmem:s24], [sflag:$0x2] =	stream.indirect.gather [spmem:s5], $0x1, s14, s20, $0xb8;
	[tilespmem:$0x1E000] =	vst v63  }
0x216: {  	_ =	swait.ge [sflag:s25], $0x2000  }
0x217: {  	p0 =	seq.s32 s8, $0x0;
	[sflag:s25] =	ssyncset.done $0x0  }
0x218: {  	s11 =	simm.s32 @!p0 $0x3;
	[sflag:s25] =	ssyncadd.s32 $0xFFFFE000  }
0x219: {  	_ =	swait.ge @!p0 [sflag:s11], $0x400  }
0x21a: {  	s15 =	simm.s32 $0x0;
	[sflag:s11] =	ssyncset.done @!p0 $0x0  }
0x21b: {  	s16 =	sand.u32 $0x3C0, s15;
	[sflag:s11] =	ssyncadd.s32 @!p0 $0xFFFFFC00  }
0x21c: {  	v0 =	vld [tilespmem:s16+$0x4400]  }
0x21d: {  	v2 =	vld [tilespmem:s16+$0x4C00]  }
0x21e: {  	v4 =	vld [tilespmem:s16+$0x5400]  }
0x21f: {  	s17 =	simm.s32 $0x5010;
	v6 =	vld [tilespmem:s16+$0x5C00]  }
0x220: {  	v8 =	vld [tilespmem:s17+$0xFFFFF420]  }
0x221: {  	s14 =	simm.s32 $0x1820;
	v9 =	vld [tilespmem:s17+$0xFFFFFC20]  }
0x222: {  	v10 =	vld [tilespmem:s14+$0x10]  }
0x223: {  	v11 =	vld [tilespmem:s17+$0x420]  }
0x224: {  	v16 =	vld [tilespmem:s14+$0xFFFFFFE0]  }
0x225: {  	v17 =	vld [tilespmem:s14+$0xFFFFFFF0]  }
0x226: {  	v18 =	vld [tilespmem:s14+$0x0]  }
0x227: {  	v12 =	vld [tilespmem:s17+$0xC20]  }
0x228: {  	v7 =	vld [tilespmem:s17+$0xFFFFF020]  }
0x229: {  	v13 =	vld [tilespmem:s17+$0xFFFFF820]  }
0x22a: {  	v14 =	vld [tilespmem:s17+$0x20];
	v10 =	vshll.u32 v10, $0x4;
	v16 =	vshll.u32 v16, $0x4;
	v17 =	vshll.u32 v17, $0x4  }
0x22b: {  	v15 =	vld [tilespmem:s17+$0x820];
	v18 =	vshll.u32 v18, $0x4;
	v8 =	vshll.u32 v8, v10;
	v9 =	vshll.u32 v9, v10  }
0x22c: {  	v11 =	vshll.u32 v11, v10;
	v12 =	vshll.u32 v12, v10;
	v10 =	vsub.s32 $0x10, v10  }
0x22d: {  	v0 =	vshll.u32 v0, v16;
	v2 =	vshll.u32 v2, v16;
	v4 =	vshll.u32 v4, v16  }
0x22e: {  	s18 =	simm.s32 $0x1420;
	v1 =	vld [tilespmem:s16+$0x4800];
	v6 =	vshll.u32 v6, v16;
	v8 =	vand.u32 $0xFFFF0000, v8;
	v9 =	vand.u32 $0xFFFF0000, v9  }
0x22f: {  	v19 =	vld [tilespmem:s18+$0x10];
	v7 =	vshll.u32 v7, v10;
	v11 =	vand.u32 $0xFFFF0000, v11;
	v12 =	vand.u32 $0xFFFF0000, v12  }
0x230: {  	v3 =	vld [tilespmem:s16+$0x5000];
	v13 =	vshll.u32 v13, v10;
	v14 =	vshll.u32 v14, v10;
	v10 =	vshll.u32 v15, v10  }
0x231: {  	v23 =	vld [tilespmem:s17+$0xFFFFFC00];
	v0 =	vand.u32 $0xFFFF0000, v0;
	v2 =	vand.u32 $0xFFFF0000, v2;
	v7 =	vand.u32 $0xFFFF0000, v7  }
0x232: {  	v5 =	vld [tilespmem:s16+$0x5800];
	v13 =	vand.u32 $0xFFFF0000, v13;
	v14 =	vand.u32 $0xFFFF0000, v14;
	v8 =	vsub.f32 v8, v7  }
0x233: {  	v10 =	vand.u32 $0xFFFF0000, v10;
	v9 =	vsub.f32 v9, v13;
	v11 =	vsub.f32 v11, v14  }
0x234: {  	v20 =	vld [tilespmem:s17+$0xFFFFEFF0];
	v4 =	vand.u32 $0xFFFF0000, v4;
	v12 =	vsub.f32 v12, v10;
	v8 =	vmul.f32 v8, v19  }
0x235: {  	v21 =	vld [tilespmem:s17+$0xFFFFF400];
	v6 =	vand.u32 $0xFFFF0000, v6;
	v9 =	vmul.f32 v9, v19;
	v11 =	vmul.f32 v11, v19  }
0x236: {  	v22 =	vld [tilespmem:s17+$0xFFFFF800];
	v12 =	vmul.f32 v12, v19;
	v19 =	vsub.s32 $0x10, v16;
	v16 =	vshll.u32 v23, v17  }
0x237: {  	v24 =	vld [tilespmem:s17+$0x0];
	v1 =	vshll.u32 v1, v19;
	v26 =	vshll.u32 v3, v19;
	v5 =	vshll.u32 v5, v19  }
0x238: {  	s21 =	simm.s32 $0xC20;
	v15 =	vld [tilespmem:s17+$0xFFFFF000];
	v16 =	vand.u32 $0xFFFF0000, v16;
	v7 =	vadd.f32 v7, v8;
	v8 =	vadd.f32 v13, v9  }
0x239: {  	v25 =	vld [tilespmem:s21+$0x10];
	v9 =	vsub.s32 $0x10, v17;
	v11 =	vadd.f32 v14, v11;
	v10 =	vadd.f32 v10, v12  }
0x23a: {  	v27 =	vld [tilespmem:s17+$0xC00];
	v12 =	vshll.u32 v20, v19;
	v20 =	vsub.s32 $0x10, v18;
	v1 =	vand.u32 $0xFFFF0000, v1  }
0x23b: {  	v23 =	vld [tilespmem:s17+$0x410];
	v26 =	vand.u32 $0xFFFF0000, v26;
	v5 =	vand.u32 $0xFFFF0000, v5;
	v2 =	vsub.f32 v2, v1  }
0x23c: {  	v13 =	vld [tilespmem:s17+$0x800];
	v12 =	vand.u32 $0xFFFF0000, v12;
	v4 =	vsub.f32 v4, v26;
	v6 =	vsub.f32 v6, v5  }
0x23d: {  	v14 =	vld [tilespmem:s17+$0x400];
	v3 =	vsub.f32 v8, v7;
	v8 =	vsub.f32 v10, v11;
	v10 =	vshll.u32 v15, v9  }
0x23e: {  	v19 =	vld [tilespmem:s17+$0xFFFFF010];
	v15 =	vshll.u32 v22, v9;
	v22 =	vshll.u32 v24, v9;
	v0 =	vsub.f32 v0, v12  }
0x23f: {  	v24 =	vld [tilespmem:s17+$0xFFFFF410];
	v10 =	vand.u32 $0xFFFF0000, v10;
	v15 =	vand.u32 $0xFFFF0000, v15;
	v22 =	vand.u32 $0xFFFF0000, v22  }
0x240: {  	v23 =	vshll.u32 v23, v18;
	v3 =	vmul.f32 v3, v25;
	v8 =	vmul.f32 v8, v25;
	v25 =	vld [tilespmem:s17+$0x810]  }
0x241: {  	v23 =	vand.u32 $0xFFFF0000, v23;
	v16 =	vsub.f32 v16, v15;
	v9 =	vshll.u32 v13, v9;
	v13 =	vld [tilespmem:s17+$0xFFFFF810]  }
0x242: {  	v14 =	vshll.u32 v14, v17;
	v3 =	vadd.f32 v3, v7;
	v7 =	vadd.f32 v8, v11;
	v8 =	vld [tilespmem:s17+$0xFFFFFC10]  }
0x243: {  	v19 =	vshll.u32 v19, v20;
	v11 =	vshll.u32 v21, v17;
	v21 =	vld [tilespmem:s17+$0x10];
	v17 =	vshll.u32 v27, v17  }
0x244: {  	v28 =	vld [tilespmem:s18+$0xFFFFFFF0];
	v9 =	vand.u32 $0xFFFF0000, v9;
	v19 =	vand.u32 $0xFFFF0000, v19;
	v14 =	vand.u32 $0xFFFF0000, v14  }
0x245: {  	v27 =	vld [tilespmem:s17+$0xC10];
	v24 =	vshll.u32 v24, v18;
	v11 =	vand.u32 $0xFFFF0000, v11;
	v17 =	vand.u32 $0xFFFF0000, v17  }
0x246: {  	v29 =	vld [tilespmem:s18+$0x0];
	v14 =	vsub.f32 v14, v22;
	v7 =	vsub.f32 v7, v3;
	v24 =	vand.u32 $0xFFFF0000, v24  }
0x247: {  	v30 =	vld [tilespmem:s21+$0xFFFFFFF0];
	v11 =	vsub.f32 v11, v10;
	v17 =	vsub.f32 v17, v9;
	v13 =	vshll.u32 v13, v20  }
0x248: {  	v8 =	vshll.u32 v8, v18;
	v21 =	vshll.u32 v21, v20;
	v20 =	vshll.u32 v25, v20;
	v25 =	vld [tilespmem:s18+$0xFFFFFFE0]  }
0x249: {  	s16 =	simm.s32 $0x1020;
	v31 =	vld [tilespmem:s21+$0x0];
	v24 =	vsub.f32 v24, v19;
	v13 =	vand.u32 $0xFFFF0000, v13;
	v8 =	vand.u32 $0xFFFF0000, v8  }
0x24a: {  	v11 =	vmul.f32 v11, v28;
	v18 =	vshll.u32 v27, v18;
	v27 =	vld [tilespmem:s16+$0x10];
	v8 =	vsub.f32 v8, v13  }
0x24b: {  	s13 =	simm.s32 $0x5050;
	v32 =	vld [tilespmem:s21+$0xFFFFFFE0];
	v24 =	vmul.f32 v24, v29;
	v21 =	vand.u32 $0xFFFF0000, v21;
	v20 =	vand.u32 $0xFFFF0000, v20  }
0x24c: {  	v55 =	vld [tilespmem:s13+$0xC00];
	v18 =	vand.u32 $0xFFFF0000, v18;
	v10 =	vadd.f32 v10, v11;
	v8 =	vmul.f32 v8, v29  }
0x24d: {  	v33 =	vld [tilespmem:s16+$0xFFFFFFE0];
	v23 =	vsub.f32 v23, v21;
	v0 =	vmul.f32 v0, v25;
	v2 =	vmul.f32 v2, v25  }
0x24e: {  	s23 =	simm.s32 $0x40;
	s14 =	simm.s32 $0xC60;
	v34 =	vld [tilespmem:s16+$0xFFFFFFF0];
	v18 =	vsub.f32 v18, v20;
	v4 =	vmul.f32 v4, v25;
	v6 =	vmul.f32 v6, v25  }
0x24f: {  	s11 =	sand.u32 $0x3C0, s23;
	v54 =	vld [tilespmem:s14+$0x10];
	v7 =	vmul.f32 v7, v27;
	v8 =	vadd.f32 v13, v8;
	v0 =	vadd.f32 v12, v0  }
0x250: {  	v25 =	vld [tilespmem:s11+$0x4C00];
	v12 =	vmul.f32 v16, v28;
	v1 =	vadd.f32 v1, v2;
	v2 =	vmul.f32 v14, v28  }
0x251: {  	v27 =	vld [tilespmem:s13+$0xFFFFEFF0];
	v14 =	vmul.f32 v17, v28;
	v4 =	vadd.f32 v26, v4;
	v5 =	vadd.f32 v5, v6  }
0x252: {  	v13 =	vld [tilespmem:s11+$0x5800];
	v6 =	vmul.f32 v23, v29;
	v11 =	vadd.f32 v15, v12;
	v2 =	vadd.f32 v22, v2  }
0x253: {  	v16 =	vld [tilespmem:s11+$0x4400];
	v15 =	vmul.f32 v18, v29;
	v9 =	vadd.f32 v9, v14;
	v18 =	vadd.f32 v19, v24  }
0x254: {  	s31 =	simm.s32 $0x1860;
	v17 =	vld [tilespmem:s11+$0x4800];
	v6 =	vadd.f32 v21, v6;
	v1 =	vsub.f32 v1, v0  }
0x255: {  	v23 =	vld [tilespmem:s31+$0x10];
	v5 =	vsub.f32 v5, v4;
	v15 =	vadd.f32 v20, v15  }
0x256: {  	v21 =	vld [tilespmem:s13+$0xFFFFF420];
	v11 =	vsub.f32 v11, v10;
	v9 =	vsub.f32 v9, v2  }
0x257: {  	v22 =	vld [tilespmem:s13+$0xFFFFFC20];
	v1 =	vmul.f32 v1, v32;
	v8 =	vsub.f32 v8, v18;
	v5 =	vmul.f32 v5, v32  }
0x258: {  	v24 =	vld [tilespmem:s13+$0x420];
	v15 =	vsub.f32 v15, v6;
	v11 =	vmul.f32 v11, v30;
	v9 =	vmul.f32 v9, v30  }
0x259: {  	v20 =	vld [tilespmem:s13+$0xFFFFF020];
	v1 =	vadd.f32 v1, v0;
	v8 =	vmul.f32 v8, v31;
	v4 =	vadd.f32 v5, v4  }
0x25a: {  	v0 =	vadd.f32 v11, v10;
	v5 =	vmul.f32 v15, v31;
	v10 =	vld [tilespmem:s13+$0xC20];
	v9 =	vadd.f32 v9, v2  }
0x25b: {  	v2 =	vadd.f32 v8, v18;
	v8 =	vld [tilespmem:s13+$0xFFFFF820];
	v4 =	vsub.f32 v4, v1  }
0x25c: {  	v18 =	vld [tilespmem:s31+$0xFFFFFFE0];
	v6 =	vadd.f32 v5, v6;
	v9 =	vsub.f32 v9, v0  }
0x25d: {  	v11 =	vld [tilespmem:s13+$0x20];
	v5 =	vadd.f32 v7, v3;
	v7 =	vshll.u32 v23, $0x4;
	v4 =	vmul.f32 v4, v33  }
0x25e: {  	v15 =	vld [tilespmem:s13+$0x820];
	v21 =	vshll.u32 v21, v7;
	v22 =	vshll.u32 v22, v7;
	v23 =	vshll.u32 v24, v7  }
0x25f: {  	v12 =	vld [tilespmem:s11+$0x5000];
	v6 =	vsub.f32 v6, v2;
	v3 =	vmul.f32 v9, v34;
	v21 =	vand.u32 $0xFFFF0000, v21  }
0x260: {  	v14 =	vld [tilespmem:s11+$0x5400];
	v22 =	vand.u32 $0xFFFF0000, v22;
	v10 =	vshll.u32 v10, v7;
	v7 =	vsub.s32 $0x10, v7  }
0x261: {  	v19 =	vld [tilespmem:s11+$0x5C00];
	s11 =	simm.s32 $0x1460;
	v23 =	vand.u32 $0xFFFF0000, v23;
	v18 =	vshll.u32 v18, $0x4;
	v20 =	vshll.u32 v20, v7  }
0x262: {  	v26 =	vld [tilespmem:s11+$0x10];
	v10 =	vand.u32 $0xFFFF0000, v10;
	v8 =	vshll.u32 v8, v7;
	v11 =	vshll.u32 v11, v7  }
0x263: {  	v24 =	vld [tilespmem:s31+$0x0];
	v7 =	vshll.u32 v15, v7;
	v57 =	vshll.u32 v16, v18;
	v25 =	vshll.u32 v25, v18  }
0x264: {  	v9 =	vld [tilespmem:s31+$0xFFFFFFF0];
	v20 =	vand.u32 $0xFFFF0000, v20;
	v8 =	vand.u32 $0xFFFF0000, v8;
	v11 =	vand.u32 $0xFFFF0000, v11  }
0x265: {  	v28 =	vld [tilespmem:s13+$0xFFFFF400];
	v7 =	vand.u32 $0xFFFF0000, v7;
	v21 =	vsub.f32 v21, v20;
	v22 =	vsub.f32 v22, v8  }
0x266: {  	v29 =	vld [tilespmem:s13+$0xFFFFF800];
	v35 =	vshll.u32 v14, v18;
	v23 =	vsub.f32 v23, v11;
	v10 =	vsub.f32 v10, v7  }
0x267: {  	v30 =	vld [tilespmem:s13+$0xFFFFFC00];
	v61 =	vand.u32 $0xFFFF0000, v35;
	v21 =	vmul.f32 v21, v26;
	v22 =	vmul.f32 v22, v26  }
0x268: {  	v15 =	vld [tilespmem:s13+$0xFFFFF000];
	v23 =	vmul.f32 v23, v26;
	v10 =	vmul.f32 v10, v26;
	v26 =	vsub.s32 $0x10, v18  }
0x269: {  	v31 =	vld [tilespmem:s13+$0x0];
	v24 =	vshll.u32 v24, $0x4;
	v9 =	vshll.u32 v9, $0x4;
	v17 =	vshll.u32 v17, v26  }
0x26a: {  	v12 =	vshll.u32 v12, v26;
	v20 =	vadd.f32 v20, v21;
	v11 =	vadd.f32 v11, v23;
	v23 =	vld [tilespmem:s13+$0x800]  }
0x26b: {  	v8 =	vadd.f32 v8, v22;
	v21 =	vsub.s32 $0x10, v9;
	v22 =	vld [tilespmem:s13+$0x400];
	v7 =	vadd.f32 v7, v10  }
0x26c: {  	v10 =	vshll.u32 v27, v26;
	v27 =	vsub.s32 $0x10, v24;
	v26 =	vshll.u32 v13, v26;
	v13 =	vld [tilespmem:s13+$0xFFFFF010]  }
0x26d: {  	v56 =	vshll.u32 v15, v21;
	v15 =	vld [tilespmem:s13+$0xFFFFF410];
	v8 =	vsub.f32 v8, v20;
	v7 =	vsub.f32 v7, v11  }
0x26e: {  	v29 =	vshll.u32 v29, v21;
	v31 =	vshll.u32 v31, v21;
	v36 =	vand.u32 $0xFFFF0000, v10  }
0x26f: {  	v8 =	vmul.f32 v8, v54;
	v7 =	vmul.f32 v7, v54;
	v21 =	vshll.u32 v23, v21  }
0x270: {  	s15 =	simm.s32 $0x1060;
	v23 =	vshll.u32 v28, v9;
	v28 =	vshll.u32 v30, v9;
	v30 =	vshll.u32 v22, v9  }
0x271: {  	v14 =	vld [tilespmem:s15+$0x10];
	v9 =	vshll.u32 v55, v9;
	v8 =	vadd.f32 v8, v20;
	v7 =	vadd.f32 v7, v11  }
0x272: {  	v16 =	vld [tilespmem:s13+$0xFFFFF810];
	v11 =	vshll.u32 v19, v18;
	v19 =	vshll.u32 v13, v27;
	v10 =	vshll.u32 v15, v24  }
0x273: {  	v18 =	vld [tilespmem:s13+$0xFFFFFC10];
	v13 =	vand.u32 $0xFFFF0000, v17;
	v15 =	vand.u32 $0xFFFF0000, v12;
	v12 =	vand.u32 $0xFFFF0000, v56  }
0x274: {  	v17 =	vand.u32 $0xFFFF0000, v21;
	v23 =	vand.u32 $0xFFFF0000, v23;
	v28 =	vand.u32 $0xFFFF0000, v28  }
0x275: {  	v22 =	vld [tilespmem:s13+$0x410];
	v30 =	vand.u32 $0xFFFF0000, v30;
	v9 =	vand.u32 $0xFFFF0000, v9;
	v7 =	vsub.f32 v7, v8  }
0x276: {  	v20 =	vld [tilespmem:s13+$0x10];
	v19 =	vand.u32 $0xFFFF0000, v19;
	v62 =	vand.u32 $0xFFFF0000, v11;
	v63 =	vand.u32 $0xFFFF0000, v10  }
0x277: {  	v41 =	vsub.f32 v23, v12;
	v7 =	vmul.f32 v7, v14;
	v14 =	vand.u32 $0xFFFF0000, v26  }
0x278: {  	v58 =	vld [tilespmem:s13+$0x810];
	v26 =	vshll.u32 v16, v27;
	v16 =	vand.u32 $0xFFFF0000, v29;
	v29 =	vshll.u32 v18, v24  }
0x279: {  	v59 =	vld [tilespmem:s13+$0xC10];
	v18 =	vand.u32 $0xFFFF0000, v31;
	v34 =	vsub.f32 v62, v14;
	v42 =	vsub.f32 v28, v16  }
0x27a: {  	s17 =	simm.s32 $0x1C20;
	v60 =	vld [tilespmem:s11+$0xFFFFFFE0];
	v31 =	vand.u32 $0xFFFF0000, v25;
	v28 =	vsub.f32 v9, v17;
	v37 =	vadd.f32 v7, v8  }
0x27b: {  	[tilespmem:s17+$0x10] =	vst v5;
	v5 =	vld [tilespmem:s15+$0x0];
	v7 =	vshll.u32 v20, v27;
	v20 =	vand.u32 $0xFFFF0000, v26;
	v8 =	vshll.u32 v22, v24  }
0x27c: {  	v11 =	vld [tilespmem:s14+$0xFFFFFFF0];
	v26 =	vand.u32 $0xFFFF0000, v57;
	v29 =	vand.u32 $0xFFFF0000, v29;
	v21 =	vand.u32 $0xFFFF0000, v7  }
0x27d: {  	v7 =	vshll.u32 v58, v27;
	v27 =	vld [tilespmem:s16+$0x0];
	v38 =	vand.u32 $0xFFFF0000, v8;
	v8 =	vsub.f32 v26, v36  }
0x27e: {  	v26 =	vsub.f32 v31, v13;
	v22 =	vand.u32 $0xFFFF0000, v7;
	v7 =	vshll.u32 v59, v24;
	v24 =	vld [tilespmem:s11+$0xFFFFFFF0]  }
0x27f: {  	v10 =	vld [tilespmem:s14+$0x0];
	v31 =	vsub.f32 v61, v15;
	v32 =	vsub.f32 v29, v20;
	v40 =	vmul.f32 v8, v60  }
0x280: {  	v25 =	vld [tilespmem:s11+$0x0];
	v34 =	vmul.f32 v34, v60;
	v33 =	vsub.f32 v38, v21;
	v39 =	vand.u32 $0xFFFF0000, v7  }
0x281: {  	v23 =	vld [tilespmem:s14+$0xFFFFFFE0];
	v26 =	vmul.f32 v26, v60;
	v29 =	vsub.f32 v39, v22;
	v9 =	vadd.f32 v36, v40  }
0x282: {  	s16 =	simm.s32 $0x1C60;
	v7 =	vld [tilespmem:s15+$0xFFFFFFE0];
	v6 =	vmul.f32 v6, v27;
	v27 =	vsub.f32 v30, v18;
	v30 =	vmul.f32 v31, v60  }
0x283: {  	s21 =	simm.s32 $0x80;
	s18 =	simm.s32 $0x4;
	[tilespmem:s16+$0x10] =	vst v37;
	v8 =	vld [tilespmem:s15+$0xFFFFFFF0];
	v31 =	vsub.f32 v63, v19;
	v36 =	vmul.f32 v41, v24;
	v35 =	vmul.f32 v42, v24  }
.LBB2_7:
0x284: {  	s23 =	sand.u32 $0x3C0, s21;
	v26 =	vadd.f32 v13, v26;
	v27 =	vmul.f32 v27, v24;
	v28 =	vmul.f32 v28, v24  }
0x285: {  	v30 =	vadd.f32 v15, v30;
	v15 =	vmul.f32 v31, v25;
	v31 =	vmul.f32 v32, v25;
	v13 =	vld [tilespmem:s23+$0x4400]  }
0x286: {  	v32 =	vadd.f32 v14, v34;
	v33 =	vmul.f32 v33, v25;
	v25 =	vmul.f32 v29, v25;
	v24 =	vld [tilespmem:s23+$0x4800]  }
0x287: {  	v29 =	vadd.f32 v12, v36;
	v34 =	vadd.f32 v16, v35;
	v14 =	vld [tilespmem:s23+$0x4C00]  }
0x288: {  	v18 =	vadd.f32 v18, v27;
	v27 =	vadd.f32 v17, v28;
	v16 =	vld [tilespmem:s23+$0x5000]  }
0x289: {  	v19 =	vadd.f32 v19, v15;
	v20 =	vadd.f32 v20, v31;
	v12 =	vld [tilespmem:s23+$0x5400]  }
0x28a: {  	v21 =	vadd.f32 v21, v33;
	v22 =	vadd.f32 v22, v25;
	v17 =	vld [tilespmem:s23+$0x5800]  }
0x28b: {  	s13 =	sadd.s32 $0x40, s13;
	v25 =	vsub.f32 v26, v9;
	v26 =	vsub.f32 v32, v30;
	v15 =	vld [tilespmem:s23+$0x5C00]  }
0x28c: {  	v31 =	vsub.f32 v34, v29;
	v27 =	vsub.f32 v27, v18;
	v28 =	vld [tilespmem:s13+$0xFFFFF020]  }
0x28d: {  	v25 =	vmul.f32 v25, v23;
	v20 =	vsub.f32 v20, v19;
	v22 =	vsub.f32 v22, v21;
	v32 =	vld [tilespmem:s13+$0xFFFFF420]  }
0x28e: {  	s31 =	sadd.s32 $0x40, s31;
	v4 =	vadd.f32 v4, v1;
	v23 =	vmul.f32 v26, v23;
	v26 =	vmul.f32 v31, v11;
	v33 =	vld [tilespmem:s13+$0xFFFFFC20]  }
0x28f: {  	v1 =	vadd.f32 v25, v9;
	v9 =	vmul.f32 v27, v11;
	v11 =	vmul.f32 v20, v10;
	v31 =	vld [tilespmem:s31+$0x10]  }
0x290: {  	v23 =	vadd.f32 v23, v30;
	v10 =	vmul.f32 v22, v10;
	v25 =	vadd.f32 v26, v29;
	v20 =	vld [tilespmem:s13+$0x420];
	[tilespmem:s17+$0xFFFFFFE0] =	vst v4  }
0x291: {  	v11 =	vadd.f32 v11, v19;
	v4 =	vadd.f32 v9, v18;
	v22 =	vld [tilespmem:s13+$0xC20]  }
0x292: {  	v10 =	vadd.f32 v10, v21;
	v9 =	vsub.f32 v23, v1;
	v18 =	vld [tilespmem:s13+$0xFFFFF820]  }
0x293: {  	s18 =	sadd.s32 $0x4, s18;
	v23 =	vadd.f32 v3, v0;
	v0 =	vmov v25;
	v21 =	vsub.f32 v4, v25;
	v19 =	vld [tilespmem:s13+$0x20]  }
0x294: {  	p1 =	slt.u32 s18, $0x3C;
	v4 =	vmul.f32 v9, v7;
	v9 =	vsub.f32 v10, v11;
	v25 =	vshll.u32 v31, $0x4;
	v26 =	vld [tilespmem:s13+$0x820]  }
0x295: {  	v6 =	vadd.f32 v6, v2;
	v3 =	vmul.f32 v21, v8;
	v7 =	vld [tilespmem:s31+$0xFFFFFFE0];
	v10 =	vshll.u32 v32, v25;
	[tilespmem:s17+$0xFFFFFFF0] =	vst v23  }
0x296: {  	v2 =	vmovc v11;
	v21 =	vshll.u32 v33, v25;
	v20 =	vshll.u32 v20, v25;
	v8 =	vld [tilespmem:s31+$0xFFFFFFF0];
	v22 =	vshll.u32 v22, v25  }
0x297: {  	s11 =	sadd.s32 $0x40, s11;
	v23 =	vsub.s32 $0x10, v25;
	v10 =	vand.u32 $0xFFFF0000, v10;
	v21 =	vand.u32 $0xFFFF0000, v21;
	v11 =	vld [tilespmem:s31+$0x0];
	[tilespmem:s17+$0x0] =	vst v6;
	s17 =	smov.u32 s16  }
0x298: {  	v25 =	vshll.u32 v28, v23;
	v20 =	vand.u32 $0xFFFF0000, v20;
	v22 =	vand.u32 $0xFFFF0000, v22;
	v6 =	vld [tilespmem:s11+$0x10]  }
0x299: {  	v18 =	vshll.u32 v18, v23;
	v19 =	vshll.u32 v19, v23;
	v27 =	vld [tilespmem:s13+$0xFFFFEFF0];
	v23 =	vshll.u32 v26, v23  }
0x29a: {  	v25 =	vand.u32 $0xFFFF0000, v25;
	v18 =	vand.u32 $0xFFFF0000, v18;
	v19 =	vand.u32 $0xFFFF0000, v19;
	v26 =	vld [tilespmem:s13+$0xFFFFF000]  }
0x29b: {  	v10 =	vsub.f32 v10, v25;
	v21 =	vsub.f32 v21, v18;
	v23 =	vand.u32 $0xFFFF0000, v23;
	v28 =	vld [tilespmem:s13+$0xFFFFF400]  }
0x29c: {  	v7 =	vshll.u32 v7, $0x4;
	v20 =	vsub.f32 v20, v19;
	v22 =	vsub.f32 v22, v23;
	v29 =	vld [tilespmem:s13+$0xFFFFF800]  }
0x29d: {  	v8 =	vshll.u32 v8, $0x4;
	v30 =	vld [tilespmem:s13+$0xFFFFFC00];
	v10 =	vmul.f32 v10, v6;
	v21 =	vmul.f32 v21, v6  }
0x29e: {  	s14 =	sadd.s32 $0x40, s14;
	v32 =	vshll.u32 v11, $0x4;
	v11 =	vmul.f32 v20, v6;
	v6 =	vmul.f32 v22, v6;
	v31 =	vld [tilespmem:s13+$0x0]  }
0x29f: {  	v20 =	vsub.s32 $0x10, v7;
	v22 =	vld [tilespmem:s14+$0x10];
	v10 =	vadd.f32 v25, v10;
	v18 =	vadd.f32 v18, v21  }
0x2a0: {  	v21 =	vsub.s32 $0x10, v8;
	v11 =	vadd.f32 v19, v11;
	v6 =	vadd.f32 v23, v6;
	v25 =	vld [tilespmem:s13+$0x400]  }
0x2a1: {  	v19 =	vshll.u32 v27, v20;
	v23 =	vshll.u32 v24, v20;
	v27 =	vsub.s32 $0x10, v32;
	v24 =	vld [tilespmem:s13+$0x800]  }
0x2a2: {  	v16 =	vshll.u32 v16, v20;
	v18 =	vsub.f32 v18, v10;
	v6 =	vsub.f32 v6, v11;
	v33 =	vld [tilespmem:s13+$0xC00]  }
0x2a3: {  	v17 =	vshll.u32 v17, v20;
	v20 =	vshll.u32 v26, v21;
	v26 =	vshll.u32 v29, v21;
	v29 =	vld [tilespmem:s13+$0xFFFFF010]  }
0x2a4: {  	s15 =	sadd.s32 $0x40, s15;
	v31 =	vshll.u32 v31, v21;
	v34 =	vld [tilespmem:s13+$0xFFFFF410];
	v18 =	vmul.f32 v18, v22;
	v6 =	vmul.f32 v6, v22  }
0x2a5: {  	v35 =	vshll.u32 v14, v7;
	v36 =	vshll.u32 v12, v7;
	v22 =	vshll.u32 v13, v7;
	v12 =	vld [tilespmem:s15+$0x10]  }
0x2a6: {  	v21 =	vshll.u32 v24, v21;
	v24 =	vld [tilespmem:s13+$0xFFFFF810];
	v10 =	vadd.f32 v18, v10;
	v6 =	vadd.f32 v6, v11  }
0x2a7: {  	v28 =	vshll.u32 v28, v8;
	v30 =	vshll.u32 v30, v8;
	v7 =	vshll.u32 v15, v7;
	v11 =	vld [tilespmem:s13+$0xFFFFFC10]  }
0x2a8: {  	v37 =	vshll.u32 v25, v8;
	v29 =	vshll.u32 v29, v27;
	v25 =	vld [tilespmem:s13+$0x10];
	v6 =	vsub.f32 v6, v10  }
0x2a9: {  	v38 =	vand.u32 $0xFFFF0000, v19;
	v8 =	vshll.u32 v33, v8;
	v33 =	vshll.u32 v34, v32;
	v34 =	vld [tilespmem:s13+$0x410]  }
0x2aa: {  	v13 =	vand.u32 $0xFFFF0000, v23;
	v15 =	vand.u32 $0xFFFF0000, v16;
	v23 =	vld [tilespmem:s13+$0x810];
	v6 =	vmul.f32 v6, v12  }
0x2ab: {  	v14 =	vand.u32 $0xFFFF0000, v17;
	v12 =	vand.u32 $0xFFFF0000, v20;
	v20 =	vshll.u32 v24, v27;
	v39 =	vld [tilespmem:s13+$0xC10]  }
0x2ac: {  	v16 =	vand.u32 $0xFFFF0000, v26;
	v40 =	vld [tilespmem:s11+$0xFFFFFFE0];
	v26 =	vshll.u32 v11, v32;
	v6 =	vadd.f32 v6, v10  }
0x2ad: {  	s16 =	sadd.s32 $0x40, s16;
	v18 =	vand.u32 $0xFFFF0000, v31;
	v17 =	vand.u32 $0xFFFF0000, v21;
	v24 =	vld [tilespmem:s11+$0xFFFFFFF0];
	v10 =	vshll.u32 v25, v27  }
0x2ae: {  	v19 =	vand.u32 $0xFFFF0000, v29;
	v20 =	vand.u32 $0xFFFF0000, v20;
	v25 =	vld [tilespmem:s11+$0x0];
	v29 =	vshll.u32 v34, v32;
	[tilespmem:s16+$0x10] =	vst v6  }
0x2af: {  	v6 =	vand.u32 $0xFFFF0000, v22;
	v21 =	vand.u32 $0xFFFF0000, v10;
	v11 =	vld [tilespmem:s14+$0xFFFFFFF0];
	v22 =	vshll.u32 v23, v27  }
0x2b0: {  	v27 =	vand.u32 $0xFFFF0000, v35;
	v10 =	vld [tilespmem:s14+$0x0];
	v22 =	vand.u32 $0xFFFF0000, v22;
	v31 =	vshll.u32 v39, v32  }
0x2b1: {  	v28 =	vand.u32 $0xFFFF0000, v28;
	v34 =	vand.u32 $0xFFFF0000, v7;
	v32 =	vand.u32 $0xFFFF0000, v36;
	v23 =	vld [tilespmem:s14+$0xFFFFFFE0]  }
0x2b2: {  	v30 =	vand.u32 $0xFFFF0000, v30;
	v35 =	vand.u32 $0xFFFF0000, v37;
	v36 =	vand.u32 $0xFFFF0000, v8;
	v7 =	vld [tilespmem:s15+$0xFFFFFFE0]  }
0x2b3: {  	v33 =	vand.u32 $0xFFFF0000, v33;
	v37 =	vand.u32 $0xFFFF0000, v26;
	v29 =	vand.u32 $0xFFFF0000, v29;
	v8 =	vld [tilespmem:s15+$0xFFFFFFF0]  }
0x2b4: {  	v26 =	vsub.f32 v6, v38;
	v27 =	vsub.f32 v27, v13;
	v41 =	vand.u32 $0xFFFF0000, v31;
	v39 =	vld [tilespmem:s15+$0x0]  }
0x2b5: {  	v34 =	vsub.f32 v34, v14;
	v6 =	vmul.f32 v9, v5;
	v31 =	vsub.f32 v32, v15  }
.Ltmp2:
0x2b6: {  	v43 =	vsub.f32 v30, v16;
	v42 =	vsub.f32 v28, v12;
	v9 =	vmul.f32 v26, v40;
	(pc) =	sbr.rel @p1 .LBB2_7-.Ltmp2, $4  }
0x2b7: {  	v28 =	vsub.f32 v36, v17;
	v26 =	vmul.f32 v27, v40;
	v27 =	vsub.f32 v35, v18  }
0x2b8: {  	v32 =	vsub.f32 v37, v20;
	v30 =	vmul.f32 v31, v40;
	v31 =	vsub.f32 v33, v19  }
0x2b9: {  	v34 =	vmul.f32 v34, v40;
	v33 =	vsub.f32 v29, v21;
	v29 =	vsub.f32 v41, v22;
	v5 =	vmovc v39  }
0x2ba: {  	s21 =	sadd.s32 $0x40, s21;
	v36 =	vmul.f32 v42, v24;
	v35 =	vmul.f32 v43, v24;
	v9 =	vadd.f32 v38, v9  }
0x2bb: {  	v13 =	vadd.f32 v13, v26;
	v26 =	vmul.f32 v27, v24  }
0x2bc: {  	v24 =	vmul.f32 v28, v24;
	v15 =	vadd.f32 v15, v30;
	v27 =	vmul.f32 v31, v25  }
0x2bd: {  	v59 =	vmul.f32 v32, v25;
	v14 =	vadd.f32 v14, v34;
	v12 =	vadd.f32 v12, v36  }
0x2be: {  	v60 =	vmul.f32 v33, v25;
	v16 =	vadd.f32 v16, v35;
	v18 =	vadd.f32 v18, v26  }
0x2bf: {  	v25 =	vmul.f32 v29, v25;
	v17 =	vadd.f32 v17, v24;
	v19 =	vadd.f32 v19, v27  }
0x2c0: {  	v20 =	vadd.f32 v20, v59;
	v21 =	vadd.f32 v21, v60  }
0x2c1: {  	v22 =	vadd.f32 v22, v25;
	v13 =	vsub.f32 v13, v9  }
0x2c2: {  	v14 =	vsub.f32 v14, v15;
	v16 =	vsub.f32 v16, v12  }
0x2c3: {  	v17 =	vsub.f32 v17, v18;
	v13 =	vmul.f32 v13, v23;
	v20 =	vsub.f32 v20, v19  }
0x2c4: {  	v22 =	vsub.f32 v22, v21;
	v14 =	vmul.f32 v14, v23;
	v16 =	vmul.f32 v16, v11  }
0x2c5: {  	v9 =	vadd.f32 v13, v9;
	v11 =	vmul.f32 v17, v11;
	v13 =	vmul.f32 v20, v10  }
0x2c6: {  	v14 =	vadd.f32 v14, v15;
	v10 =	vmul.f32 v22, v10;
	v12 =	vadd.f32 v16, v12  }
0x2c7: {  	v11 =	vadd.f32 v11, v18;
	v13 =	vadd.f32 v13, v19  }
0x2c8: {  	v14 =	vsub.f32 v14, v9;
	v10 =	vadd.f32 v10, v21  }
0x2c9: {  	v1 =	vadd.f32 v4, v1;
	v4 =	vsub.f32 v11, v12  }
0x2ca: {  	v0 =	vadd.f32 v3, v0;
	v3 =	vmul.f32 v14, v7;
	v7 =	vsub.f32 v10, v13  }
0x2cb: {  	v2 =	vadd.f32 v6, v2;
	[tilespmem:s17+$0xFFFFFFE0] =	vst v1;
	v1 =	vmul.f32 v4, v8  }
0x2cc: {  	[tilespmem:s17+$0xFFFFFFF0] =	vst v0;
	v0 =	vmul.f32 v7, v5;
	v3 =	vadd.f32 v3, v9  }
0x2cd: {  	[tilespmem:s17+$0x0] =	vst v2;
	v1 =	vadd.f32 v1, v12  }
0x2ce: {  	s11 =	sor.u32 s7, s30;
	[tilespmem:s16+$0xFFFFFFE0] =	vst v3;
	v0 =	vadd.f32 v0, v13  }
0x2cf: {  	s31 =	sshrl.u32 s11, $0x3;
	[tilespmem:s16+$0xFFFFFFF0] =	vst v1  }
0x2d0: {  	s13 =	simm.s32 $0x0;
	s15 =	sadd.s32 s30, s10;
	s11 =	sadd.s32 s3, s31;
	[tilespmem:s16+$0x0] =	vst v0  }
0x2d1: {  	[hbm4b:s11+s13] =	stream.linear.scatter [tilespmem:s26], [sflag:$0x3], $0x400, $0x38;
	[tilespmem:$0x1E000] =	vst v63  }
0x2d2: {  	s11 =	sshrl.u32 s15, $0x3  }
0x2d3: {  	s15 =	simm.s32 $0x6000;
	s14 =	sadd.s32 s0, s11  }
0x2d4: {  	[tilespmem:s15], [sflag:$0x6] =	stream.linear.gather [hbm4b:s14+s13], $0x400, $0x38;
	[tilespmem:$0x1E000] =	vst v63  }
0x2d5: {  	s17 =	simm.s32 $0x6400;
	s16 =	sadd.s32 s1, s11  }
0x2d6: {  	[tilespmem:s17], [sflag:$0x6] =	stream.linear.gather [hbm4b:s16+s13], $0x400, $0x38;
	[tilespmem:$0x1E000] =	vst v63  }
0x2d7: {  	s18 =	simm.s32 $0x6800;
	s11 =	sadd.s32 s2, s11  }
0x2d8: {  	[tilespmem:s18], [sflag:$0x6] =	stream.linear.gather [hbm4b:s11+s13], $0x400, $0x38;
	[tilespmem:$0x1E000] =	vst v63  }
0x2d9: {  	_ =	swait.ge [sflag:s19], $0x400  }
0x2da: {  	[sflag:s19] =	ssyncset.done $0x0  }
0x2db: {  	[sflag:s19] =	ssyncadd.s32 $0xFFFFFC00  }
0x2dc: {  	_ =	swait.ge [sflag:s19], $0x400  }
0x2dd: {  	[sflag:s19] =	ssyncset.done $0x0  }
0x2de: {  	[sflag:s19] =	ssyncadd.s32 $0xFFFFFC00  }
0x2df: {  	_ =	swait.ge [sflag:s19], $0x400  }
0x2e0: {  	[sflag:s19] =	ssyncset.done $0x0  }
0x2e1: {  	s21 =	simm.s32 $0x0;
	[sflag:s19] =	ssyncadd.s32 $0xFFFFFC00  }
0x2e2: {  	v0 =	vld [tilespmem:s21+$0x30]  }
0x2e3: {  	v3 =	vld [tilespmem:s21+$0x830]  }
0x2e4: {  	v4 =	vld [tilespmem:s21+$0x400]  }
0x2e5: {  	v5 =	vld [tilespmem:s21+$0x800]  }
0x2e6: {  	v6 =	vld [tilespmem:s21+$0x410]  }
0x2e7: {  	v7 =	vld [tilespmem:s21+$0x810]  }
0x2e8: {  	v10 =	vld [tilespmem:s21+$0x420]  }
0x2e9: {  	v11 =	vld [tilespmem:s21+$0x820]  }
0x2ea: {  	v12 =	vld [tilespmem:s21+$0x0]  }
0x2eb: {  	v15 =	vld [tilespmem:s21+$0x10]  }
0x2ec: {  	v16 =	vld [tilespmem:s21+$0x20]  }
0x2ed: {  	v2 =	vld [tilespmem:s21+$0x430]  }
0x2ee: {  	v0 =	vmax.f32 v0, $0.0e+00;
	v3 =	vmax.f32 v3, $0.0e+00  }
0x2ef: {  	v4 =	vmax.f32 v4, $0.0e+00;
	v5 =	vmax.f32 v5, $0.0e+00;
	v6 =	vmax.f32 v6, $0.0e+00  }
0x2f0: {  	v7 =	vmax.f32 v7, $0.0e+00;
	v10 =	vmax.f32 v10, $0.0e+00;
	v11 =	vmax.f32 v11, $0.0e+00  }
0x2f1: {  	v12 =	vmax.f32 v12, $0.0e+00;
	v15 =	vmax.f32 v15, $0.0e+00;
	v16 =	vmax.f32 v16, $0.0e+00  }
0x2f2: {  	v1 =	vmin.f32 v0, $1.270000000e+02;
	v0 =	vmax.f32 v2, $0.0e+00;
	v18 =	vmin.f32 v4, $1.270000000e+02  }
0x2f3: {  	v5 =	vmin.f32 v5, $1.270000000e+02;
	v6 =	vmin.f32 v6, $1.270000000e+02;
	v7 =	vmin.f32 v7, $1.270000000e+02  }
0x2f4: {  	v10 =	vmin.f32 v10, $1.270000000e+02;
	v11 =	vmin.f32 v11, $1.270000000e+02;
	v2 =	vmin.f32 v0, $1.270000000e+02  }
0x2f5: {  	v0 =	vmin.f32 v3, $1.270000000e+02;
	v3 =	vtrunc.f32 v1;
	v19 =	vtrunc.f32 v18  }
0x2f6: {  	v12 =	vmin.f32 v12, $1.270000000e+02;
	v20 =	vtrunc.f32 v5;
	v21 =	vtrunc.f32 v6  }
0x2f7: {  	v15 =	vmin.f32 v15, $1.270000000e+02;
	v22 =	vtrunc.f32 v7;
	v23 =	vtrunc.f32 v10  }
0x2f8: {  	v16 =	vmin.f32 v16, $1.270000000e+02;
	v24 =	vtrunc.f32 v11;
	v26 =	vtrunc.f32 v12  }
0x2f9: {  	v27 =	vtrunc.f32 v15;
	v61 =	vtrunc.f32 v16  }
0x2fa: {  	v8 =	vtrunc.f32 v2;
	v9 =	vtrunc.f32 v0  }
0x2fb: {  	v3 =	vcvt.f32.s32 v3;
	v19 =	vcvt.f32.s32 v19  }
0x2fc: {  	v20 =	vcvt.f32.s32 v20;
	v21 =	vcvt.f32.s32 v21  }
0x2fd: {  	v22 =	vcvt.f32.s32 v22;
	v23 =	vcvt.f32.s32 v23  }
0x2fe: {  	v24 =	vcvt.f32.s32 v24;
	v26 =	vcvt.f32.s32 v26  }
0x2ff: {  	v27 =	vcvt.f32.s32 v27;
	v28 =	vcvt.f32.s32 v61  }
0x300: {  	v8 =	vcvt.f32.s32 v8;
	v9 =	vcvt.f32.s32 v9  }
0x301: {  	vm2 =	vlt.s32 v3, $0x7E;
	vm10 =	vlt.s32 v19, $0x7E;
	vm11 =	vlt.s32 v20, $0x7E  }
0x302: {  	vm12 =	vlt.s32 v21, $0x7E;
	vm3 =	vlt.s32 v22, $0x7E;
	vm4 =	vlt.s32 v23, $0x7E  }
0x303: {  	vm5 =	vlt.s32 v24, $0x7E;
	vm13 =	vlt.s32 v26, $0x7E;
	vm14 =	vlt.s32 v27, $0x7E  }
0x304: {  	vm0 =	vlt.s32 v8, $0x7E;
	vm1 =	vlt.s32 v9, $0x7E;
	v13 =	vnsel vm2, $0x7E, v3  }
0x305: {  	v19 =	vnsel vm10, $0x7E, v19;
	v20 =	vnsel vm11, $0x7E, v20;
	v21 =	vnsel vm12, $0x7E, v21  }
0x306: {  	v22 =	vnsel vm3, $0x7E, v22;
	v23 =	vnsel vm4, $0x7E, v23;
	v24 =	vnsel vm5, $0x7E, v24  }
0x307: {  	v26 =	vnsel vm13, $0x7E, v26;
	v27 =	vnsel vm14, $0x7E, v27;
	v8 =	vnsel vm0, $0x7E, v8  }
0x308: {  	v9 =	vnsel vm1, $0x7E, v9;
	v62 =	vshll.u32 v20, $0xD;
	v63 =	vshll.u32 v19, $0x7  }
0x309: {  	v36 =	vshll.u32 v22, $0xD;
	v37 =	vshll.u32 v21, $0x7;
	v38 =	vshll.u32 v24, $0xD  }
0x30a: {  	v39 =	vshll.u32 v23, $0x7;
	v40 =	vand.u32 $0x1, v22;
	v21 =	vcvt.s32.f32 v21  }
0x30b: {  	s30 =	simm.s32 $0x40;
	v22 =	vcvt.s32.f32 v22;
	v41 =	vand.u32 $0x1, v24;
	v24 =	vcvt.s32.f32 v24  }
0x30c: {  	v51 =	vld [tilespmem:s30+$0x810];
	v3 =	vshll.u32 v9, $0xD;
	v14 =	vshll.u32 v8, $0x7;
	v17 =	vand.u32 $0x1, v9  }
0x30d: {  	v29 =	vand.u32 $0xFFFFC000, v62;
	v30 =	vadd.s32 v26, v63;
	v31 =	vand.u32 $0xFFFFC000, v36  }
0x30e: {  	v3 =	vand.u32 $0xFFFFC000, v3;
	v14 =	vadd.s32 v13, v14;
	v29 =	vadd.s32 v29, v30;
	[tilespmem:s21+$0x1830] =	vst v17  }
0x30f: {  	v32 =	vadd.s32 v27, v37;
	v21 =	vsub.f32 v6, v21;
	v3 =	vadd.s32 v3, v14;
	[tilespmem:s21+$0x2000] =	vst v29  }
0x310: {  	v14 =	vshll.u32 v17, $0xE;
	v17 =	vcvt.s32.f32 v23;
	v23 =	vadd.s32 v31, v32;
	[tilespmem:s21+$0x2030] =	vst v3  }
0x311: {  	v53 =	vmax.f32 v51, $0.0e+00;
	vm15 =	vlt.s32 v28, $0x7E;
	v22 =	vsub.f32 v7, v22;
	[tilespmem:s21+$0x2010] =	vst v23  }
0x312: {  	v28 =	vnsel vm15, $0x7E, v28;
	v19 =	vcvt.s32.f32 v19;
	v11 =	vsub.f32 v11, v24;
	[tilespmem:s21+$0x1010] =	vst v21  }
0x313: {  	v33 =	vand.u32 $0xFFFFC000, v38;
	v26 =	vcvt.s32.f32 v26;
	v27 =	vcvt.s32.f32 v27;
	[tilespmem:s21+$0x1410] =	vst v22  }
0x314: {  	v42 =	vcvt.s32.f32 v8;
	v9 =	vcvt.s32.f32 v9;
	v4 =	vadd.s32 v14, v3;
	[tilespmem:s21+$0x1420] =	vst v11  }
0x315: {  	v43 =	vshll.u32 v41, $0xE;
	v13 =	vcvt.s32.f32 v13;
	v14 =	vadd.s32 $0x81, v4;
	[tilespmem:s21+$0x2430] =	vst v4  }
0x316: {  	v54 =	vld [tilespmem:s30+$0x0];
	v15 =	vsub.f32 v15, v27;
	v7 =	vsub.f32 v2, v42;
	v25 =	vadd.s32 $0x1, v4;
	[tilespmem:s21+$0x3C30] =	vst v14  }
0x317: {  	v56 =	vld [tilespmem:s30+$0x20];
	v6 =	vsub.f32 v0, v9;
	v14 =	vadd.s32 v28, v39;
	[tilespmem:s21+$0x2C30] =	vst v25;
	v25 =	vand.u32 $0x1, v20  }
0x318: {  	[tilespmem:s21+$0x1800] =	vst v25;
	v14 =	vadd.s32 v33, v14;
	v8 =	vshll.u32 v25, $0xE;
	v25 =	vshll.u32 v40, $0xE  }
0x319: {  	v44 =	vadd.s32 v8, v29;
	v25 =	vadd.s32 v25, v23;
	v8 =	vsub.f32 v12, v26;
	[tilespmem:s21+$0x2020] =	vst v14  }
0x31a: {  	v27 =	vadd.s32 $0x81, v29;
	v45 =	vadd.s32 $0x1, v23;
	v12 =	vsub.f32 v18, v19;
	[tilespmem:s21+$0x2410] =	vst v25  }
0x31b: {  	v50 =	vadd.s32 $0x1, v3;
	v52 =	vadd.s32 $0x81, v3;
	v21 =	vmax.f32 v54, $0.0e+00;
	[tilespmem:s21+$0xC00] =	vst v8  }
0x31c: {  	v22 =	vmax.f32 v56, $0.0e+00;
	v10 =	vsub.f32 v10, v17;
	v26 =	vadd.s32 $0x1, v25;
	[tilespmem:s21+$0x1000] =	vst v12  }
0x31d: {  	v20 =	vcvt.s32.f32 v20;
	v31 =	vadd.s32 v43, v14;
	v17 =	vadd.s32 $0x80, v25;
	[tilespmem:s21+$0x2C10] =	vst v26  }
0x31e: {  	v46 =	vld [tilespmem:s30+$0x800];
	v4 =	vadd.s32 $0x80, v4;
	v28 =	vcvt.s32.f32 v28;
	v0 =	vadd.s32 $0x1, v31;
	[tilespmem:s21+$0x3410] =	vst v17  }
0x31f: {  	v49 =	vld [tilespmem:s30+$0x410];
	v35 =	vmin.f32 v22, $1.270000000e+02;
	v5 =	vsub.f32 v5, v20;
	v9 =	vadd.s32 $0x80, v31;
	[tilespmem:s21+$0x2C20] =	vst v0  }
0x320: {  	v24 =	vld [tilespmem:s30+$0x830];
	v16 =	vsub.f32 v16, v28;
	v47 =	vadd.s32 $0x1, v14;
	v48 =	vadd.s32 $0x80, v14;
	[tilespmem:s21+$0x3420] =	vst v9  }
0x321: {  	v2 =	vld [tilespmem:s30+$0x430];
	v14 =	vadd.s32 $0x81, v14;
	v8 =	vsub.f32 v1, v13;
	v13 =	vadd.s32 $0x81, v25;
	[tilespmem:s21+$0x1400] =	vst v5  }
0x322: {  	v18 =	vadd.s32 $0x1, v44;
	v19 =	vadd.s32 $0x80, v44;
	v1 =	vld [tilespmem:s30+$0x30];
	v12 =	vadd.s32 $0x81, v31;
	[tilespmem:s21+$0x3C10] =	vst v13  }
0x323: {  	s23 =	sand.u32 $0x3C0, s13;
	v20 =	vadd.s32 $0x81, v44;
	v25 =	vadd.s32 $0x1, v29;
	v26 =	vadd.s32 $0x80, v29;
	v17 =	vld [tilespmem:s30+$0x400];
	[tilespmem:s21+$0x3C20] =	vst v12  }
0x324: {  	v9 =	vadd.s32 $0x80, v3;
	v3 =	vld [tilespmem:s30+$0x420];
	v29 =	vmin.f32 v53, $1.270000000e+02;
	v13 =	vadd.s32 $0x80, v23;
	[tilespmem:s23+$0x2C00] =	vst v18  }
0x325: {  	v23 =	vadd.s32 $0x81, v23;
	v12 =	vmax.f32 v24, $0.0e+00;
	v18 =	vmax.f32 v46, $0.0e+00;
	[tilespmem:s23+$0x3400] =	vst v19  }
0x326: {  	v24 =	vld [tilespmem:s30+$0x820];
	v19 =	vmax.f32 v49, $0.0e+00;
	v18 =	vmin.f32 v18, $1.270000000e+02;
	[tilespmem:s21+$0x3010] =	vst v13;
	v13 =	vmin.f32 v21, $1.270000000e+02  }
0x327: {  	[tilespmem:s23+$0x3800] =	vst v27;
	v27 =	vmin.f32 v19, $1.270000000e+02;
	v21 =	vtrunc.f32 v18;
	v11 =	vtrunc.f32 v13  }
0x328: {  	[tilespmem:s21+$0xC20] =	vst v16;
	v16 =	vcvt.f32.s32 v21;
	v11 =	vcvt.f32.s32 v11;
	v0 =	vmax.f32 v1, $0.0e+00  }
0x329: {  	[tilespmem:s23+$0x3C00] =	vst v20;
	v1 =	vmax.f32 v2, $0.0e+00;
	v5 =	vmax.f32 v17, $0.0e+00;
	v20 =	vmax.f32 v3, $0.0e+00  }
0x32a: {  	v0 =	vmin.f32 v0, $1.270000000e+02;
	v2 =	vmin.f32 v1, $1.270000000e+02;
	v1 =	vmin.f32 v12, $1.270000000e+02  }
0x32b: {  	[tilespmem:s21+$0xC10] =	vst v15;
	v24 =	vmax.f32 v24, $0.0e+00;
	v15 =	vmin.f32 v5, $1.270000000e+02;
	v57 =	vmin.f32 v20, $1.270000000e+02  }
0x32c: {  	[tilespmem:s21+$0x3430] =	vst v4;
	vm8 =	vlt.s32 v16, $0x7E;
	v4 =	vtrunc.f32 v0;
	v12 =	vtrunc.f32 v2  }
0x32d: {  	vm13 =	vlt.s32 v11, $0x7E;
	v17 =	vtrunc.f32 v1;
	v20 =	vtrunc.f32 v15  }
0x32e: {  	[tilespmem:s21+$0x1810] =	vst v40;
	v5 =	vmin.f32 v24, $1.270000000e+02;
	v24 =	vtrunc.f32 v27;
	v12 =	vcvt.f32.s32 v12  }
0x32f: {  	[tilespmem:s21+$0x3820] =	vst v14;
	v14 =	vnsel vm8, $0x7E, v16;
	v17 =	vcvt.f32.s32 v17;
	v4 =	vcvt.f32.s32 v4  }
0x330: {  	[tilespmem:s21+$0x1820] =	vst v41;
	v11 =	vnsel vm13, $0x7E, v11;
	v20 =	vcvt.f32.s32 v20;
	v22 =	vtrunc.f32 v5  }
0x331: {  	[tilespmem:s21+$0x1430] =	vst v6;
	v21 =	vcvt.f32.s32 v24;
	v24 =	vtrunc.f32 v35;
	v6 =	vshll.u32 v14, $0xD  }
0x332: {  	[tilespmem:s21+$0x2810] =	vst v45;
	v61 =	vand.u32 $0x1, v14;
	v62 =	vcvt.s32.f32 v14;
	vm4 =	vlt.s32 v12, $0x7E  }
0x333: {  	[tilespmem:s21+$0x1030] =	vst v7;
	vm5 =	vlt.s32 v17, $0x7E;
	vm6 =	vlt.s32 v4, $0x7E;
	vm7 =	vlt.s32 v20, $0x7E  }
0x334: {  	[tilespmem:s21+$0x2830] =	vst v50;
	vm9 =	vlt.s32 v21, $0x7E;
	v12 =	vnsel vm4, $0x7E, v12;
	v55 =	vnsel vm5, $0x7E, v17  }
0x335: {  	[tilespmem:s23+$0x2800] =	vst v25;
	v17 =	vld [tilespmem:s30+$0x10];
	v25 =	vnsel vm6, $0x7E, v4;
	v20 =	vnsel vm7, $0x7E, v20;
	v16 =	vnsel vm9, $0x7E, v21  }
0x336: {  	[tilespmem:s23+$0x3000] =	vst v26;
	v3 =	vshll.u32 v55, $0xD;
	v4 =	vshll.u32 v12, $0x7;
	v26 =	vand.u32 $0x1, v55  }
0x337: {  	[tilespmem:s21+$0x3830] =	vst v52;
	v7 =	vshll.u32 v20, $0x7;
	v3 =	vand.u32 $0xFFFFC000, v3;
	v4 =	vadd.s32 v25, v4  }
0x338: {  	[tilespmem:s21+$0x1020] =	vst v10;
	v60 =	vcvt.s32.f32 v20;
	v3 =	vadd.s32 v3, v4;
	v4 =	vshll.u32 v26, $0xE  }
0x339: {  	[tilespmem:s21+$0x2420] =	vst v31;
	v37 =	vcvt.s32.f32 v16;
	v7 =	vadd.s32 v11, v7;
	v4 =	vadd.s32 v4, v3  }
0x33a: {  	[tilespmem:s21+$0x3810] =	vst v23;
	v11 =	vcvt.s32.f32 v11;
	v19 =	vadd.s32 $0x81, v4;
	v17 =	vmax.f32 v17, $0.0e+00  }
0x33b: {  	v23 =	vadd.s32 $0x1, v4;
	[tilespmem:s30+$0x3C30] =	vst v19;
	v58 =	vmin.f32 v17, $1.270000000e+02;
	v17 =	vtrunc.f32 v29  }
0x33c: {  	v6 =	vand.u32 $0xFFFFC000, v6;
	v19 =	vtrunc.f32 v57;
	[tilespmem:s30+$0x2C30] =	vst v23;
	v23 =	vcvt.f32.s32 v24  }
0x33d: {  	[tilespmem:s21+$0x2820] =	vst v47;
	v21 =	vshll.u32 v16, $0x7;
	v10 =	vcvt.f32.s32 v17;
	v17 =	vcvt.f32.s32 v19  }
0x33e: {  	[tilespmem:s21+$0x3020] =	vst v48;
	v20 =	vadd.s32 v6, v7;
	v19 =	vcvt.f32.s32 v22;
	v22 =	vtrunc.f32 v58  }
0x33f: {  	[tilespmem:s23+$0x2400] =	vst v44;
	v7 =	vshll.u32 v61, $0xE;
	v22 =	vcvt.f32.s32 v22;
	vm15 =	vlt.s32 v23, $0x7E  }
0x340: {  	[tilespmem:s21+$0x3030] =	vst v9;
	vm10 =	vlt.s32 v10, $0x7E;
	vm11 =	vlt.s32 v17, $0x7E;
	vm12 =	vlt.s32 v19, $0x7E  }
0x341: {  	[tilespmem:s21+$0xC30] =	vst v8;
	v23 =	vnsel vm15, $0x7E, v23;
	v8 =	vnsel vm10, $0x7E, v10;
	v10 =	vnsel vm11, $0x7E, v17  }
0x342: {  	[tilespmem:s30+$0x1800] =	vst v61;
	v17 =	vnsel vm12, $0x7E, v19;
	vm14 =	vlt.s32 v22, $0x7E;
	v6 =	vcvt.s32.f32 v23  }
0x343: {  	[tilespmem:s30+$0x1830] =	vst v26;
	v19 =	vshll.u32 v8, $0xD;
	v24 =	vshll.u32 v17, $0xD;
	v59 =	vshll.u32 v10, $0x7  }
0x344: {  	[tilespmem:s30+$0x2030] =	vst v3;
	v22 =	vnsel vm14, $0x7E, v22;
	v14 =	vand.u32 $0x1, v8;
	v38 =	vcvt.s32.f32 v8  }
0x345: {  	[tilespmem:s30+$0x2000] =	vst v20;
	v16 =	vand.u32 $0x1, v17;
	v39 =	vcvt.s32.f32 v10;
	v10 =	vcvt.s32.f32 v12  }
0x346: {  	[tilespmem:s30+$0x2430] =	vst v4;
	v8 =	vcvt.s32.f32 v55;
	v9 =	vand.u32 $0xFFFFC000, v19;
	v19 =	vadd.s32 v22, v21  }
0x347: {  	v21 =	vand.u32 $0xFFFFC000, v24;
	v24 =	vadd.s32 v23, v59;
	v63 =	vcvt.s32.f32 v22;
	[tilespmem:s30+$0x1810] =	vst v14  }
0x348: {  	[tilespmem:s30+$0x1820] =	vst v16;
	v22 =	vcvt.s32.f32 v17;
	v12 =	vshll.u32 v14, $0xE;
	v19 =	vadd.s32 v9, v19  }
0x349: {  	v14 =	vadd.s32 v7, v20;
	v7 =	vsub.f32 v13, v11;
	v17 =	vadd.s32 v21, v24;
	[tilespmem:s30+$0x2010] =	vst v19  }
0x34a: {  	v16 =	vshll.u32 v16, $0xE;
	v9 =	vcvt.s32.f32 v25;
	v24 =	vsub.f32 v18, v62;
	[tilespmem:s30+$0x2020] =	vst v17  }
0x34b: {  	v21 =	vadd.s32 $0x80, v14;
	v23 =	vadd.s32 $0x81, v14;
	v26 =	vadd.s32 v12, v19;
	[tilespmem:s30+$0xC00] =	vst v7  }
0x34c: {  	v18 =	vsub.f32 v27, v37;
	v25 =	vadd.s32 v16, v17;
	v12 =	vsub.f32 v15, v60;
	[tilespmem:s30+$0x2410] =	vst v26  }
0x34d: {  	v11 =	vsub.f32 v29, v38;
	v15 =	vadd.s32 $0x1, v14;
	v16 =	vsub.f32 v58, v63;
	[tilespmem:s30+$0x2420] =	vst v25  }
0x34e: {  	s14 =	simm.s32 $0x200;
	s11 =	simm.s32 $0x4;
	v7 =	vsub.f32 v35, v6;
	v6 =	vsub.f32 v57, v39;
	[tilespmem:s30+$0x1000] =	vst v12;
	v12 =	vadd.s32 $0x1, v26  }
.LBB2_9:
0x34f: {  	s15 =	sshra.s32 s14, $0x2;
	[tilespmem:s30+$0x2C10] =	vst v12;
	v12 =	vadd.s32 $0x80, v26;
	v22 =	vsub.f32 v5, v22;
	v9 =	vsub.f32 v0, v9  }
0x350: {  	v5 =	vadd.s32 $0x81, v26;
	v10 =	vsub.f32 v2, v10;
	v8 =	vsub.f32 v1, v8;
	v0 =	vld [tilespmem:s15+$0x30];
	[tilespmem:s30+$0x3410] =	vst v12  }
0x351: {  	s11 =	sadd.s32 $0x4, s11;
	v2 =	vadd.s32 $0x1, v25;
	v12 =	vadd.s32 $0x81, v25;
	v1 =	vld [tilespmem:s15+$0x430];
	[tilespmem:s30+$0x3C10] =	vst v5;
	v5 =	vadd.s32 $0x80, v25  }
0x352: {  	v26 =	vadd.s32 $0x80, v20;
	p1 =	slt.u32 s11, $0x3C;
	v25 =	vadd.s32 $0x1, v20;
	v13 =	vld [tilespmem:s15+$0x830];
	[tilespmem:s30+$0x2C20] =	vst v2;
	v2 =	vadd.s32 $0x80, v4  }
0x353: {  	v27 =	vadd.s32 $0x81, v20;
	v28 =	vadd.s32 $0x1, v19;
	v29 =	vadd.s32 $0x80, v19;
	v4 =	vld [tilespmem:s15+$0x400];
	[tilespmem:s30+$0x3420] =	vst v5  }
0x354: {  	v30 =	vadd.s32 $0x81, v19;
	v31 =	vadd.s32 $0x1, v17;
	v32 =	vadd.s32 $0x80, v17;
	v5 =	vld [tilespmem:s15+$0x800];
	[tilespmem:s30+$0x3C20] =	vst v12  }
0x355: {  	v33 =	vadd.s32 $0x81, v17;
	v17 =	vadd.s32 $0x80, v3;
	s13 =	sadd.s32 $0x40, s13;
	v20 =	vadd.s32 $0x1, v3;
	v12 =	vld [tilespmem:s15+$0x410];
	[tilespmem:s30+$0x3430] =	vst v2  }
0x356: {  	v19 =	vadd.s32 $0x81, v3;
	s16 =	sand.u32 $0x3C0, s13;
	v0 =	vmax.f32 v0, $0.0e+00;
	v34 =	vld [tilespmem:s15+$0x810];
	[tilespmem:s30+$0x1400] =	vst v24  }
0x357: {  	v0 =	vmin.f32 v0, $1.270000000e+02;
	v1 =	vmax.f32 v1, $0.0e+00;
	v3 =	vld [tilespmem:s15+$0x420];
	v13 =	vmax.f32 v13, $0.0e+00;
	[tilespmem:s16+$0x2C00] =	vst v15  }
0x358: {  	v2 =	vmin.f32 v1, $1.270000000e+02;
	v24 =	vld [tilespmem:s15+$0x820];
	v1 =	vmin.f32 v13, $1.270000000e+02;
	v13 =	vtrunc.f32 v0;
	[tilespmem:s16+$0x3400] =	vst v21  }
0x359: {  	v4 =	vmax.f32 v4, $0.0e+00;
	v15 =	vtrunc.f32 v2;
	v35 =	vld [tilespmem:s15+$0x0];
	v21 =	vtrunc.f32 v1;
	[tilespmem:s16+$0x3C00] =	vst v23  }
0x35a: {  	v5 =	vmax.f32 v5, $0.0e+00;
	v15 =	vcvt.f32.s32 v15;
	v23 =	vld [tilespmem:s15+$0x10];
	v21 =	vcvt.f32.s32 v21;
	[tilespmem:s16+$0x2400] =	vst v14  }
0x35b: {  	v13 =	vcvt.f32.s32 v13;
	v12 =	vmax.f32 v12, $0.0e+00;
	v34 =	vmax.f32 v34, $0.0e+00;
	v36 =	vld [tilespmem:s15+$0x20];
	[tilespmem:s16+$0x2800] =	vst v25  }
0x35c: {  	vm0 =	vlt.s32 v15, $0x7E;
	v25 =	vmax.f32 v3, $0.0e+00;
	vm1 =	vlt.s32 v21, $0x7E;
	[tilespmem:s16+$0x3000] =	vst v26  }
0x35d: {  	vm2 =	vlt.s32 v13, $0x7E;
	v14 =	vnsel vm0, $0x7E, v15;
	v15 =	vnsel vm1, $0x7E, v21;
	[tilespmem:s16+$0x3800] =	vst v27  }
0x35e: {  	v21 =	vnsel vm2, $0x7E, v13;
	v13 =	vshll.u32 v14, $0x7;
	v3 =	vshll.u32 v15, $0xD;
	[tilespmem:s30+$0xC10] =	vst v16  }
0x35f: {  	v26 =	vand.u32 $0x1, v15;
	v13 =	vadd.s32 v21, v13;
	v3 =	vand.u32 $0xFFFFC000, v3;
	[tilespmem:s30+$0x1010] =	vst v18  }
0x360: {  	v24 =	vmax.f32 v24, $0.0e+00;
	v3 =	vadd.s32 v3, v13;
	v13 =	vshll.u32 v26, $0xE;
	[tilespmem:s30+$0x1410] =	vst v11  }
0x361: {  	v16 =	vmin.f32 v5, $1.270000000e+02;
	v18 =	vmin.f32 v4, $1.270000000e+02;
	v4 =	vadd.s32 v13, v3;
	[tilespmem:s30+$0x2810] =	vst v28  }
0x362: {  	v11 =	vmin.f32 v12, $1.270000000e+02;
	v12 =	vmin.f32 v34, $1.270000000e+02;
	v27 =	vadd.s32 $0x81, v4;
	[tilespmem:s30+$0x3010] =	vst v29  }
0x363: {  	v5 =	vmin.f32 v24, $1.270000000e+02;
	v28 =	vmax.f32 v35, $0.0e+00;
	v13 =	vmin.f32 v25, $1.270000000e+02;
	[tilespmem:s15+$0x3C30] =	vst v27  }
0x364: {  	v23 =	vmax.f32 v23, $0.0e+00;
	v24 =	vtrunc.f32 v18;
	v25 =	vmax.f32 v36, $0.0e+00;
	[tilespmem:s30+$0x3810] =	vst v30  }
0x365: {  	v29 =	vtrunc.f32 v11;
	v27 =	vmin.f32 v28, $1.270000000e+02;
	v28 =	vtrunc.f32 v16;
	[tilespmem:s30+$0xC20] =	vst v7  }
0x366: {  	v30 =	vtrunc.f32 v13;
	v7 =	vmin.f32 v23, $1.270000000e+02;
	v23 =	vtrunc.f32 v12;
	[tilespmem:s30+$0x1020] =	vst v6  }
0x367: {  	v24 =	vcvt.f32.s32 v24;
	v6 =	vmin.f32 v25, $1.270000000e+02;
	v25 =	vtrunc.f32 v5;
	[tilespmem:s30+$0x1420] =	vst v22  }
0x368: {  	v22 =	vcvt.f32.s32 v28;
	v28 =	vcvt.f32.s32 v29;
	v29 =	vadd.s32 $0x1, v4;
	[tilespmem:s30+$0x2820] =	vst v31  }
0x369: {  	vm0 =	vlt.s32 v24, $0x7E;
	v30 =	vcvt.f32.s32 v30;
	v23 =	vcvt.f32.s32 v23;
	[tilespmem:s15+$0x2C30] =	vst v29  }
0x36a: {  	v25 =	vcvt.f32.s32 v25;
	v29 =	vtrunc.f32 v27;
	vm1 =	vlt.s32 v22, $0x7E;
	[tilespmem:s30+$0x3020] =	vst v32  }
0x36b: {  	v31 =	vtrunc.f32 v7;
	vm2 =	vlt.s32 v28, $0x7E;
	v32 =	vtrunc.f32 v6;
	[tilespmem:s30+$0x3820] =	vst v33  }
0x36c: {  	vm3 =	vlt.s32 v23, $0x7E;
	v31 =	vcvt.f32.s32 v31;
	v29 =	vcvt.f32.s32 v29;
	[tilespmem:s30+$0xC30] =	vst v9  }
0x36d: {  	vm4 =	vlt.s32 v30, $0x7E;
	vm5 =	vlt.s32 v25, $0x7E;
	v9 =	vcvt.f32.s32 v32;
	[tilespmem:s30+$0x1030] =	vst v10  }
0x36e: {  	v22 =	vnsel vm1, $0x7E, v22;
	v10 =	vnsel vm0, $0x7E, v24;
	v24 =	vnsel vm2, $0x7E, v28;
	[tilespmem:s30+$0x1430] =	vst v8  }
0x36f: {  	v25 =	vnsel vm5, $0x7E, v25;
	v8 =	vnsel vm3, $0x7E, v23;
	v23 =	vnsel vm4, $0x7E, v30;
	[tilespmem:s15+$0x2430] =	vst v4  }
0x370: {  	vm1 =	vlt.s32 v31, $0x7E;
	vm0 =	vlt.s32 v29, $0x7E;
	vm2 =	vlt.s32 v9, $0x7E;
	[tilespmem:s30+$0x2830] =	vst v20  }
0x371: {  	v28 =	vshll.u32 v10, $0x7;
	v30 =	vshll.u32 v8, $0xD;
	v20 =	vshll.u32 v22, $0xD;
	[tilespmem:s30+$0x3030] =	vst v17  }
0x372: {  	v32 =	vshll.u32 v25, $0xD;
	v33 =	vshll.u32 v23, $0x7;
	v17 =	vshll.u32 v24, $0x7;
	[tilespmem:s30+$0x3830] =	vst v19;
	s30 =	smov.u32 s15  }
0x373: {  	v9 =	vnsel vm2, $0x7E, v9;
	v19 =	vnsel vm0, $0x7E, v29;
	v29 =	vnsel vm1, $0x7E, v31;
	[tilespmem:s30+$0x2030] =	vst v3  }
0x374: {  	v30 =	vand.u32 $0xFFFFC000, v30;
	v20 =	vand.u32 $0xFFFFC000, v20;
	v28 =	vadd.s32 v19, v28;
	[tilespmem:s30+$0x1830] =	vst v26  }
0x375: {  	v31 =	vadd.s32 v9, v33;
	v17 =	vadd.s32 v29, v17;
	v26 =	vand.u32 $0xFFFFC000, v32  }
0x376: {  	v34 =	vand.u32 $0x1, v22;
	v33 =	vcvt.s32.f32 v10;
	v32 =	vcvt.s32.f32 v19  }
0x377: {  	v35 =	vcvt.s32.f32 v22;
	v36 =	vand.u32 $0x1, v8;
	v29 =	vcvt.s32.f32 v29;
	[tilespmem:s30+$0x1800] =	vst v34  }
0x378: {  	v37 =	vcvt.s32.f32 v24;
	v38 =	vcvt.s32.f32 v8;
	v24 =	vand.u32 $0x1, v25;
	[tilespmem:s30+$0x1810] =	vst v36  }
0x379: {  	v39 =	vcvt.s32.f32 v23;
	v20 =	vadd.s32 v20, v28;
	v28 =	vcvt.s32.f32 v9;
	[tilespmem:s30+$0x1820] =	vst v24  }
0x37a: {  	v22 =	vcvt.s32.f32 v25;
	v19 =	vadd.s32 v30, v17;
	v9 =	vcvt.s32.f32 v21;
	[tilespmem:s30+$0x2000] =	vst v20  }
0x37b: {  	v8 =	vcvt.s32.f32 v15;
	v10 =	vcvt.s32.f32 v14;
	v17 =	vadd.s32 v26, v31;
	[tilespmem:s30+$0x2010] =	vst v19  }
0x37c: {  	v15 =	vshll.u32 v36, $0xE;
	v14 =	vshll.u32 v34, $0xE;
	v21 =	vshll.u32 v24, $0xE;
	[tilespmem:s30+$0x2020] =	vst v17  }
.Ltmp3:
0x37d: {  	v14 =	vadd.s32 v14, v20;
	v26 =	vadd.s32 v15, v19;
	v25 =	vadd.s32 v21, v17;
	(pc) =	sbr.rel @p1 .LBB2_9-.Ltmp3, $4  }
0x37e: {  	v23 =	vsub.f32 v27, v32;
	v27 =	vsub.f32 v18, v33;
	v15 =	vadd.s32 $0x1, v14;
	[tilespmem:s30+$0x2410] =	vst v26  }
0x37f: {  	v21 =	vadd.s32 $0x80, v14;
	v24 =	vsub.f32 v16, v35;
	v16 =	vsub.f32 v7, v29;
	[tilespmem:s30+$0x2420] =	vst v25  }
0x380: {  	v18 =	vsub.f32 v11, v37;
	v11 =	vsub.f32 v12, v38;
	[tilespmem:s30+$0xC00] =	vst v23;
	v23 =	vadd.s32 $0x81, v14  }
0x381: {  	s14 =	sadd.s32 $0x100, s14;
	v12 =	vadd.s32 $0x1, v26;
	v7 =	vsub.f32 v6, v28;
	v6 =	vsub.f32 v13, v39;
	[tilespmem:s30+$0x1000] =	vst v27  }
0x382: {  	[tilespmem:s30+$0x2C10] =	vst v12  }
0x383: {  	[tilespmem:s30+$0x1400] =	vst v24  }
0x384: {  	[tilespmem:s30+$0xC10] =	vst v16  }
0x385: {  	[tilespmem:s30+$0x1010] =	vst v18  }
0x386: {  	v12 =	vadd.s32 $0x80, v26;
	[tilespmem:s30+$0x1410] =	vst v11  }
0x387: {  	v13 =	vadd.s32 $0x80, v25;
	[tilespmem:s30+$0x3410] =	vst v12  }
0x388: {  	v4 =	vadd.s32 $0x80, v4;
	[tilespmem:s30+$0x3420] =	vst v13  }
0x389: {  	v11 =	vadd.s32 $0x80, v19;
	[tilespmem:s30+$0x3430] =	vst v4  }
0x38a: {  	[tilespmem:s30+$0x3010] =	vst v11  }
0x38b: {  	[tilespmem:s30+$0xC20] =	vst v7  }
0x38c: {  	s11 =	sadd.s32 $0x40, s13;
	v12 =	vadd.s32 $0x81, v26;
	[tilespmem:s30+$0x1020] =	vst v6  }
0x38d: {  	s11 =	sand.u32 $0x3C0, s11;
	[tilespmem:s30+$0x3C10] =	vst v12  }
0x38e: {  	[tilespmem:s11+$0x2C00] =	vst v15  }
0x38f: {  	[tilespmem:s11+$0x3400] =	vst v21  }
0x390: {  	[tilespmem:s11+$0x3C00] =	vst v23  }
0x391: {  	v0 =	vsub.f32 v0, v9;
	v4 =	vadd.s32 $0x1, v20;
	[tilespmem:s11+$0x2400] =	vst v14  }
0x392: {  	v2 =	vsub.f32 v2, v10;
	[tilespmem:s11+$0x2800] =	vst v4  }
0x393: {  	v1 =	vsub.f32 v1, v8;
	[tilespmem:s30+$0xC30] =	vst v0  }
0x394: {  	[tilespmem:s30+$0x1030] =	vst v2  }
0x395: {  	v12 =	vadd.s32 $0x1, v25;
	[tilespmem:s30+$0x1430] =	vst v1  }
0x396: {  	v4 =	vadd.s32 $0x81, v20;
	[tilespmem:s30+$0x2C20] =	vst v12  }
0x397: {  	v0 =	vadd.s32 $0x1, v3;
	[tilespmem:s11+$0x3800] =	vst v4  }
0x398: {  	v1 =	vadd.s32 $0x80, v3;
	[tilespmem:s30+$0x2830] =	vst v0  }
0x399: {  	v12 =	vadd.s32 $0x81, v25;
	[tilespmem:s30+$0x3030] =	vst v1  }
0x39a: {  	v4 =	vadd.s32 $0x1, v19;
	[tilespmem:s30+$0x3C20] =	vst v12  }
0x39b: {  	v0 =	vadd.s32 $0x81, v3;
	[tilespmem:s30+$0x2810] =	vst v4  }
0x39c: {  	v12 =	vadd.s32 $0x80, v20;
	[tilespmem:s30+$0x3830] =	vst v0  }
0x39d: {  	v4 =	vadd.s32 $0x81, v19;
	[tilespmem:s11+$0x3000] =	vst v12  }
0x39e: {  	[tilespmem:s30+$0x3810] =	vst v4;
	v4 =	vsub.f32 v5, v22;
	v5 =	vadd.s32 $0x1, v17  }
0x39f: {  	[tilespmem:s30+$0x2820] =	vst v5  }
0x3a0: {  	v5 =	vadd.s32 $0x81, v17;
	[tilespmem:s30+$0x1420] =	vst v4  }
0x3a1: {  	v4 =	vadd.s32 $0x80, v17;
	[tilespmem:s30+$0x3820] =	vst v5  }
0x3a2: {  	s14 =	simm.s32 $0x4000;
	[tilespmem:s30+$0x3020] =	vst v4  }
0x3a3: {  	[tilespmem:s14], [sflag:$0x1] =	stream.indirect.gather [spmem:s5], $0x1, s20, s20, $0xb8;
	[tilespmem:$0x1E000] =	vst v63  }
0x3a4: {  	_ =	swait.ge [sflag:s28], $0x2000  }
0x3a5: {  	[sflag:s28] =	ssyncset.done $0x0  }
0x3a6: {  	s11 =	simm.s32 @!p0 $0x4;
	[sflag:s28] =	ssyncadd.s32 $0xFFFFE000  }
0x3a7: {  	_ =	swait.ge @!p0 [sflag:s11], $0x400  }
0x3a8: {  	s15 =	simm.s32 $0x0;
	[sflag:s11] =	ssyncset.done @!p0 $0x0  }
0x3a9: {  	s16 =	sand.u32 $0x3C0, s15;
	[sflag:s11] =	ssyncadd.s32 @!p0 $0xFFFFFC00  }
0x3aa: {  	v0 =	vld [tilespmem:s16+$0xA400]  }
0x3ab: {  	v2 =	vld [tilespmem:s16+$0xAC00]  }
0x3ac: {  	v4 =	vld [tilespmem:s16+$0xB400]  }
0x3ad: {  	s17 =	simm.s32 $0xB010;
	v6 =	vld [tilespmem:s16+$0xBC00]  }
0x3ae: {  	v8 =	vld [tilespmem:s17+$0xFFFFF420]  }
0x3af: {  	s14 =	simm.s32 $0x7820;
	v9 =	vld [tilespmem:s17+$0xFFFFFC20]  }
0x3b0: {  	v10 =	vld [tilespmem:s14+$0x10]  }
0x3b1: {  	v11 =	vld [tilespmem:s17+$0x420]  }
0x3b2: {  	v16 =	vld [tilespmem:s14+$0xFFFFFFE0]  }
0x3b3: {  	v17 =	vld [tilespmem:s14+$0xFFFFFFF0]  }
0x3b4: {  	v18 =	vld [tilespmem:s14+$0x0]  }
0x3b5: {  	v12 =	vld [tilespmem:s17+$0xC20]  }
0x3b6: {  	v7 =	vld [tilespmem:s17+$0xFFFFF020]  }
0x3b7: {  	v13 =	vld [tilespmem:s17+$0xFFFFF820]  }
0x3b8: {  	v14 =	vld [tilespmem:s17+$0x20];
	v10 =	vshll.u32 v10, $0x4;
	v16 =	vshll.u32 v16, $0x4;
	v17 =	vshll.u32 v17, $0x4  }
0x3b9: {  	v15 =	vld [tilespmem:s17+$0x820];
	v18 =	vshll.u32 v18, $0x4;
	v8 =	vshll.u32 v8, v10;
	v9 =	vshll.u32 v9, v10  }
0x3ba: {  	v11 =	vshll.u32 v11, v10;
	v12 =	vshll.u32 v12, v10;
	v10 =	vsub.s32 $0x10, v10  }
0x3bb: {  	v0 =	vshll.u32 v0, v16;
	v2 =	vshll.u32 v2, v16;
	v4 =	vshll.u32 v4, v16  }
0x3bc: {  	s18 =	simm.s32 $0x7420;
	v1 =	vld [tilespmem:s16+$0xA800];
	v6 =	vshll.u32 v6, v16;
	v8 =	vand.u32 $0xFFFF0000, v8;
	v9 =	vand.u32 $0xFFFF0000, v9  }
0x3bd: {  	v19 =	vld [tilespmem:s18+$0x10];
	v7 =	vshll.u32 v7, v10;
	v11 =	vand.u32 $0xFFFF0000, v11;
	v12 =	vand.u32 $0xFFFF0000, v12  }
0x3be: {  	v3 =	vld [tilespmem:s16+$0xB000];
	v13 =	vshll.u32 v13, v10;
	v14 =	vshll.u32 v14, v10;
	v10 =	vshll.u32 v15, v10  }
0x3bf: {  	v23 =	vld [tilespmem:s17+$0xFFFFFC00];
	v0 =	vand.u32 $0xFFFF0000, v0;
	v2 =	vand.u32 $0xFFFF0000, v2;
	v7 =	vand.u32 $0xFFFF0000, v7  }
0x3c0: {  	v5 =	vld [tilespmem:s16+$0xB800];
	v13 =	vand.u32 $0xFFFF0000, v13;
	v14 =	vand.u32 $0xFFFF0000, v14;
	v8 =	vsub.f32 v8, v7  }
0x3c1: {  	v10 =	vand.u32 $0xFFFF0000, v10;
	v9 =	vsub.f32 v9, v13;
	v11 =	vsub.f32 v11, v14  }
0x3c2: {  	v20 =	vld [tilespmem:s17+$0xFFFFEFF0];
	v4 =	vand.u32 $0xFFFF0000, v4;
	v12 =	vsub.f32 v12, v10;
	v8 =	vmul.f32 v8, v19  }
0x3c3: {  	v21 =	vld [tilespmem:s17+$0xFFFFF400];
	v6 =	vand.u32 $0xFFFF0000, v6;
	v9 =	vmul.f32 v9, v19;
	v11 =	vmul.f32 v11, v19  }
0x3c4: {  	v22 =	vld [tilespmem:s17+$0xFFFFF800];
	v12 =	vmul.f32 v12, v19;
	v19 =	vsub.s32 $0x10, v16;
	v16 =	vshll.u32 v23, v17  }
0x3c5: {  	v24 =	vld [tilespmem:s17+$0x0];
	v1 =	vshll.u32 v1, v19;
	v26 =	vshll.u32 v3, v19;
	v5 =	vshll.u32 v5, v19  }
0x3c6: {  	s21 =	simm.s32 $0x6C20;
	v15 =	vld [tilespmem:s17+$0xFFFFF000];
	v16 =	vand.u32 $0xFFFF0000, v16;
	v7 =	vadd.f32 v7, v8;
	v8 =	vadd.f32 v13, v9  }
0x3c7: {  	v25 =	vld [tilespmem:s21+$0x10];
	v9 =	vsub.s32 $0x10, v17;
	v11 =	vadd.f32 v14, v11;
	v10 =	vadd.f32 v10, v12  }
0x3c8: {  	v27 =	vld [tilespmem:s17+$0xC00];
	v12 =	vshll.u32 v20, v19;
	v20 =	vsub.s32 $0x10, v18;
	v1 =	vand.u32 $0xFFFF0000, v1  }
0x3c9: {  	v23 =	vld [tilespmem:s17+$0x410];
	v26 =	vand.u32 $0xFFFF0000, v26;
	v5 =	vand.u32 $0xFFFF0000, v5;
	v2 =	vsub.f32 v2, v1  }
0x3ca: {  	v13 =	vld [tilespmem:s17+$0x800];
	v12 =	vand.u32 $0xFFFF0000, v12;
	v4 =	vsub.f32 v4, v26;
	v6 =	vsub.f32 v6, v5  }
0x3cb: {  	v14 =	vld [tilespmem:s17+$0x400];
	v3 =	vsub.f32 v8, v7;
	v8 =	vsub.f32 v10, v11;
	v10 =	vshll.u32 v15, v9  }
0x3cc: {  	v19 =	vld [tilespmem:s17+$0xFFFFF010];
	v15 =	vshll.u32 v22, v9;
	v22 =	vshll.u32 v24, v9;
	v0 =	vsub.f32 v0, v12  }
0x3cd: {  	v24 =	vld [tilespmem:s17+$0xFFFFF410];
	v10 =	vand.u32 $0xFFFF0000, v10;
	v15 =	vand.u32 $0xFFFF0000, v15;
	v22 =	vand.u32 $0xFFFF0000, v22  }
0x3ce: {  	v23 =	vshll.u32 v23, v18;
	v3 =	vmul.f32 v3, v25;
	v8 =	vmul.f32 v8, v25;
	v25 =	vld [tilespmem:s17+$0x810]  }
0x3cf: {  	v23 =	vand.u32 $0xFFFF0000, v23;
	v16 =	vsub.f32 v16, v15;
	v9 =	vshll.u32 v13, v9;
	v13 =	vld [tilespmem:s17+$0xFFFFF810]  }
0x3d0: {  	v14 =	vshll.u32 v14, v17;
	v3 =	vadd.f32 v3, v7;
	v7 =	vadd.f32 v8, v11;
	v8 =	vld [tilespmem:s17+$0xFFFFFC10]  }
0x3d1: {  	v19 =	vshll.u32 v19, v20;
	v11 =	vshll.u32 v21, v17;
	v21 =	vld [tilespmem:s17+$0x10];
	v17 =	vshll.u32 v27, v17  }
0x3d2: {  	v28 =	vld [tilespmem:s18+$0xFFFFFFF0];
	v9 =	vand.u32 $0xFFFF0000, v9;
	v19 =	vand.u32 $0xFFFF0000, v19;
	v14 =	vand.u32 $0xFFFF0000, v14  }
0x3d3: {  	v27 =	vld [tilespmem:s17+$0xC10];
	v24 =	vshll.u32 v24, v18;
	v11 =	vand.u32 $0xFFFF0000, v11;
	v17 =	vand.u32 $0xFFFF0000, v17  }
0x3d4: {  	v29 =	vld [tilespmem:s18+$0x0];
	v14 =	vsub.f32 v14, v22;
	v7 =	vsub.f32 v7, v3;
	v24 =	vand.u32 $0xFFFF0000, v24  }
0x3d5: {  	v30 =	vld [tilespmem:s21+$0xFFFFFFF0];
	v11 =	vsub.f32 v11, v10;
	v17 =	vsub.f32 v17, v9;
	v13 =	vshll.u32 v13, v20  }
0x3d6: {  	v8 =	vshll.u32 v8, v18;
	v21 =	vshll.u32 v21, v20;
	v20 =	vshll.u32 v25, v20;
	v25 =	vld [tilespmem:s18+$0xFFFFFFE0]  }
0x3d7: {  	s16 =	simm.s32 $0x7020;
	v31 =	vld [tilespmem:s21+$0x0];
	v24 =	vsub.f32 v24, v19;
	v13 =	vand.u32 $0xFFFF0000, v13;
	v8 =	vand.u32 $0xFFFF0000, v8  }
0x3d8: {  	v11 =	vmul.f32 v11, v28;
	v18 =	vshll.u32 v27, v18;
	v27 =	vld [tilespmem:s16+$0x10];
	v8 =	vsub.f32 v8, v13  }
0x3d9: {  	s13 =	simm.s32 $0xB050;
	v32 =	vld [tilespmem:s21+$0xFFFFFFE0];
	v24 =	vmul.f32 v24, v29;
	v21 =	vand.u32 $0xFFFF0000, v21;
	v20 =	vand.u32 $0xFFFF0000, v20  }
0x3da: {  	v55 =	vld [tilespmem:s13+$0xC00];
	v18 =	vand.u32 $0xFFFF0000, v18;
	v10 =	vadd.f32 v10, v11;
	v8 =	vmul.f32 v8, v29  }
0x3db: {  	v33 =	vld [tilespmem:s16+$0xFFFFFFE0];
	v23 =	vsub.f32 v23, v21;
	v0 =	vmul.f32 v0, v25;
	v2 =	vmul.f32 v2, v25  }
0x3dc: {  	s23 =	simm.s32 $0x40;
	s14 =	simm.s32 $0x6C60;
	v34 =	vld [tilespmem:s16+$0xFFFFFFF0];
	v18 =	vsub.f32 v18, v20;
	v4 =	vmul.f32 v4, v25;
	v6 =	vmul.f32 v6, v25  }
0x3dd: {  	s11 =	sand.u32 $0x3C0, s23;
	v54 =	vld [tilespmem:s14+$0x10];
	v7 =	vmul.f32 v7, v27;
	v8 =	vadd.f32 v13, v8;
	v0 =	vadd.f32 v12, v0  }
0x3de: {  	v25 =	vld [tilespmem:s11+$0xAC00];
	v12 =	vmul.f32 v16, v28;
	v1 =	vadd.f32 v1, v2;
	v2 =	vmul.f32 v14, v28  }
0x3df: {  	v27 =	vld [tilespmem:s13+$0xFFFFEFF0];
	v14 =	vmul.f32 v17, v28;
	v4 =	vadd.f32 v26, v4;
	v5 =	vadd.f32 v5, v6  }
0x3e0: {  	v13 =	vld [tilespmem:s11+$0xB800];
	v6 =	vmul.f32 v23, v29;
	v11 =	vadd.f32 v15, v12;
	v2 =	vadd.f32 v22, v2  }
0x3e1: {  	v16 =	vld [tilespmem:s11+$0xA400];
	v15 =	vmul.f32 v18, v29;
	v9 =	vadd.f32 v9, v14;
	v18 =	vadd.f32 v19, v24  }
0x3e2: {  	s30 =	simm.s32 $0x7860;
	v17 =	vld [tilespmem:s11+$0xA800];
	v6 =	vadd.f32 v21, v6;
	v1 =	vsub.f32 v1, v0  }
0x3e3: {  	v23 =	vld [tilespmem:s30+$0x10];
	v5 =	vsub.f32 v5, v4;
	v15 =	vadd.f32 v20, v15  }
0x3e4: {  	v21 =	vld [tilespmem:s13+$0xFFFFF420];
	v11 =	vsub.f32 v11, v10;
	v9 =	vsub.f32 v9, v2  }
0x3e5: {  	v22 =	vld [tilespmem:s13+$0xFFFFFC20];
	v1 =	vmul.f32 v1, v32;
	v8 =	vsub.f32 v8, v18;
	v5 =	vmul.f32 v5, v32  }
0x3e6: {  	v24 =	vld [tilespmem:s13+$0x420];
	v15 =	vsub.f32 v15, v6;
	v11 =	vmul.f32 v11, v30;
	v9 =	vmul.f32 v9, v30  }
0x3e7: {  	v20 =	vld [tilespmem:s13+$0xFFFFF020];
	v1 =	vadd.f32 v1, v0;
	v8 =	vmul.f32 v8, v31;
	v4 =	vadd.f32 v5, v4  }
0x3e8: {  	v0 =	vadd.f32 v11, v10;
	v5 =	vmul.f32 v15, v31;
	v10 =	vld [tilespmem:s13+$0xC20];
	v9 =	vadd.f32 v9, v2  }
0x3e9: {  	v2 =	vadd.f32 v8, v18;
	v8 =	vld [tilespmem:s13+$0xFFFFF820];
	v4 =	vsub.f32 v4, v1  }
0x3ea: {  	v18 =	vld [tilespmem:s30+$0xFFFFFFE0];
	v6 =	vadd.f32 v5, v6;
	v9 =	vsub.f32 v9, v0  }
0x3eb: {  	v11 =	vld [tilespmem:s13+$0x20];
	v5 =	vadd.f32 v7, v3;
	v7 =	vshll.u32 v23, $0x4;
	v4 =	vmul.f32 v4, v33  }
0x3ec: {  	v15 =	vld [tilespmem:s13+$0x820];
	v21 =	vshll.u32 v21, v7;
	v22 =	vshll.u32 v22, v7;
	v23 =	vshll.u32 v24, v7  }
0x3ed: {  	v12 =	vld [tilespmem:s11+$0xB000];
	v6 =	vsub.f32 v6, v2;
	v3 =	vmul.f32 v9, v34;
	v21 =	vand.u32 $0xFFFF0000, v21  }
0x3ee: {  	v14 =	vld [tilespmem:s11+$0xB400];
	v22 =	vand.u32 $0xFFFF0000, v22;
	v10 =	vshll.u32 v10, v7;
	v7 =	vsub.s32 $0x10, v7  }
0x3ef: {  	v19 =	vld [tilespmem:s11+$0xBC00];
	s11 =	simm.s32 $0x7460;
	v23 =	vand.u32 $0xFFFF0000, v23;
	v18 =	vshll.u32 v18, $0x4;
	v20 =	vshll.u32 v20, v7  }
0x3f0: {  	v26 =	vld [tilespmem:s11+$0x10];
	v10 =	vand.u32 $0xFFFF0000, v10;
	v8 =	vshll.u32 v8, v7;
	v11 =	vshll.u32 v11, v7  }
0x3f1: {  	v24 =	vld [tilespmem:s30+$0x0];
	v7 =	vshll.u32 v15, v7;
	v57 =	vshll.u32 v16, v18;
	v25 =	vshll.u32 v25, v18  }
0x3f2: {  	v9 =	vld [tilespmem:s30+$0xFFFFFFF0];
	v20 =	vand.u32 $0xFFFF0000, v20;
	v8 =	vand.u32 $0xFFFF0000, v8;
	v11 =	vand.u32 $0xFFFF0000, v11  }
0x3f3: {  	v28 =	vld [tilespmem:s13+$0xFFFFF400];
	v7 =	vand.u32 $0xFFFF0000, v7;
	v21 =	vsub.f32 v21, v20;
	v22 =	vsub.f32 v22, v8  }
0x3f4: {  	v29 =	vld [tilespmem:s13+$0xFFFFF800];
	v35 =	vshll.u32 v14, v18;
	v23 =	vsub.f32 v23, v11;
	v10 =	vsub.f32 v10, v7  }
0x3f5: {  	v30 =	vld [tilespmem:s13+$0xFFFFFC00];
	v61 =	vand.u32 $0xFFFF0000, v35;
	v21 =	vmul.f32 v21, v26;
	v22 =	vmul.f32 v22, v26  }
0x3f6: {  	v15 =	vld [tilespmem:s13+$0xFFFFF000];
	v23 =	vmul.f32 v23, v26;
	v10 =	vmul.f32 v10, v26;
	v26 =	vsub.s32 $0x10, v18  }
0x3f7: {  	v31 =	vld [tilespmem:s13+$0x0];
	v24 =	vshll.u32 v24, $0x4;
	v9 =	vshll.u32 v9, $0x4;
	v17 =	vshll.u32 v17, v26  }
0x3f8: {  	v12 =	vshll.u32 v12, v26;
	v20 =	vadd.f32 v20, v21;
	v11 =	vadd.f32 v11, v23;
	v23 =	vld [tilespmem:s13+$0x800]  }
0x3f9: {  	v8 =	vadd.f32 v8, v22;
	v21 =	vsub.s32 $0x10, v9;
	v22 =	vld [tilespmem:s13+$0x400];
	v7 =	vadd.f32 v7, v10  }
0x3fa: {  	v10 =	vshll.u32 v27, v26;
	v27 =	vsub.s32 $0x10, v24;
	v26 =	vshll.u32 v13, v26;
	v13 =	vld [tilespmem:s13+$0xFFFFF010]  }
0x3fb: {  	v56 =	vshll.u32 v15, v21;
	v15 =	vld [tilespmem:s13+$0xFFFFF410];
	v8 =	vsub.f32 v8, v20;
	v7 =	vsub.f32 v7, v11  }
0x3fc: {  	v29 =	vshll.u32 v29, v21;
	v31 =	vshll.u32 v31, v21;
	v36 =	vand.u32 $0xFFFF0000, v10  }
0x3fd: {  	v8 =	vmul.f32 v8, v54;
	v7 =	vmul.f32 v7, v54;
	v21 =	vshll.u32 v23, v21  }
0x3fe: {  	s15 =	simm.s32 $0x7060;
	v23 =	vshll.u32 v28, v9;
	v28 =	vshll.u32 v30, v9;
	v30 =	vshll.u32 v22, v9  }
0x3ff: {  	v14 =	vld [tilespmem:s15+$0x10];
	v9 =	vshll.u32 v55, v9;
	v8 =	vadd.f32 v8, v20;
	v7 =	vadd.f32 v7, v11  }
0x400: {  	v16 =	vld [tilespmem:s13+$0xFFFFF810];
	v11 =	vshll.u32 v19, v18;
	v19 =	vshll.u32 v13, v27;
	v10 =	vshll.u32 v15, v24  }
0x401: {  	v18 =	vld [tilespmem:s13+$0xFFFFFC10];
	v13 =	vand.u32 $0xFFFF0000, v17;
	v15 =	vand.u32 $0xFFFF0000, v12;
	v12 =	vand.u32 $0xFFFF0000, v56  }
0x402: {  	v17 =	vand.u32 $0xFFFF0000, v21;
	v23 =	vand.u32 $0xFFFF0000, v23;
	v28 =	vand.u32 $0xFFFF0000, v28  }
0x403: {  	v22 =	vld [tilespmem:s13+$0x410];
	v30 =	vand.u32 $0xFFFF0000, v30;
	v9 =	vand.u32 $0xFFFF0000, v9;
	v7 =	vsub.f32 v7, v8  }
0x404: {  	v20 =	vld [tilespmem:s13+$0x10];
	v19 =	vand.u32 $0xFFFF0000, v19;
	v62 =	vand.u32 $0xFFFF0000, v11;
	v63 =	vand.u32 $0xFFFF0000, v10  }
0x405: {  	v41 =	vsub.f32 v23, v12;
	v7 =	vmul.f32 v7, v14;
	v14 =	vand.u32 $0xFFFF0000, v26  }
0x406: {  	v58 =	vld [tilespmem:s13+$0x810];
	v26 =	vshll.u32 v16, v27;
	v16 =	vand.u32 $0xFFFF0000, v29;
	v29 =	vshll.u32 v18, v24  }
0x407: {  	v59 =	vld [tilespmem:s13+$0xC10];
	v18 =	vand.u32 $0xFFFF0000, v31;
	v34 =	vsub.f32 v62, v14;
	v42 =	vsub.f32 v28, v16  }
0x408: {  	s17 =	simm.s32 $0x7C20;
	v60 =	vld [tilespmem:s11+$0xFFFFFFE0];
	v31 =	vand.u32 $0xFFFF0000, v25;
	v28 =	vsub.f32 v9, v17;
	v37 =	vadd.f32 v7, v8  }
0x409: {  	[tilespmem:s17+$0x10] =	vst v5;
	v5 =	vld [tilespmem:s15+$0x0];
	v7 =	vshll.u32 v20, v27;
	v20 =	vand.u32 $0xFFFF0000, v26;
	v8 =	vshll.u32 v22, v24  }
0x40a: {  	v11 =	vld [tilespmem:s14+$0xFFFFFFF0];
	v26 =	vand.u32 $0xFFFF0000, v57;
	v29 =	vand.u32 $0xFFFF0000, v29;
	v21 =	vand.u32 $0xFFFF0000, v7  }
0x40b: {  	v7 =	vshll.u32 v58, v27;
	v27 =	vld [tilespmem:s16+$0x0];
	v38 =	vand.u32 $0xFFFF0000, v8;
	v8 =	vsub.f32 v26, v36  }
0x40c: {  	v26 =	vsub.f32 v31, v13;
	v22 =	vand.u32 $0xFFFF0000, v7;
	v7 =	vshll.u32 v59, v24;
	v24 =	vld [tilespmem:s11+$0xFFFFFFF0]  }
0x40d: {  	v10 =	vld [tilespmem:s14+$0x0];
	v31 =	vsub.f32 v61, v15;
	v32 =	vsub.f32 v29, v20;
	v40 =	vmul.f32 v8, v60  }
0x40e: {  	v25 =	vld [tilespmem:s11+$0x0];
	v34 =	vmul.f32 v34, v60;
	v33 =	vsub.f32 v38, v21;
	v39 =	vand.u32 $0xFFFF0000, v7  }
0x40f: {  	v23 =	vld [tilespmem:s14+$0xFFFFFFE0];
	v26 =	vmul.f32 v26, v60;
	v29 =	vsub.f32 v39, v22;
	v9 =	vadd.f32 v36, v40  }
0x410: {  	s16 =	simm.s32 $0x7C60;
	v7 =	vld [tilespmem:s15+$0xFFFFFFE0];
	v6 =	vmul.f32 v6, v27;
	v27 =	vsub.f32 v30, v18;
	v30 =	vmul.f32 v31, v60  }
0x411: {  	s21 =	simm.s32 $0x80;
	s18 =	simm.s32 $0x4;
	[tilespmem:s16+$0x10] =	vst v37;
	v8 =	vld [tilespmem:s15+$0xFFFFFFF0];
	v31 =	vsub.f32 v63, v19;
	v36 =	vmul.f32 v41, v24;
	v35 =	vmul.f32 v42, v24  }
.LBB2_11:
0x412: {  	s23 =	sand.u32 $0x3C0, s21;
	v26 =	vadd.f32 v13, v26;
	v27 =	vmul.f32 v27, v24;
	v28 =	vmul.f32 v28, v24  }
0x413: {  	v30 =	vadd.f32 v15, v30;
	v15 =	vmul.f32 v31, v25;
	v31 =	vmul.f32 v32, v25;
	v13 =	vld [tilespmem:s23+$0xA400]  }
0x414: {  	v32 =	vadd.f32 v14, v34;
	v33 =	vmul.f32 v33, v25;
	v25 =	vmul.f32 v29, v25;
	v24 =	vld [tilespmem:s23+$0xA800]  }
0x415: {  	v29 =	vadd.f32 v12, v36;
	v34 =	vadd.f32 v16, v35;
	v14 =	vld [tilespmem:s23+$0xAC00]  }
0x416: {  	v18 =	vadd.f32 v18, v27;
	v27 =	vadd.f32 v17, v28;
	v16 =	vld [tilespmem:s23+$0xB000]  }
0x417: {  	v19 =	vadd.f32 v19, v15;
	v20 =	vadd.f32 v20, v31;
	v12 =	vld [tilespmem:s23+$0xB400]  }
0x418: {  	v21 =	vadd.f32 v21, v33;
	v22 =	vadd.f32 v22, v25;
	v17 =	vld [tilespmem:s23+$0xB800]  }
0x419: {  	s13 =	sadd.s32 $0x40, s13;
	v25 =	vsub.f32 v26, v9;
	v26 =	vsub.f32 v32, v30;
	v15 =	vld [tilespmem:s23+$0xBC00]  }
0x41a: {  	v31 =	vsub.f32 v34, v29;
	v27 =	vsub.f32 v27, v18;
	v28 =	vld [tilespmem:s13+$0xFFFFF020]  }
0x41b: {  	v25 =	vmul.f32 v25, v23;
	v20 =	vsub.f32 v20, v19;
	v22 =	vsub.f32 v22, v21;
	v32 =	vld [tilespmem:s13+$0xFFFFF420]  }
0x41c: {  	s30 =	sadd.s32 $0x40, s30;
	v4 =	vadd.f32 v4, v1;
	v23 =	vmul.f32 v26, v23;
	v26 =	vmul.f32 v31, v11;
	v33 =	vld [tilespmem:s13+$0xFFFFFC20]  }
0x41d: {  	v1 =	vadd.f32 v25, v9;
	v9 =	vmul.f32 v27, v11;
	v11 =	vmul.f32 v20, v10;
	v31 =	vld [tilespmem:s30+$0x10]  }
0x41e: {  	v23 =	vadd.f32 v23, v30;
	v10 =	vmul.f32 v22, v10;
	v25 =	vadd.f32 v26, v29;
	v20 =	vld [tilespmem:s13+$0x420];
	[tilespmem:s17+$0xFFFFFFE0] =	vst v4  }
0x41f: {  	v11 =	vadd.f32 v11, v19;
	v4 =	vadd.f32 v9, v18;
	v22 =	vld [tilespmem:s13+$0xC20]  }
0x420: {  	v10 =	vadd.f32 v10, v21;
	v9 =	vsub.f32 v23, v1;
	v18 =	vld [tilespmem:s13+$0xFFFFF820]  }
0x421: {  	s18 =	sadd.s32 $0x4, s18;
	v23 =	vadd.f32 v3, v0;
	v0 =	vmov v25;
	v21 =	vsub.f32 v4, v25;
	v19 =	vld [tilespmem:s13+$0x20]  }
0x422: {  	p0 =	slt.u32 s18, $0x3C;
	v4 =	vmul.f32 v9, v7;
	v9 =	vsub.f32 v10, v11;
	v25 =	vshll.u32 v31, $0x4;
	v26 =	vld [tilespmem:s13+$0x820]  }
0x423: {  	v6 =	vadd.f32 v6, v2;
	v3 =	vmul.f32 v21, v8;
	v7 =	vld [tilespmem:s30+$0xFFFFFFE0];
	v10 =	vshll.u32 v32, v25;
	[tilespmem:s17+$0xFFFFFFF0] =	vst v23  }
0x424: {  	v2 =	vmovc v11;
	v21 =	vshll.u32 v33, v25;
	v20 =	vshll.u32 v20, v25;
	v8 =	vld [tilespmem:s30+$0xFFFFFFF0];
	v22 =	vshll.u32 v22, v25  }
0x425: {  	s11 =	sadd.s32 $0x40, s11;
	v23 =	vsub.s32 $0x10, v25;
	v10 =	vand.u32 $0xFFFF0000, v10;
	v21 =	vand.u32 $0xFFFF0000, v21;
	v11 =	vld [tilespmem:s30+$0x0];
	[tilespmem:s17+$0x0] =	vst v6;
	s17 =	smov.u32 s16  }
0x426: {  	v25 =	vshll.u32 v28, v23;
	v20 =	vand.u32 $0xFFFF0000, v20;
	v22 =	vand.u32 $0xFFFF0000, v22;
	v6 =	vld [tilespmem:s11+$0x10]  }
0x427: {  	v18 =	vshll.u32 v18, v23;
	v19 =	vshll.u32 v19, v23;
	v27 =	vld [tilespmem:s13+$0xFFFFEFF0];
	v23 =	vshll.u32 v26, v23  }
0x428: {  	v25 =	vand.u32 $0xFFFF0000, v25;
	v18 =	vand.u32 $0xFFFF0000, v18;
	v19 =	vand.u32 $0xFFFF0000, v19;
	v26 =	vld [tilespmem:s13+$0xFFFFF000]  }
0x429: {  	v10 =	vsub.f32 v10, v25;
	v21 =	vsub.f32 v21, v18;
	v23 =	vand.u32 $0xFFFF0000, v23;
	v28 =	vld [tilespmem:s13+$0xFFFFF400]  }
0x42a: {  	v7 =	vshll.u32 v7, $0x4;
	v20 =	vsub.f32 v20, v19;
	v22 =	vsub.f32 v22, v23;
	v29 =	vld [tilespmem:s13+$0xFFFFF800]  }
0x42b: {  	v8 =	vshll.u32 v8, $0x4;
	v30 =	vld [tilespmem:s13+$0xFFFFFC00];
	v10 =	vmul.f32 v10, v6;
	v21 =	vmul.f32 v21, v6  }
0x42c: {  	s14 =	sadd.s32 $0x40, s14;
	v32 =	vshll.u32 v11, $0x4;
	v11 =	vmul.f32 v20, v6;
	v6 =	vmul.f32 v22, v6;
	v31 =	vld [tilespmem:s13+$0x0]  }
0x42d: {  	v20 =	vsub.s32 $0x10, v7;
	v22 =	vld [tilespmem:s14+$0x10];
	v10 =	vadd.f32 v25, v10;
	v18 =	vadd.f32 v18, v21  }
0x42e: {  	v21 =	vsub.s32 $0x10, v8;
	v11 =	vadd.f32 v19, v11;
	v6 =	vadd.f32 v23, v6;
	v25 =	vld [tilespmem:s13+$0x400]  }
0x42f: {  	v19 =	vshll.u32 v27, v20;
	v23 =	vshll.u32 v24, v20;
	v27 =	vsub.s32 $0x10, v32;
	v24 =	vld [tilespmem:s13+$0x800]  }
0x430: {  	v16 =	vshll.u32 v16, v20;
	v18 =	vsub.f32 v18, v10;
	v6 =	vsub.f32 v6, v11;
	v33 =	vld [tilespmem:s13+$0xC00]  }
0x431: {  	v17 =	vshll.u32 v17, v20;
	v20 =	vshll.u32 v26, v21;
	v26 =	vshll.u32 v29, v21;
	v29 =	vld [tilespmem:s13+$0xFFFFF010]  }
0x432: {  	s15 =	sadd.s32 $0x40, s15;
	v31 =	vshll.u32 v31, v21;
	v34 =	vld [tilespmem:s13+$0xFFFFF410];
	v18 =	vmul.f32 v18, v22;
	v6 =	vmul.f32 v6, v22  }
0x433: {  	v35 =	vshll.u32 v14, v7;
	v36 =	vshll.u32 v12, v7;
	v22 =	vshll.u32 v13, v7;
	v12 =	vld [tilespmem:s15+$0x10]  }
0x434: {  	v21 =	vshll.u32 v24, v21;
	v24 =	vld [tilespmem:s13+$0xFFFFF810];
	v10 =	vadd.f32 v18, v10;
	v6 =	vadd.f32 v6, v11  }
0x435: {  	v28 =	vshll.u32 v28, v8;
	v30 =	vshll.u32 v30, v8;
	v7 =	vshll.u32 v15, v7;
	v11 =	vld [tilespmem:s13+$0xFFFFFC10]  }
0x436: {  	v37 =	vshll.u32 v25, v8;
	v29 =	vshll.u32 v29, v27;
	v25 =	vld [tilespmem:s13+$0x10];
	v6 =	vsub.f32 v6, v10  }
0x437: {  	v38 =	vand.u32 $0xFFFF0000, v19;
	v8 =	vshll.u32 v33, v8;
	v33 =	vshll.u32 v34, v32;
	v34 =	vld [tilespmem:s13+$0x410]  }
0x438: {  	v13 =	vand.u32 $0xFFFF0000, v23;
	v15 =	vand.u32 $0xFFFF0000, v16;
	v23 =	vld [tilespmem:s13+$0x810];
	v6 =	vmul.f32 v6, v12  }
0x439: {  	v14 =	vand.u32 $0xFFFF0000, v17;
	v12 =	vand.u32 $0xFFFF0000, v20;
	v20 =	vshll.u32 v24, v27;
	v39 =	vld [tilespmem:s13+$0xC10]  }
0x43a: {  	v16 =	vand.u32 $0xFFFF0000, v26;
	v40 =	vld [tilespmem:s11+$0xFFFFFFE0];
	v26 =	vshll.u32 v11, v32;
	v6 =	vadd.f32 v6, v10  }
0x43b: {  	s16 =	sadd.s32 $0x40, s16;
	v18 =	vand.u32 $0xFFFF0000, v31;
	v17 =	vand.u32 $0xFFFF0000, v21;
	v24 =	vld [tilespmem:s11+$0xFFFFFFF0];
	v10 =	vshll.u32 v25, v27  }
0x43c: {  	v19 =	vand.u32 $0xFFFF0000, v29;
	v20 =	vand.u32 $0xFFFF0000, v20;
	v25 =	vld [tilespmem:s11+$0x0];
	v29 =	vshll.u32 v34, v32;
	[tilespmem:s16+$0x10] =	vst v6  }
0x43d: {  	v6 =	vand.u32 $0xFFFF0000, v22;
	v21 =	vand.u32 $0xFFFF0000, v10;
	v11 =	vld [tilespmem:s14+$0xFFFFFFF0];
	v22 =	vshll.u32 v23, v27  }
0x43e: {  	v27 =	vand.u32 $0xFFFF0000, v35;
	v10 =	vld [tilespmem:s14+$0x0];
	v22 =	vand.u32 $0xFFFF0000, v22;
	v31 =	vshll.u32 v39, v32  }
0x43f: {  	v28 =	vand.u32 $0xFFFF0000, v28;
	v34 =	vand.u32 $0xFFFF0000, v7;
	v32 =	vand.u32 $0xFFFF0000, v36;
	v23 =	vld [tilespmem:s14+$0xFFFFFFE0]  }
0x440: {  	v30 =	vand.u32 $0xFFFF0000, v30;
	v35 =	vand.u32 $0xFFFF0000, v37;
	v36 =	vand.u32 $0xFFFF0000, v8;
	v7 =	vld [tilespmem:s15+$0xFFFFFFE0]  }
0x441: {  	v33 =	vand.u32 $0xFFFF0000, v33;
	v37 =	vand.u32 $0xFFFF0000, v26;
	v29 =	vand.u32 $0xFFFF0000, v29;
	v8 =	vld [tilespmem:s15+$0xFFFFFFF0]  }
0x442: {  	v26 =	vsub.f32 v6, v38;
	v27 =	vsub.f32 v27, v13;
	v41 =	vand.u32 $0xFFFF0000, v31;
	v39 =	vld [tilespmem:s15+$0x0]  }
0x443: {  	v34 =	vsub.f32 v34, v14;
	v6 =	vmul.f32 v9, v5;
	v31 =	vsub.f32 v32, v15  }
.Ltmp4:
0x444: {  	v43 =	vsub.f32 v30, v16;
	v42 =	vsub.f32 v28, v12;
	v9 =	vmul.f32 v26, v40;
	(pc) =	sbr.rel @p0 .LBB2_11-.Ltmp4, $4  }
0x445: {  	v28 =	vsub.f32 v36, v17;
	v26 =	vmul.f32 v27, v40;
	v27 =	vsub.f32 v35, v18  }
0x446: {  	v32 =	vsub.f32 v37, v20;
	v30 =	vmul.f32 v31, v40;
	v31 =	vsub.f32 v33, v19  }
0x447: {  	v34 =	vmul.f32 v34, v40;
	v33 =	vsub.f32 v29, v21;
	v29 =	vsub.f32 v41, v22;
	v5 =	vmovc v39  }
0x448: {  	s21 =	sadd.s32 $0x40, s21;
	v36 =	vmul.f32 v42, v24;
	v35 =	vmul.f32 v43, v24;
	v9 =	vadd.f32 v38, v9  }
0x449: {  	v13 =	vadd.f32 v13, v26;
	v49 =	vmul.f32 v27, v24  }
0x44a: {  	v50 =	vmul.f32 v28, v24;
	v15 =	vadd.f32 v15, v30;
	v51 =	vmul.f32 v31, v25  }
0x44b: {  	v52 =	vmul.f32 v32, v25;
	v14 =	vadd.f32 v14, v34;
	v12 =	vadd.f32 v12, v36  }
0x44c: {  	v53 =	vmul.f32 v33, v25;
	v16 =	vadd.f32 v16, v35;
	v18 =	vadd.f32 v18, v49  }
0x44d: {  	v54 =	vmul.f32 v29, v25;
	v17 =	vadd.f32 v17, v50;
	v19 =	vadd.f32 v19, v51  }
0x44e: {  	v20 =	vadd.f32 v20, v52;
	v21 =	vadd.f32 v21, v53  }
0x44f: {  	v22 =	vadd.f32 v22, v54;
	v13 =	vsub.f32 v13, v9  }
0x450: {  	v14 =	vsub.f32 v14, v15;
	v16 =	vsub.f32 v16, v12  }
0x451: {  	v17 =	vsub.f32 v17, v18;
	v13 =	vmul.f32 v13, v23;
	v20 =	vsub.f32 v20, v19  }
0x452: {  	v22 =	vsub.f32 v22, v21;
	v14 =	vmul.f32 v14, v23;
	v16 =	vmul.f32 v16, v11  }
0x453: {  	v55 =	vadd.f32 v13, v9;
	v56 =	vmul.f32 v17, v11;
	v57 =	vmul.f32 v20, v10  }
0x454: {  	v14 =	vadd.f32 v14, v15;
	v58 =	vmul.f32 v22, v10;
	v12 =	vadd.f32 v16, v12  }
0x455: {  	v11 =	vadd.f32 v56, v18;
	v13 =	vadd.f32 v57, v19  }
0x456: {  	v14 =	vsub.f32 v14, v55;
	v10 =	vadd.f32 v58, v21  }
0x457: {  	v1 =	vadd.f32 v4, v1;
	v59 =	vsub.f32 v11, v12  }
0x458: {  	v0 =	vadd.f32 v3, v0;
	v60 =	vmul.f32 v14, v7;
	v61 =	vsub.f32 v10, v13  }
0x459: {  	v2 =	vadd.f32 v6, v2;
	s8 =	sadd.s32 $0x1, s8;
	[tilespmem:s17+$0xFFFFFFE0] =	vst v1;
	v62 =	vmul.f32 v59, v8  }
0x45a: {  	p0 =	sne.s32 s8, $0x3F;
	[tilespmem:s17+$0xFFFFFFF0] =	vst v0;
	v63 =	vmul.f32 v61, v5;
	v3 =	vadd.f32 v60, v55  }
.Ltmp5:
0x45b: {  	[tilespmem:s17+$0x0] =	vst v2;
	v1 =	vadd.f32 v62, v12;
	(pc) =	sbr.rel @p0 .LBB2_4-.Ltmp5, $4  }
0x45c: {  	[tilespmem:s16+$0xFFFFFFE0] =	vst v3;
	v0 =	vadd.f32 v63, v13  }
0x45d: {  	s11 =	sadd.s32 s31, s3;
	[tilespmem:s16+$0xFFFFFFF0] =	vst v1  }
0x45e: {  	s11 =	sadd.s32 $0x80, s11;
	[tilespmem:s16+$0x0] =	vst v0  }
0x45f: {  	[hbm4b:s11+s6] =	stream.linear.scatter [tilespmem:s29], [sflag:$0x4], $0x400, $0x38;
	[tilespmem:$0x1E000] =	vst v63  }
0x460: {  	_ =	swait.ge [sflag:s22], $0x400  }
0x461: {  	[sflag:s22] =	ssyncset.done $0x0  }
0x462: {  	[sflag:s22] =	ssyncadd.s32 $0xFFFFFC00  }
0x463: {  	_ =	swait.ge [sflag:s22], $0x400  }
0x464: {  	[sflag:s22] =	ssyncset.done $0x0  }
0x465: {  	[sflag:s22] =	ssyncadd.s32 $0xFFFFFC00  }
0x466: {  	_ =	swait.ge [sflag:s22], $0x400  }
0x467: {  	[sflag:s22] =	ssyncset.done $0x0  }
0x468: {  	s11 =	simm.s32 $0x0;
	[sflag:s22] =	ssyncadd.s32 $0xFFFFFC00  }
0x469: {  	v0 =	vld [tilespmem:s11+$0x6030]  }
0x46a: {  	v3 =	vld [tilespmem:s11+$0x6830]  }
0x46b: {  	v4 =	vld [tilespmem:s11+$0x6400]  }
0x46c: {  	v5 =	vld [tilespmem:s11+$0x6800]  }
0x46d: {  	v6 =	vld [tilespmem:s11+$0x6410]  }
0x46e: {  	v7 =	vld [tilespmem:s11+$0x6810]  }
0x46f: {  	v10 =	vld [tilespmem:s11+$0x6420]  }
0x470: {  	v11 =	vld [tilespmem:s11+$0x6820]  }
0x471: {  	v12 =	vld [tilespmem:s11+$0x6000]  }
0x472: {  	v15 =	vld [tilespmem:s11+$0x6010]  }
0x473: {  	v16 =	vld [tilespmem:s11+$0x6020]  }
0x474: {  	v2 =	vld [tilespmem:s11+$0x6430]  }
0x475: {  	v0 =	vmax.f32 v0, $0.0e+00;
	v3 =	vmax.f32 v3, $0.0e+00  }
0x476: {  	v4 =	vmax.f32 v4, $0.0e+00;
	v5 =	vmax.f32 v5, $0.0e+00;
	v6 =	vmax.f32 v6, $0.0e+00  }
0x477: {  	v7 =	vmax.f32 v7, $0.0e+00;
	v10 =	vmax.f32 v10, $0.0e+00;
	v11 =	vmax.f32 v11, $0.0e+00  }
0x478: {  	v12 =	vmax.f32 v12, $0.0e+00;
	v15 =	vmax.f32 v15, $0.0e+00;
	v16 =	vmax.f32 v16, $0.0e+00  }
0x479: {  	v1 =	vmin.f32 v0, $1.270000000e+02;
	v0 =	vmax.f32 v2, $0.0e+00;
	v18 =	vmin.f32 v4, $1.270000000e+02  }
0x47a: {  	v5 =	vmin.f32 v5, $1.270000000e+02;
	v6 =	vmin.f32 v6, $1.270000000e+02;
	v7 =	vmin.f32 v7, $1.270000000e+02  }
0x47b: {  	v10 =	vmin.f32 v10, $1.270000000e+02;
	v11 =	vmin.f32 v11, $1.270000000e+02;
	v2 =	vmin.f32 v0, $1.270000000e+02  }
0x47c: {  	v0 =	vmin.f32 v3, $1.270000000e+02;
	v3 =	vtrunc.f32 v1;
	v19 =	vtrunc.f32 v18  }
0x47d: {  	v12 =	vmin.f32 v12, $1.270000000e+02;
	v20 =	vtrunc.f32 v5;
	v21 =	vtrunc.f32 v6  }
0x47e: {  	v15 =	vmin.f32 v15, $1.270000000e+02;
	v22 =	vtrunc.f32 v7;
	v23 =	vtrunc.f32 v10  }
0x47f: {  	v16 =	vmin.f32 v16, $1.270000000e+02;
	v24 =	vtrunc.f32 v11;
	v26 =	vtrunc.f32 v12  }
0x480: {  	v27 =	vtrunc.f32 v15;
	v28 =	vtrunc.f32 v16  }
0x481: {  	v8 =	vtrunc.f32 v2;
	v9 =	vtrunc.f32 v0  }
0x482: {  	v3 =	vcvt.f32.s32 v3;
	v19 =	vcvt.f32.s32 v19  }
0x483: {  	v20 =	vcvt.f32.s32 v20;
	v21 =	vcvt.f32.s32 v21  }
0x484: {  	v22 =	vcvt.f32.s32 v22;
	v23 =	vcvt.f32.s32 v23  }
0x485: {  	v24 =	vcvt.f32.s32 v24;
	v26 =	vcvt.f32.s32 v26  }
0x486: {  	v27 =	vcvt.f32.s32 v27;
	v28 =	vcvt.f32.s32 v28  }
0x487: {  	v8 =	vcvt.f32.s32 v8;
	v9 =	vcvt.f32.s32 v9  }
0x488: {  	vm2 =	vlt.s32 v3, $0x7E;
	vm10 =	vlt.s32 v19, $0x7E;
	vm11 =	vlt.s32 v20, $0x7E  }
0x489: {  	vm12 =	vlt.s32 v21, $0x7E;
	vm3 =	vlt.s32 v22, $0x7E;
	vm4 =	vlt.s32 v23, $0x7E  }
0x48a: {  	vm5 =	vlt.s32 v24, $0x7E;
	vm13 =	vlt.s32 v26, $0x7E;
	vm14 =	vlt.s32 v27, $0x7E  }
0x48b: {  	vm0 =	vlt.s32 v8, $0x7E;
	vm1 =	vlt.s32 v9, $0x7E;
	v13 =	vnsel vm2, $0x7E, v3  }
0x48c: {  	v19 =	vnsel vm10, $0x7E, v19;
	v20 =	vnsel vm11, $0x7E, v20;
	v21 =	vnsel vm12, $0x7E, v21  }
0x48d: {  	v22 =	vnsel vm3, $0x7E, v22;
	v23 =	vnsel vm4, $0x7E, v23;
	v24 =	vnsel vm5, $0x7E, v24  }
0x48e: {  	v26 =	vnsel vm13, $0x7E, v26;
	v27 =	vnsel vm14, $0x7E, v27;
	v8 =	vnsel vm0, $0x7E, v8  }
0x48f: {  	v9 =	vnsel vm1, $0x7E, v9;
	v29 =	vshll.u32 v20, $0xD;
	v30 =	vshll.u32 v19, $0x7  }
0x490: {  	v31 =	vshll.u32 v22, $0xD;
	v32 =	vshll.u32 v21, $0x7;
	v33 =	vshll.u32 v24, $0xD  }
0x491: {  	v34 =	vshll.u32 v23, $0x7;
	v42 =	vand.u32 $0x1, v22;
	v21 =	vcvt.s32.f32 v21  }
0x492: {  	s4 =	simm.s32 $0x40;
	v22 =	vcvt.s32.f32 v22;
	v35 =	vand.u32 $0x1, v24;
	v24 =	vcvt.s32.f32 v24  }
0x493: {  	v52 =	vld [tilespmem:s4+$0x6810];
	v3 =	vshll.u32 v9, $0xD;
	v14 =	vshll.u32 v8, $0x7;
	v17 =	vand.u32 $0x1, v9  }
0x494: {  	v29 =	vand.u32 $0xFFFFC000, v29;
	v30 =	vadd.s32 v26, v30;
	v31 =	vand.u32 $0xFFFFC000, v31;
	[tilespmem:s11+$0x7820] =	vst v35  }
0x495: {  	v3 =	vand.u32 $0xFFFFC000, v3;
	v14 =	vadd.s32 v13, v14;
	v29 =	vadd.s32 v29, v30;
	[tilespmem:s11+$0x7830] =	vst v17  }
0x496: {  	v32 =	vadd.s32 v27, v32;
	v21 =	vsub.f32 v6, v21;
	v3 =	vadd.s32 v3, v14;
	[tilespmem:s11+$0x8000] =	vst v29  }
0x497: {  	v14 =	vshll.u32 v17, $0xE;
	v17 =	vcvt.s32.f32 v23;
	v23 =	vadd.s32 v31, v32;
	[tilespmem:s11+$0x8030] =	vst v3  }
0x498: {  	v53 =	vmax.f32 v52, $0.0e+00;
	vm15 =	vlt.s32 v28, $0x7E;
	v22 =	vsub.f32 v7, v22;
	[tilespmem:s11+$0x8010] =	vst v23  }
0x499: {  	v28 =	vnsel vm15, $0x7E, v28;
	v19 =	vcvt.s32.f32 v19;
	v11 =	vsub.f32 v11, v24;
	[tilespmem:s11+$0x7010] =	vst v21  }
0x49a: {  	v33 =	vand.u32 $0xFFFFC000, v33;
	v26 =	vcvt.s32.f32 v26;
	v27 =	vcvt.s32.f32 v27;
	[tilespmem:s11+$0x7410] =	vst v22  }
0x49b: {  	v43 =	vcvt.s32.f32 v8;
	v9 =	vcvt.s32.f32 v9;
	v4 =	vadd.s32 v14, v3;
	[tilespmem:s11+$0x7420] =	vst v11  }
0x49c: {  	v44 =	vshll.u32 v35, $0xE;
	v13 =	vcvt.s32.f32 v13;
	v14 =	vadd.s32 $0x81, v4;
	[tilespmem:s11+$0x8430] =	vst v4  }
0x49d: {  	v54 =	vld [tilespmem:s4+$0x6000];
	v15 =	vsub.f32 v15, v27;
	v7 =	vsub.f32 v2, v43;
	v25 =	vadd.s32 $0x1, v4;
	[tilespmem:s11+$0x9C30] =	vst v14  }
0x49e: {  	v56 =	vld [tilespmem:s4+$0x6020];
	v6 =	vsub.f32 v0, v9;
	v14 =	vadd.s32 v28, v34;
	[tilespmem:s11+$0x8C30] =	vst v25;
	v25 =	vand.u32 $0x1, v20  }
0x49f: {  	[tilespmem:s11+$0x7800] =	vst v25;
	v14 =	vadd.s32 v33, v14;
	v8 =	vshll.u32 v25, $0xE;
	v25 =	vshll.u32 v42, $0xE  }
0x4a0: {  	v45 =	vadd.s32 v8, v29;
	v25 =	vadd.s32 v25, v23;
	v8 =	vsub.f32 v12, v26;
	[tilespmem:s11+$0x8020] =	vst v14  }
0x4a1: {  	v27 =	vadd.s32 $0x81, v29;
	v46 =	vadd.s32 $0x1, v23;
	v12 =	vsub.f32 v18, v19;
	[tilespmem:s11+$0x8410] =	vst v25  }
0x4a2: {  	v51 =	vadd.s32 $0x1, v3;
	v36 =	vadd.s32 $0x81, v3;
	v21 =	vmax.f32 v54, $0.0e+00;
	[tilespmem:s11+$0x6C00] =	vst v8  }
0x4a3: {  	v22 =	vmax.f32 v56, $0.0e+00;
	v10 =	vsub.f32 v10, v17;
	v26 =	vadd.s32 $0x1, v25;
	[tilespmem:s11+$0x7000] =	vst v12  }
0x4a4: {  	v20 =	vcvt.s32.f32 v20;
	v31 =	vadd.s32 v44, v14;
	v17 =	vadd.s32 $0x80, v25;
	[tilespmem:s11+$0x8C10] =	vst v26  }
0x4a5: {  	v47 =	vld [tilespmem:s4+$0x6800];
	v4 =	vadd.s32 $0x80, v4;
	v28 =	vcvt.s32.f32 v28;
	v0 =	vadd.s32 $0x1, v31;
	[tilespmem:s11+$0x9410] =	vst v17  }
0x4a6: {  	v50 =	vld [tilespmem:s4+$0x6410];
	v35 =	vmin.f32 v22, $1.270000000e+02;
	v5 =	vsub.f32 v5, v20;
	v9 =	vadd.s32 $0x80, v31;
	[tilespmem:s11+$0x8C20] =	vst v0  }
0x4a7: {  	v24 =	vld [tilespmem:s4+$0x6830];
	v16 =	vsub.f32 v16, v28;
	v48 =	vadd.s32 $0x1, v14;
	v49 =	vadd.s32 $0x80, v14;
	[tilespmem:s11+$0x9420] =	vst v9  }
0x4a8: {  	v2 =	vld [tilespmem:s4+$0x6430];
	v14 =	vadd.s32 $0x81, v14;
	v8 =	vsub.f32 v1, v13;
	v13 =	vadd.s32 $0x81, v25;
	[tilespmem:s11+$0x7400] =	vst v5  }
0x4a9: {  	s8 =	simm.s32 $0x0;
	v18 =	vadd.s32 $0x1, v45;
	v19 =	vadd.s32 $0x80, v45;
	v1 =	vld [tilespmem:s4+$0x6030];
	v12 =	vadd.s32 $0x81, v31;
	[tilespmem:s11+$0x9C10] =	vst v13  }
0x4aa: {  	s13 =	sand.u32 $0x3C0, s8;
	v20 =	vadd.s32 $0x81, v45;
	v25 =	vadd.s32 $0x1, v29;
	v26 =	vadd.s32 $0x80, v29;
	v17 =	vld [tilespmem:s4+$0x6400];
	[tilespmem:s11+$0x9C20] =	vst v12  }
0x4ab: {  	v9 =	vadd.s32 $0x80, v3;
	v3 =	vld [tilespmem:s4+$0x6420];
	v29 =	vmin.f32 v53, $1.270000000e+02;
	v13 =	vadd.s32 $0x80, v23;
	[tilespmem:s13+$0x8C00] =	vst v18  }
0x4ac: {  	v23 =	vadd.s32 $0x81, v23;
	v12 =	vmax.f32 v24, $0.0e+00;
	v18 =	vmax.f32 v47, $0.0e+00;
	[tilespmem:s13+$0x9400] =	vst v19  }
0x4ad: {  	v24 =	vld [tilespmem:s4+$0x6820];
	v19 =	vmax.f32 v50, $0.0e+00;
	v18 =	vmin.f32 v18, $1.270000000e+02;
	[tilespmem:s11+$0x9010] =	vst v13;
	v13 =	vmin.f32 v21, $1.270000000e+02  }
0x4ae: {  	[tilespmem:s13+$0x9800] =	vst v27;
	v27 =	vmin.f32 v19, $1.270000000e+02;
	v21 =	vtrunc.f32 v18;
	v11 =	vtrunc.f32 v13  }
0x4af: {  	[tilespmem:s11+$0x6C20] =	vst v16;
	v16 =	vcvt.f32.s32 v21;
	v11 =	vcvt.f32.s32 v11;
	v0 =	vmax.f32 v1, $0.0e+00  }
0x4b0: {  	[tilespmem:s13+$0x9C00] =	vst v20;
	v1 =	vmax.f32 v2, $0.0e+00;
	v5 =	vmax.f32 v17, $0.0e+00;
	v20 =	vmax.f32 v3, $0.0e+00  }
0x4b1: {  	v0 =	vmin.f32 v0, $1.270000000e+02;
	v2 =	vmin.f32 v1, $1.270000000e+02;
	v1 =	vmin.f32 v12, $1.270000000e+02  }
0x4b2: {  	[tilespmem:s11+$0x6C10] =	vst v15;
	v24 =	vmax.f32 v24, $0.0e+00;
	v15 =	vmin.f32 v5, $1.270000000e+02;
	v57 =	vmin.f32 v20, $1.270000000e+02  }
0x4b3: {  	[tilespmem:s11+$0x9430] =	vst v4;
	vm8 =	vlt.s32 v16, $0x7E;
	v4 =	vtrunc.f32 v0;
	v12 =	vtrunc.f32 v2  }
0x4b4: {  	vm13 =	vlt.s32 v11, $0x7E;
	v17 =	vtrunc.f32 v1;
	v20 =	vtrunc.f32 v15  }
0x4b5: {  	v5 =	vmin.f32 v24, $1.270000000e+02;
	v24 =	vtrunc.f32 v27;
	v12 =	vcvt.f32.s32 v12  }
0x4b6: {  	[tilespmem:s11+$0x9820] =	vst v14;
	v14 =	vnsel vm8, $0x7E, v16;
	v17 =	vcvt.f32.s32 v17;
	v4 =	vcvt.f32.s32 v4  }
0x4b7: {  	[tilespmem:s11+$0x7810] =	vst v42;
	v11 =	vnsel vm13, $0x7E, v11;
	v20 =	vcvt.f32.s32 v20;
	v22 =	vtrunc.f32 v5  }
0x4b8: {  	[tilespmem:s11+$0x7430] =	vst v6;
	v21 =	vcvt.f32.s32 v24;
	v24 =	vtrunc.f32 v35;
	v6 =	vshll.u32 v14, $0xD  }
0x4b9: {  	[tilespmem:s11+$0x8810] =	vst v46;
	v61 =	vand.u32 $0x1, v14;
	v62 =	vcvt.s32.f32 v14;
	vm4 =	vlt.s32 v12, $0x7E  }
0x4ba: {  	[tilespmem:s11+$0x7030] =	vst v7;
	vm5 =	vlt.s32 v17, $0x7E;
	vm6 =	vlt.s32 v4, $0x7E;
	vm7 =	vlt.s32 v20, $0x7E  }
0x4bb: {  	[tilespmem:s11+$0x8830] =	vst v51;
	vm9 =	vlt.s32 v21, $0x7E;
	v12 =	vnsel vm4, $0x7E, v12;
	v55 =	vnsel vm5, $0x7E, v17  }
0x4bc: {  	[tilespmem:s13+$0x8800] =	vst v25;
	v17 =	vld [tilespmem:s4+$0x6010];
	v25 =	vnsel vm6, $0x7E, v4;
	v20 =	vnsel vm7, $0x7E, v20;
	v16 =	vnsel vm9, $0x7E, v21  }
0x4bd: {  	[tilespmem:s13+$0x9000] =	vst v26;
	v3 =	vshll.u32 v55, $0xD;
	v4 =	vshll.u32 v12, $0x7;
	v26 =	vand.u32 $0x1, v55  }
0x4be: {  	[tilespmem:s11+$0x9830] =	vst v36;
	v7 =	vshll.u32 v20, $0x7;
	v3 =	vand.u32 $0xFFFFC000, v3;
	v4 =	vadd.s32 v25, v4  }
0x4bf: {  	[tilespmem:s11+$0x7020] =	vst v10;
	v60 =	vcvt.s32.f32 v20;
	v3 =	vadd.s32 v3, v4;
	v4 =	vshll.u32 v26, $0xE  }
0x4c0: {  	[tilespmem:s11+$0x8420] =	vst v31;
	v37 =	vcvt.s32.f32 v16;
	v7 =	vadd.s32 v11, v7;
	v4 =	vadd.s32 v4, v3  }
0x4c1: {  	[tilespmem:s11+$0x9810] =	vst v23;
	v11 =	vcvt.s32.f32 v11;
	v19 =	vadd.s32 $0x81, v4;
	v17 =	vmax.f32 v17, $0.0e+00  }
0x4c2: {  	v23 =	vadd.s32 $0x1, v4;
	[tilespmem:s4+$0x9C30] =	vst v19;
	v58 =	vmin.f32 v17, $1.270000000e+02;
	v17 =	vtrunc.f32 v29  }
0x4c3: {  	v6 =	vand.u32 $0xFFFFC000, v6;
	v19 =	vtrunc.f32 v57;
	[tilespmem:s4+$0x8C30] =	vst v23;
	v23 =	vcvt.f32.s32 v24  }
0x4c4: {  	[tilespmem:s11+$0x8820] =	vst v48;
	v21 =	vshll.u32 v16, $0x7;
	v10 =	vcvt.f32.s32 v17;
	v17 =	vcvt.f32.s32 v19  }
0x4c5: {  	[tilespmem:s11+$0x9020] =	vst v49;
	v20 =	vadd.s32 v6, v7;
	v19 =	vcvt.f32.s32 v22;
	v22 =	vtrunc.f32 v58  }
0x4c6: {  	[tilespmem:s13+$0x8400] =	vst v45;
	v7 =	vshll.u32 v61, $0xE;
	v22 =	vcvt.f32.s32 v22;
	vm15 =	vlt.s32 v23, $0x7E  }
0x4c7: {  	[tilespmem:s11+$0x9030] =	vst v9;
	vm10 =	vlt.s32 v10, $0x7E;
	vm11 =	vlt.s32 v17, $0x7E;
	vm12 =	vlt.s32 v19, $0x7E  }
0x4c8: {  	[tilespmem:s11+$0x6C30] =	vst v8;
	v23 =	vnsel vm15, $0x7E, v23;
	v8 =	vnsel vm10, $0x7E, v10;
	v10 =	vnsel vm11, $0x7E, v17  }
0x4c9: {  	[tilespmem:s4+$0x7800] =	vst v61;
	v17 =	vnsel vm12, $0x7E, v19;
	vm14 =	vlt.s32 v22, $0x7E;
	v6 =	vcvt.s32.f32 v23  }
0x4ca: {  	[tilespmem:s4+$0x7830] =	vst v26;
	v19 =	vshll.u32 v8, $0xD;
	v24 =	vshll.u32 v17, $0xD;
	v59 =	vshll.u32 v10, $0x7  }
0x4cb: {  	[tilespmem:s4+$0x8030] =	vst v3;
	v22 =	vnsel vm14, $0x7E, v22;
	v14 =	vand.u32 $0x1, v8;
	v38 =	vcvt.s32.f32 v8  }
0x4cc: {  	[tilespmem:s4+$0x8000] =	vst v20;
	v16 =	vand.u32 $0x1, v17;
	v39 =	vcvt.s32.f32 v10;
	v10 =	vcvt.s32.f32 v12  }
0x4cd: {  	[tilespmem:s4+$0x8430] =	vst v4;
	v8 =	vcvt.s32.f32 v55;
	v9 =	vand.u32 $0xFFFFC000, v19;
	v19 =	vadd.s32 v22, v21  }
0x4ce: {  	v21 =	vand.u32 $0xFFFFC000, v24;
	v24 =	vadd.s32 v23, v59;
	v63 =	vcvt.s32.f32 v22;
	[tilespmem:s4+$0x7810] =	vst v14  }
0x4cf: {  	[tilespmem:s4+$0x7820] =	vst v16;
	v22 =	vcvt.s32.f32 v17;
	v12 =	vshll.u32 v14, $0xE;
	v19 =	vadd.s32 v9, v19  }
0x4d0: {  	v14 =	vadd.s32 v7, v20;
	v7 =	vsub.f32 v13, v11;
	v17 =	vadd.s32 v21, v24;
	[tilespmem:s4+$0x8010] =	vst v19  }
0x4d1: {  	v16 =	vshll.u32 v16, $0xE;
	v9 =	vcvt.s32.f32 v25;
	v24 =	vsub.f32 v18, v62;
	[tilespmem:s4+$0x8020] =	vst v17  }
0x4d2: {  	v21 =	vadd.s32 $0x80, v14;
	v23 =	vadd.s32 $0x81, v14;
	v26 =	vadd.s32 v12, v19;
	[tilespmem:s4+$0x6C00] =	vst v7  }
0x4d3: {  	v18 =	vsub.f32 v27, v37;
	v25 =	vadd.s32 v16, v17;
	v12 =	vsub.f32 v15, v60;
	[tilespmem:s4+$0x8410] =	vst v26  }
0x4d4: {  	v11 =	vsub.f32 v29, v38;
	v15 =	vadd.s32 $0x1, v14;
	v16 =	vsub.f32 v58, v63;
	[tilespmem:s4+$0x8420] =	vst v25  }
0x4d5: {  	s13 =	simm.s32 $0x200;
	s11 =	simm.s32 $0x4;
	v7 =	vsub.f32 v35, v6;
	v6 =	vsub.f32 v57, v39;
	[tilespmem:s4+$0x7000] =	vst v12;
	v12 =	vadd.s32 $0x1, v26  }
.LBB2_14:
0x4d6: {  	s14 =	sshra.s32 s13, $0x2;
	[tilespmem:s4+$0x8C10] =	vst v12;
	v12 =	vadd.s32 $0x80, v26;
	v22 =	vsub.f32 v5, v22;
	v9 =	vsub.f32 v0, v9  }
0x4d7: {  	v5 =	vadd.s32 $0x81, v26;
	v10 =	vsub.f32 v2, v10;
	v8 =	vsub.f32 v1, v8;
	v0 =	vld [tilespmem:s14+$0x6030];
	[tilespmem:s4+$0x9410] =	vst v12  }
0x4d8: {  	s11 =	sadd.s32 $0x4, s11;
	v2 =	vadd.s32 $0x1, v25;
	v12 =	vadd.s32 $0x81, v25;
	v1 =	vld [tilespmem:s14+$0x6430];
	[tilespmem:s4+$0x9C10] =	vst v5;
	v5 =	vadd.s32 $0x80, v25  }
0x4d9: {  	v26 =	vadd.s32 $0x80, v20;
	p0 =	slt.u32 s11, $0x3C;
	v25 =	vadd.s32 $0x1, v20;
	v13 =	vld [tilespmem:s14+$0x6830];
	[tilespmem:s4+$0x8C20] =	vst v2;
	v2 =	vadd.s32 $0x80, v4  }
0x4da: {  	v27 =	vadd.s32 $0x81, v20;
	v28 =	vadd.s32 $0x1, v19;
	v29 =	vadd.s32 $0x80, v19;
	v4 =	vld [tilespmem:s14+$0x6400];
	[tilespmem:s4+$0x9420] =	vst v5  }
0x4db: {  	v30 =	vadd.s32 $0x81, v19;
	v31 =	vadd.s32 $0x1, v17;
	v32 =	vadd.s32 $0x80, v17;
	v5 =	vld [tilespmem:s14+$0x6800];
	[tilespmem:s4+$0x9C20] =	vst v12  }
0x4dc: {  	v33 =	vadd.s32 $0x81, v17;
	v17 =	vadd.s32 $0x80, v3;
	s8 =	sadd.s32 $0x40, s8;
	v20 =	vadd.s32 $0x1, v3;
	v12 =	vld [tilespmem:s14+$0x6410];
	[tilespmem:s4+$0x9430] =	vst v2  }
0x4dd: {  	v19 =	vadd.s32 $0x81, v3;
	s15 =	sand.u32 $0x3C0, s8;
	v0 =	vmax.f32 v0, $0.0e+00;
	v34 =	vld [tilespmem:s14+$0x6810];
	[tilespmem:s4+$0x7400] =	vst v24  }
0x4de: {  	v0 =	vmin.f32 v0, $1.270000000e+02;
	v1 =	vmax.f32 v1, $0.0e+00;
	v3 =	vld [tilespmem:s14+$0x6420];
	v13 =	vmax.f32 v13, $0.0e+00;
	[tilespmem:s15+$0x8C00] =	vst v15  }
0x4df: {  	v2 =	vmin.f32 v1, $1.270000000e+02;
	v24 =	vld [tilespmem:s14+$0x6820];
	v1 =	vmin.f32 v13, $1.270000000e+02;
	v13 =	vtrunc.f32 v0;
	[tilespmem:s15+$0x9400] =	vst v21  }
0x4e0: {  	v4 =	vmax.f32 v4, $0.0e+00;
	v15 =	vtrunc.f32 v2;
	v35 =	vld [tilespmem:s14+$0x6000];
	v21 =	vtrunc.f32 v1;
	[tilespmem:s15+$0x9C00] =	vst v23  }
0x4e1: {  	v5 =	vmax.f32 v5, $0.0e+00;
	v15 =	vcvt.f32.s32 v15;
	v23 =	vld [tilespmem:s14+$0x6010];
	v21 =	vcvt.f32.s32 v21;
	[tilespmem:s15+$0x8400] =	vst v14  }
0x4e2: {  	v13 =	vcvt.f32.s32 v13;
	v12 =	vmax.f32 v12, $0.0e+00;
	v34 =	vmax.f32 v34, $0.0e+00;
	v36 =	vld [tilespmem:s14+$0x6020];
	[tilespmem:s15+$0x8800] =	vst v25  }
0x4e3: {  	vm0 =	vlt.s32 v15, $0x7E;
	v25 =	vmax.f32 v3, $0.0e+00;
	vm1 =	vlt.s32 v21, $0x7E;
	[tilespmem:s15+$0x9000] =	vst v26  }
0x4e4: {  	vm2 =	vlt.s32 v13, $0x7E;
	v14 =	vnsel vm0, $0x7E, v15;
	v15 =	vnsel vm1, $0x7E, v21;
	[tilespmem:s15+$0x9800] =	vst v27  }
0x4e5: {  	v21 =	vnsel vm2, $0x7E, v13;
	v13 =	vshll.u32 v14, $0x7;
	v3 =	vshll.u32 v15, $0xD;
	[tilespmem:s4+$0x6C10] =	vst v16  }
0x4e6: {  	v26 =	vand.u32 $0x1, v15;
	v13 =	vadd.s32 v21, v13;
	v3 =	vand.u32 $0xFFFFC000, v3;
	[tilespmem:s4+$0x7010] =	vst v18  }
0x4e7: {  	v24 =	vmax.f32 v24, $0.0e+00;
	v3 =	vadd.s32 v3, v13;
	v13 =	vshll.u32 v26, $0xE;
	[tilespmem:s4+$0x7410] =	vst v11  }
0x4e8: {  	v16 =	vmin.f32 v5, $1.270000000e+02;
	v18 =	vmin.f32 v4, $1.270000000e+02;
	v4 =	vadd.s32 v13, v3;
	[tilespmem:s4+$0x8810] =	vst v28  }
0x4e9: {  	v11 =	vmin.f32 v12, $1.270000000e+02;
	v12 =	vmin.f32 v34, $1.270000000e+02;
	v27 =	vadd.s32 $0x81, v4;
	[tilespmem:s4+$0x9010] =	vst v29  }
0x4ea: {  	v5 =	vmin.f32 v24, $1.270000000e+02;
	v28 =	vmax.f32 v35, $0.0e+00;
	v13 =	vmin.f32 v25, $1.270000000e+02;
	[tilespmem:s14+$0x9C30] =	vst v27  }
0x4eb: {  	v23 =	vmax.f32 v23, $0.0e+00;
	v24 =	vtrunc.f32 v18;
	v25 =	vmax.f32 v36, $0.0e+00;
	[tilespmem:s4+$0x9810] =	vst v30  }
0x4ec: {  	v29 =	vtrunc.f32 v11;
	v27 =	vmin.f32 v28, $1.270000000e+02;
	v28 =	vtrunc.f32 v16;
	[tilespmem:s4+$0x6C20] =	vst v7  }
0x4ed: {  	v30 =	vtrunc.f32 v13;
	v7 =	vmin.f32 v23, $1.270000000e+02;
	v23 =	vtrunc.f32 v12;
	[tilespmem:s4+$0x7020] =	vst v6  }
0x4ee: {  	v24 =	vcvt.f32.s32 v24;
	v6 =	vmin.f32 v25, $1.270000000e+02;
	v25 =	vtrunc.f32 v5;
	[tilespmem:s4+$0x7420] =	vst v22  }
0x4ef: {  	v22 =	vcvt.f32.s32 v28;
	v28 =	vcvt.f32.s32 v29;
	v29 =	vadd.s32 $0x1, v4;
	[tilespmem:s4+$0x8820] =	vst v31  }
0x4f0: {  	vm0 =	vlt.s32 v24, $0x7E;
	v30 =	vcvt.f32.s32 v30;
	v23 =	vcvt.f32.s32 v23;
	[tilespmem:s14+$0x8C30] =	vst v29  }
0x4f1: {  	v25 =	vcvt.f32.s32 v25;
	v29 =	vtrunc.f32 v27;
	vm1 =	vlt.s32 v22, $0x7E;
	[tilespmem:s4+$0x9020] =	vst v32  }
0x4f2: {  	v31 =	vtrunc.f32 v7;
	vm2 =	vlt.s32 v28, $0x7E;
	v32 =	vtrunc.f32 v6;
	[tilespmem:s4+$0x9820] =	vst v33  }
0x4f3: {  	vm3 =	vlt.s32 v23, $0x7E;
	v31 =	vcvt.f32.s32 v31;
	v29 =	vcvt.f32.s32 v29;
	[tilespmem:s4+$0x6C30] =	vst v9  }
0x4f4: {  	vm4 =	vlt.s32 v30, $0x7E;
	vm5 =	vlt.s32 v25, $0x7E;
	v9 =	vcvt.f32.s32 v32;
	[tilespmem:s4+$0x7030] =	vst v10  }
0x4f5: {  	v22 =	vnsel vm1, $0x7E, v22;
	v10 =	vnsel vm0, $0x7E, v24;
	v24 =	vnsel vm2, $0x7E, v28;
	[tilespmem:s4+$0x7430] =	vst v8  }
0x4f6: {  	v25 =	vnsel vm5, $0x7E, v25;
	v8 =	vnsel vm3, $0x7E, v23;
	v23 =	vnsel vm4, $0x7E, v30;
	[tilespmem:s14+$0x8430] =	vst v4  }
0x4f7: {  	vm1 =	vlt.s32 v31, $0x7E;
	vm0 =	vlt.s32 v29, $0x7E;
	vm2 =	vlt.s32 v9, $0x7E;
	[tilespmem:s4+$0x8830] =	vst v20  }
0x4f8: {  	v28 =	vshll.u32 v10, $0x7;
	v30 =	vshll.u32 v8, $0xD;
	v20 =	vshll.u32 v22, $0xD;
	[tilespmem:s4+$0x9030] =	vst v17  }
0x4f9: {  	v32 =	vshll.u32 v25, $0xD;
	v33 =	vshll.u32 v23, $0x7;
	v17 =	vshll.u32 v24, $0x7;
	[tilespmem:s4+$0x9830] =	vst v19;
	s4 =	smov.u32 s14  }
0x4fa: {  	v9 =	vnsel vm2, $0x7E, v9;
	v19 =	vnsel vm0, $0x7E, v29;
	v29 =	vnsel vm1, $0x7E, v31;
	[tilespmem:s4+$0x8030] =	vst v3  }
0x4fb: {  	v30 =	vand.u32 $0xFFFFC000, v30;
	v20 =	vand.u32 $0xFFFFC000, v20;
	v28 =	vadd.s32 v19, v28;
	[tilespmem:s4+$0x7830] =	vst v26  }
0x4fc: {  	v31 =	vadd.s32 v9, v33;
	v17 =	vadd.s32 v29, v17;
	v26 =	vand.u32 $0xFFFFC000, v32  }
0x4fd: {  	v34 =	vand.u32 $0x1, v22;
	v33 =	vcvt.s32.f32 v10;
	v32 =	vcvt.s32.f32 v19  }
0x4fe: {  	v35 =	vcvt.s32.f32 v22;
	v36 =	vand.u32 $0x1, v8;
	v29 =	vcvt.s32.f32 v29;
	[tilespmem:s4+$0x7800] =	vst v34  }
0x4ff: {  	v37 =	vcvt.s32.f32 v24;
	v38 =	vcvt.s32.f32 v8;
	v24 =	vand.u32 $0x1, v25;
	[tilespmem:s4+$0x7810] =	vst v36  }
0x500: {  	v39 =	vcvt.s32.f32 v23;
	v20 =	vadd.s32 v20, v28;
	v28 =	vcvt.s32.f32 v9;
	[tilespmem:s4+$0x7820] =	vst v24  }
0x501: {  	v22 =	vcvt.s32.f32 v25;
	v19 =	vadd.s32 v30, v17;
	v9 =	vcvt.s32.f32 v21;
	[tilespmem:s4+$0x8000] =	vst v20  }
0x502: {  	v8 =	vcvt.s32.f32 v15;
	v10 =	vcvt.s32.f32 v14;
	v17 =	vadd.s32 v26, v31;
	[tilespmem:s4+$0x8010] =	vst v19  }
0x503: {  	v15 =	vshll.u32 v36, $0xE;
	v14 =	vshll.u32 v34, $0xE;
	v21 =	vshll.u32 v24, $0xE;
	[tilespmem:s4+$0x8020] =	vst v17  }
.Ltmp6:
0x504: {  	v14 =	vadd.s32 v14, v20;
	v26 =	vadd.s32 v15, v19;
	v25 =	vadd.s32 v21, v17;
	(pc) =	sbr.rel @p0 .LBB2_14-.Ltmp6, $4  }
0x505: {  	v23 =	vsub.f32 v27, v32;
	v27 =	vsub.f32 v18, v33;
	v15 =	vadd.s32 $0x1, v14;
	[tilespmem:s4+$0x8410] =	vst v26  }
0x506: {  	v21 =	vadd.s32 $0x80, v14;
	v24 =	vsub.f32 v16, v35;
	v16 =	vsub.f32 v7, v29;
	[tilespmem:s4+$0x8420] =	vst v25  }
0x507: {  	v18 =	vsub.f32 v11, v37;
	v11 =	vsub.f32 v12, v38;
	[tilespmem:s4+$0x6C00] =	vst v23;
	v23 =	vadd.s32 $0x81, v14  }
0x508: {  	s13 =	sadd.s32 $0x100, s13;
	v12 =	vadd.s32 $0x1, v26;
	v7 =	vsub.f32 v6, v28;
	v6 =	vsub.f32 v13, v39;
	[tilespmem:s4+$0x7000] =	vst v27  }
0x509: {  	[tilespmem:s4+$0x8C10] =	vst v12  }
0x50a: {  	[tilespmem:s4+$0x7400] =	vst v24  }
0x50b: {  	[tilespmem:s4+$0x6C10] =	vst v16  }
0x50c: {  	[tilespmem:s4+$0x7010] =	vst v18  }
0x50d: {  	v12 =	vadd.s32 $0x80, v26;
	[tilespmem:s4+$0x7410] =	vst v11  }
0x50e: {  	v13 =	vadd.s32 $0x80, v25;
	[tilespmem:s4+$0x9410] =	vst v12  }
0x50f: {  	v4 =	vadd.s32 $0x80, v4;
	[tilespmem:s4+$0x9420] =	vst v13  }
0x510: {  	v11 =	vadd.s32 $0x80, v19;
	[tilespmem:s4+$0x9430] =	vst v4  }
0x511: {  	[tilespmem:s4+$0x9010] =	vst v11  }
0x512: {  	[tilespmem:s4+$0x6C20] =	vst v7  }
0x513: {  	s8 =	sadd.s32 $0x40, s8;
	v12 =	vadd.s32 $0x81, v26;
	[tilespmem:s4+$0x7020] =	vst v6  }
0x514: {  	s8 =	sand.u32 $0x3C0, s8;
	[tilespmem:s4+$0x9C10] =	vst v12  }
0x515: {  	[tilespmem:s8+$0x8C00] =	vst v15  }
0x516: {  	[tilespmem:s8+$0x9400] =	vst v21  }
0x517: {  	[tilespmem:s8+$0x9C00] =	vst v23  }
0x518: {  	v0 =	vsub.f32 v0, v9;
	v4 =	vadd.s32 $0x1, v20;
	[tilespmem:s8+$0x8400] =	vst v14  }
0x519: {  	v2 =	vsub.f32 v2, v10;
	[tilespmem:s8+$0x8800] =	vst v4  }
0x51a: {  	v1 =	vsub.f32 v1, v8;
	[tilespmem:s4+$0x6C30] =	vst v0  }
0x51b: {  	[tilespmem:s4+$0x7030] =	vst v2  }
0x51c: {  	v12 =	vadd.s32 $0x1, v25;
	[tilespmem:s4+$0x7430] =	vst v1  }
0x51d: {  	v4 =	vadd.s32 $0x81, v20;
	[tilespmem:s4+$0x8C20] =	vst v12  }
0x51e: {  	v0 =	vadd.s32 $0x1, v3;
	[tilespmem:s8+$0x9800] =	vst v4  }
0x51f: {  	v1 =	vadd.s32 $0x80, v3;
	[tilespmem:s4+$0x8830] =	vst v0  }
0x520: {  	v12 =	vadd.s32 $0x81, v25;
	[tilespmem:s4+$0x9030] =	vst v1  }
0x521: {  	v4 =	vadd.s32 $0x1, v19;
	[tilespmem:s4+$0x9C20] =	vst v12  }
0x522: {  	v0 =	vadd.s32 $0x81, v3;
	[tilespmem:s4+$0x8810] =	vst v4  }
0x523: {  	v12 =	vadd.s32 $0x80, v20;
	[tilespmem:s4+$0x9830] =	vst v0  }
0x524: {  	v4 =	vadd.s32 $0x81, v19;
	[tilespmem:s8+$0x9000] =	vst v12  }
0x525: {  	[tilespmem:s4+$0x9810] =	vst v4;
	v4 =	vsub.f32 v5, v22;
	v5 =	vadd.s32 $0x1, v17  }
0x526: {  	[tilespmem:s4+$0x8820] =	vst v5  }
0x527: {  	v5 =	vadd.s32 $0x81, v17;
	[tilespmem:s4+$0x7420] =	vst v4  }
0x528: {  	v4 =	vadd.s32 $0x80, v17;
	[tilespmem:s4+$0x9820] =	vst v5  }
0x529: {  	s15 =	simm.s32 $0x8000;
	[tilespmem:s4+$0x9020] =	vst v4  }
0x52a: {  	[tilespmem:s24], [sflag:$0x2] =	stream.indirect.gather [spmem:s5], $0x1, s15, s20, $0xb8;
	[tilespmem:$0x1E000] =	vst v63  }
0x52b: {  	_ =	swait.ge [sflag:s25], $0x2000  }
0x52c: {  	[sflag:s25] =	ssyncset.done $0x0  }
0x52d: {  	s23 =	simm.s32 $0x3;
	[sflag:s25] =	ssyncadd.s32 $0xFFFFE000  }
0x52e: {  	_ =	swait.ge [sflag:s23], $0x400  }
0x52f: {  	s16 =	simm.s32 $0x0;
	[sflag:s23] =	ssyncset.done $0x0  }
0x530: {  	s4 =	sand.u32 $0x3C0, s16;
	[sflag:s23] =	ssyncadd.s32 $0xFFFFFC00  }
0x531: {  	v0 =	vld [tilespmem:s4+$0x4400]  }
0x532: {  	v2 =	vld [tilespmem:s4+$0x4C00]  }
0x533: {  	s17 =	simm.s32 $0x5010;
	v4 =	vld [tilespmem:s4+$0x5400]  }
0x534: {  	v8 =	vld [tilespmem:s17+$0xFFFFF420]  }
0x535: {  	s11 =	simm.s32 $0x1820;
	v9 =	vld [tilespmem:s17+$0xFFFFFC20]  }
0x536: {  	v10 =	vld [tilespmem:s11+$0x10]  }
0x537: {  	v11 =	vld [tilespmem:s17+$0x420]  }
0x538: {  	v16 =	vld [tilespmem:s11+$0xFFFFFFE0]  }
0x539: {  	v17 =	vld [tilespmem:s11+$0xFFFFFFF0]  }
0x53a: {  	v18 =	vld [tilespmem:s11+$0x0]  }
0x53b: {  	v12 =	vld [tilespmem:s17+$0xC20]  }
0x53c: {  	v6 =	vld [tilespmem:s4+$0x5C00]  }
0x53d: {  	v7 =	vld [tilespmem:s17+$0xFFFFF020]  }
0x53e: {  	v13 =	vld [tilespmem:s17+$0xFFFFF820];
	v10 =	vshll.u32 v10, $0x4;
	v16 =	vshll.u32 v16, $0x4  }
0x53f: {  	v14 =	vld [tilespmem:s17+$0x20];
	v17 =	vshll.u32 v17, $0x4;
	v18 =	vshll.u32 v18, $0x4;
	v8 =	vshll.u32 v8, v10  }
0x540: {  	v15 =	vld [tilespmem:s17+$0x820];
	v9 =	vshll.u32 v9, v10;
	v11 =	vshll.u32 v11, v10;
	v12 =	vshll.u32 v12, v10  }
0x541: {  	v10 =	vsub.s32 $0x10, v10;
	v0 =	vshll.u32 v0, v16;
	v2 =	vshll.u32 v2, v16  }
0x542: {  	v4 =	vshll.u32 v4, v16;
	v6 =	vshll.u32 v6, v16;
	v8 =	vand.u32 $0xFFFF0000, v8  }
0x543: {  	s18 =	simm.s32 $0x1420;
	v1 =	vld [tilespmem:s4+$0x4800];
	v9 =	vand.u32 $0xFFFF0000, v9;
	v7 =	vshll.u32 v7, v10;
	v11 =	vand.u32 $0xFFFF0000, v11  }
0x544: {  	v19 =	vld [tilespmem:s18+$0x10];
	v12 =	vand.u32 $0xFFFF0000, v12;
	v13 =	vshll.u32 v13, v10;
	v14 =	vshll.u32 v14, v10  }
0x545: {  	v3 =	vld [tilespmem:s4+$0x5000];
	v10 =	vshll.u32 v15, v10;
	v0 =	vand.u32 $0xFFFF0000, v0;
	v2 =	vand.u32 $0xFFFF0000, v2  }
0x546: {  	v23 =	vld [tilespmem:s17+$0xFFFFFC00];
	v7 =	vand.u32 $0xFFFF0000, v7;
	v13 =	vand.u32 $0xFFFF0000, v13;
	v14 =	vand.u32 $0xFFFF0000, v14  }
0x547: {  	v5 =	vld [tilespmem:s4+$0x5800];
	v10 =	vand.u32 $0xFFFF0000, v10;
	v8 =	vsub.f32 v8, v7;
	v9 =	vsub.f32 v9, v13  }
0x548: {  	v20 =	vld [tilespmem:s17+$0xFFFFEFF0];
	v4 =	vand.u32 $0xFFFF0000, v4;
	v11 =	vsub.f32 v11, v14;
	v12 =	vsub.f32 v12, v10  }
0x549: {  	v21 =	vld [tilespmem:s17+$0xFFFFF400];
	v6 =	vand.u32 $0xFFFF0000, v6;
	v8 =	vmul.f32 v8, v19;
	v9 =	vmul.f32 v9, v19  }
0x54a: {  	v22 =	vld [tilespmem:s17+$0xFFFFF800];
	v11 =	vmul.f32 v11, v19;
	v12 =	vmul.f32 v12, v19;
	v19 =	vsub.s32 $0x10, v16  }
0x54b: {  	s21 =	simm.s32 $0xC20;
	v24 =	vld [tilespmem:s17+$0x0];
	v16 =	vshll.u32 v23, v17;
	v1 =	vshll.u32 v1, v19;
	v26 =	vshll.u32 v3, v19  }
0x54c: {  	v25 =	vld [tilespmem:s21+$0x10];
	v5 =	vshll.u32 v5, v19;
	v16 =	vand.u32 $0xFFFF0000, v16;
	v7 =	vadd.f32 v7, v8  }
0x54d: {  	v15 =	vld [tilespmem:s17+$0xFFFFF000];
	v8 =	vadd.f32 v13, v9;
	v9 =	vsub.s32 $0x10, v17;
	v11 =	vadd.f32 v14, v11  }
0x54e: {  	v27 =	vld [tilespmem:s17+$0xC00];
	v10 =	vadd.f32 v10, v12;
	v12 =	vshll.u32 v20, v19;
	v1 =	vand.u32 $0xFFFF0000, v1  }
0x54f: {  	v23 =	vld [tilespmem:s17+$0x410];
	v26 =	vand.u32 $0xFFFF0000, v26;
	v5 =	vand.u32 $0xFFFF0000, v5;
	v2 =	vsub.f32 v2, v1  }
0x550: {  	v13 =	vld [tilespmem:s17+$0x800];
	v20 =	vsub.s32 $0x10, v18;
	v4 =	vsub.f32 v4, v26;
	v6 =	vsub.f32 v6, v5  }
0x551: {  	v14 =	vld [tilespmem:s17+$0x400];
	v12 =	vand.u32 $0xFFFF0000, v12;
	v3 =	vsub.f32 v8, v7;
	v8 =	vsub.f32 v10, v11  }
0x552: {  	v19 =	vld [tilespmem:s17+$0xFFFFF010];
	v10 =	vshll.u32 v15, v9;
	v15 =	vshll.u32 v22, v9;
	v22 =	vshll.u32 v24, v9  }
0x553: {  	v24 =	vld [tilespmem:s17+$0xFFFFF410];
	v0 =	vsub.f32 v0, v12;
	v10 =	vand.u32 $0xFFFF0000, v10;
	v15 =	vand.u32 $0xFFFF0000, v15  }
0x554: {  	v22 =	vand.u32 $0xFFFF0000, v22;
	v3 =	vmul.f32 v3, v25;
	v8 =	vmul.f32 v8, v25;
	v25 =	vld [tilespmem:s17+$0x810]  }
0x555: {  	v23 =	vshll.u32 v23, v18;
	v16 =	vsub.f32 v16, v15;
	v9 =	vshll.u32 v13, v9;
	v13 =	vld [tilespmem:s17+$0xFFFFF810]  }
0x556: {  	v23 =	vand.u32 $0xFFFF0000, v23;
	v3 =	vadd.f32 v3, v7;
	v7 =	vadd.f32 v8, v11;
	v8 =	vld [tilespmem:s17+$0xFFFFFC10]  }
0x557: {  	v14 =	vshll.u32 v14, v17;
	v19 =	vshll.u32 v19, v20;
	v11 =	vshll.u32 v21, v17;
	v21 =	vld [tilespmem:s17+$0x10]  }
0x558: {  	v28 =	vld [tilespmem:s18+$0xFFFFFFF0];
	v17 =	vshll.u32 v27, v17;
	v9 =	vand.u32 $0xFFFF0000, v9;
	v19 =	vand.u32 $0xFFFF0000, v19  }
0x559: {  	v29 =	vld [tilespmem:s18+$0x0];
	v14 =	vand.u32 $0xFFFF0000, v14;
	v24 =	vshll.u32 v24, v18;
	v11 =	vand.u32 $0xFFFF0000, v11  }
0x55a: {  	v27 =	vld [tilespmem:s17+$0xC10];
	v17 =	vand.u32 $0xFFFF0000, v17;
	v14 =	vsub.f32 v14, v22;
	v7 =	vsub.f32 v7, v3  }
0x55b: {  	v30 =	vld [tilespmem:s21+$0xFFFFFFF0];
	v24 =	vand.u32 $0xFFFF0000, v24;
	v11 =	vsub.f32 v11, v10;
	v13 =	vshll.u32 v13, v20  }
0x55c: {  	v8 =	vshll.u32 v8, v18;
	v21 =	vshll.u32 v21, v20;
	v20 =	vshll.u32 v25, v20;
	v25 =	vld [tilespmem:s18+$0xFFFFFFE0]  }
0x55d: {  	v31 =	vld [tilespmem:s21+$0x0];
	v17 =	vsub.f32 v17, v9;
	v13 =	vand.u32 $0xFFFF0000, v13;
	v8 =	vand.u32 $0xFFFF0000, v8  }
0x55e: {  	s15 =	simm.s32 $0x1020;
	v32 =	vld [tilespmem:s21+$0xFFFFFFE0];
	v24 =	vsub.f32 v24, v19;
	v11 =	vmul.f32 v11, v28;
	v8 =	vsub.f32 v8, v13  }
0x55f: {  	v33 =	vld [tilespmem:s15+$0xFFFFFFE0];
	v18 =	vshll.u32 v27, v18;
	v21 =	vand.u32 $0xFFFF0000, v21;
	v20 =	vand.u32 $0xFFFF0000, v20  }
0x560: {  	s31 =	simm.s32 $0x40;
	v34 =	vld [tilespmem:s15+$0xFFFFFFF0];
	v18 =	vand.u32 $0xFFFF0000, v18;
	v10 =	vadd.f32 v10, v11;
	v8 =	vmul.f32 v8, v29  }
0x561: {  	s4 =	sand.u32 $0x3C0, s31;
	v27 =	vld [tilespmem:s15+$0x10];
	v23 =	vsub.f32 v23, v21;
	v0 =	vmul.f32 v0, v25;
	v2 =	vmul.f32 v2, v25  }
0x562: {  	v18 =	vsub.f32 v18, v20;
	v4 =	vmul.f32 v4, v25;
	v6 =	vmul.f32 v6, v25;
	v25 =	vld [tilespmem:s4+$0x4C00]  }
0x563: {  	v24 =	vmul.f32 v24, v29;
	v8 =	vadd.f32 v13, v8;
	v13 =	vld [tilespmem:s4+$0x5800];
	v0 =	vadd.f32 v12, v0  }
0x564: {  	v12 =	vmul.f32 v16, v28;
	v1 =	vadd.f32 v1, v2;
	v16 =	vld [tilespmem:s4+$0x4400];
	v2 =	vmul.f32 v14, v28  }
0x565: {  	s8 =	simm.s32 $0x1860;
	v14 =	vmul.f32 v17, v28;
	v4 =	vadd.f32 v26, v4;
	v17 =	vld [tilespmem:s4+$0x4800];
	v5 =	vadd.f32 v5, v6  }
0x566: {  	v6 =	vmul.f32 v23, v29;
	v23 =	vld [tilespmem:s8+$0x10];
	v11 =	vadd.f32 v15, v12;
	v2 =	vadd.f32 v22, v2  }
0x567: {  	v12 =	vld [tilespmem:s4+$0x5000];
	v15 =	vmul.f32 v18, v29;
	v9 =	vadd.f32 v9, v14;
	v18 =	vadd.f32 v19, v24  }
0x568: {  	v14 =	vld [tilespmem:s4+$0x5400];
	v6 =	vadd.f32 v21, v6;
	v1 =	vsub.f32 v1, v0  }
0x569: {  	v19 =	vld [tilespmem:s4+$0x5C00];
	s4 =	simm.s32 $0x5050;
	v5 =	vsub.f32 v5, v4;
	v15 =	vadd.f32 v20, v15  }
0x56a: {  	v21 =	vld [tilespmem:s4+$0xFFFFF420];
	v11 =	vsub.f32 v11, v10;
	v9 =	vsub.f32 v9, v2  }
0x56b: {  	v22 =	vld [tilespmem:s4+$0xFFFFFC20];
	v1 =	vmul.f32 v1, v32;
	v8 =	vsub.f32 v8, v18;
	v5 =	vmul.f32 v5, v32  }
0x56c: {  	v24 =	vld [tilespmem:s4+$0x420];
	v15 =	vsub.f32 v15, v6;
	v11 =	vmul.f32 v11, v30;
	v9 =	vmul.f32 v9, v30  }
0x56d: {  	v20 =	vld [tilespmem:s4+$0xFFFFF020];
	v1 =	vadd.f32 v1, v0;
	v8 =	vmul.f32 v8, v31;
	v4 =	vadd.f32 v5, v4  }
0x56e: {  	v0 =	vadd.f32 v11, v10;
	v5 =	vmul.f32 v15, v31;
	v10 =	vld [tilespmem:s4+$0xC20];
	v9 =	vadd.f32 v9, v2  }
0x56f: {  	v7 =	vmul.f32 v7, v27;
	v2 =	vadd.f32 v8, v18;
	v8 =	vld [tilespmem:s4+$0xFFFFF820];
	v4 =	vsub.f32 v4, v1  }
0x570: {  	v18 =	vld [tilespmem:s8+$0xFFFFFFE0];
	v6 =	vadd.f32 v5, v6;
	v9 =	vsub.f32 v9, v0  }
0x571: {  	v11 =	vld [tilespmem:s4+$0x20];
	v5 =	vadd.f32 v7, v3;
	v7 =	vshll.u32 v23, $0x4;
	v4 =	vmul.f32 v4, v33  }
0x572: {  	s13 =	simm.s32 $0xC60;
	v15 =	vld [tilespmem:s4+$0x820];
	v21 =	vshll.u32 v21, v7;
	v22 =	vshll.u32 v22, v7;
	v23 =	vshll.u32 v24, v7  }
0x573: {  	s11 =	simm.s32 $0x1460;
	v54 =	vld [tilespmem:s13+$0x10];
	v6 =	vsub.f32 v6, v2;
	v3 =	vmul.f32 v9, v34;
	v21 =	vand.u32 $0xFFFF0000, v21  }
0x574: {  	v26 =	vld [tilespmem:s11+$0x10];
	v22 =	vand.u32 $0xFFFF0000, v22;
	v10 =	vshll.u32 v10, v7;
	v7 =	vsub.s32 $0x10, v7  }
0x575: {  	v27 =	vld [tilespmem:s4+$0xFFFFEFF0];
	v23 =	vand.u32 $0xFFFF0000, v23;
	v18 =	vshll.u32 v18, $0x4;
	v20 =	vshll.u32 v20, v7  }
0x576: {  	v28 =	vld [tilespmem:s4+$0xFFFFF400];
	v10 =	vand.u32 $0xFFFF0000, v10;
	v8 =	vshll.u32 v8, v7;
	v11 =	vshll.u32 v11, v7  }
0x577: {  	v24 =	vld [tilespmem:s8+$0x0];
	v7 =	vshll.u32 v15, v7;
	v57 =	vshll.u32 v16, v18;
	v25 =	vshll.u32 v25, v18  }
0x578: {  	v9 =	vld [tilespmem:s8+$0xFFFFFFF0];
	v20 =	vand.u32 $0xFFFF0000, v20;
	v8 =	vand.u32 $0xFFFF0000, v8;
	v11 =	vand.u32 $0xFFFF0000, v11  }
0x579: {  	v29 =	vld [tilespmem:s4+$0xFFFFF800];
	v7 =	vand.u32 $0xFFFF0000, v7;
	v21 =	vsub.f32 v21, v20;
	v22 =	vsub.f32 v22, v8  }
0x57a: {  	v55 =	vld [tilespmem:s4+$0xC00];
	v35 =	vshll.u32 v14, v18;
	v23 =	vsub.f32 v23, v11;
	v10 =	vsub.f32 v10, v7  }
0x57b: {  	v30 =	vld [tilespmem:s4+$0xFFFFFC00];
	v61 =	vand.u32 $0xFFFF0000, v35;
	v21 =	vmul.f32 v21, v26;
	v22 =	vmul.f32 v22, v26  }
0x57c: {  	v15 =	vld [tilespmem:s4+$0xFFFFF000];
	v23 =	vmul.f32 v23, v26;
	v10 =	vmul.f32 v10, v26;
	v26 =	vsub.s32 $0x10, v18  }
0x57d: {  	v31 =	vld [tilespmem:s4+$0x0];
	v24 =	vshll.u32 v24, $0x4;
	v9 =	vshll.u32 v9, $0x4;
	v17 =	vshll.u32 v17, v26  }
0x57e: {  	v12 =	vshll.u32 v12, v26;
	v20 =	vadd.f32 v20, v21;
	v11 =	vadd.f32 v11, v23;
	v23 =	vld [tilespmem:s4+$0x800]  }
0x57f: {  	v8 =	vadd.f32 v8, v22;
	v21 =	vsub.s32 $0x10, v9;
	v22 =	vld [tilespmem:s4+$0x400];
	v7 =	vadd.f32 v7, v10  }
0x580: {  	v10 =	vshll.u32 v27, v26;
	v27 =	vsub.s32 $0x10, v24;
	v26 =	vshll.u32 v13, v26;
	v13 =	vld [tilespmem:s4+$0xFFFFF010]  }
0x581: {  	v56 =	vshll.u32 v15, v21;
	v15 =	vld [tilespmem:s4+$0xFFFFF410];
	v8 =	vsub.f32 v8, v20;
	v7 =	vsub.f32 v7, v11  }
0x582: {  	v29 =	vshll.u32 v29, v21;
	v31 =	vshll.u32 v31, v21;
	v36 =	vand.u32 $0xFFFF0000, v10  }
0x583: {  	v8 =	vmul.f32 v8, v54;
	v7 =	vmul.f32 v7, v54;
	v21 =	vshll.u32 v23, v21  }
0x584: {  	s14 =	simm.s32 $0x1060;
	v23 =	vshll.u32 v28, v9;
	v28 =	vshll.u32 v30, v9;
	v30 =	vshll.u32 v22, v9  }
0x585: {  	v14 =	vld [tilespmem:s14+$0x10];
	v9 =	vshll.u32 v55, v9;
	v8 =	vadd.f32 v8, v20;
	v7 =	vadd.f32 v7, v11  }
0x586: {  	v16 =	vld [tilespmem:s4+$0xFFFFF810];
	v11 =	vshll.u32 v19, v18;
	v19 =	vshll.u32 v13, v27;
	v10 =	vshll.u32 v15, v24  }
0x587: {  	v18 =	vld [tilespmem:s4+$0xFFFFFC10];
	v13 =	vand.u32 $0xFFFF0000, v17;
	v15 =	vand.u32 $0xFFFF0000, v12;
	v12 =	vand.u32 $0xFFFF0000, v56  }
0x588: {  	v17 =	vand.u32 $0xFFFF0000, v21;
	v23 =	vand.u32 $0xFFFF0000, v23;
	v28 =	vand.u32 $0xFFFF0000, v28  }
0x589: {  	v22 =	vld [tilespmem:s4+$0x410];
	v30 =	vand.u32 $0xFFFF0000, v30;
	v9 =	vand.u32 $0xFFFF0000, v9;
	v7 =	vsub.f32 v7, v8  }
0x58a: {  	v20 =	vld [tilespmem:s4+$0x10];
	v19 =	vand.u32 $0xFFFF0000, v19;
	v62 =	vand.u32 $0xFFFF0000, v11;
	v63 =	vand.u32 $0xFFFF0000, v10  }
0x58b: {  	v41 =	vsub.f32 v23, v12;
	v7 =	vmul.f32 v7, v14;
	v14 =	vand.u32 $0xFFFF0000, v26  }
0x58c: {  	v58 =	vld [tilespmem:s4+$0x810];
	v26 =	vshll.u32 v16, v27;
	v16 =	vand.u32 $0xFFFF0000, v29;
	v29 =	vshll.u32 v18, v24  }
0x58d: {  	v59 =	vld [tilespmem:s4+$0xC10];
	v18 =	vand.u32 $0xFFFF0000, v31;
	v34 =	vsub.f32 v62, v14;
	v42 =	vsub.f32 v28, v16  }
0x58e: {  	v60 =	vld [tilespmem:s11+$0xFFFFFFE0];
	v31 =	vand.u32 $0xFFFF0000, v25;
	v28 =	vsub.f32 v9, v17;
	v37 =	vadd.f32 v7, v8  }
0x58f: {  	v11 =	vld [tilespmem:s13+$0xFFFFFFF0];
	v7 =	vshll.u32 v20, v27;
	v20 =	vand.u32 $0xFFFF0000, v26;
	v8 =	vshll.u32 v22, v24  }
0x590: {  	v10 =	vld [tilespmem:s13+$0x0];
	v26 =	vand.u32 $0xFFFF0000, v57;
	v29 =	vand.u32 $0xFFFF0000, v29;
	v21 =	vand.u32 $0xFFFF0000, v7  }
0x591: {  	v7 =	vshll.u32 v58, v27;
	v27 =	vld [tilespmem:s15+$0x0];
	v38 =	vand.u32 $0xFFFF0000, v8;
	v8 =	vsub.f32 v26, v36  }
0x592: {  	v26 =	vsub.f32 v31, v13;
	v22 =	vand.u32 $0xFFFF0000, v7;
	v7 =	vshll.u32 v59, v24;
	v24 =	vld [tilespmem:s11+$0xFFFFFFF0]  }
0x593: {  	v23 =	vld [tilespmem:s13+$0xFFFFFFE0];
	v31 =	vsub.f32 v61, v15;
	v32 =	vsub.f32 v29, v20;
	v40 =	vmul.f32 v8, v60  }
0x594: {  	v25 =	vld [tilespmem:s11+$0x0];
	s15 =	simm.s32 $0x1C20;
	v34 =	vmul.f32 v34, v60;
	v33 =	vsub.f32 v38, v21;
	v39 =	vand.u32 $0xFFFF0000, v7  }
0x595: {  	[tilespmem:s15+$0x10] =	vst v5;
	v5 =	vld [tilespmem:s14+$0x0];
	v26 =	vmul.f32 v26, v60;
	v29 =	vsub.f32 v39, v22;
	v9 =	vadd.f32 v36, v40  }
0x596: {  	s16 =	simm.s32 $0x1C60;
	v7 =	vld [tilespmem:s14+$0xFFFFFFE0];
	v6 =	vmul.f32 v6, v27;
	v27 =	vsub.f32 v30, v18;
	v30 =	vmul.f32 v31, v60  }
0x597: {  	s30 =	simm.s32 $0x4;
	s17 =	simm.s32 $0x4;
	s18 =	simm.s32 $0x80;
	[tilespmem:s16+$0x10] =	vst v37;
	v8 =	vld [tilespmem:s14+$0xFFFFFFF0];
	v31 =	vsub.f32 v63, v19;
	v36 =	vmul.f32 v41, v24;
	v35 =	vmul.f32 v42, v24  }
.LBB2_16:
0x598: {  	s21 =	sand.u32 $0x3C0, s18;
	v26 =	vadd.f32 v13, v26;
	v27 =	vmul.f32 v27, v24;
	v28 =	vmul.f32 v28, v24  }
0x599: {  	v30 =	vadd.f32 v15, v30;
	v15 =	vmul.f32 v31, v25;
	v31 =	vmul.f32 v32, v25;
	v13 =	vld [tilespmem:s21+$0x4400]  }
0x59a: {  	v32 =	vadd.f32 v14, v34;
	v33 =	vmul.f32 v33, v25;
	v25 =	vmul.f32 v29, v25;
	v24 =	vld [tilespmem:s21+$0x4800]  }
0x59b: {  	v29 =	vadd.f32 v12, v36;
	v34 =	vadd.f32 v16, v35;
	v14 =	vld [tilespmem:s21+$0x4C00]  }
0x59c: {  	v18 =	vadd.f32 v18, v27;
	v27 =	vadd.f32 v17, v28;
	v16 =	vld [tilespmem:s21+$0x5000]  }
0x59d: {  	v19 =	vadd.f32 v19, v15;
	v20 =	vadd.f32 v20, v31;
	v12 =	vld [tilespmem:s21+$0x5400]  }
0x59e: {  	v21 =	vadd.f32 v21, v33;
	v22 =	vadd.f32 v22, v25;
	v17 =	vld [tilespmem:s21+$0x5800]  }
0x59f: {  	s4 =	sadd.s32 $0x40, s4;
	v25 =	vsub.f32 v26, v9;
	v26 =	vsub.f32 v32, v30;
	v15 =	vld [tilespmem:s21+$0x5C00]  }
0x5a0: {  	v31 =	vsub.f32 v34, v29;
	v27 =	vsub.f32 v27, v18;
	v28 =	vld [tilespmem:s4+$0xFFFFF020]  }
0x5a1: {  	v25 =	vmul.f32 v25, v23;
	v20 =	vsub.f32 v20, v19;
	v22 =	vsub.f32 v22, v21;
	v32 =	vld [tilespmem:s4+$0xFFFFF420]  }
0x5a2: {  	s8 =	sadd.s32 $0x40, s8;
	v4 =	vadd.f32 v4, v1;
	v23 =	vmul.f32 v26, v23;
	v26 =	vmul.f32 v31, v11;
	v33 =	vld [tilespmem:s4+$0xFFFFFC20]  }
0x5a3: {  	v1 =	vadd.f32 v25, v9;
	v9 =	vmul.f32 v27, v11;
	v11 =	vmul.f32 v20, v10;
	v31 =	vld [tilespmem:s8+$0x10]  }
0x5a4: {  	v23 =	vadd.f32 v23, v30;
	v10 =	vmul.f32 v22, v10;
	v25 =	vadd.f32 v26, v29;
	v20 =	vld [tilespmem:s4+$0x420];
	[tilespmem:s15+$0xFFFFFFE0] =	vst v4  }
0x5a5: {  	v11 =	vadd.f32 v11, v19;
	v4 =	vadd.f32 v9, v18;
	v22 =	vld [tilespmem:s4+$0xC20]  }
0x5a6: {  	v10 =	vadd.f32 v10, v21;
	v9 =	vsub.f32 v23, v1;
	v18 =	vld [tilespmem:s4+$0xFFFFF820]  }
0x5a7: {  	s17 =	sadd.s32 $0x4, s17;
	v23 =	vadd.f32 v3, v0;
	v0 =	vmov v25;
	v21 =	vsub.f32 v4, v25;
	v19 =	vld [tilespmem:s4+$0x20]  }
0x5a8: {  	p0 =	slt.u32 s17, $0x3C;
	v4 =	vmul.f32 v9, v7;
	v9 =	vsub.f32 v10, v11;
	v25 =	vshll.u32 v31, $0x4;
	v26 =	vld [tilespmem:s4+$0x820]  }
0x5a9: {  	v6 =	vadd.f32 v6, v2;
	v3 =	vmul.f32 v21, v8;
	v7 =	vld [tilespmem:s8+$0xFFFFFFE0];
	v10 =	vshll.u32 v32, v25;
	[tilespmem:s15+$0xFFFFFFF0] =	vst v23  }
0x5aa: {  	v2 =	vmovc v11;
	v21 =	vshll.u32 v33, v25;
	v20 =	vshll.u32 v20, v25;
	v8 =	vld [tilespmem:s8+$0xFFFFFFF0];
	v22 =	vshll.u32 v22, v25  }
0x5ab: {  	s11 =	sadd.s32 $0x40, s11;
	v23 =	vsub.s32 $0x10, v25;
	v10 =	vand.u32 $0xFFFF0000, v10;
	v21 =	vand.u32 $0xFFFF0000, v21;
	v11 =	vld [tilespmem:s8+$0x0];
	[tilespmem:s15+$0x0] =	vst v6;
	s15 =	smov.u32 s16  }
0x5ac: {  	v25 =	vshll.u32 v28, v23;
	v20 =	vand.u32 $0xFFFF0000, v20;
	v22 =	vand.u32 $0xFFFF0000, v22;
	v6 =	vld [tilespmem:s11+$0x10]  }
0x5ad: {  	v18 =	vshll.u32 v18, v23;
	v19 =	vshll.u32 v19, v23;
	v27 =	vld [tilespmem:s4+$0xFFFFEFF0];
	v23 =	vshll.u32 v26, v23  }
0x5ae: {  	v25 =	vand.u32 $0xFFFF0000, v25;
	v18 =	vand.u32 $0xFFFF0000, v18;
	v19 =	vand.u32 $0xFFFF0000, v19;
	v26 =	vld [tilespmem:s4+$0xFFFFF000]  }
0x5af: {  	v10 =	vsub.f32 v10, v25;
	v21 =	vsub.f32 v21, v18;
	v23 =	vand.u32 $0xFFFF0000, v23;
	v28 =	vld [tilespmem:s4+$0xFFFFF400]  }
0x5b0: {  	v7 =	vshll.u32 v7, $0x4;
	v20 =	vsub.f32 v20, v19;
	v22 =	vsub.f32 v22, v23;
	v29 =	vld [tilespmem:s4+$0xFFFFF800]  }
0x5b1: {  	v8 =	vshll.u32 v8, $0x4;
	v30 =	vld [tilespmem:s4+$0xFFFFFC00];
	v10 =	vmul.f32 v10, v6;
	v21 =	vmul.f32 v21, v6  }
0x5b2: {  	s13 =	sadd.s32 $0x40, s13;
	v32 =	vshll.u32 v11, $0x4;
	v11 =	vmul.f32 v20, v6;
	v6 =	vmul.f32 v22, v6;
	v31 =	vld [tilespmem:s4+$0x0]  }
0x5b3: {  	v20 =	vsub.s32 $0x10, v7;
	v22 =	vld [tilespmem:s13+$0x10];
	v10 =	vadd.f32 v25, v10;
	v18 =	vadd.f32 v18, v21  }
0x5b4: {  	v21 =	vsub.s32 $0x10, v8;
	v11 =	vadd.f32 v19, v11;
	v6 =	vadd.f32 v23, v6;
	v25 =	vld [tilespmem:s4+$0x400]  }
0x5b5: {  	v19 =	vshll.u32 v27, v20;
	v23 =	vshll.u32 v24, v20;
	v27 =	vsub.s32 $0x10, v32;
	v24 =	vld [tilespmem:s4+$0x800]  }
0x5b6: {  	v16 =	vshll.u32 v16, v20;
	v18 =	vsub.f32 v18, v10;
	v6 =	vsub.f32 v6, v11;
	v33 =	vld [tilespmem:s4+$0xC00]  }
0x5b7: {  	v17 =	vshll.u32 v17, v20;
	v20 =	vshll.u32 v26, v21;
	v26 =	vshll.u32 v29, v21;
	v29 =	vld [tilespmem:s4+$0xFFFFF010]  }
0x5b8: {  	s14 =	sadd.s32 $0x40, s14;
	v31 =	vshll.u32 v31, v21;
	v34 =	vld [tilespmem:s4+$0xFFFFF410];
	v18 =	vmul.f32 v18, v22;
	v6 =	vmul.f32 v6, v22  }
0x5b9: {  	v35 =	vshll.u32 v14, v7;
	v36 =	vshll.u32 v12, v7;
	v22 =	vshll.u32 v13, v7;
	v12 =	vld [tilespmem:s14+$0x10]  }
0x5ba: {  	v21 =	vshll.u32 v24, v21;
	v24 =	vld [tilespmem:s4+$0xFFFFF810];
	v10 =	vadd.f32 v18, v10;
	v6 =	vadd.f32 v6, v11  }
0x5bb: {  	v28 =	vshll.u32 v28, v8;
	v30 =	vshll.u32 v30, v8;
	v7 =	vshll.u32 v15, v7;
	v11 =	vld [tilespmem:s4+$0xFFFFFC10]  }
0x5bc: {  	v37 =	vshll.u32 v25, v8;
	v29 =	vshll.u32 v29, v27;
	v25 =	vld [tilespmem:s4+$0x10];
	v6 =	vsub.f32 v6, v10  }
0x5bd: {  	v38 =	vand.u32 $0xFFFF0000, v19;
	v8 =	vshll.u32 v33, v8;
	v33 =	vshll.u32 v34, v32;
	v34 =	vld [tilespmem:s4+$0x410]  }
0x5be: {  	v13 =	vand.u32 $0xFFFF0000, v23;
	v15 =	vand.u32 $0xFFFF0000, v16;
	v23 =	vld [tilespmem:s4+$0x810];
	v6 =	vmul.f32 v6, v12  }
0x5bf: {  	v14 =	vand.u32 $0xFFFF0000, v17;
	v12 =	vand.u32 $0xFFFF0000, v20;
	v20 =	vshll.u32 v24, v27;
	v39 =	vld [tilespmem:s4+$0xC10]  }
0x5c0: {  	v16 =	vand.u32 $0xFFFF0000, v26;
	v40 =	vld [tilespmem:s11+$0xFFFFFFE0];
	v26 =	vshll.u32 v11, v32;
	v6 =	vadd.f32 v6, v10  }
0x5c1: {  	s16 =	sadd.s32 $0x40, s16;
	v18 =	vand.u32 $0xFFFF0000, v31;
	v17 =	vand.u32 $0xFFFF0000, v21;
	v24 =	vld [tilespmem:s11+$0xFFFFFFF0];
	v10 =	vshll.u32 v25, v27  }
0x5c2: {  	v19 =	vand.u32 $0xFFFF0000, v29;
	v20 =	vand.u32 $0xFFFF0000, v20;
	v25 =	vld [tilespmem:s11+$0x0];
	v29 =	vshll.u32 v34, v32;
	[tilespmem:s16+$0x10] =	vst v6  }
0x5c3: {  	v6 =	vand.u32 $0xFFFF0000, v22;
	v21 =	vand.u32 $0xFFFF0000, v10;
	v11 =	vld [tilespmem:s13+$0xFFFFFFF0];
	v22 =	vshll.u32 v23, v27  }
0x5c4: {  	v27 =	vand.u32 $0xFFFF0000, v35;
	v10 =	vld [tilespmem:s13+$0x0];
	v22 =	vand.u32 $0xFFFF0000, v22;
	v31 =	vshll.u32 v39, v32  }
0x5c5: {  	v28 =	vand.u32 $0xFFFF0000, v28;
	v34 =	vand.u32 $0xFFFF0000, v7;
	v32 =	vand.u32 $0xFFFF0000, v36;
	v23 =	vld [tilespmem:s13+$0xFFFFFFE0]  }
0x5c6: {  	v30 =	vand.u32 $0xFFFF0000, v30;
	v35 =	vand.u32 $0xFFFF0000, v37;
	v36 =	vand.u32 $0xFFFF0000, v8;
	v7 =	vld [tilespmem:s14+$0xFFFFFFE0]  }
0x5c7: {  	v33 =	vand.u32 $0xFFFF0000, v33;
	v37 =	vand.u32 $0xFFFF0000, v26;
	v29 =	vand.u32 $0xFFFF0000, v29;
	v8 =	vld [tilespmem:s14+$0xFFFFFFF0]  }
0x5c8: {  	v26 =	vsub.f32 v6, v38;
	v27 =	vsub.f32 v27, v13;
	v41 =	vand.u32 $0xFFFF0000, v31;
	v39 =	vld [tilespmem:s14+$0x0]  }
0x5c9: {  	v34 =	vsub.f32 v34, v14;
	v6 =	vmul.f32 v9, v5;
	v31 =	vsub.f32 v32, v15  }
.Ltmp7:
0x5ca: {  	v43 =	vsub.f32 v30, v16;
	v42 =	vsub.f32 v28, v12;
	v9 =	vmul.f32 v26, v40;
	(pc) =	sbr.rel @p0 .LBB2_16-.Ltmp7, $4  }
0x5cb: {  	v28 =	vsub.f32 v36, v17;
	v26 =	vmul.f32 v27, v40;
	v27 =	vsub.f32 v35, v18  }
0x5cc: {  	v32 =	vsub.f32 v37, v20;
	v30 =	vmul.f32 v31, v40;
	v31 =	vsub.f32 v33, v19  }
0x5cd: {  	v34 =	vmul.f32 v34, v40;
	v33 =	vsub.f32 v29, v21;
	v29 =	vsub.f32 v41, v22;
	v5 =	vmovc v39  }
0x5ce: {  	s18 =	sadd.s32 $0x40, s18;
	v36 =	vmul.f32 v42, v24;
	v35 =	vmul.f32 v43, v24;
	v9 =	vadd.f32 v38, v9  }
0x5cf: {  	v13 =	vadd.f32 v13, v26;
	v26 =	vmul.f32 v27, v24  }
0x5d0: {  	v24 =	vmul.f32 v28, v24;
	v15 =	vadd.f32 v15, v30;
	v27 =	vmul.f32 v31, v25  }
0x5d1: {  	v28 =	vmul.f32 v32, v25;
	v14 =	vadd.f32 v14, v34;
	v12 =	vadd.f32 v12, v36  }
0x5d2: {  	v30 =	vmul.f32 v33, v25;
	v16 =	vadd.f32 v16, v35;
	v18 =	vadd.f32 v18, v26  }
0x5d3: {  	v25 =	vmul.f32 v29, v25;
	v17 =	vadd.f32 v17, v24;
	v19 =	vadd.f32 v19, v27  }
0x5d4: {  	v20 =	vadd.f32 v20, v28;
	v21 =	vadd.f32 v21, v30  }
0x5d5: {  	v22 =	vadd.f32 v22, v25;
	v13 =	vsub.f32 v13, v9  }
0x5d6: {  	v14 =	vsub.f32 v14, v15;
	v16 =	vsub.f32 v16, v12  }
0x5d7: {  	v17 =	vsub.f32 v17, v18;
	v13 =	vmul.f32 v13, v23;
	v20 =	vsub.f32 v20, v19  }
0x5d8: {  	v22 =	vsub.f32 v22, v21;
	v14 =	vmul.f32 v14, v23;
	v16 =	vmul.f32 v16, v11  }
0x5d9: {  	v9 =	vadd.f32 v13, v9;
	v11 =	vmul.f32 v17, v11;
	v13 =	vmul.f32 v20, v10  }
0x5da: {  	v14 =	vadd.f32 v14, v15;
	v10 =	vmul.f32 v22, v10;
	v12 =	vadd.f32 v16, v12  }
0x5db: {  	v11 =	vadd.f32 v11, v18;
	v13 =	vadd.f32 v13, v19  }
0x5dc: {  	v14 =	vsub.f32 v14, v9;
	v10 =	vadd.f32 v10, v21  }
0x5dd: {  	v1 =	vadd.f32 v4, v1;
	v4 =	vsub.f32 v11, v12  }
0x5de: {  	v0 =	vadd.f32 v3, v0;
	v3 =	vmul.f32 v14, v7;
	v7 =	vsub.f32 v10, v13  }
0x5df: {  	v2 =	vadd.f32 v6, v2;
	[tilespmem:s15+$0xFFFFFFE0] =	vst v1;
	v1 =	vmul.f32 v4, v8  }
0x5e0: {  	[tilespmem:s15+$0xFFFFFFF0] =	vst v0;
	v0 =	vmul.f32 v7, v5;
	v3 =	vadd.f32 v3, v9  }
0x5e1: {  	[tilespmem:s15+$0x0] =	vst v2;
	v1 =	vadd.f32 v1, v12  }
0x5e2: {  	[tilespmem:s16+$0xFFFFFFE0] =	vst v3;
	v0 =	vadd.f32 v0, v13  }
0x5e3: {  	[tilespmem:s16+$0xFFFFFFF0] =	vst v1  }
0x5e4: {  	[tilespmem:s16+$0x0] =	vst v0  }
0x5e5: {  	s4 =	simm.s32 $0x0;
	s8 =	rddreg [dreg:$0x1d]  }
0x5e6: {  	[hbm4b:s8+s4] =	stream.linear.scatter [tilespmem:s26], [sflag:$0x3], $0x400, $0x38;
	[tilespmem:$0x1E000] =	vst v63  }
0x5e7: {  	_ =	swait.ge [sflag:s28], $0x2000  }
0x5e8: {  	[sflag:s28] =	ssyncset.done $0x0  }
0x5e9: {  	[sflag:s28] =	ssyncadd.s32 $0xFFFFE000  }
0x5ea: {  	_ =	swait.ge [sflag:s30], $0x400  }
0x5eb: {  	[sflag:s30] =	ssyncset.done $0x0  }
0x5ec: {  	s4 =	sand.u32 $0x3C0, s4;
	[sflag:s30] =	ssyncadd.s32 $0xFFFFFC00  }
0x5ed: {  	v0 =	vld [tilespmem:s4+$0xA400]  }
0x5ee: {  	v2 =	vld [tilespmem:s4+$0xAC00]  }
0x5ef: {  	s16 =	simm.s32 $0xB010;
	v4 =	vld [tilespmem:s4+$0xB400]  }
0x5f0: {  	v8 =	vld [tilespmem:s16+$0xFFFFF420]  }
0x5f1: {  	s11 =	simm.s32 $0x7820;
	v9 =	vld [tilespmem:s16+$0xFFFFFC20]  }
0x5f2: {  	v10 =	vld [tilespmem:s11+$0x10]  }
0x5f3: {  	v11 =	vld [tilespmem:s16+$0x420]  }
0x5f4: {  	v16 =	vld [tilespmem:s11+$0xFFFFFFE0]  }
0x5f5: {  	v17 =	vld [tilespmem:s11+$0xFFFFFFF0]  }
0x5f6: {  	v18 =	vld [tilespmem:s11+$0x0]  }
0x5f7: {  	v12 =	vld [tilespmem:s16+$0xC20]  }
0x5f8: {  	v6 =	vld [tilespmem:s4+$0xBC00]  }
0x5f9: {  	v7 =	vld [tilespmem:s16+$0xFFFFF020]  }
0x5fa: {  	v13 =	vld [tilespmem:s16+$0xFFFFF820];
	v10 =	vshll.u32 v10, $0x4;
	v16 =	vshll.u32 v16, $0x4  }
0x5fb: {  	v14 =	vld [tilespmem:s16+$0x20];
	v17 =	vshll.u32 v17, $0x4;
	v18 =	vshll.u32 v18, $0x4;
	v8 =	vshll.u32 v8, v10  }
0x5fc: {  	v15 =	vld [tilespmem:s16+$0x820];
	v9 =	vshll.u32 v9, v10;
	v11 =	vshll.u32 v11, v10;
	v12 =	vshll.u32 v12, v10  }
0x5fd: {  	v10 =	vsub.s32 $0x10, v10;
	v0 =	vshll.u32 v0, v16;
	v2 =	vshll.u32 v2, v16  }
0x5fe: {  	v4 =	vshll.u32 v4, v16;
	v6 =	vshll.u32 v6, v16;
	v8 =	vand.u32 $0xFFFF0000, v8  }
0x5ff: {  	s17 =	simm.s32 $0x7420;
	v1 =	vld [tilespmem:s4+$0xA800];
	v9 =	vand.u32 $0xFFFF0000, v9;
	v7 =	vshll.u32 v7, v10;
	v11 =	vand.u32 $0xFFFF0000, v11  }
0x600: {  	v19 =	vld [tilespmem:s17+$0x10];
	v12 =	vand.u32 $0xFFFF0000, v12;
	v13 =	vshll.u32 v13, v10;
	v14 =	vshll.u32 v14, v10  }
0x601: {  	v3 =	vld [tilespmem:s4+$0xB000];
	v10 =	vshll.u32 v15, v10;
	v0 =	vand.u32 $0xFFFF0000, v0;
	v2 =	vand.u32 $0xFFFF0000, v2  }
0x602: {  	v23 =	vld [tilespmem:s16+$0xFFFFFC00];
	v7 =	vand.u32 $0xFFFF0000, v7;
	v13 =	vand.u32 $0xFFFF0000, v13;
	v14 =	vand.u32 $0xFFFF0000, v14  }
0x603: {  	v5 =	vld [tilespmem:s4+$0xB800];
	v10 =	vand.u32 $0xFFFF0000, v10;
	v8 =	vsub.f32 v8, v7;
	v9 =	vsub.f32 v9, v13  }
0x604: {  	v20 =	vld [tilespmem:s16+$0xFFFFEFF0];
	v4 =	vand.u32 $0xFFFF0000, v4;
	v11 =	vsub.f32 v11, v14;
	v12 =	vsub.f32 v12, v10  }
0x605: {  	v21 =	vld [tilespmem:s16+$0xFFFFF400];
	v6 =	vand.u32 $0xFFFF0000, v6;
	v8 =	vmul.f32 v8, v19;
	v9 =	vmul.f32 v9, v19  }
0x606: {  	v22 =	vld [tilespmem:s16+$0xFFFFF800];
	v11 =	vmul.f32 v11, v19;
	v12 =	vmul.f32 v12, v19;
	v19 =	vsub.s32 $0x10, v16  }
0x607: {  	s18 =	simm.s32 $0x6C20;
	v24 =	vld [tilespmem:s16+$0x0];
	v16 =	vshll.u32 v23, v17;
	v1 =	vshll.u32 v1, v19;
	v26 =	vshll.u32 v3, v19  }
0x608: {  	v25 =	vld [tilespmem:s18+$0x10];
	v5 =	vshll.u32 v5, v19;
	v16 =	vand.u32 $0xFFFF0000, v16;
	v7 =	vadd.f32 v7, v8  }
0x609: {  	v15 =	vld [tilespmem:s16+$0xFFFFF000];
	v8 =	vadd.f32 v13, v9;
	v9 =	vsub.s32 $0x10, v17;
	v11 =	vadd.f32 v14, v11  }
0x60a: {  	v27 =	vld [tilespmem:s16+$0xC00];
	v10 =	vadd.f32 v10, v12;
	v12 =	vshll.u32 v20, v19;
	v1 =	vand.u32 $0xFFFF0000, v1  }
0x60b: {  	v23 =	vld [tilespmem:s16+$0x410];
	v26 =	vand.u32 $0xFFFF0000, v26;
	v5 =	vand.u32 $0xFFFF0000, v5;
	v2 =	vsub.f32 v2, v1  }
0x60c: {  	v13 =	vld [tilespmem:s16+$0x800];
	v20 =	vsub.s32 $0x10, v18;
	v4 =	vsub.f32 v4, v26;
	v6 =	vsub.f32 v6, v5  }
0x60d: {  	v14 =	vld [tilespmem:s16+$0x400];
	v12 =	vand.u32 $0xFFFF0000, v12;
	v3 =	vsub.f32 v8, v7;
	v8 =	vsub.f32 v10, v11  }
0x60e: {  	v19 =	vld [tilespmem:s16+$0xFFFFF010];
	v10 =	vshll.u32 v15, v9;
	v15 =	vshll.u32 v22, v9;
	v22 =	vshll.u32 v24, v9  }
0x60f: {  	v24 =	vld [tilespmem:s16+$0xFFFFF410];
	v0 =	vsub.f32 v0, v12;
	v10 =	vand.u32 $0xFFFF0000, v10;
	v15 =	vand.u32 $0xFFFF0000, v15  }
0x610: {  	v22 =	vand.u32 $0xFFFF0000, v22;
	v3 =	vmul.f32 v3, v25;
	v8 =	vmul.f32 v8, v25;
	v25 =	vld [tilespmem:s16+$0x810]  }
0x611: {  	v23 =	vshll.u32 v23, v18;
	v16 =	vsub.f32 v16, v15;
	v9 =	vshll.u32 v13, v9;
	v13 =	vld [tilespmem:s16+$0xFFFFF810]  }
0x612: {  	v23 =	vand.u32 $0xFFFF0000, v23;
	v3 =	vadd.f32 v3, v7;
	v7 =	vadd.f32 v8, v11;
	v8 =	vld [tilespmem:s16+$0xFFFFFC10]  }
0x613: {  	v14 =	vshll.u32 v14, v17;
	v19 =	vshll.u32 v19, v20;
	v11 =	vshll.u32 v21, v17;
	v21 =	vld [tilespmem:s16+$0x10]  }
0x614: {  	v28 =	vld [tilespmem:s17+$0xFFFFFFF0];
	v17 =	vshll.u32 v27, v17;
	v9 =	vand.u32 $0xFFFF0000, v9;
	v19 =	vand.u32 $0xFFFF0000, v19  }
0x615: {  	v29 =	vld [tilespmem:s17+$0x0];
	v14 =	vand.u32 $0xFFFF0000, v14;
	v24 =	vshll.u32 v24, v18;
	v11 =	vand.u32 $0xFFFF0000, v11  }
0x616: {  	v27 =	vld [tilespmem:s16+$0xC10];
	v17 =	vand.u32 $0xFFFF0000, v17;
	v14 =	vsub.f32 v14, v22;
	v7 =	vsub.f32 v7, v3  }
0x617: {  	v30 =	vld [tilespmem:s18+$0xFFFFFFF0];
	v24 =	vand.u32 $0xFFFF0000, v24;
	v11 =	vsub.f32 v11, v10;
	v13 =	vshll.u32 v13, v20  }
0x618: {  	v8 =	vshll.u32 v8, v18;
	v21 =	vshll.u32 v21, v20;
	v20 =	vshll.u32 v25, v20;
	v25 =	vld [tilespmem:s17+$0xFFFFFFE0]  }
0x619: {  	v31 =	vld [tilespmem:s18+$0x0];
	v17 =	vsub.f32 v17, v9;
	v13 =	vand.u32 $0xFFFF0000, v13;
	v8 =	vand.u32 $0xFFFF0000, v8  }
0x61a: {  	s21 =	simm.s32 $0x7020;
	v49 =	vld [tilespmem:s18+$0xFFFFFFE0];
	v24 =	vsub.f32 v24, v19;
	v11 =	vmul.f32 v11, v28;
	v8 =	vsub.f32 v8, v13  }
0x61b: {  	v50 =	vld [tilespmem:s21+$0xFFFFFFE0];
	v18 =	vshll.u32 v27, v18;
	v21 =	vand.u32 $0xFFFF0000, v21;
	v20 =	vand.u32 $0xFFFF0000, v20  }
0x61c: {  	s31 =	simm.s32 $0x40;
	v51 =	vld [tilespmem:s21+$0xFFFFFFF0];
	v18 =	vand.u32 $0xFFFF0000, v18;
	v10 =	vadd.f32 v10, v11;
	v8 =	vmul.f32 v8, v29  }
0x61d: {  	s4 =	sand.u32 $0x3C0, s31;
	v27 =	vld [tilespmem:s21+$0x10];
	v23 =	vsub.f32 v23, v21;
	v0 =	vmul.f32 v0, v25;
	v2 =	vmul.f32 v2, v25  }
0x61e: {  	v18 =	vsub.f32 v18, v20;
	v4 =	vmul.f32 v4, v25;
	v6 =	vmul.f32 v6, v25;
	v25 =	vld [tilespmem:s4+$0xAC00]  }
0x61f: {  	v24 =	vmul.f32 v24, v29;
	v8 =	vadd.f32 v13, v8;
	v13 =	vld [tilespmem:s4+$0xB800];
	v0 =	vadd.f32 v12, v0  }
0x620: {  	v12 =	vmul.f32 v16, v28;
	v1 =	vadd.f32 v1, v2;
	v16 =	vld [tilespmem:s4+$0xA400];
	v2 =	vmul.f32 v14, v28  }
0x621: {  	s8 =	simm.s32 $0x7860;
	v14 =	vmul.f32 v17, v28;
	v4 =	vadd.f32 v26, v4;
	v17 =	vld [tilespmem:s4+$0xA800];
	v5 =	vadd.f32 v5, v6  }
0x622: {  	v6 =	vmul.f32 v23, v29;
	v23 =	vld [tilespmem:s8+$0x10];
	v11 =	vadd.f32 v15, v12;
	v2 =	vadd.f32 v22, v2  }
0x623: {  	v12 =	vld [tilespmem:s4+$0xB000];
	v15 =	vmul.f32 v18, v29;
	v9 =	vadd.f32 v9, v14;
	v18 =	vadd.f32 v19, v24  }
0x624: {  	v14 =	vld [tilespmem:s4+$0xB400];
	v6 =	vadd.f32 v21, v6;
	v1 =	vsub.f32 v1, v0  }
0x625: {  	v19 =	vld [tilespmem:s4+$0xBC00];
	s4 =	simm.s32 $0xB050;
	v5 =	vsub.f32 v5, v4;
	v15 =	vadd.f32 v20, v15  }
0x626: {  	v21 =	vld [tilespmem:s4+$0xFFFFF420];
	v11 =	vsub.f32 v11, v10;
	v9 =	vsub.f32 v9, v2  }
0x627: {  	v22 =	vld [tilespmem:s4+$0xFFFFFC20];
	v1 =	vmul.f32 v1, v49;
	v8 =	vsub.f32 v8, v18;
	v5 =	vmul.f32 v5, v49  }
0x628: {  	v24 =	vld [tilespmem:s4+$0x420];
	v15 =	vsub.f32 v15, v6;
	v11 =	vmul.f32 v11, v30;
	v9 =	vmul.f32 v9, v30  }
0x629: {  	v20 =	vld [tilespmem:s4+$0xFFFFF020];
	v1 =	vadd.f32 v1, v0;
	v8 =	vmul.f32 v8, v31;
	v4 =	vadd.f32 v5, v4  }
0x62a: {  	v0 =	vadd.f32 v11, v10;
	v5 =	vmul.f32 v15, v31;
	v10 =	vld [tilespmem:s4+$0xC20];
	v9 =	vadd.f32 v9, v2  }
0x62b: {  	v7 =	vmul.f32 v7, v27;
	v2 =	vadd.f32 v8, v18;
	v8 =	vld [tilespmem:s4+$0xFFFFF820];
	v4 =	vsub.f32 v4, v1  }
0x62c: {  	v18 =	vld [tilespmem:s8+$0xFFFFFFE0];
	v6 =	vadd.f32 v5, v6;
	v9 =	vsub.f32 v9, v0  }
0x62d: {  	v11 =	vld [tilespmem:s4+$0x20];
	v5 =	vadd.f32 v7, v3;
	v7 =	vshll.u32 v23, $0x4;
	v4 =	vmul.f32 v4, v50  }
0x62e: {  	s13 =	simm.s32 $0x6C60;
	v15 =	vld [tilespmem:s4+$0x820];
	v21 =	vshll.u32 v21, v7;
	v22 =	vshll.u32 v22, v7;
	v23 =	vshll.u32 v24, v7  }
0x62f: {  	s11 =	simm.s32 $0x7460;
	v52 =	vld [tilespmem:s13+$0x10];
	v6 =	vsub.f32 v6, v2;
	v3 =	vmul.f32 v9, v51;
	v21 =	vand.u32 $0xFFFF0000, v21  }
0x630: {  	v26 =	vld [tilespmem:s11+$0x10];
	v22 =	vand.u32 $0xFFFF0000, v22;
	v10 =	vshll.u32 v10, v7;
	v7 =	vsub.s32 $0x10, v7  }
0x631: {  	v27 =	vld [tilespmem:s4+$0xFFFFEFF0];
	v23 =	vand.u32 $0xFFFF0000, v23;
	v18 =	vshll.u32 v18, $0x4;
	v20 =	vshll.u32 v20, v7  }
0x632: {  	v28 =	vld [tilespmem:s4+$0xFFFFF400];
	v10 =	vand.u32 $0xFFFF0000, v10;
	v8 =	vshll.u32 v8, v7;
	v11 =	vshll.u32 v11, v7  }
0x633: {  	v24 =	vld [tilespmem:s8+$0x0];
	v7 =	vshll.u32 v15, v7;
	v55 =	vshll.u32 v16, v18;
	v25 =	vshll.u32 v25, v18  }
0x634: {  	v9 =	vld [tilespmem:s8+$0xFFFFFFF0];
	v20 =	vand.u32 $0xFFFF0000, v20;
	v8 =	vand.u32 $0xFFFF0000, v8;
	v11 =	vand.u32 $0xFFFF0000, v11  }
0x635: {  	v29 =	vld [tilespmem:s4+$0xFFFFF800];
	v7 =	vand.u32 $0xFFFF0000, v7;
	v21 =	vsub.f32 v21, v20;
	v22 =	vsub.f32 v22, v8  }
0x636: {  	v53 =	vld [tilespmem:s4+$0xC00];
	v56 =	vshll.u32 v14, v18;
	v23 =	vsub.f32 v23, v11;
	v10 =	vsub.f32 v10, v7  }
0x637: {  	v30 =	vld [tilespmem:s4+$0xFFFFFC00];
	v61 =	vand.u32 $0xFFFF0000, v56;
	v21 =	vmul.f32 v21, v26;
	v22 =	vmul.f32 v22, v26  }
0x638: {  	v15 =	vld [tilespmem:s4+$0xFFFFF000];
	v23 =	vmul.f32 v23, v26;
	v10 =	vmul.f32 v10, v26;
	v26 =	vsub.s32 $0x10, v18  }
0x639: {  	v31 =	vld [tilespmem:s4+$0x0];
	v24 =	vshll.u32 v24, $0x4;
	v9 =	vshll.u32 v9, $0x4;
	v17 =	vshll.u32 v17, v26  }
0x63a: {  	v12 =	vshll.u32 v12, v26;
	v20 =	vadd.f32 v20, v21;
	v11 =	vadd.f32 v11, v23;
	v23 =	vld [tilespmem:s4+$0x800]  }
0x63b: {  	v8 =	vadd.f32 v8, v22;
	v21 =	vsub.s32 $0x10, v9;
	v22 =	vld [tilespmem:s4+$0x400];
	v7 =	vadd.f32 v7, v10  }
0x63c: {  	v10 =	vshll.u32 v27, v26;
	v27 =	vsub.s32 $0x10, v24;
	v26 =	vshll.u32 v13, v26;
	v13 =	vld [tilespmem:s4+$0xFFFFF010]  }
0x63d: {  	v54 =	vshll.u32 v15, v21;
	v15 =	vld [tilespmem:s4+$0xFFFFF410];
	v8 =	vsub.f32 v8, v20;
	v7 =	vsub.f32 v7, v11  }
0x63e: {  	v29 =	vshll.u32 v29, v21;
	v31 =	vshll.u32 v31, v21;
	v57 =	vand.u32 $0xFFFF0000, v10  }
0x63f: {  	v8 =	vmul.f32 v8, v52;
	v7 =	vmul.f32 v7, v52;
	v21 =	vshll.u32 v23, v21  }
0x640: {  	s14 =	simm.s32 $0x7060;
	v23 =	vshll.u32 v28, v9;
	v28 =	vshll.u32 v30, v9;
	v30 =	vshll.u32 v22, v9  }
0x641: {  	v14 =	vld [tilespmem:s14+$0x10];
	v9 =	vshll.u32 v53, v9;
	v8 =	vadd.f32 v8, v20;
	v7 =	vadd.f32 v7, v11  }
0x642: {  	v16 =	vld [tilespmem:s4+$0xFFFFF810];
	v11 =	vshll.u32 v19, v18;
	v19 =	vshll.u32 v13, v27;
	v10 =	vshll.u32 v15, v24  }
0x643: {  	v18 =	vld [tilespmem:s4+$0xFFFFFC10];
	v13 =	vand.u32 $0xFFFF0000, v17;
	v15 =	vand.u32 $0xFFFF0000, v12;
	v12 =	vand.u32 $0xFFFF0000, v54  }
0x644: {  	v17 =	vand.u32 $0xFFFF0000, v21;
	v23 =	vand.u32 $0xFFFF0000, v23;
	v28 =	vand.u32 $0xFFFF0000, v28  }
0x645: {  	v22 =	vld [tilespmem:s4+$0x410];
	v30 =	vand.u32 $0xFFFF0000, v30;
	v9 =	vand.u32 $0xFFFF0000, v9;
	v7 =	vsub.f32 v7, v8  }
0x646: {  	v20 =	vld [tilespmem:s4+$0x10];
	v19 =	vand.u32 $0xFFFF0000, v19;
	v62 =	vand.u32 $0xFFFF0000, v11;
	v63 =	vand.u32 $0xFFFF0000, v10  }
0x647: {  	v41 =	vsub.f32 v23, v12;
	v7 =	vmul.f32 v7, v14;
	v14 =	vand.u32 $0xFFFF0000, v26  }
0x648: {  	v58 =	vld [tilespmem:s4+$0x810];
	v26 =	vshll.u32 v16, v27;
	v16 =	vand.u32 $0xFFFF0000, v29;
	v29 =	vshll.u32 v18, v24  }
0x649: {  	v59 =	vld [tilespmem:s4+$0xC10];
	v18 =	vand.u32 $0xFFFF0000, v31;
	v34 =	vsub.f32 v62, v14;
	v42 =	vsub.f32 v28, v16  }
0x64a: {  	s15 =	simm.s32 $0x7C20;
	v60 =	vld [tilespmem:s11+$0xFFFFFFE0];
	v31 =	vand.u32 $0xFFFF0000, v25;
	v28 =	vsub.f32 v9, v17;
	v37 =	vadd.f32 v7, v8  }
0x64b: {  	[tilespmem:s15+$0x10] =	vst v5;
	v5 =	vld [tilespmem:s14+$0x0];
	v7 =	vshll.u32 v20, v27;
	v20 =	vand.u32 $0xFFFF0000, v26;
	v8 =	vshll.u32 v22, v24  }
0x64c: {  	v11 =	vld [tilespmem:s13+$0xFFFFFFF0];
	v26 =	vand.u32 $0xFFFF0000, v55;
	v29 =	vand.u32 $0xFFFF0000, v29;
	v21 =	vand.u32 $0xFFFF0000, v7  }
0x64d: {  	v7 =	vshll.u32 v58, v27;
	v27 =	vld [tilespmem:s21+$0x0];
	v38 =	vand.u32 $0xFFFF0000, v8;
	v8 =	vsub.f32 v26, v57  }
0x64e: {  	v26 =	vsub.f32 v31, v13;
	v22 =	vand.u32 $0xFFFF0000, v7;
	v7 =	vshll.u32 v59, v24;
	v24 =	vld [tilespmem:s11+$0xFFFFFFF0]  }
0x64f: {  	v10 =	vld [tilespmem:s13+$0x0];
	v31 =	vsub.f32 v61, v15;
	v32 =	vsub.f32 v29, v20;
	v40 =	vmul.f32 v8, v60  }
0x650: {  	v25 =	vld [tilespmem:s11+$0x0];
	v34 =	vmul.f32 v34, v60;
	v33 =	vsub.f32 v38, v21;
	v39 =	vand.u32 $0xFFFF0000, v7  }
0x651: {  	v23 =	vld [tilespmem:s13+$0xFFFFFFE0];
	v26 =	vmul.f32 v26, v60;
	v29 =	vsub.f32 v39, v22;
	v9 =	vadd.f32 v57, v40  }
0x652: {  	s16 =	simm.s32 $0x7C60;
	v7 =	vld [tilespmem:s14+$0xFFFFFFE0];
	v6 =	vmul.f32 v6, v27;
	v27 =	vsub.f32 v30, v18;
	v30 =	vmul.f32 v31, v60  }
0x653: {  	s18 =	simm.s32 $0x80;
	s17 =	simm.s32 $0x4;
	[tilespmem:s16+$0x10] =	vst v37;
	v8 =	vld [tilespmem:s14+$0xFFFFFFF0];
	v31 =	vsub.f32 v63, v19;
	v36 =	vmul.f32 v41, v24;
	v35 =	vmul.f32 v42, v24  }
.LBB2_18:
0x654: {  	s21 =	sand.u32 $0x3C0, s18;
	v26 =	vadd.f32 v13, v26;
	v27 =	vmul.f32 v27, v24;
	v28 =	vmul.f32 v28, v24  }
0x655: {  	v30 =	vadd.f32 v15, v30;
	v15 =	vmul.f32 v31, v25;
	v31 =	vmul.f32 v32, v25;
	v13 =	vld [tilespmem:s21+$0xA400]  }
0x656: {  	v32 =	vadd.f32 v14, v34;
	v33 =	vmul.f32 v33, v25;
	v25 =	vmul.f32 v29, v25;
	v24 =	vld [tilespmem:s21+$0xA800]  }
0x657: {  	v29 =	vadd.f32 v12, v36;
	v34 =	vadd.f32 v16, v35;
	v14 =	vld [tilespmem:s21+$0xAC00]  }
0x658: {  	v18 =	vadd.f32 v18, v27;
	v27 =	vadd.f32 v17, v28;
	v16 =	vld [tilespmem:s21+$0xB000]  }
0x659: {  	v19 =	vadd.f32 v19, v15;
	v20 =	vadd.f32 v20, v31;
	v12 =	vld [tilespmem:s21+$0xB400]  }
0x65a: {  	v21 =	vadd.f32 v21, v33;
	v22 =	vadd.f32 v22, v25;
	v17 =	vld [tilespmem:s21+$0xB800]  }
0x65b: {  	s4 =	sadd.s32 $0x40, s4;
	v25 =	vsub.f32 v26, v9;
	v26 =	vsub.f32 v32, v30;
	v15 =	vld [tilespmem:s21+$0xBC00]  }
0x65c: {  	v31 =	vsub.f32 v34, v29;
	v27 =	vsub.f32 v27, v18;
	v28 =	vld [tilespmem:s4+$0xFFFFF020]  }
0x65d: {  	v25 =	vmul.f32 v25, v23;
	v20 =	vsub.f32 v20, v19;
	v22 =	vsub.f32 v22, v21;
	v32 =	vld [tilespmem:s4+$0xFFFFF420]  }
0x65e: {  	s8 =	sadd.s32 $0x40, s8;
	v4 =	vadd.f32 v4, v1;
	v23 =	vmul.f32 v26, v23;
	v26 =	vmul.f32 v31, v11;
	v33 =	vld [tilespmem:s4+$0xFFFFFC20]  }
0x65f: {  	v1 =	vadd.f32 v25, v9;
	v9 =	vmul.f32 v27, v11;
	v11 =	vmul.f32 v20, v10;
	v31 =	vld [tilespmem:s8+$0x10]  }
0x660: {  	v23 =	vadd.f32 v23, v30;
	v10 =	vmul.f32 v22, v10;
	v25 =	vadd.f32 v26, v29;
	v20 =	vld [tilespmem:s4+$0x420];
	[tilespmem:s15+$0xFFFFFFE0] =	vst v4  }
0x661: {  	v11 =	vadd.f32 v11, v19;
	v4 =	vadd.f32 v9, v18;
	v22 =	vld [tilespmem:s4+$0xC20]  }
0x662: {  	v10 =	vadd.f32 v10, v21;
	v9 =	vsub.f32 v23, v1;
	v18 =	vld [tilespmem:s4+$0xFFFFF820]  }
0x663: {  	s17 =	sadd.s32 $0x4, s17;
	v23 =	vadd.f32 v3, v0;
	v0 =	vmov v25;
	v21 =	vsub.f32 v4, v25;
	v19 =	vld [tilespmem:s4+$0x20]  }
0x664: {  	p0 =	slt.u32 s17, $0x3C;
	v4 =	vmul.f32 v9, v7;
	v9 =	vsub.f32 v10, v11;
	v25 =	vshll.u32 v31, $0x4;
	v26 =	vld [tilespmem:s4+$0x820]  }
0x665: {  	v6 =	vadd.f32 v6, v2;
	v3 =	vmul.f32 v21, v8;
	v7 =	vld [tilespmem:s8+$0xFFFFFFE0];
	v10 =	vshll.u32 v32, v25;
	[tilespmem:s15+$0xFFFFFFF0] =	vst v23  }
0x666: {  	v2 =	vmovc v11;
	v21 =	vshll.u32 v33, v25;
	v20 =	vshll.u32 v20, v25;
	v8 =	vld [tilespmem:s8+$0xFFFFFFF0];
	v22 =	vshll.u32 v22, v25  }
0x667: {  	s11 =	sadd.s32 $0x40, s11;
	v23 =	vsub.s32 $0x10, v25;
	v10 =	vand.u32 $0xFFFF0000, v10;
	v21 =	vand.u32 $0xFFFF0000, v21;
	v11 =	vld [tilespmem:s8+$0x0];
	[tilespmem:s15+$0x0] =	vst v6;
	s15 =	smov.u32 s16  }
0x668: {  	v25 =	vshll.u32 v28, v23;
	v20 =	vand.u32 $0xFFFF0000, v20;
	v22 =	vand.u32 $0xFFFF0000, v22;
	v6 =	vld [tilespmem:s11+$0x10]  }
0x669: {  	v18 =	vshll.u32 v18, v23;
	v19 =	vshll.u32 v19, v23;
	v27 =	vld [tilespmem:s4+$0xFFFFEFF0];
	v23 =	vshll.u32 v26, v23  }
0x66a: {  	v25 =	vand.u32 $0xFFFF0000, v25;
	v18 =	vand.u32 $0xFFFF0000, v18;
	v19 =	vand.u32 $0xFFFF0000, v19;
	v26 =	vld [tilespmem:s4+$0xFFFFF000]  }
0x66b: {  	v10 =	vsub.f32 v10, v25;
	v21 =	vsub.f32 v21, v18;
	v23 =	vand.u32 $0xFFFF0000, v23;
	v28 =	vld [tilespmem:s4+$0xFFFFF400]  }
0x66c: {  	v7 =	vshll.u32 v7, $0x4;
	v20 =	vsub.f32 v20, v19;
	v22 =	vsub.f32 v22, v23;
	v29 =	vld [tilespmem:s4+$0xFFFFF800]  }
0x66d: {  	v8 =	vshll.u32 v8, $0x4;
	v30 =	vld [tilespmem:s4+$0xFFFFFC00];
	v10 =	vmul.f32 v10, v6;
	v21 =	vmul.f32 v21, v6  }
0x66e: {  	s13 =	sadd.s32 $0x40, s13;
	v32 =	vshll.u32 v11, $0x4;
	v11 =	vmul.f32 v20, v6;
	v6 =	vmul.f32 v22, v6;
	v31 =	vld [tilespmem:s4+$0x0]  }
0x66f: {  	v20 =	vsub.s32 $0x10, v7;
	v22 =	vld [tilespmem:s13+$0x10];
	v10 =	vadd.f32 v25, v10;
	v18 =	vadd.f32 v18, v21  }
0x670: {  	v21 =	vsub.s32 $0x10, v8;
	v11 =	vadd.f32 v19, v11;
	v6 =	vadd.f32 v23, v6;
	v25 =	vld [tilespmem:s4+$0x400]  }
0x671: {  	v19 =	vshll.u32 v27, v20;
	v23 =	vshll.u32 v24, v20;
	v27 =	vsub.s32 $0x10, v32;
	v24 =	vld [tilespmem:s4+$0x800]  }
0x672: {  	v16 =	vshll.u32 v16, v20;
	v18 =	vsub.f32 v18, v10;
	v6 =	vsub.f32 v6, v11;
	v33 =	vld [tilespmem:s4+$0xC00]  }
0x673: {  	v17 =	vshll.u32 v17, v20;
	v20 =	vshll.u32 v26, v21;
	v26 =	vshll.u32 v29, v21;
	v29 =	vld [tilespmem:s4+$0xFFFFF010]  }
0x674: {  	s14 =	sadd.s32 $0x40, s14;
	v31 =	vshll.u32 v31, v21;
	v34 =	vld [tilespmem:s4+$0xFFFFF410];
	v18 =	vmul.f32 v18, v22;
	v6 =	vmul.f32 v6, v22  }
0x675: {  	v35 =	vshll.u32 v14, v7;
	v36 =	vshll.u32 v12, v7;
	v22 =	vshll.u32 v13, v7;
	v12 =	vld [tilespmem:s14+$0x10]  }
0x676: {  	v21 =	vshll.u32 v24, v21;
	v24 =	vld [tilespmem:s4+$0xFFFFF810];
	v10 =	vadd.f32 v18, v10;
	v6 =	vadd.f32 v6, v11  }
0x677: {  	v28 =	vshll.u32 v28, v8;
	v30 =	vshll.u32 v30, v8;
	v7 =	vshll.u32 v15, v7;
	v11 =	vld [tilespmem:s4+$0xFFFFFC10]  }
0x678: {  	v37 =	vshll.u32 v25, v8;
	v29 =	vshll.u32 v29, v27;
	v25 =	vld [tilespmem:s4+$0x10];
	v6 =	vsub.f32 v6, v10  }
0x679: {  	v38 =	vand.u32 $0xFFFF0000, v19;
	v8 =	vshll.u32 v33, v8;
	v33 =	vshll.u32 v34, v32;
	v34 =	vld [tilespmem:s4+$0x410]  }
0x67a: {  	v13 =	vand.u32 $0xFFFF0000, v23;
	v15 =	vand.u32 $0xFFFF0000, v16;
	v23 =	vld [tilespmem:s4+$0x810];
	v6 =	vmul.f32 v6, v12  }
0x67b: {  	v14 =	vand.u32 $0xFFFF0000, v17;
	v12 =	vand.u32 $0xFFFF0000, v20;
	v20 =	vshll.u32 v24, v27;
	v39 =	vld [tilespmem:s4+$0xC10]  }
0x67c: {  	v16 =	vand.u32 $0xFFFF0000, v26;
	v40 =	vld [tilespmem:s11+$0xFFFFFFE0];
	v26 =	vshll.u32 v11, v32;
	v6 =	vadd.f32 v6, v10  }
0x67d: {  	s16 =	sadd.s32 $0x40, s16;
	v18 =	vand.u32 $0xFFFF0000, v31;
	v17 =	vand.u32 $0xFFFF0000, v21;
	v24 =	vld [tilespmem:s11+$0xFFFFFFF0];
	v10 =	vshll.u32 v25, v27  }
0x67e: {  	v19 =	vand.u32 $0xFFFF0000, v29;
	v20 =	vand.u32 $0xFFFF0000, v20;
	v25 =	vld [tilespmem:s11+$0x0];
	v29 =	vshll.u32 v34, v32;
	[tilespmem:s16+$0x10] =	vst v6  }
0x67f: {  	v6 =	vand.u32 $0xFFFF0000, v22;
	v21 =	vand.u32 $0xFFFF0000, v10;
	v11 =	vld [tilespmem:s13+$0xFFFFFFF0];
	v22 =	vshll.u32 v23, v27  }
0x680: {  	v27 =	vand.u32 $0xFFFF0000, v35;
	v10 =	vld [tilespmem:s13+$0x0];
	v22 =	vand.u32 $0xFFFF0000, v22;
	v31 =	vshll.u32 v39, v32  }
0x681: {  	v28 =	vand.u32 $0xFFFF0000, v28;
	v34 =	vand.u32 $0xFFFF0000, v7;
	v32 =	vand.u32 $0xFFFF0000, v36;
	v23 =	vld [tilespmem:s13+$0xFFFFFFE0]  }
0x682: {  	v30 =	vand.u32 $0xFFFF0000, v30;
	v35 =	vand.u32 $0xFFFF0000, v37;
	v36 =	vand.u32 $0xFFFF0000, v8;
	v7 =	vld [tilespmem:s14+$0xFFFFFFE0]  }
0x683: {  	v33 =	vand.u32 $0xFFFF0000, v33;
	v37 =	vand.u32 $0xFFFF0000, v26;
	v29 =	vand.u32 $0xFFFF0000, v29;
	v8 =	vld [tilespmem:s14+$0xFFFFFFF0]  }
0x684: {  	v26 =	vsub.f32 v6, v38;
	v27 =	vsub.f32 v27, v13;
	v41 =	vand.u32 $0xFFFF0000, v31;
	v39 =	vld [tilespmem:s14+$0x0]  }
0x685: {  	v34 =	vsub.f32 v34, v14;
	v6 =	vmul.f32 v9, v5;
	v31 =	vsub.f32 v32, v15  }
.Ltmp8:
0x686: {  	v43 =	vsub.f32 v30, v16;
	v42 =	vsub.f32 v28, v12;
	v9 =	vmul.f32 v26, v40;
	(pc) =	sbr.rel @p0 .LBB2_18-.Ltmp8, $4  }
0x687: {  	v28 =	vsub.f32 v36, v17;
	v26 =	vmul.f32 v27, v40;
	v27 =	vsub.f32 v35, v18  }
0x688: {  	v32 =	vsub.f32 v37, v20;
	v30 =	vmul.f32 v31, v40;
	v31 =	vsub.f32 v33, v19  }
0x689: {  	v34 =	vmul.f32 v34, v40;
	v33 =	vsub.f32 v29, v21;
	v29 =	vsub.f32 v41, v22;
	v5 =	vmovc v39  }
0x68a: {  	s18 =	sadd.s32 $0x40, s18;
	v36 =	vmul.f32 v42, v24;
	v35 =	vmul.f32 v43, v24;
	v9 =	vadd.f32 v38, v9  }
0x68b: {  	v13 =	vadd.f32 v13, v26;
	v49 =	vmul.f32 v27, v24  }
0x68c: {  	v50 =	vmul.f32 v28, v24;
	v15 =	vadd.f32 v15, v30;
	v51 =	vmul.f32 v31, v25  }
0x68d: {  	v52 =	vmul.f32 v32, v25;
	v14 =	vadd.f32 v14, v34;
	v12 =	vadd.f32 v12, v36  }
0x68e: {  	v53 =	vmul.f32 v33, v25;
	v16 =	vadd.f32 v16, v35;
	v18 =	vadd.f32 v18, v49  }
0x68f: {  	v54 =	vmul.f32 v29, v25;
	v17 =	vadd.f32 v17, v50;
	v19 =	vadd.f32 v19, v51  }
0x690: {  	v20 =	vadd.f32 v20, v52;
	v21 =	vadd.f32 v21, v53  }
0x691: {  	v22 =	vadd.f32 v22, v54;
	v13 =	vsub.f32 v13, v9  }
0x692: {  	v14 =	vsub.f32 v14, v15;
	v16 =	vsub.f32 v16, v12  }
0x693: {  	v17 =	vsub.f32 v17, v18;
	v13 =	vmul.f32 v13, v23;
	v20 =	vsub.f32 v20, v19  }
0x694: {  	v22 =	vsub.f32 v22, v21;
	v14 =	vmul.f32 v14, v23;
	v16 =	vmul.f32 v16, v11  }
0x695: {  	v55 =	vadd.f32 v13, v9;
	v56 =	vmul.f32 v17, v11;
	v57 =	vmul.f32 v20, v10  }
0x696: {  	v14 =	vadd.f32 v14, v15;
	v58 =	vmul.f32 v22, v10;
	v12 =	vadd.f32 v16, v12  }
0x697: {  	v11 =	vadd.f32 v56, v18;
	v13 =	vadd.f32 v57, v19  }
0x698: {  	v14 =	vsub.f32 v14, v55;
	v10 =	vadd.f32 v58, v21  }
0x699: {  	v1 =	vadd.f32 v4, v1;
	v59 =	vsub.f32 v11, v12  }
0x69a: {  	v0 =	vadd.f32 v3, v0;
	v60 =	vmul.f32 v14, v7;
	v61 =	vsub.f32 v10, v13  }
0x69b: {  	v2 =	vadd.f32 v6, v2;
	[tilespmem:s15+$0xFFFFFFE0] =	vst v1;
	v62 =	vmul.f32 v59, v8  }
0x69c: {  	[tilespmem:s15+$0xFFFFFFF0] =	vst v0;
	v63 =	vmul.f32 v61, v5;
	v3 =	vadd.f32 v60, v55  }
0x69d: {  	[tilespmem:s15+$0x0] =	vst v2;
	v1 =	vadd.f32 v62, v12  }
0x69e: {  	[tilespmem:s16+$0xFFFFFFE0] =	vst v3;
	v0 =	vadd.f32 v63, v13  }
0x69f: {  	[tilespmem:s16+$0xFFFFFFF0] =	vst v1  }
0x6a0: {  	[tilespmem:s16+$0x0] =	vst v0  }
0x6a1: {  	s4 =	rddreg [dreg:$0x1e]  }
0x6a2: {  	[hbm4b:s4+s6] =	stream.linear.scatter [tilespmem:s29], [sflag:$0x4], $0x400, $0x38;
	[tilespmem:$0x1E000] =	vst v63  }
0x6a3: {  	_ =	swait.ge [sflag:s23], $0x400  }
0x6a4: {  	[sflag:s23] =	ssyncset.done $0x0  }
0x6a5: {  	[sflag:s23] =	ssyncadd.s32 $0xFFFFFC00  }
0x6a6: {  	_ =	swait.ge [sflag:s30], $0x400  }
0x6a7: {  	s8 =	sld [smem:$0x7FD];
	_ =	sdelay $0x2  }
0x6a8: {  	s31 =	rddreg [dreg:$0x1f];
	s8 =	sadd.s32 $0x1, s8  }
0x6a9: {  	p0 =	sne.s32 s8, s31  }
.Ltmp9:
0x6aa: {  	_ = 	snop;
	(pc) =	sbr.rel @p0 .LBB2_1-.Ltmp9, $3  }
0x6ab: {  	_ =	sdelay $0x1  }
0x6ac: {  	[sflag:s30] =	ssyncset.done $0x0  }
0x6ad: {  	[sflag:s30] =	ssyncadd.s32 $0xFFFFFC00  }
0x6ae: {  	_ =	sfence.sel $0x180000  }
0x6af: {  	[bflag:$0x0] =	sbarrier.arrive $0xFFFF  }
0x6b0: {  	_ =	strace $0x90000047  }
0x6b1: {  	s0 =	stileid.u32;
	[bflag:$0x2] =	sbarrier.arrive $0xFFFF  }
0x6b2: {  	p0 =	sne.s32 s0, $0x0;
	s0 =	rddreg [dreg:$0x6]  }
0x6b3: {  	s0 =	sadd.s32 @!p0 $0x100000, s0  }
0x6b4: {  	[sflag:s0] =	ssyncadd.tile.s32 @!p0 $0x1;
	_ =	shalt  }
.Lfunc_end2:
_tile_overlayer_lowered:
.L_overlay_start_2:
0x6b5: {  	(tag) =	ssettag $0x2  }
0x6b6: {  	s0 =	rddreg [dreg:$0x0];
	s2 =	stileid.u32  }
0x6b7: {  	s1 =	rddreg [dreg:$0x1];
	p0 =	sne.s32 s2, $0x0  }
0x6b8: {  	s3 =	rddreg [dreg:$0x2];
	[bflag:$0x3] =	sbarrier.arrive $0xFFFF;
	s2 =	simm.s32 @!p0 $0x1C07  }
0x6b9: {  	[timem:s3], [sflag:s2] =	dma.local @!p0 [hbm:s0], s1  }
0x6ba: {  	s0 =	simm.s32 @!p0 $0x7  }
0x6bb: {  	_ =	swait.ge @!p0 [sflag:s0], s1  }
0x6bc: {  	s1 =	ssub.s32 @!p0 $0x0, s1;
	[sflag:s0] =	ssyncset.done @!p0 $0x0  }
0x6bd: {  	[sflag:s0] =	ssyncadd.s32 @!p0 s1  }
0x6be: {  	[bflag:$0x3] =	sbarrier.arrive $0xFFFF  }
0x6bf: {  	_ =	shalt  }

</sc_bundles>
